<compile_context>
chip_gen: v7x
topology: tpu7x:2x2x1
jax: 0.10.2.dev20260603
libtpu: 0.0.44.dev20260713+nightly
codegen_flags: <defaults>
</compile_context>

<pallas_src>
import functools

import jax
import jax.numpy as jnp
from jax import lax
from jax.experimental import pallas as pl
from jax.experimental.pallas import tpu as pltpu
from jax.experimental.pallas import tpu_sc as plsc

N = 10000
E = 320000
F = 128
NPAD = 10240

NC = 2
NS = 16
NW = NC * NS

_mesh = functools.partial(
    plsc.VectorSubcoreMesh, core_axis_name="c", subcore_axis_name="s")
_sc_params = pltpu.CompilerParams(needs_layout_passes=False)


GSUB = 80
GFIRE = 5
GCH = GSUB * GFIRE

def _gather_rows(table, idx):
    B = idx.shape[0]
    D = table.shape[1]
    per_w = B // NW
    n_ch = per_w // GCH

    @functools.partial(
        pl.kernel, mesh=_mesh(), compiler_params=_sc_params,
        out_type=jax.ShapeDtypeStruct((B, D), jnp.float32),
        scratch_types=[
            pltpu.VMEM((GCH,), jnp.int32),
            pltpu.VMEM((GCH, D), jnp.float32),
            pltpu.SemaphoreType.DMA,
        ],
    )
    def k(table_hbm, idx_hbm, out_hbm, idx_v, rows_v, sem):
        wid = lax.axis_index("s") * NC + lax.axis_index("c")
        base = wid * per_w

        def body(i, carry):
            off = base + i * GCH
            pltpu.sync_copy(idx_hbm.at[pl.ds(off, GCH)], idx_v)
            cps = [
                pltpu.async_copy(
                    table_hbm.at[idx_v.at[pl.ds(g * GSUB, GSUB)]],
                    rows_v.at[pl.ds(g * GSUB, GSUB)], sem)
                for g in range(GFIRE)
            ]
            for cp in cps:
                cp.wait()
            pltpu.sync_copy(rows_v, out_hbm.at[pl.ds(off, GCH)])
            return carry

        lax.fori_loop(0, n_ch, body, 0)

    return k(table, idx)


BE = 256

def _edge_mlp(xsxd, edge_rbf, edge_attr, edge_vec,
              W_rbf_emb, b_rbf_emb, W_edge, b_edge, W_pre, b_pre,
              W_sm1, b_sm1, W_sm2, b_sm2, W_rbf_lin):
    nblk = E // BE

    def body(xs_r, xd_r, rbf_r, ea_r, ev_r,
             wre_r, bre_r, we_r, be_r, wp_r, bp_r,
             w1_r, b1_r, w2_r, b2_r, wrl_r,
             ms_r, mv0_r, mv1_r, mv2_r):
        rbf = rbf_r[...]
        rbf_attr = jax.nn.relu(
            jnp.dot(rbf, wre_r[...], preferred_element_type=jnp.float32)
            + bre_r[...])
        ea = (jnp.dot(ea_r[...], we_r[...], preferred_element_type=jnp.float32)
              + be_r[...])
        wp = wp_r[...]
        xd = xd_r[...]
        msg = (jnp.dot(xs_r[...], wp[0:F], preferred_element_type=jnp.float32)
               + jnp.dot(xd, wp[F:2 * F], preferred_element_type=jnp.float32)
               + jnp.dot(rbf_attr, wp[2 * F:3 * F],
                         preferred_element_type=jnp.float32)
               + jnp.dot(ea, wp[3 * F:4 * F],
                         preferred_element_type=jnp.float32)
               + bp_r[...])
        h = jnp.dot(msg, w1_r[...], preferred_element_type=jnp.float32) + b1_r[...]
        h = h * jax.nn.sigmoid(h)
        so3 = jnp.dot(h, w2_r[...], preferred_element_type=jnp.float32) + b2_r[...]
        filt = so3 * jnp.dot(rbf, wrl_r[...], preferred_element_type=jnp.float32)
        gs = filt[:, 0:F]
        ge = filt[:, F:2 * F]
        ms_r[...] = filt[:, 2 * F:3 * F]
        ev = ev_r[...]
        a = xd * gs
        mv0_r[...] = a + ge * ev[:, 0:1]
        mv1_r[...] = a + ge * ev[:, 1:2]
        mv2_r[...] = a + ge * ev[:, 2:3]

    full = lambda r, c: pl.BlockSpec((r, c), lambda i: (0, 0))
    return pl.pallas_call(
        body,
        grid=(nblk,),
        in_specs=[
            pl.BlockSpec((BE, F), lambda i: (i, 0)),
            pl.BlockSpec((BE, F), lambda i: (i + nblk, 0)),
            pl.BlockSpec((BE, 20), lambda i: (i, 0)),
            pl.BlockSpec((BE, 16), lambda i: (i, 0)),
            pl.BlockSpec((BE, 3), lambda i: (i, 0)),
            full(20, F), full(1, F), full(16, F), full(1, F),
            full(4 * F, F), full(1, F),
            full(F, F), full(1, F), full(F, 3 * F), full(1, 3 * F),
            full(20, 3 * F),
        ],
        out_specs=[pl.BlockSpec((BE, F), lambda i: (i, 0))] * 4,
        out_shape=[jax.ShapeDtypeStruct((E, F), jnp.float32)] * 4,
    )(xsxd, xsxd, edge_rbf, edge_attr, edge_vec,
      W_rbf_emb, b_rbf_emb.reshape(1, F), W_edge, b_edge.reshape(1, F),
      W_pre, b_pre.reshape(1, F), W_sm1, b_sm1.reshape(1, F),
      W_sm2, b_sm2.reshape(1, 3 * F), W_rbf_lin)


NPER = 320
SCAN = 800
CAP = 4112
HIW = CAP - SCAN - 16
GB = 128
NEG = -3.0e38

def _segment_agg(dst, ms):
    n_scan = E // SCAN

    @functools.partial(
        pl.kernel, mesh=_mesh(), compiler_params=_sc_params,
        out_type=(
            jax.ShapeDtypeStruct((NPAD, F), jnp.float32),
            jax.ShapeDtypeStruct((NPAD, F), jnp.float32),
            jax.ShapeDtypeStruct((NPAD,), jnp.float32),
        ),
        scratch_types=[
            pltpu.VMEM((NPER, F), jnp.float32),
            pltpu.VMEM((NPER, F), jnp.float32),
            pltpu.VMEM((NPER + 16,), jnp.float32),
            pltpu.VMEM((SCAN,), jnp.int32),
            pltpu.VMEM((CAP,), jnp.int32),
            pltpu.VMEM((CAP,), jnp.int32),
            pltpu.VMEM((GB, F), jnp.float32),
            pltpu.SemaphoreType.DMA,
        ],
    )
    def k(dst_hbm, ms_hbm, osum, omax, odeg,
          asum, amax, adeg, scanb, ids, rows, gbuf, sem):
        wid = lax.axis_index("s") * NC + lax.axis_index("c")
        lo = wid * NPER
        hi = lo + NPER

        zero16 = jnp.zeros((16,), jnp.float32)
        neg16 = jnp.full((16,), NEG, jnp.float32)
        zi16 = jnp.zeros((16,), jnp.int32)

        def init_acc(i, carry):
            for q in range(F // 16):
                asum[i, pl.ds(q * 16, 16)] = zero16
                amax[i, pl.ds(q * 16, 16)] = neg16
            return carry
        lax.fori_loop(0, NPER, init_acc, 0)

        def init_deg(i, carry):
            adeg[pl.ds(i * 16, 16)] = zero16
            return carry
        lax.fori_loop(0, (NPER + 16) // 16, init_deg, 0)

        def init_ids(i, carry):
            ids[pl.ds(i * 16, 16)] = zi16
            return carry
        lax.fori_loop(0, CAP // 16, init_ids, 0)

        def drain(cnt):
            nsub = (cnt + GB - 1) // GB

            def sub(p, carry):
                base_r = p * GB
                pltpu.async_copy(
                    ms_hbm.at[ids.at[pl.ds(base_r, GB)]], gbuf, sem).wait()
                nr = jnp.minimum(GB, cnt - base_r)

                def rmw(r, c2):
                    row = rows[pl.ds(base_r + r, 16)][0]
                    for q in range(F // 16):
                        val = gbuf[r, pl.ds(q * 16, 16)]
                        am = amax[row, pl.ds(q * 16, 16)]
                        amax[row, pl.ds(q * 16, 16)] = jnp.maximum(am, val)
                        sm = asum[row, pl.ds(q * 16, 16)]
                        asum[row, pl.ds(q * 16, 16)] = sm + val
                    adeg[pl.ds(row, 16)] = adeg[pl.ds(row, 16)] + e0
                    return c2
                lax.fori_loop(0, nr, rmw, 0)
                return carry
            lax.fori_loop(0, nsub, sub, 0)
            return 0

        iota16 = lax.iota(jnp.int32, 16)
        e0 = (iota16 == 0).astype(jnp.float32)

        def scan_chunk(i, off):
            pltpu.sync_copy(dst_hbm.at[pl.ds(i * SCAN, SCAN)], scanb)

            def vreg(j, off2):
                d = scanb[pl.ds(j * 16, 16)]
                m = (d >= lo) & (d < hi)
                mi = m.astype(jnp.int32)
                csum = plsc.cumsum(mi)
                pos = off2 + csum - mi
                eid = i * SCAN + j * 16 + iota16
                plsc.store_scatter(ids, [pos], eid, mask=m)
                plsc.store_scatter(rows, [pos], d - lo, mask=m)
                return off2 + csum[15]
            off = lax.fori_loop(0, SCAN // 16, vreg, off)
            off = lax.cond(off >= HIW, drain, lambda c: c, off)
            return off

        off = lax.fori_loop(0, n_scan, scan_chunk, jnp.int32(0))
        lax.cond(off > 0, drain, lambda c: c, off)

        pltpu.sync_copy(asum, osum.at[pl.ds(lo, NPER)])
        pltpu.sync_copy(amax, omax.at[pl.ds(lo, NPER)])
        pltpu.sync_copy(adeg.at[pl.ds(0, NPER)], odeg.at[pl.ds(lo, NPER)])

    return k(dst, ms)


CSUB = 40
CFIRE = 5
CCH = CSUB * CFIRE

def _vector_scatter(v0, v1, v2, zeros_n, src, mv0, mv1, mv2):
    per_t = E // NS
    n_ch1 = per_t // CCH
    n_ch2 = (E // 2) // NS // CCH
    RP = 624

    @functools.partial(
        pl.kernel, mesh=_mesh(), compiler_params=_sc_params,
        out_type=(
            jax.ShapeDtypeStruct((N, F), jnp.float32),
            jax.ShapeDtypeStruct((N, F), jnp.float32),
            jax.ShapeDtypeStruct((N, F), jnp.float32),
            jax.ShapeDtypeStruct((N, F), jnp.float32),
        ),
        scratch_types=[
            [pltpu.VMEM((CSUB,), jnp.int32) for _ in range(CFIRE)],
            pltpu.VMEM((CCH, F), jnp.float32),
            pltpu.VMEM_SHARED((N, F), jnp.float32),
            pltpu.SemaphoreType.DMA,
        ],
    )
    def k(v0_hbm, v1_hbm, v2_hbm, z_hbm, src_hbm, mv0_hbm, mv1_hbm, mv2_hbm,
          o0, o1, oa, ob, idx_bufs, upd_v, acc_sh, sem):
        c = lax.axis_index("c")
        s = lax.axis_index("s")
        rlo = s * RP
        last = N - (NS - 1) * RP

        def rowcopy(src_ref, dst_ref):
            @pl.when(s < NS - 1)
            def _():
                pltpu.sync_copy(src_ref.at[pl.ds(rlo, RP)],
                                dst_ref.at[pl.ds(rlo, RP)])

            @pl.when(s == NS - 1)
            def _():
                pltpu.sync_copy(src_ref.at[pl.ds(rlo, last)],
                                dst_ref.at[pl.ds(rlo, last)])

        def scatter_pass(mv_hbm, base, n_ch):
            def body(i, carry):
                off = base + i * CCH
                for g in range(CFIRE):
                    pltpu.sync_copy(src_hbm.at[pl.ds(off + g * CSUB, CSUB)],
                                    idx_bufs[g])
                pltpu.sync_copy(mv_hbm.at[pl.ds(off, CCH)], upd_v)
                cps = [
                    pltpu.async_copy(
                        upd_v.at[pl.ds(g * CSUB, CSUB)],
                        acc_sh.at[idx_bufs[g]], sem, add=True)
                    for g in range(CFIRE)
                ]
                for cp in cps:
                    cp.wait()
                return carry
            lax.fori_loop(0, n_ch, body, 0)

        @pl.when(c == 0)
        def _():
            rowcopy(v0_hbm, acc_sh)
        @pl.when(c == 1)
        def _():
            rowcopy(v1_hbm, acc_sh)
        plsc.subcore_barrier()
        @pl.when(c == 0)
        def _():
            scatter_pass(mv0_hbm, s * per_t, n_ch1)
        @pl.when(c == 1)
        def _():
            scatter_pass(mv1_hbm, s * per_t, n_ch1)
        plsc.subcore_barrier()
        @pl.when(c == 0)
        def _():
            rowcopy(acc_sh, o0)
        @pl.when(c == 1)
        def _():
            rowcopy(acc_sh, o1)
        plsc.subcore_barrier()

        @pl.when(c == 0)
        def _():
            rowcopy(v2_hbm, acc_sh)
        @pl.when(c == 1)
        def _():
            rowcopy(z_hbm, acc_sh)
        plsc.subcore_barrier()
        half_t = (E // 2) // NS
        scatter_pass(mv2_hbm, c * (E // 2) + s * half_t, n_ch2)
        plsc.subcore_barrier()
        @pl.when(c == 0)
        def _():
            rowcopy(acc_sh, oa)
        @pl.when(c == 1)
        def _():
            rowcopy(acc_sh, ob)

    return k(v0, v1, v2, zeros_n, src, mv0, mv1, mv2)


def _combine(a, b):
    CB = 200

    def body(a_r, b_r, o_r):
        o_r[...] = a_r[...] + b_r[...]

    return pl.pallas_call(
        body,
        grid=(N // CB,),
        in_specs=[pl.BlockSpec((CB, F), lambda i: (i, 0))] * 2,
        out_specs=pl.BlockSpec((CB, F), lambda i: (i, 0)),
        out_shape=jax.ShapeDtypeStruct((N, F), jnp.float32),
    )(a, b)


NB = 256

def _post(xpad, agg_sum, agg_max, deg_col, deg_row, W_post, b_post):
    nblk = NPAD // NB

    def body(x_r, s_r, m_r, dc_r, dr_r, wp_r, bp_r, out_r):
        d_all = dr_r[...]
        avg = jnp.sum(jnp.log1p(d_all)) / float(N)
        d = dc_r[...]
        x_blk = x_r[...]
        mean = s_r[...] / jnp.maximum(d, 1.0)
        maxz = jnp.where(d > 0.0, m_r[...], 0.0)
        r = jnp.log1p(d) / avg
        wp = wp_r[...]
        delta = (jnp.dot(x_blk, wp[0:F], preferred_element_type=jnp.float32)
                 + jnp.dot(mean, wp[F:2 * F], preferred_element_type=jnp.float32)
                 + jnp.dot(maxz, wp[2 * F:3 * F],
                           preferred_element_type=jnp.float32)
                 + jnp.dot(mean * r, wp[3 * F:4 * F],
                           preferred_element_type=jnp.float32)
                 + jnp.dot(maxz * r, wp[4 * F:5 * F],
                           preferred_element_type=jnp.float32)
                 + bp_r[...])
        out_r[...] = x_blk + delta

    return pl.pallas_call(
        body,
        grid=(nblk,),
        in_specs=[
            pl.BlockSpec((NB, F), lambda i: (i, 0)),
            pl.BlockSpec((NB, F), lambda i: (i, 0)),
            pl.BlockSpec((NB, F), lambda i: (i, 0)),
            pl.BlockSpec((NB, 1), lambda i: (i, 0)),
            pl.BlockSpec((1, NPAD), lambda i: (0, 0)),
            pl.BlockSpec((5 * F, F), lambda i: (0, 0)),
            pl.BlockSpec((1, F), lambda i: (0, 0)),
        ],
        out_specs=pl.BlockSpec((NB, F), lambda i: (i, 0)),
        out_shape=jax.ShapeDtypeStruct((NPAD, F), jnp.float32),
    )(xpad, agg_sum, agg_max, deg_col, deg_row, W_post,
      b_post.reshape(1, F))


def kernel(x, v, edge_index, edge_rbf, edge_vec, edge_attr,
           W_rbf_emb, b_rbf_emb, W_edge, b_edge, W_pre, b_pre,
           W_sm1, b_sm1, W_sm2, b_sm2, W_rbf_lin, W_post, b_post):
    src = edge_index[0]
    dst = edge_index[1]

    xsxd = _gather_rows(x, edge_index.reshape(2 * E))

    ms, mv0, mv1, mv2 = _edge_mlp(
        xsxd, edge_rbf, edge_attr, edge_vec,
        W_rbf_emb, b_rbf_emb, W_edge, b_edge, W_pre, b_pre,
        W_sm1, b_sm1, W_sm2, b_sm2, W_rbf_lin)

    agg_sum, agg_max, deg = _segment_agg(dst, ms)

    o0, o1, oa, ob = _vector_scatter(
        v[:, 0, :], v[:, 1, :], v[:, 2, :], jnp.zeros((N, F), jnp.float32),
        src, mv0, mv1, mv2)
    o2 = _combine(oa, ob)

    xpad = jnp.pad(x, ((0, NPAD - N), (0, 0)))
    xnew = _post(xpad, agg_sum, agg_max, deg.reshape(NPAD, 1),
                 deg.reshape(1, NPAD), W_post, b_post)[:N]

    vnew = jnp.stack([o0, o1, o2], axis=1)
    return (xnew, vnew)

# --- scband reference (transcript-rebuilt; emitter-appended) ---
"""Pipeline reference for scband-painn-message-21320217657822 (READ-ONLY COPY).

The authoritative reference and input builder live on the scoring server;
editing this copy changes nothing except your own understanding.
"""

import jax, jax.numpy as jnp
import numpy as np

N = 10000
E = 320000
F = 128
NR = 20
ED = 16


def setup_inputs(seed: int = 0) -> dict:
    key = jax.random.key(seed)
    ks = jax.random.split(key, 16)
    inp = {}
    inp['x'] = jax.random.normal(ks[0], (N, F), dtype=jnp.float32)
    inp['v'] = jax.random.normal(ks[1], (N, 3, F), dtype=jnp.float32)
    inp['edge_index'] = jax.random.randint(ks[2], (2, E), 0, N, dtype=jnp.int32)
    inp['edge_rbf'] = jax.random.uniform(ks[3], (E, NR), dtype=jnp.float32)
    inp['edge_vec'] = jax.random.normal(ks[4], (E, 3), dtype=jnp.float32)
    inp['edge_attr'] = jax.random.normal(ks[5], (E, ED), dtype=jnp.float32)
    # learned parameters
    inp['W_rbf_emb'] = jax.random.normal(ks[6], (NR, F), dtype=jnp.float32) / np.sqrt(NR)
    inp['b_rbf_emb'] = jnp.zeros((F,), dtype=jnp.float32)
    inp['W_edge'] = jax.random.normal(ks[7], (ED, F), dtype=jnp.float32) / np.sqrt(ED)
    inp['b_edge'] = jnp.zeros((F,), dtype=jnp.float32)
    inp['W_pre'] = jax.random.normal(ks[8], (4 * F, F), dtype=jnp.float32) / np.sqrt(4 * F)
    inp['b_pre'] = jnp.zeros((F,), dtype=jnp.float32)
    inp['W_sm1'] = jax.random.normal(ks[9], (F, F), dtype=jnp.float32) / np.sqrt(F)
    inp['b_sm1'] = jnp.zeros((F,), dtype=jnp.float32)
    inp['W_sm2'] = jax.random.normal(ks[10], (F, 3 * F), dtype=jnp.float32) / np.sqrt(F)
    inp['b_sm2'] = jnp.zeros((3 * F,), dtype=jnp.float32)
    inp['W_rbf_lin'] = jax.random.normal(ks[11], (NR, 3 * F), dtype=jnp.float32) / np.sqrt(NR)
    inp['W_post'] = jax.random.normal(ks[12], (5 * F, F), dtype=jnp.float32) / np.sqrt(5 * F)
    inp['b_post'] = jnp.zeros((F,), dtype=jnp.float32)
    return inp


def reference(x, v, edge_index, edge_rbf, edge_vec, edge_attr,
              W_rbf_emb, b_rbf_emb, W_edge, b_edge, W_pre, b_pre,
              W_sm1, b_sm1, W_sm2, b_sm2, W_rbf_lin, W_post, b_post):
    # PainnMessage forward, towers=1, divide_input=False, pre_layers=post_layers=1
    src = edge_index[0]
    dst = edge_index[1]
    n = x.shape[0]

    # rbf embedding + edge attribute encoding
    rbf_attr = jax.nn.relu(edge_rbf @ W_rbf_emb + b_rbf_emb)          # [E, F]
    ea = edge_attr @ W_edge + b_edge                                   # [E, F]

    # scalar message pre-network (gather src/dst node features)
    msg = jnp.concatenate([x[src], x[dst], rbf_attr, ea], axis=-1)     # [E, 4F]
    msg = msg @ W_pre + b_pre                                          # [E, F]

    # scalar message MLP and rbf filter
    h = jax.nn.silu(msg @ W_sm1 + b_sm1)
    scalar_out = h @ W_sm2 + b_sm2                                     # [E, 3F]
    filt = scalar_out * (edge_rbf @ W_rbf_lin)                         # [E, 3F]
    gate_state, gate_edge, message_scalar = jnp.split(filt, 3, axis=-1)

    # vector messages
    message_vector = x[dst][:, None, :] * gate_state[:, None, :]       # [E, 1, F]
    edge_vector = gate_edge[:, None, :] * edge_vec[:, :, None]         # [E, 3, F]
    message_vector = message_vector + edge_vector                      # [E, 3, F]

    # aggregate_and_scale (PNA-style) over destination nodes
    deg = jax.ops.segment_sum(jnp.ones((dst.shape[0],), dtype=x.dtype), dst, num_segments=n)
    deg_c = jnp.clip(deg, 1.0, None)
    agg_mean = jax.ops.segment_sum(message_scalar, dst, num_segments=n) / deg_c[:, None]
    agg_max = jax.ops.segment_max(message_scalar, dst, num_segments=n)
    agg_max = jnp.where(deg[:, None] > 0, agg_max, 0.0)
    aggregated = jnp.concatenate([agg_mean, agg_max], axis=-1)         # [N, 2F]
    log_deg = jnp.log(deg + 1.0)
    avg_deg_log = jnp.mean(log_deg)
    amp = aggregated * (log_deg / avg_deg_log)[:, None]
    agg_scaled = jnp.concatenate([aggregated, amp], axis=-1)           # [N, 4F]

    # post network
    ms = jnp.concatenate([x, agg_scaled], axis=-1)                     # [N, 5F]
    delta_x = ms @ W_post + b_post                                     # [N, F]

    # scatter-add vector messages
    delta_v = jnp.zeros_like(v).at[src].add(message_vector)            # [N, 3, F]

    return (x + delta_x, v + delta_v)

if __name__ == "__main__":
    import jax
    _d = setup_inputs()
    print(jax.jit(kernel)(*tuple(_d.values())))

</pallas_src>

<mosaic_0001>
#map = affine_map<(d0, d1) -> (0)>
#map1 = affine_map<(d0, d1) -> (0, 0)>
module attributes {stable_mosaic.version = 14 : i64} {
  func.func @k(%arg0: i32, %arg1: i32, %arg2: memref<320000xi32, #tpu.memory_space<hbm>>, %arg3: memref<320000x128xf32, #tpu.memory_space<hbm>>, %arg4: memref<10240x128xf32, #tpu.memory_space<hbm>>, %arg5: memref<10240x128xf32, #tpu.memory_space<hbm>>, %arg6: memref<10240xf32, #tpu.memory_space<hbm>>, %arg7: memref<320x128xf32, #tpu.memory_space<vmem>>, %arg8: memref<320x128xf32, #tpu.memory_space<vmem>>, %arg9: memref<336xf32, #tpu.memory_space<vmem>>, %arg10: memref<800xi32, #tpu.memory_space<vmem>>, %arg11: memref<4112xi32, #tpu.memory_space<vmem>>, %arg12: memref<4112xi32, #tpu.memory_space<vmem>>, %arg13: memref<128x128xf32, #tpu.memory_space<vmem>>, %arg14: memref<!tpu.dma_semaphore, #tpu.memory_space<semaphore_mem>>) attributes {dimension_semantics = [#tpu.dimension_semantics<core_parallel>, #tpu.dimension_semantics<subcore_parallel>], iteration_bounds = array<i64: 2, 16>, scalar_prefetch = 0 : i64, scratch_operands = 8 : i64, tpu.core_type = #tpu.core_type<sc_vector_subcore>, window_params = [{transform_indices = #map}, {transform_indices = #map1}, {transform_indices = #map1}, {transform_indices = #map1}, {transform_indices = #map}]} {
    %mul3A = arith.constant 2 : i32
    %mul3A_0 = arith.muli %arg1, %mul3A : i32
    %add3A = arith.addi %mul3A_0, %arg0 : i32
    %mul3A_1 = arith.constant 320 : i32
    %mul3A_2 = arith.muli %add3A, %mul3A_1 : i32
    %add3A_3 = arith.constant 320 : i32
    %add3A_4 = arith.addi %mul3A_2, %add3A_3 : i32
    %broadcast_in_dim3A = arith.constant 0.000000e+00 : f32
    %broadcast_in_dim3A_5 = vector.broadcast %broadcast_in_dim3A : f32 to vector<16xf32>
    %broadcast_in_dim3A_6 = arith.constant -3.000000e+38 : f32
    %broadcast_in_dim3A_7 = vector.broadcast %broadcast_in_dim3A_6 : f32 to vector<16xf32>
    %broadcast_in_dim3A_8 = arith.constant 0 : i32
    %broadcast_in_dim3A_9 = vector.broadcast %broadcast_in_dim3A_8 : i32 to vector<16xi32>
    %scan3A = arith.constant 0 : i32
    %scan3A_10 = arith.constant 0 : i32
    %scan3A_11 = arith.constant 320 : i32
    %scan3A_12 = arith.addi %scan3A_10, %scan3A_11 : i32
    %scan3A_13 = arith.constant 1 : i32
    scf.for %scan3A_41 = %scan3A_10 to %scan3A_12 step %scan3A_13  : i32 {
      %swap3A = arith.index_cast %scan3A_41 : i32 to index
      %swap3A_42 = arith.constant 0 : index
      %swap3A_43 = tpu.vector_load %arg7[%swap3A, %swap3A_42] {strides = array<i32>} : memref<320x128xf32, #tpu.memory_space<vmem>>, vector<16xf32>,
      tpu.vector_store %arg7[%swap3A, %swap3A_42], %broadcast_in_dim3A_5 {strides = array<i32>} : memref<320x128xf32, #tpu.memory_space<vmem>>, vector<16xf32>,
      %swap3A_44 = arith.index_cast %scan3A_41 : i32 to index
      %swap3A_45 = arith.constant 0 : index
      %swap3A_46 = tpu.vector_load %arg8[%swap3A_44, %swap3A_45] {strides = array<i32>} : memref<320x128xf32, #tpu.memory_space<vmem>>, vector<16xf32>,
      tpu.vector_store %arg8[%swap3A_44, %swap3A_45], %broadcast_in_dim3A_7 {strides = array<i32>} : memref<320x128xf32, #tpu.memory_space<vmem>>, vector<16xf32>,
      %swap3A_47 = arith.index_cast %scan3A_41 : i32 to index
      %swap3A_48 = arith.constant 16 : index
      %swap3A_49 = tpu.vector_load %arg7[%swap3A_47, %swap3A_48] {strides = array<i32>} : memref<320x128xf32, #tpu.memory_space<vmem>>, vector<16xf32>,
      tpu.vector_store %arg7[%swap3A_47, %swap3A_48], %broadcast_in_dim3A_5 {strides = array<i32>} : memref<320x128xf32, #tpu.memory_space<vmem>>, vector<16xf32>,
      %swap3A_50 = arith.index_cast %scan3A_41 : i32 to index
      %swap3A_51 = arith.constant 16 : index
      %swap3A_52 = tpu.vector_load %arg8[%swap3A_50, %swap3A_51] {strides = array<i32>} : memref<320x128xf32, #tpu.memory_space<vmem>>, vector<16xf32>,
      tpu.vector_store %arg8[%swap3A_50, %swap3A_51], %broadcast_in_dim3A_7 {strides = array<i32>} : memref<320x128xf32, #tpu.memory_space<vmem>>, vector<16xf32>,
      %swap3A_53 = arith.index_cast %scan3A_41 : i32 to index
      %swap3A_54 = arith.constant 32 : index
      %swap3A_55 = tpu.vector_load %arg7[%swap3A_53, %swap3A_54] {strides = array<i32>} : memref<320x128xf32, #tpu.memory_space<vmem>>, vector<16xf32>,
      tpu.vector_store %arg7[%swap3A_53, %swap3A_54], %broadcast_in_dim3A_5 {strides = array<i32>} : memref<320x128xf32, #tpu.memory_space<vmem>>, vector<16xf32>,
      %swap3A_56 = arith.index_cast %scan3A_41 : i32 to index
      %swap3A_57 = arith.constant 32 : index
      %swap3A_58 = tpu.vector_load %arg8[%swap3A_56, %swap3A_57] {strides = array<i32>} : memref<320x128xf32, #tpu.memory_space<vmem>>, vector<16xf32>,
      tpu.vector_store %arg8[%swap3A_56, %swap3A_57], %broadcast_in_dim3A_7 {strides = array<i32>} : memref<320x128xf32, #tpu.memory_space<vmem>>, vector<16xf32>,
      %swap3A_59 = arith.index_cast %scan3A_41 : i32 to index
      %swap3A_60 = arith.constant 48 : index
      %swap3A_61 = tpu.vector_load %arg7[%swap3A_59, %swap3A_60] {strides = array<i32>} : memref<320x128xf32, #tpu.memory_space<vmem>>, vector<16xf32>,
      tpu.vector_store %arg7[%swap3A_59, %swap3A_60], %broadcast_in_dim3A_5 {strides = array<i32>} : memref<320x128xf32, #tpu.memory_space<vmem>>, vector<16xf32>,
      %swap3A_62 = arith.index_cast %scan3A_41 : i32 to index
      %swap3A_63 = arith.constant 48 : index
      %swap3A_64 = tpu.vector_load %arg8[%swap3A_62, %swap3A_63] {strides = array<i32>} : memref<320x128xf32, #tpu.memory_space<vmem>>, vector<16xf32>,
      tpu.vector_store %arg8[%swap3A_62, %swap3A_63], %broadcast_in_dim3A_7 {strides = array<i32>} : memref<320x128xf32, #tpu.memory_space<vmem>>, vector<16xf32>,
      %swap3A_65 = arith.index_cast %scan3A_41 : i32 to index
      %swap3A_66 = arith.constant 64 : index
      %swap3A_67 = tpu.vector_load %arg7[%swap3A_65, %swap3A_66] {strides = array<i32>} : memref<320x128xf32, #tpu.memory_space<vmem>>, vector<16xf32>,
      tpu.vector_store %arg7[%swap3A_65, %swap3A_66], %broadcast_in_dim3A_5 {strides = array<i32>} : memref<320x128xf32, #tpu.memory_space<vmem>>, vector<16xf32>,
      %swap3A_68 = arith.index_cast %scan3A_41 : i32 to index
      %swap3A_69 = arith.constant 64 : index
      %swap3A_70 = tpu.vector_load %arg8[%swap3A_68, %swap3A_69] {strides = array<i32>} : memref<320x128xf32, #tpu.memory_space<vmem>>, vector<16xf32>,
      tpu.vector_store %arg8[%swap3A_68, %swap3A_69], %broadcast_in_dim3A_7 {strides = array<i32>} : memref<320x128xf32, #tpu.memory_space<vmem>>, vector<16xf32>,
      %swap3A_71 = arith.index_cast %scan3A_41 : i32 to index
      %swap3A_72 = arith.constant 80 : index
      %swap3A_73 = tpu.vector_load %arg7[%swap3A_71, %swap3A_72] {strides = array<i32>} : memref<320x128xf32, #tpu.memory_space<vmem>>, vector<16xf32>,
      tpu.vector_store %arg7[%swap3A_71, %swap3A_72], %broadcast_in_dim3A_5 {strides = array<i32>} : memref<320x128xf32, #tpu.memory_space<vmem>>, vector<16xf32>,
      %swap3A_74 = arith.index_cast %scan3A_41 : i32 to index
      %swap3A_75 = arith.constant 80 : index
      %swap3A_76 = tpu.vector_load %arg8[%swap3A_74, %swap3A_75] {strides = array<i32>} : memref<320x128xf32, #tpu.memory_space<vmem>>, vector<16xf32>,
      tpu.vector_store %arg8[%swap3A_74, %swap3A_75], %broadcast_in_dim3A_7 {strides = array<i32>} : memref<320x128xf32, #tpu.memory_space<vmem>>, vector<16xf32>,
      %swap3A_77 = arith.index_cast %scan3A_41 : i32 to index
      %swap3A_78 = arith.constant 96 : index
      %swap3A_79 = tpu.vector_load %arg7[%swap3A_77, %swap3A_78] {strides = array<i32>} : memref<320x128xf32, #tpu.memory_space<vmem>>, vector<16xf32>,
      tpu.vector_store %arg7[%swap3A_77, %swap3A_78], %broadcast_in_dim3A_5 {strides = array<i32>} : memref<320x128xf32, #tpu.memory_space<vmem>>, vector<16xf32>,
      %swap3A_80 = arith.index_cast %scan3A_41 : i32 to index
      %swap3A_81 = arith.constant 96 : index
      %swap3A_82 = tpu.vector_load %arg8[%swap3A_80, %swap3A_81] {strides = array<i32>} : memref<320x128xf32, #tpu.memory_space<vmem>>, vector<16xf32>,
      tpu.vector_store %arg8[%swap3A_80, %swap3A_81], %broadcast_in_dim3A_7 {strides = array<i32>} : memref<320x128xf32, #tpu.memory_space<vmem>>, vector<16xf32>,
      %swap3A_83 = arith.index_cast %scan3A_41 : i32 to index
      %swap3A_84 = arith.constant 112 : index
      %swap3A_85 = tpu.vector_load %arg7[%swap3A_83, %swap3A_84] {strides = array<i32>} : memref<320x128xf32, #tpu.memory_space<vmem>>, vector<16xf32>,
      tpu.vector_store %arg7[%swap3A_83, %swap3A_84], %broadcast_in_dim3A_5 {strides = array<i32>} : memref<320x128xf32, #tpu.memory_space<vmem>>, vector<16xf32>,
      %swap3A_86 = arith.index_cast %scan3A_41 : i32 to index
      %swap3A_87 = arith.constant 112 : index
      %swap3A_88 = tpu.vector_load %arg8[%swap3A_86, %swap3A_87] {strides = array<i32>} : memref<320x128xf32, #tpu.memory_space<vmem>>, vector<16xf32>,
      tpu.vector_store %arg8[%swap3A_86, %swap3A_87], %broadcast_in_dim3A_7 {strides = array<i32>} : memref<320x128xf32, #tpu.memory_space<vmem>>, vector<16xf32>,
    }
    %scan3A_14 = arith.constant 320 : i32
    %scan3A_15 = arith.constant 0 : i32
    %scan3A_16 = arith.constant 0 : i32
    %scan3A_17 = arith.constant 21 : i32
    %scan3A_18 = arith.addi %scan3A_16, %scan3A_17 : i32
    %scan3A_19 = arith.constant 1 : i32
    scf.for %scan3A_41 = %scan3A_16 to %scan3A_18 step %scan3A_19  : i32 {
      %mul3A_42 = arith.constant 16 : i32
      %mul3A_43 = arith.muli %scan3A_41, %mul3A_42 : i32
      %swap3A = arith.index_cast %mul3A_43 : i32 to index
      %swap3A_44 = tpu.vector_load %arg9[%swap3A] {strides = array<i32>} : memref<336xf32, #tpu.memory_space<vmem>>, vector<16xf32>,
      tpu.vector_store %arg9[%swap3A], %broadcast_in_dim3A_5 {strides = array<i32>} : memref<336xf32, #tpu.memory_space<vmem>>, vector<16xf32>,
    }
    %scan3A_20 = arith.constant 21 : i32
    %scan3A_21 = arith.constant 0 : i32
    %scan3A_22 = arith.constant 0 : i32
    %scan3A_23 = arith.constant 257 : i32
    %scan3A_24 = arith.addi %scan3A_22, %scan3A_23 : i32
    %scan3A_25 = arith.constant 1 : i32
    scf.for %scan3A_41 = %scan3A_22 to %scan3A_24 step %scan3A_25  : i32 {
      %mul3A_42 = arith.constant 16 : i32
      %mul3A_43 = arith.muli %scan3A_41, %mul3A_42 : i32
      %swap3A = arith.index_cast %mul3A_43 : i32 to index
      %swap3A_44 = tpu.vector_load %arg11[%swap3A] {strides = array<i32>} : memref<4112xi32, #tpu.memory_space<vmem>>, vector<16xi32>,
      tpu.vector_store %arg11[%swap3A], %broadcast_in_dim3A_9 {strides = array<i32>} : memref<4112xi32, #tpu.memory_space<vmem>>, vector<16xi32>,
    }
    %scan3A_26 = arith.constant 257 : i32
    %iota3A = tpu.iota {dimensions = array<i32: 0>} : vector<16xi32>
    %eq3A = arith.constant 0 : i32
    %eq3A_27 = vector.broadcast %eq3A : i32 to vector<16xi32>
    %eq3A_28 = arith.cmpi eq, %iota3A, %eq3A_27 : vector<16xi32>
    %convert_element_type3A = arith.extui %eq3A_28 : vector<16xi1> to vector<16xi32>
    %convert_element_type3A_29 = arith.sitofp %convert_element_type3A : vector<16xi32> to vector<16xf32>
    %scan3A_30 = arith.constant 0 : i32
    %scan3A_31 = arith.constant 0 : i32
    %scan3A_32 = arith.constant 400 : i32
    %scan3A_33 = arith.addi %scan3A_31, %scan3A_32 : i32
    %scan3A_34 = arith.constant 1 : i32
    %scan3A_35 = scf.for %scan3A_41 = %scan3A_31 to %scan3A_33 step %scan3A_34 iter_args(%scan3A_42 = %scan3A_30) -> (i32)  : i32 {
      %mul3A_43 = arith.constant 800 : i32
      %mul3A_44 = arith.muli %scan3A_41, %mul3A_43 : i32
      "tpu.region"() ({
        %run_scoped3A = tpu.sem_alloc : memref<!tpu.dma_semaphore, #tpu.memory_space<semaphore_mem>>
        %dma_start3A = tpu.memref_slice %arg2[%mul3A_44] : memref<320000xi32, #tpu.memory_space<hbm>> -> memref<800xi32, #tpu.memory_space<hbm>>
        %dma_start3A_56 = tpu.memref_slice %arg2[%mul3A_44] : memref<320000xi32, #tpu.memory_space<hbm>> -> memref<800xi32, #tpu.memory_space<hbm>>
        tpu.enqueue_dma source(%dma_start3A_56 : memref<800xi32, #tpu.memory_space<hbm>>) target(%arg10 : memref<800xi32, #tpu.memory_space<vmem>>) target_semaphore(%run_scoped3A : memref<!tpu.dma_semaphore, #tpu.memory_space<semaphore_mem>>)
        %dma_wait3A = tpu.memref_slice %arg2[%mul3A_44] : memref<320000xi32, #tpu.memory_space<hbm>> -> memref<800xi32, #tpu.memory_space<hbm>>
        %dma_wait3A_57 = tpu.memref_slice %arg2[%mul3A_44] : memref<320000xi32, #tpu.memory_space<hbm>> -> memref<800xi32, #tpu.memory_space<hbm>>
        tpu.wait_dma2 semaphore(%run_scoped3A : memref<!tpu.dma_semaphore, #tpu.memory_space<semaphore_mem>>) src(%dma_wait3A_57 : memref<800xi32, #tpu.memory_space<hbm>>) dst(%arg10 : memref<800xi32, #tpu.memory_space<vmem>>)
        tpu.yield
      }) : () -> ()
      %scan3A_45 = arith.constant 0 : i32
      %scan3A_46 = arith.constant 50 : i32
      %scan3A_47 = arith.addi %scan3A_45, %scan3A_46 : i32
      %scan3A_48 = arith.constant 1 : i32
      %scan3A_49 = scf.for %scan3A_56 = %scan3A_45 to %scan3A_47 step %scan3A_48 iter_args(%scan3A_57 = %scan3A_42) -> (i32)  : i32 {
        %mul3A_58 = arith.constant 16 : i32
        %mul3A_59 = arith.muli %scan3A_56, %mul3A_58 : i32
        %get3A = arith.index_cast %mul3A_59 : i32 to index
        %get3A_60 = tpu.vector_load %arg10[%get3A] {strides = array<i32>} : memref<800xi32, #tpu.memory_space<vmem>>, vector<16xi32>,
        %ge3A_61 = vector.broadcast %mul3A_2 : i32 to vector<16xi32>
        %ge3A_62 = arith.cmpi sge, %get3A_60, %ge3A_61 : vector<16xi32>
        %lt3A = vector.broadcast %add3A_4 : i32 to vector<16xi32>
        %lt3A_63 = arith.cmpi slt, %get3A_60, %lt3A : vector<16xi32>
        %and3A = arith.andi %ge3A_62, %lt3A_63 : vector<16xi1>
        %convert_element_type3A_64 = arith.extui %and3A : vector<16xi1> to vector<16xi32>
        %broadcast_in_dim3A_65 = arith.constant true
        %broadcast_in_dim3A_66 = vector.broadcast %broadcast_in_dim3A_65 : i1 to vector<16xi1>
        %masked_cumsum3A = tpu.scan <sum>, %convert_element_type3A_64 masked %broadcast_in_dim3A_66 : vector<16xi32>, vector<16xi1> -> vector<16xi32>
        %add3A_67 = vector.broadcast %scan3A_57 : i32 to vector<16xi32>
        %add3A_68 = arith.addi %add3A_67, %masked_cumsum3A : vector<16xi32>
        %sub3A = arith.subi %add3A_68, %convert_element_type3A_64 : vector<16xi32>
        %mul3A_69 = arith.constant 800 : i32
        %mul3A_70 = arith.muli %scan3A_41, %mul3A_69 : i32
        %mul3A_71 = arith.constant 16 : i32
        %mul3A_72 = arith.muli %scan3A_56, %mul3A_71 : i32
        %add3A_73 = arith.addi %mul3A_70, %mul3A_72 : i32
        %add3A_74 = vector.broadcast %add3A_73 : i32 to vector<16xi32>
        %add3A_75 = arith.addi %add3A_74, %iota3A : vector<16xi32>
        tpu.vector_store_idx %arg11[%sub3A], %add3A_75 masked %and3A : memref<4112xi32, #tpu.memory_space<vmem>>[vector<16xi32>], vector<16xi32>, vector<16xi1>
        %sub3A_76 = vector.broadcast %mul3A_2 : i32 to vector<16xi32>
        %sub3A_77 = arith.subi %get3A_60, %sub3A_76 : vector<16xi32>
        tpu.vector_store_idx %arg12[%sub3A], %sub3A_77 masked %and3A : memref<4112xi32, #tpu.memory_space<vmem>>[vector<16xi32>], vector<16xi32>, vector<16xi1>
        %slice3A = vector.extract_strided_slice %masked_cumsum3A {offsets = [15], sizes = [1], strides = [1]} : vector<16xi32> to vector<1xi32>
        %squeeze3A = vector.extract %slice3A[0] : i32 from vector<1xi32>
        %add3A_78 = arith.addi %scan3A_57, %squeeze3A : i32
        scf.yield %add3A_78 : i32
      }
      %scan3A_50 = arith.constant 50 : i32
      %ge3A = arith.constant 3296 : i32
      %ge3A_51 = arith.cmpi sge, %scan3A_49, %ge3A : i32
      %convert_element_type3A_52 = arith.extui %ge3A_51 : i1 to i32
      %cond3A_53 = arith.constant 0 : i32
      %cond3A_54 = arith.cmpi ne, %convert_element_type3A_52, %cond3A_53 : i32
      %cond3A_55 = scf.if %cond3A_54 -> (i32) {
        %add3A_56 = arith.constant 128 : i32
        %add3A_57 = arith.addi %scan3A_49, %add3A_56 : i32
        %sub3A = arith.constant 1 : i32
        %sub3A_58 = arith.subi %add3A_57, %sub3A : i32
        %jit3A = arith.constant 128 : i32
        %div3A = arith.divsi %sub3A_58, %jit3A : i32
        %sign3A = arith.constant 0 : i32
        %sign3A_59 = arith.cmpi sgt, %sub3A_58, %sign3A : i32
        %sign3A_60 = arith.extui %sign3A_59 : i1 to i32
        %sign3A_61 = arith.constant 0 : i32
        %sign3A_62 = arith.cmpi slt, %sub3A_58, %sign3A_61 : i32
        %sign3A_63 = arith.extui %sign3A_62 : i1 to i32
        %sign3A_64 = arith.subi %sign3A_60, %sign3A_63 : i32
        %sign3A_65 = arith.constant 0 : i32
        %sign3A_66 = arith.cmpi sgt, %jit3A, %sign3A_65 : i32
        %sign3A_67 = arith.extui %sign3A_66 : i1 to i32
        %sign3A_68 = arith.constant 0 : i32
        %sign3A_69 = arith.cmpi slt, %jit3A, %sign3A_68 : i32
        %sign3A_70 = arith.extui %sign3A_69 : i1 to i32
        %sign3A_71 = arith.subi %sign3A_67, %sign3A_70 : i32
        %ne3A = arith.cmpi ne, %sign3A_64, %sign3A_71 : i32
        %rem3A = arith.remsi %sub3A_58, %jit3A : i32
        %ne3A_72 = arith.constant 0 : i32
        %ne3A_73 = arith.cmpi ne, %rem3A, %ne3A_72 : i32
        %and3A = arith.andi %ne3A, %ne3A_73 : i1
        %sub3A_74 = arith.constant 1 : i32
        %sub3A_75 = arith.subi %div3A, %sub3A_74 : i32
        %select_n3A = arith.select %and3A, %sub3A_75, %div3A : i32
        %while3A = arith.constant 0 : i32
        %while3A_76 = arith.constant 0 : i32
        %while3A_77 = arith.subi %select_n3A, %while3A_76 : i32
        %while3A_78 = arith.addi %while3A_76, %while3A_77 : i32
        %while3A_79 = arith.constant 1 : i32
        %while3A_80 = arith.divsi %while3A_77, %while3A_79 : i32
        %while3A_81 = arith.muli %while3A_80, %while3A_79 : i32
        %while3A_82 = arith.addi %while3A_76, %while3A_81 : i32
        %while3A_83 = arith.constant 1 : i32
        scf.for %while3A_86 = %while3A_76 to %while3A_82 step %while3A_83  : i32 {
          %mul3A_87 = arith.constant 128 : i32
          %mul3A_88 = arith.muli %while3A_86, %mul3A_87 : i32
          %dma_start3A = tpu.memref_slice %arg11[%mul3A_88] : memref<4112xi32, #tpu.memory_space<vmem>> -> memref<128xi32, #tpu.memory_space<vmem>>
          %dma_start3A_89 = arith.constant 0 : i32
          %dma_start3A_90 = arith.constant 0 : i32
          %dma_start3A_91 = tpu.memref_slice %arg3[%dma_start3A_89, %dma_start3A_90] : memref<320000x128xf32, #tpu.memory_space<hbm>> -> memref<320000x128xf32, #tpu.memory_space<hbm>>
          tpu.enqueue_indirect_dma source(%dma_start3A_91 : memref<320000x128xf32, #tpu.memory_space<hbm>>) target(%arg13 : memref<128x128xf32, #tpu.memory_space<vmem>>) offsets(%dma_start3A : memref<128xi32, #tpu.memory_space<vmem>>) semaphore(%arg14 : memref<!tpu.dma_semaphore, #tpu.memory_space<semaphore_mem>>)
          %dma_wait3A = tpu.memref_slice %arg11[%mul3A_88] : memref<4112xi32, #tpu.memory_space<vmem>> -> memref<128xi32, #tpu.memory_space<vmem>>
          %dma_wait3A_92 = arith.constant 0 : i32
          %dma_wait3A_93 = arith.constant 0 : i32
          %dma_wait3A_94 = tpu.memref_slice %arg3[%dma_wait3A_92, %dma_wait3A_93] : memref<320000x128xf32, #tpu.memory_space<hbm>> -> memref<320000x128xf32, #tpu.memory_space<hbm>>
          tpu.wait_indirect_dma semaphore(%arg14 : memref<!tpu.dma_semaphore, #tpu.memory_space<semaphore_mem>>) src(%dma_wait3A_94 : memref<320000x128xf32, #tpu.memory_space<hbm>>) dst(%arg13 : memref<128x128xf32, #tpu.memory_space<vmem>>)
          %sub3A_95 = arith.subi %scan3A_49, %mul3A_88 : i32
          %min3A = arith.constant 128 : i32
          %min3A_96 = arith.minsi %min3A, %sub3A_95 : i32
          %while3A_97 = arith.constant 0 : i32
          %while3A_98 = arith.constant 0 : i32
          %while3A_99 = arith.subi %min3A_96, %while3A_98 : i32
          %while3A_100 = arith.addi %while3A_98, %while3A_99 : i32
          %while3A_101 = arith.constant 1 : i32
          %while3A_102 = arith.divsi %while3A_99, %while3A_101 : i32
          %while3A_103 = arith.muli %while3A_102, %while3A_101 : i32
          %while3A_104 = arith.addi %while3A_98, %while3A_103 : i32
          %while3A_105 = arith.constant 1 : i32
          scf.for %while3A_107 = %while3A_98 to %while3A_104 step %while3A_105  : i32 {
            %add3A_108 = arith.addi %mul3A_88, %while3A_107 : i32
            %get3A = arith.index_cast %add3A_108 : i32 to index
            %get3A_109 = tpu.vector_load %arg12[%get3A] {strides = array<i32>} : memref<4112xi32, #tpu.memory_space<vmem>>, vector<16xi32>,
            %slice3A = vector.extract_strided_slice %get3A_109 {offsets = [0], sizes = [1], strides = [1]} : vector<16xi32> to vector<1xi32>
            %squeeze3A = vector.extract %slice3A[0] : i32 from vector<1xi32>
            %get3A_110 = arith.index_cast %while3A_107 : i32 to index
            %get3A_111 = arith.constant 0 : index
            %get3A_112 = tpu.vector_load %arg13[%get3A_110, %get3A_111] {strides = array<i32>} : memref<128x128xf32, #tpu.memory_space<vmem>>, vector<16xf32>,
            %get3A_113 = arith.index_cast %squeeze3A : i32 to index
            %get3A_114 = arith.constant 0 : index
            %get3A_115 = tpu.vector_load %arg8[%get3A_113, %get3A_114] {strides = array<i32>} : memref<320x128xf32, #tpu.memory_space<vmem>>, vector<16xf32>,
            %max3A = arith.maximumf %get3A_115, %get3A_112 : vector<16xf32>
            %swap3A = arith.index_cast %squeeze3A : i32 to index
            %swap3A_116 = arith.constant 0 : index
            %swap3A_117 = tpu.vector_load %arg8[%swap3A, %swap3A_116] {strides = array<i32>} : memref<320x128xf32, #tpu.memory_space<vmem>>, vector<16xf32>,
            tpu.vector_store %arg8[%swap3A, %swap3A_116], %max3A {strides = array<i32>} : memref<320x128xf32, #tpu.memory_space<vmem>>, vector<16xf32>,
            %get3A_118 = arith.index_cast %squeeze3A : i32 to index
            %get3A_119 = arith.constant 0 : index
            %get3A_120 = tpu.vector_load %arg7[%get3A_118, %get3A_119] {strides = array<i32>} : memref<320x128xf32, #tpu.memory_space<vmem>>, vector<16xf32>,
            %add3A_121 = arith.addf %get3A_120, %get3A_112 : vector<16xf32>
            %swap3A_122 = arith.index_cast %squeeze3A : i32 to index
            %swap3A_123 = arith.constant 0 : index
            %swap3A_124 = tpu.vector_load %arg7[%swap3A_122, %swap3A_123] {strides = array<i32>} : memref<320x128xf32, #tpu.memory_space<vmem>>, vector<16xf32>,
            tpu.vector_store %arg7[%swap3A_122, %swap3A_123], %add3A_121 {strides = array<i32>} : memref<320x128xf32, #tpu.memory_space<vmem>>, vector<16xf32>,
            %get3A_125 = arith.index_cast %while3A_107 : i32 to index
            %get3A_126 = arith.constant 16 : index
            %get3A_127 = tpu.vector_load %arg13[%get3A_125, %get3A_126] {strides = array<i32>} : memref<128x128xf32, #tpu.memory_space<vmem>>, vector<16xf32>,
            %get3A_128 = arith.index_cast %squeeze3A : i32 to index
            %get3A_129 = arith.constant 16 : index
            %get3A_130 = tpu.vector_load %arg8[%get3A_128, %get3A_129] {strides = array<i32>} : memref<320x128xf32, #tpu.memory_space<vmem>>, vector<16xf32>,
            %max3A_131 = arith.maximumf %get3A_130, %get3A_127 : vector<16xf32>
            %swap3A_132 = arith.index_cast %squeeze3A : i32 to index
            %swap3A_133 = arith.constant 16 : index
            %swap3A_134 = tpu.vector_load %arg8[%swap3A_132, %swap3A_133] {strides = array<i32>} : memref<320x128xf32, #tpu.memory_space<vmem>>, vector<16xf32>,
            tpu.vector_store %arg8[%swap3A_132, %swap3A_133], %max3A_131 {strides = array<i32>} : memref<320x128xf32, #tpu.memory_space<vmem>>, vector<16xf32>,
            %get3A_135 = arith.index_cast %squeeze3A : i32 to index
            %get3A_136 = arith.constant 16 : index
            %get3A_137 = tpu.vector_load %arg7[%get3A_135, %get3A_136] {strides = array<i32>} : memref<320x128xf32, #tpu.memory_space<vmem>>, vector<16xf32>,
            %add3A_138 = arith.addf %get3A_137, %get3A_127 : vector<16xf32>
            %swap3A_139 = arith.index_cast %squeeze3A : i32 to index
            %swap3A_140 = arith.constant 16 : index
            %swap3A_141 = tpu.vector_load %arg7[%swap3A_139, %swap3A_140] {strides = array<i32>} : memref<320x128xf32, #tpu.memory_space<vmem>>, vector<16xf32>,
            tpu.vector_store %arg7[%swap3A_139, %swap3A_140], %add3A_138 {strides = array<i32>} : memref<320x128xf32, #tpu.memory_space<vmem>>, vector<16xf32>,
            %get3A_142 = arith.index_cast %while3A_107 : i32 to index
            %get3A_143 = arith.constant 32 : index
            %get3A_144 = tpu.vector_load %arg13[%get3A_142, %get3A_143] {strides = array<i32>} : memref<128x128xf32, #tpu.memory_space<vmem>>, vector<16xf32>,
            %get3A_145 = arith.index_cast %squeeze3A : i32 to index
            %get3A_146 = arith.constant 32 : index
            %get3A_147 = tpu.vector_load %arg8[%get3A_145, %get3A_146] {strides = array<i32>} : memref<320x128xf32, #tpu.memory_space<vmem>>, vector<16xf32>,
            %max3A_148 = arith.maximumf %get3A_147, %get3A_144 : vector<16xf32>
            %swap3A_149 = arith.index_cast %squeeze3A : i32 to index
            %swap3A_150 = arith.constant 32 : index
            %swap3A_151 = tpu.vector_load %arg8[%swap3A_149, %swap3A_150] {strides = array<i32>} : memref<320x128xf32, #tpu.memory_space<vmem>>, vector<16xf32>,
            tpu.vector_store %arg8[%swap3A_149, %swap3A_150], %max3A_148 {strides = array<i32>} : memref<320x128xf32, #tpu.memory_space<vmem>>, vector<16xf32>,
            %get3A_152 = arith.index_cast %squeeze3A : i32 to index
            %get3A_153 = arith.constant 32 : index
            %get3A_154 = tpu.vector_load %arg7[%get3A_152, %get3A_153] {strides = array<i32>} : memref<320x128xf32, #tpu.memory_space<vmem>>, vector<16xf32>,
            %add3A_155 = arith.addf %get3A_154, %get3A_144 : vector<16xf32>
            %swap3A_156 = arith.index_cast %squeeze3A : i32 to index
            %swap3A_157 = arith.constant 32 : index
            %swap3A_158 = tpu.vector_load %arg7[%swap3A_156, %swap3A_157] {strides = array<i32>} : memref<320x128xf32, #tpu.memory_space<vmem>>, vector<16xf32>,
            tpu.vector_store %arg7[%swap3A_156, %swap3A_157], %add3A_155 {strides = array<i32>} : memref<320x128xf32, #tpu.memory_space<vmem>>, vector<16xf32>,
            %get3A_159 = arith.index_cast %while3A_107 : i32 to index
            %get3A_160 = arith.constant 48 : index
            %get3A_161 = tpu.vector_load %arg13[%get3A_159, %get3A_160] {strides = array<i32>} : memref<128x128xf32, #tpu.memory_space<vmem>>, vector<16xf32>,
            %get3A_162 = arith.index_cast %squeeze3A : i32 to index
            %get3A_163 = arith.constant 48 : index
            %get3A_164 = tpu.vector_load %arg8[%get3A_162, %get3A_163] {strides = array<i32>} : memref<320x128xf32, #tpu.memory_space<vmem>>, vector<16xf32>,
            %max3A_165 = arith.maximumf %get3A_164, %get3A_161 : vector<16xf32>
            %swap3A_166 = arith.index_cast %squeeze3A : i32 to index
            %swap3A_167 = arith.constant 48 : index
            %swap3A_168 = tpu.vector_load %arg8[%swap3A_166, %swap3A_167] {strides = array<i32>} : memref<320x128xf32, #tpu.memory_space<vmem>>, vector<16xf32>,
            tpu.vector_store %arg8[%swap3A_166, %swap3A_167], %max3A_165 {strides = array<i32>} : memref<320x128xf32, #tpu.memory_space<vmem>>, vector<16xf32>,
            %get3A_169 = arith.index_cast %squeeze3A : i32 to index
            %get3A_170 = arith.constant 48 : index
            %get3A_171 = tpu.vector_load %arg7[%get3A_169, %get3A_170] {strides = array<i32>} : memref<320x128xf32, #tpu.memory_space<vmem>>, vector<16xf32>,
            %add3A_172 = arith.addf %get3A_171, %get3A_161 : vector<16xf32>
            %swap3A_173 = arith.index_cast %squeeze3A : i32 to index
            %swap3A_174 = arith.constant 48 : index
            %swap3A_175 = tpu.vector_load %arg7[%swap3A_173, %swap3A_174] {strides = array<i32>} : memref<320x128xf32, #tpu.memory_space<vmem>>, vector<16xf32>,
            tpu.vector_store %arg7[%swap3A_173, %swap3A_174], %add3A_172 {strides = array<i32>} : memref<320x128xf32, #tpu.memory_space<vmem>>, vector<16xf32>,
            %get3A_176 = arith.index_cast %while3A_107 : i32 to index
            %get3A_177 = arith.constant 64 : index
            %get3A_178 = tpu.vector_load %arg13[%get3A_176, %get3A_177] {strides = array<i32>} : memref<128x128xf32, #tpu.memory_space<vmem>>, vector<16xf32>,
            %get3A_179 = arith.index_cast %squeeze3A : i32 to index
            %get3A_180 = arith.constant 64 : index
            %get3A_181 = tpu.vector_load %arg8[%get3A_179, %get3A_180] {strides = array<i32>} : memref<320x128xf32, #tpu.memory_space<vmem>>, vector<16xf32>,
            %max3A_182 = arith.maximumf %get3A_181, %get3A_178 : vector<16xf32>
            %swap3A_183 = arith.index_cast %squeeze3A : i32 to index
            %swap3A_184 = arith.constant 64 : index
            %swap3A_185 = tpu.vector_load %arg8[%swap3A_183, %swap3A_184] {strides = array<i32>} : memref<320x128xf32, #tpu.memory_space<vmem>>, vector<16xf32>,
            tpu.vector_store %arg8[%swap3A_183, %swap3A_184], %max3A_182 {strides = array<i32>} : memref<320x128xf32, #tpu.memory_space<vmem>>, vector<16xf32>,
            %get3A_186 = arith.index_cast %squeeze3A : i32 to index
            %get3A_187 = arith.constant 64 : index
            %get3A_188 = tpu.vector_load %arg7[%get3A_186, %get3A_187] {strides = array<i32>} : memref<320x128xf32, #tpu.memory_space<vmem>>, vector<16xf32>,
            %add3A_189 = arith.addf %get3A_188, %get3A_178 : vector<16xf32>
            %swap3A_190 = arith.index_cast %squeeze3A : i32 to index
            %swap3A_191 = arith.constant 64 : index
            %swap3A_192 = tpu.vector_load %arg7[%swap3A_190, %swap3A_191] {strides = array<i32>} : memref<320x128xf32, #tpu.memory_space<vmem>>, vector<16xf32>,
            tpu.vector_store %arg7[%swap3A_190, %swap3A_191], %add3A_189 {strides = array<i32>} : memref<320x128xf32, #tpu.memory_space<vmem>>, vector<16xf32>,
            %get3A_193 = arith.index_cast %while3A_107 : i32 to index
            %get3A_194 = arith.constant 80 : index
            %get3A_195 = tpu.vector_load %arg13[%get3A_193, %get3A_194] {strides = array<i32>} : memref<128x128xf32, #tpu.memory_space<vmem>>, vector<16xf32>,
            %get3A_196 = arith.index_cast %squeeze3A : i32 to index
            %get3A_197 = arith.constant 80 : index
            %get3A_198 = tpu.vector_load %arg8[%get3A_196, %get3A_197] {strides = array<i32>} : memref<320x128xf32, #tpu.memory_space<vmem>>, vector<16xf32>,
            %max3A_199 = arith.maximumf %get3A_198, %get3A_195 : vector<16xf32>
            %swap3A_200 = arith.index_cast %squeeze3A : i32 to index
            %swap3A_201 = arith.constant 80 : index
            %swap3A_202 = tpu.vector_load %arg8[%swap3A_200, %swap3A_201] {strides = array<i32>} : memref<320x128xf32, #tpu.memory_space<vmem>>, vector<16xf32>,
            tpu.vector_store %arg8[%swap3A_200, %swap3A_201], %max3A_199 {strides = array<i32>} : memref<320x128xf32, #tpu.memory_space<vmem>>, vector<16xf32>,
            %get3A_203 = arith.index_cast %squeeze3A : i32 to index
            %get3A_204 = arith.constant 80 : index
            %get3A_205 = tpu.vector_load %arg7[%get3A_203, %get3A_204] {strides = array<i32>} : memref<320x128xf32, #tpu.memory_space<vmem>>, vector<16xf32>,
            %add3A_206 = arith.addf %get3A_205, %get3A_195 : vector<16xf32>
            %swap3A_207 = arith.index_cast %squeeze3A : i32 to index
            %swap3A_208 = arith.constant 80 : index
            %swap3A_209 = tpu.vector_load %arg7[%swap3A_207, %swap3A_208] {strides = array<i32>} : memref<320x128xf32, #tpu.memory_space<vmem>>, vector<16xf32>,
            tpu.vector_store %arg7[%swap3A_207, %swap3A_208], %add3A_206 {strides = array<i32>} : memref<320x128xf32, #tpu.memory_space<vmem>>, vector<16xf32>,
            %get3A_210 = arith.index_cast %while3A_107 : i32 to index
            %get3A_211 = arith.constant 96 : index
            %get3A_212 = tpu.vector_load %arg13[%get3A_210, %get3A_211] {strides = array<i32>} : memref<128x128xf32, #tpu.memory_space<vmem>>, vector<16xf32>,
            %get3A_213 = arith.index_cast %squeeze3A : i32 to index
            %get3A_214 = arith.constant 96 : index
            %get3A_215 = tpu.vector_load %arg8[%get3A_213, %get3A_214] {strides = array<i32>} : memref<320x128xf32, #tpu.memory_space<vmem>>, vector<16xf32>,
            %max3A_216 = arith.maximumf %get3A_215, %get3A_212 : vector<16xf32>
            %swap3A_217 = arith.index_cast %squeeze3A : i32 to index
            %swap3A_218 = arith.constant 96 : index
            %swap3A_219 = tpu.vector_load %arg8[%swap3A_217, %swap3A_218] {strides = array<i32>} : memref<320x128xf32, #tpu.memory_space<vmem>>, vector<16xf32>,
            tpu.vector_store %arg8[%swap3A_217, %swap3A_218], %max3A_216 {strides = array<i32>} : memref<320x128xf32, #tpu.memory_space<vmem>>, vector<16xf32>,
            %get3A_220 = arith.index_cast %squeeze3A : i32 to index
            %get3A_221 = arith.constant 96 : index
            %get3A_222 = tpu.vector_load %arg7[%get3A_220, %get3A_221] {strides = array<i32>} : memref<320x128xf32, #tpu.memory_space<vmem>>, vector<16xf32>,
            %add3A_223 = arith.addf %get3A_222, %get3A_212 : vector<16xf32>
            %swap3A_224 = arith.index_cast %squeeze3A : i32 to index
            %swap3A_225 = arith.constant 96 : index
            %swap3A_226 = tpu.vector_load %arg7[%swap3A_224, %swap3A_225] {strides = array<i32>} : memref<320x128xf32, #tpu.memory_space<vmem>>, vector<16xf32>,
            tpu.vector_store %arg7[%swap3A_224, %swap3A_225], %add3A_223 {strides = array<i32>} : memref<320x128xf32, #tpu.memory_space<vmem>>, vector<16xf32>,
            %get3A_227 = arith.index_cast %while3A_107 : i32 to index
            %get3A_228 = arith.constant 112 : index
            %get3A_229 = tpu.vector_load %arg13[%get3A_227, %get3A_228] {strides = array<i32>} : memref<128x128xf32, #tpu.memory_space<vmem>>, vector<16xf32>,
            %get3A_230 = arith.index_cast %squeeze3A : i32 to index
            %get3A_231 = arith.constant 112 : index
            %get3A_232 = tpu.vector_load %arg8[%get3A_230, %get3A_231] {strides = array<i32>} : memref<320x128xf32, #tpu.memory_space<vmem>>, vector<16xf32>,
            %max3A_233 = arith.maximumf %get3A_232, %get3A_229 : vector<16xf32>
            %swap3A_234 = arith.index_cast %squeeze3A : i32 to index
            %swap3A_235 = arith.constant 112 : index
            %swap3A_236 = tpu.vector_load %arg8[%swap3A_234, %swap3A_235] {strides = array<i32>} : memref<320x128xf32, #tpu.memory_space<vmem>>, vector<16xf32>,
            tpu.vector_store %arg8[%swap3A_234, %swap3A_235], %max3A_233 {strides = array<i32>} : memref<320x128xf32, #tpu.memory_space<vmem>>, vector<16xf32>,
            %get3A_237 = arith.index_cast %squeeze3A : i32 to index
            %get3A_238 = arith.constant 112 : index
            %get3A_239 = tpu.vector_load %arg7[%get3A_237, %get3A_238] {strides = array<i32>} : memref<320x128xf32, #tpu.memory_space<vmem>>, vector<16xf32>,
            %add3A_240 = arith.addf %get3A_239, %get3A_229 : vector<16xf32>
            %swap3A_241 = arith.index_cast %squeeze3A : i32 to index
            %swap3A_242 = arith.constant 112 : index
            %swap3A_243 = tpu.vector_load %arg7[%swap3A_241, %swap3A_242] {strides = array<i32>} : memref<320x128xf32, #tpu.memory_space<vmem>>, vector<16xf32>,
            tpu.vector_store %arg7[%swap3A_241, %swap3A_242], %add3A_240 {strides = array<i32>} : memref<320x128xf32, #tpu.memory_space<vmem>>, vector<16xf32>,
            %get3A_244 = arith.index_cast %squeeze3A : i32 to index
            %get3A_245 = tpu.vector_load %arg9[%get3A_244] {strides = array<i32>} : memref<336xf32, #tpu.memory_space<vmem>>, vector<16xf32>,
            %add3A_246 = arith.addf %get3A_245, %convert_element_type3A_29 : vector<16xf32>
            %swap3A_247 = arith.index_cast %squeeze3A : i32 to index
            %swap3A_248 = tpu.vector_load %arg9[%swap3A_247] {strides = array<i32>} : memref<336xf32, #tpu.memory_space<vmem>>, vector<16xf32>,
            tpu.vector_store %arg9[%swap3A_247], %add3A_246 {strides = array<i32>} : memref<336xf32, #tpu.memory_space<vmem>>, vector<16xf32>,
          }
          %while3A_106 = arith.constant 1 : i32
          scf.for %while3A_107 = %while3A_104 to %while3A_100 step %while3A_106  : i32 {
            %add3A_108 = arith.addi %mul3A_88, %while3A_107 : i32
            %get3A = arith.index_cast %add3A_108 : i32 to index
            %get3A_109 = tpu.vector_load %arg12[%get3A] {strides = array<i32>} : memref<4112xi32, #tpu.memory_space<vmem>>, vector<16xi32>,
            %slice3A = vector.extract_strided_slice %get3A_109 {offsets = [0], sizes = [1], strides = [1]} : vector<16xi32> to vector<1xi32>
            %squeeze3A = vector.extract %slice3A[0] : i32 from vector<1xi32>
            %get3A_110 = arith.index_cast %while3A_107 : i32 to index
            %get3A_111 = arith.constant 0 : index
            %get3A_112 = tpu.vector_load %arg13[%get3A_110, %get3A_111] {strides = array<i32>} : memref<128x128xf32, #tpu.memory_space<vmem>>, vector<16xf32>,
            %get3A_113 = arith.index_cast %squeeze3A : i32 to index
            %get3A_114 = arith.constant 0 : index
            %get3A_115 = tpu.vector_load %arg8[%get3A_113, %get3A_114] {strides = array<i32>} : memref<320x128xf32, #tpu.memory_space<vmem>>, vector<16xf32>,
            %max3A = arith.maximumf %get3A_115, %get3A_112 : vector<16xf32>
            %swap3A = arith.index_cast %squeeze3A : i32 to index
            %swap3A_116 = arith.constant 0 : index
            %swap3A_117 = tpu.vector_load %arg8[%swap3A, %swap3A_116] {strides = array<i32>} : memref<320x128xf32, #tpu.memory_space<vmem>>, vector<16xf32>,
            tpu.vector_store %arg8[%swap3A, %swap3A_116], %max3A {strides = array<i32>} : memref<320x128xf32, #tpu.memory_space<vmem>>, vector<16xf32>,
            %get3A_118 = arith.index_cast %squeeze3A : i32 to index
            %get3A_119 = arith.constant 0 : index
            %get3A_120 = tpu.vector_load %arg7[%get3A_118, %get3A_119] {strides = array<i32>} : memref<320x128xf32, #tpu.memory_space<vmem>>, vector<16xf32>,
            %add3A_121 = arith.addf %get3A_120, %get3A_112 : vector<16xf32>
            %swap3A_122 = arith.index_cast %squeeze3A : i32 to index
            %swap3A_123 = arith.constant 0 : index
            %swap3A_124 = tpu.vector_load %arg7[%swap3A_122, %swap3A_123] {strides = array<i32>} : memref<320x128xf32, #tpu.memory_space<vmem>>, vector<16xf32>,
            tpu.vector_store %arg7[%swap3A_122, %swap3A_123], %add3A_121 {strides = array<i32>} : memref<320x128xf32, #tpu.memory_space<vmem>>, vector<16xf32>,
            %get3A_125 = arith.index_cast %while3A_107 : i32 to index
            %get3A_126 = arith.constant 16 : index
            %get3A_127 = tpu.vector_load %arg13[%get3A_125, %get3A_126] {strides = array<i32>} : memref<128x128xf32, #tpu.memory_space<vmem>>, vector<16xf32>,
            %get3A_128 = arith.index_cast %squeeze3A : i32 to index
            %get3A_129 = arith.constant 16 : index
            %get3A_130 = tpu.vector_load %arg8[%get3A_128, %get3A_129] {strides = array<i32>} : memref<320x128xf32, #tpu.memory_space<vmem>>, vector<16xf32>,
            %max3A_131 = arith.maximumf %get3A_130, %get3A_127 : vector<16xf32>
            %swap3A_132 = arith.index_cast %squeeze3A : i32 to index
            %swap3A_133 = arith.constant 16 : index
            %swap3A_134 = tpu.vector_load %arg8[%swap3A_132, %swap3A_133] {strides = array<i32>} : memref<320x128xf32, #tpu.memory_space<vmem>>, vector<16xf32>,
            tpu.vector_store %arg8[%swap3A_132, %swap3A_133], %max3A_131 {strides = array<i32>} : memref<320x128xf32, #tpu.memory_space<vmem>>, vector<16xf32>,
            %get3A_135 = arith.index_cast %squeeze3A : i32 to index
            %get3A_136 = arith.constant 16 : index
            %get3A_137 = tpu.vector_load %arg7[%get3A_135, %get3A_136] {strides = array<i32>} : memref<320x128xf32, #tpu.memory_space<vmem>>, vector<16xf32>,
            %add3A_138 = arith.addf %get3A_137, %get3A_127 : vector<16xf32>
            %swap3A_139 = arith.index_cast %squeeze3A : i32 to index
            %swap3A_140 = arith.constant 16 : index
            %swap3A_141 = tpu.vector_load %arg7[%swap3A_139, %swap3A_140] {strides = array<i32>} : memref<320x128xf32, #tpu.memory_space<vmem>>, vector<16xf32>,
            tpu.vector_store %arg7[%swap3A_139, %swap3A_140], %add3A_138 {strides = array<i32>} : memref<320x128xf32, #tpu.memory_space<vmem>>, vector<16xf32>,
            %get3A_142 = arith.index_cast %while3A_107 : i32 to index
            %get3A_143 = arith.constant 32 : index
            %get3A_144 = tpu.vector_load %arg13[%get3A_142, %get3A_143] {strides = array<i32>} : memref<128x128xf32, #tpu.memory_space<vmem>>, vector<16xf32>,
            %get3A_145 = arith.index_cast %squeeze3A : i32 to index
            %get3A_146 = arith.constant 32 : index
            %get3A_147 = tpu.vector_load %arg8[%get3A_145, %get3A_146] {strides = array<i32>} : memref<320x128xf32, #tpu.memory_space<vmem>>, vector<16xf32>,
            %max3A_148 = arith.maximumf %get3A_147, %get3A_144 : vector<16xf32>
            %swap3A_149 = arith.index_cast %squeeze3A : i32 to index
            %swap3A_150 = arith.constant 32 : index
            %swap3A_151 = tpu.vector_load %arg8[%swap3A_149, %swap3A_150] {strides = array<i32>} : memref<320x128xf32, #tpu.memory_space<vmem>>, vector<16xf32>,
            tpu.vector_store %arg8[%swap3A_149, %swap3A_150], %max3A_148 {strides = array<i32>} : memref<320x128xf32, #tpu.memory_space<vmem>>, vector<16xf32>,
            %get3A_152 = arith.index_cast %squeeze3A : i32 to index
            %get3A_153 = arith.constant 32 : index
            %get3A_154 = tpu.vector_load %arg7[%get3A_152, %get3A_153] {strides = array<i32>} : memref<320x128xf32, #tpu.memory_space<vmem>>, vector<16xf32>,
            %add3A_155 = arith.addf %get3A_154, %get3A_144 : vector<16xf32>
            %swap3A_156 = arith.index_cast %squeeze3A : i32 to index
            %swap3A_157 = arith.constant 32 : index
            %swap3A_158 = tpu.vector_load %arg7[%swap3A_156, %swap3A_157] {strides = array<i32>} : memref<320x128xf32, #tpu.memory_space<vmem>>, vector<16xf32>,
            tpu.vector_store %arg7[%swap3A_156, %swap3A_157], %add3A_155 {strides = array<i32>} : memref<320x128xf32, #tpu.memory_space<vmem>>, vector<16xf32>,
            %get3A_159 = arith.index_cast %while3A_107 : i32 to index
            %get3A_160 = arith.constant 48 : index
            %get3A_161 = tpu.vector_load %arg13[%get3A_159, %get3A_160] {strides = array<i32>} : memref<128x128xf32, #tpu.memory_space<vmem>>, vector<16xf32>,
            %get3A_162 = arith.index_cast %squeeze3A : i32 to index
            %get3A_163 = arith.constant 48 : index
            %get3A_164 = tpu.vector_load %arg8[%get3A_162, %get3A_163] {strides = array<i32>} : memref<320x128xf32, #tpu.memory_space<vmem>>, vector<16xf32>,
            %max3A_165 = arith.maximumf %get3A_164, %get3A_161 : vector<16xf32>
            %swap3A_166 = arith.index_cast %squeeze3A : i32 to index
            %swap3A_167 = arith.constant 48 : index
            %swap3A_168 = tpu.vector_load %arg8[%swap3A_166, %swap3A_167] {strides = array<i32>} : memref<320x128xf32, #tpu.memory_space<vmem>>, vector<16xf32>,
            tpu.vector_store %arg8[%swap3A_166, %swap3A_167], %max3A_165 {strides = array<i32>} : memref<320x128xf32, #tpu.memory_space<vmem>>, vector<16xf32>,
            %get3A_169 = arith.index_cast %squeeze3A : i32 to index
            %get3A_170 = arith.constant 48 : index
            %get3A_171 = tpu.vector_load %arg7[%get3A_169, %get3A_170] {strides = array<i32>} : memref<320x128xf32, #tpu.memory_space<vmem>>, vector<16xf32>,
            %add3A_172 = arith.addf %get3A_171, %get3A_161 : vector<16xf32>
            %swap3A_173 = arith.index_cast %squeeze3A : i32 to index
            %swap3A_174 = arith.constant 48 : index
            %swap3A_175 = tpu.vector_load %arg7[%swap3A_173, %swap3A_174] {strides = array<i32>} : memref<320x128xf32, #tpu.memory_space<vmem>>, vector<16xf32>,
            tpu.vector_store %arg7[%swap3A_173, %swap3A_174], %add3A_172 {strides = array<i32>} : memref<320x128xf32, #tpu.memory_space<vmem>>, vector<16xf32>,
            %get3A_176 = arith.index_cast %while3A_107 : i32 to index
            %get3A_177 = arith.constant 64 : index
            %get3A_178 = tpu.vector_load %arg13[%get3A_176, %get3A_177] {strides = array<i32>} : memref<128x128xf32, #tpu.memory_space<vmem>>, vector<16xf32>,
            %get3A_179 = arith.index_cast %squeeze3A : i32 to index
            %get3A_180 = arith.constant 64 : index
            %get3A_181 = tpu.vector_load %arg8[%get3A_179, %get3A_180] {strides = array<i32>} : memref<320x128xf32, #tpu.memory_space<vmem>>, vector<16xf32>,
            %max3A_182 = arith.maximumf %get3A_181, %get3A_178 : vector<16xf32>
            %swap3A_183 = arith.index_cast %squeeze3A : i32 to index
            %swap3A_184 = arith.constant 64 : index
            %swap3A_185 = tpu.vector_load %arg8[%swap3A_183, %swap3A_184] {strides = array<i32>} : memref<320x128xf32, #tpu.memory_space<vmem>>, vector<16xf32>,
            tpu.vector_store %arg8[%swap3A_183, %swap3A_184], %max3A_182 {strides = array<i32>} : memref<320x128xf32, #tpu.memory_space<vmem>>, vector<16xf32>,
            %get3A_186 = arith.index_cast %squeeze3A : i32 to index
            %get3A_187 = arith.constant 64 : index
            %get3A_188 = tpu.vector_load %arg7[%get3A_186, %get3A_187] {strides = array<i32>} : memref<320x128xf32, #tpu.memory_space<vmem>>, vector<16xf32>,
            %add3A_189 = arith.addf %get3A_188, %get3A_178 : vector<16xf32>
            %swap3A_190 = arith.index_cast %squeeze3A : i32 to index
            %swap3A_191 = arith.constant 64 : index
            %swap3A_192 = tpu.vector_load %arg7[%swap3A_190, %swap3A_191] {strides = array<i32>} : memref<320x128xf32, #tpu.memory_space<vmem>>, vector<16xf32>,
            tpu.vector_store %arg7[%swap3A_190, %swap3A_191], %add3A_189 {strides = array<i32>} : memref<320x128xf32, #tpu.memory_space<vmem>>, vector<16xf32>,
            %get3A_193 = arith.index_cast %while3A_107 : i32 to index
            %get3A_194 = arith.constant 80 : index
            %get3A_195 = tpu.vector_load %arg13[%get3A_193, %get3A_194] {strides = array<i32>} : memref<128x128xf32, #tpu.memory_space<vmem>>, vector<16xf32>,
            %get3A_196 = arith.index_cast %squeeze3A : i32 to index
            %get3A_197 = arith.constant 80 : index
            %get3A_198 = tpu.vector_load %arg8[%get3A_196, %get3A_197] {strides = array<i32>} : memref<320x128xf32, #tpu.memory_space<vmem>>, vector<16xf32>,
            %max3A_199 = arith.maximumf %get3A_198, %get3A_195 : vector<16xf32>
            %swap3A_200 = arith.index_cast %squeeze3A : i32 to index
            %swap3A_201 = arith.constant 80 : index
            %swap3A_202 = tpu.vector_load %arg8[%swap3A_200, %swap3A_201] {strides = array<i32>} : memref<320x128xf32, #tpu.memory_space<vmem>>, vector<16xf32>,
            tpu.vector_store %arg8[%swap3A_200, %swap3A_201], %max3A_199 {strides = array<i32>} : memref<320x128xf32, #tpu.memory_space<vmem>>, vector<16xf32>,
            %get3A_203 = arith.index_cast %squeeze3A : i32 to index
            %get3A_204 = arith.constant 80 : index
            %get3A_205 = tpu.vector_load %arg7[%get3A_203, %get3A_204] {strides = array<i32>} : memref<320x128xf32, #tpu.memory_space<vmem>>, vector<16xf32>,
            %add3A_206 = arith.addf %get3A_205, %get3A_195 : vector<16xf32>
            %swap3A_207 = arith.index_cast %squeeze3A : i32 to index
            %swap3A_208 = arith.constant 80 : index
            %swap3A_209 = tpu.vector_load %arg7[%swap3A_207, %swap3A_208] {strides = array<i32>} : memref<320x128xf32, #tpu.memory_space<vmem>>, vector<16xf32>,
            tpu.vector_store %arg7[%swap3A_207, %swap3A_208], %add3A_206 {strides = array<i32>} : memref<320x128xf32, #tpu.memory_space<vmem>>, vector<16xf32>,
            %get3A_210 = arith.index_cast %while3A_107 : i32 to index
            %get3A_211 = arith.constant 96 : index
            %get3A_212 = tpu.vector_load %arg13[%get3A_210, %get3A_211] {strides = array<i32>} : memref<128x128xf32, #tpu.memory_space<vmem>>, vector<16xf32>,
            %get3A_213 = arith.index_cast %squeeze3A : i32 to index
            %get3A_214 = arith.constant 96 : index
            %get3A_215 = tpu.vector_load %arg8[%get3A_213, %get3A_214] {strides = array<i32>} : memref<320x128xf32, #tpu.memory_space<vmem>>, vector<16xf32>,
            %max3A_216 = arith.maximumf %get3A_215, %get3A_212 : vector<16xf32>
            %swap3A_217 = arith.index_cast %squeeze3A : i32 to index
            %swap3A_218 = arith.constant 96 : index
            %swap3A_219 = tpu.vector_load %arg8[%swap3A_217, %swap3A_218] {strides = array<i32>} : memref<320x128xf32, #tpu.memory_space<vmem>>, vector<16xf32>,
            tpu.vector_store %arg8[%swap3A_217, %swap3A_218], %max3A_216 {strides = array<i32>} : memref<320x128xf32, #tpu.memory_space<vmem>>, vector<16xf32>,
            %get3A_220 = arith.index_cast %squeeze3A : i32 to index
            %get3A_221 = arith.constant 96 : index
            %get3A_222 = tpu.vector_load %arg7[%get3A_220, %get3A_221] {strides = array<i32>} : memref<320x128xf32, #tpu.memory_space<vmem>>, vector<16xf32>,
            %add3A_223 = arith.addf %get3A_222, %get3A_212 : vector<16xf32>
            %swap3A_224 = arith.index_cast %squeeze3A : i32 to index
            %swap3A_225 = arith.constant 96 : index
            %swap3A_226 = tpu.vector_load %arg7[%swap3A_224, %swap3A_225] {strides = array<i32>} : memref<320x128xf32, #tpu.memory_space<vmem>>, vector<16xf32>,
            tpu.vector_store %arg7[%swap3A_224, %swap3A_225], %add3A_223 {strides = array<i32>} : memref<320x128xf32, #tpu.memory_space<vmem>>, vector<16xf32>,
            %get3A_227 = arith.index_cast %while3A_107 : i32 to index
            %get3A_228 = arith.constant 112 : index
            %get3A_229 = tpu.vector_load %arg13[%get3A_227, %get3A_228] {strides = array<i32>} : memref<128x128xf32, #tpu.memory_space<vmem>>, vector<16xf32>,
            %get3A_230 = arith.index_cast %squeeze3A : i32 to index
            %get3A_231 = arith.constant 112 : index
            %get3A_232 = tpu.vector_load %arg8[%get3A_230, %get3A_231] {strides = array<i32>} : memref<320x128xf32, #tpu.memory_space<vmem>>, vector<16xf32>,
            %max3A_233 = arith.maximumf %get3A_232, %get3A_229 : vector<16xf32>
            %swap3A_234 = arith.index_cast %squeeze3A : i32 to index
            %swap3A_235 = arith.constant 112 : index
            %swap3A_236 = tpu.vector_load %arg8[%swap3A_234, %swap3A_235] {strides = array<i32>} : memref<320x128xf32, #tpu.memory_space<vmem>>, vector<16xf32>,
            tpu.vector_store %arg8[%swap3A_234, %swap3A_235], %max3A_233 {strides = array<i32>} : memref<320x128xf32, #tpu.memory_space<vmem>>, vector<16xf32>,
            %get3A_237 = arith.index_cast %squeeze3A : i32 to index
            %get3A_238 = arith.constant 112 : index
            %get3A_239 = tpu.vector_load %arg7[%get3A_237, %get3A_238] {strides = array<i32>} : memref<320x128xf32, #tpu.memory_space<vmem>>, vector<16xf32>,
            %add3A_240 = arith.addf %get3A_239, %get3A_229 : vector<16xf32>
            %swap3A_241 = arith.index_cast %squeeze3A : i32 to index
            %swap3A_242 = arith.constant 112 : index
            %swap3A_243 = tpu.vector_load %arg7[%swap3A_241, %swap3A_242] {strides = array<i32>} : memref<320x128xf32, #tpu.memory_space<vmem>>, vector<16xf32>,
            tpu.vector_store %arg7[%swap3A_241, %swap3A_242], %add3A_240 {strides = array<i32>} : memref<320x128xf32, #tpu.memory_space<vmem>>, vector<16xf32>,
            %get3A_244 = arith.index_cast %squeeze3A : i32 to index
            %get3A_245 = tpu.vector_load %arg9[%get3A_244] {strides = array<i32>} : memref<336xf32, #tpu.memory_space<vmem>>, vector<16xf32>,
            %add3A_246 = arith.addf %get3A_245, %convert_element_type3A_29 : vector<16xf32>
            %swap3A_247 = arith.index_cast %squeeze3A : i32 to index
            %swap3A_248 = tpu.vector_load %arg9[%swap3A_247] {strides = array<i32>} : memref<336xf32, #tpu.memory_space<vmem>>, vector<16xf32>,
            tpu.vector_store %arg9[%swap3A_247], %add3A_246 {strides = array<i32>} : memref<336xf32, #tpu.memory_space<vmem>>, vector<16xf32>,
          }
        }
        %while3A_84 = arith.constant 1 : i32
        scf.for %while3A_86 = %while3A_82 to %while3A_78 step %while3A_84  : i32 {
          %mul3A_87 = arith.constant 128 : i32
          %mul3A_88 = arith.muli %while3A_86, %mul3A_87 : i32
          %dma_start3A = tpu.memref_slice %arg11[%mul3A_88] : memref<4112xi32, #tpu.memory_space<vmem>> -> memref<128xi32, #tpu.memory_space<vmem>>
          %dma_start3A_89 = arith.constant 0 : i32
          %dma_start3A_90 = arith.constant 0 : i32
          %dma_start3A_91 = tpu.memref_slice %arg3[%dma_start3A_89, %dma_start3A_90] : memref<320000x128xf32, #tpu.memory_space<hbm>> -> memref<320000x128xf32, #tpu.memory_space<hbm>>
          tpu.enqueue_indirect_dma source(%dma_start3A_91 : memref<320000x128xf32, #tpu.memory_space<hbm>>) target(%arg13 : memref<128x128xf32, #tpu.memory_space<vmem>>) offsets(%dma_start3A : memref<128xi32, #tpu.memory_space<vmem>>) semaphore(%arg14 : memref<!tpu.dma_semaphore, #tpu.memory_space<semaphore_mem>>)
          %dma_wait3A = tpu.memref_slice %arg11[%mul3A_88] : memref<4112xi32, #tpu.memory_space<vmem>> -> memref<128xi32, #tpu.memory_space<vmem>>
          %dma_wait3A_92 = arith.constant 0 : i32
          %dma_wait3A_93 = arith.constant 0 : i32
          %dma_wait3A_94 = tpu.memref_slice %arg3[%dma_wait3A_92, %dma_wait3A_93] : memref<320000x128xf32, #tpu.memory_space<hbm>> -> memref<320000x128xf32, #tpu.memory_space<hbm>>
          tpu.wait_indirect_dma semaphore(%arg14 : memref<!tpu.dma_semaphore, #tpu.memory_space<semaphore_mem>>) src(%dma_wait3A_94 : memref<320000x128xf32, #tpu.memory_space<hbm>>) dst(%arg13 : memref<128x128xf32, #tpu.memory_space<vmem>>)
          %sub3A_95 = arith.subi %scan3A_49, %mul3A_88 : i32
          %min3A = arith.constant 128 : i32
          %min3A_96 = arith.minsi %min3A, %sub3A_95 : i32
          %while3A_97 = arith.constant 0 : i32
          %while3A_98 = arith.constant 0 : i32
          %while3A_99 = arith.subi %min3A_96, %while3A_98 : i32
          %while3A_100 = arith.addi %while3A_98, %while3A_99 : i32
          %while3A_101 = arith.constant 1 : i32
          %while3A_102 = arith.divsi %while3A_99, %while3A_101 : i32
          %while3A_103 = arith.muli %while3A_102, %while3A_101 : i32
          %while3A_104 = arith.addi %while3A_98, %while3A_103 : i32
          %while3A_105 = arith.constant 1 : i32
          scf.for %while3A_107 = %while3A_98 to %while3A_104 step %while3A_105  : i32 {
            %add3A_108 = arith.addi %mul3A_88, %while3A_107 : i32
            %get3A = arith.index_cast %add3A_108 : i32 to index
            %get3A_109 = tpu.vector_load %arg12[%get3A] {strides = array<i32>} : memref<4112xi32, #tpu.memory_space<vmem>>, vector<16xi32>,
            %slice3A = vector.extract_strided_slice %get3A_109 {offsets = [0], sizes = [1], strides = [1]} : vector<16xi32> to vector<1xi32>
            %squeeze3A = vector.extract %slice3A[0] : i32 from vector<1xi32>
            %get3A_110 = arith.index_cast %while3A_107 : i32 to index
            %get3A_111 = arith.constant 0 : index
            %get3A_112 = tpu.vector_load %arg13[%get3A_110, %get3A_111] {strides = array<i32>} : memref<128x128xf32, #tpu.memory_space<vmem>>, vector<16xf32>,
            %get3A_113 = arith.index_cast %squeeze3A : i32 to index
            %get3A_114 = arith.constant 0 : index
            %get3A_115 = tpu.vector_load %arg8[%get3A_113, %get3A_114] {strides = array<i32>} : memref<320x128xf32, #tpu.memory_space<vmem>>, vector<16xf32>,
            %max3A = arith.maximumf %get3A_115, %get3A_112 : vector<16xf32>
            %swap3A = arith.index_cast %squeeze3A : i32 to index
            %swap3A_116 = arith.constant 0 : index
            %swap3A_117 = tpu.vector_load %arg8[%swap3A, %swap3A_116] {strides = array<i32>} : memref<320x128xf32, #tpu.memory_space<vmem>>, vector<16xf32>,
            tpu.vector_store %arg8[%swap3A, %swap3A_116], %max3A {strides = array<i32>} : memref<320x128xf32, #tpu.memory_space<vmem>>, vector<16xf32>,
            %get3A_118 = arith.index_cast %squeeze3A : i32 to index
            %get3A_119 = arith.constant 0 : index
            %get3A_120 = tpu.vector_load %arg7[%get3A_118, %get3A_119] {strides = array<i32>} : memref<320x128xf32, #tpu.memory_space<vmem>>, vector<16xf32>,
            %add3A_121 = arith.addf %get3A_120, %get3A_112 : vector<16xf32>
            %swap3A_122 = arith.index_cast %squeeze3A : i32 to index
            %swap3A_123 = arith.constant 0 : index
            %swap3A_124 = tpu.vector_load %arg7[%swap3A_122, %swap3A_123] {strides = array<i32>} : memref<320x128xf32, #tpu.memory_space<vmem>>, vector<16xf32>,
            tpu.vector_store %arg7[%swap3A_122, %swap3A_123], %add3A_121 {strides = array<i32>} : memref<320x128xf32, #tpu.memory_space<vmem>>, vector<16xf32>,
            %get3A_125 = arith.index_cast %while3A_107 : i32 to index
            %get3A_126 = arith.constant 16 : index
            %get3A_127 = tpu.vector_load %arg13[%get3A_125, %get3A_126] {strides = array<i32>} : memref<128x128xf32, #tpu.memory_space<vmem>>, vector<16xf32>,
            %get3A_128 = arith.index_cast %squeeze3A : i32 to index
            %get3A_129 = arith.constant 16 : index
            %get3A_130 = tpu.vector_load %arg8[%get3A_128, %get3A_129] {strides = array<i32>} : memref<320x128xf32, #tpu.memory_space<vmem>>, vector<16xf32>,
            %max3A_131 = arith.maximumf %get3A_130, %get3A_127 : vector<16xf32>
            %swap3A_132 = arith.index_cast %squeeze3A : i32 to index
            %swap3A_133 = arith.constant 16 : index
            %swap3A_134 = tpu.vector_load %arg8[%swap3A_132, %swap3A_133] {strides = array<i32>} : memref<320x128xf32, #tpu.memory_space<vmem>>, vector<16xf32>,
            tpu.vector_store %arg8[%swap3A_132, %swap3A_133], %max3A_131 {strides = array<i32>} : memref<320x128xf32, #tpu.memory_space<vmem>>, vector<16xf32>,
            %get3A_135 = arith.index_cast %squeeze3A : i32 to index
            %get3A_136 = arith.constant 16 : index
            %get3A_137 = tpu.vector_load %arg7[%get3A_135, %get3A_136] {strides = array<i32>} : memref<320x128xf32, #tpu.memory_space<vmem>>, vector<16xf32>,
            %add3A_138 = arith.addf %get3A_137, %get3A_127 : vector<16xf32>
            %swap3A_139 = arith.index_cast %squeeze3A : i32 to index
            %swap3A_140 = arith.constant 16 : index
            %swap3A_141 = tpu.vector_load %arg7[%swap3A_139, %swap3A_140] {strides = array<i32>} : memref<320x128xf32, #tpu.memory_space<vmem>>, vector<16xf32>,
            tpu.vector_store %arg7[%swap3A_139, %swap3A_140], %add3A_138 {strides = array<i32>} : memref<320x128xf32, #tpu.memory_space<vmem>>, vector<16xf32>,
            %get3A_142 = arith.index_cast %while3A_107 : i32 to index
            %get3A_143 = arith.constant 32 : index
            %get3A_144 = tpu.vector_load %arg13[%get3A_142, %get3A_143] {strides = array<i32>} : memref<128x128xf32, #tpu.memory_space<vmem>>, vector<16xf32>,
            %get3A_145 = arith.index_cast %squeeze3A : i32 to index
            %get3A_146 = arith.constant 32 : index
            %get3A_147 = tpu.vector_load %arg8[%get3A_145, %get3A_146] {strides = array<i32>} : memref<320x128xf32, #tpu.memory_space<vmem>>, vector<16xf32>,
            %max3A_148 = arith.maximumf %get3A_147, %get3A_144 : vector<16xf32>
            %swap3A_149 = arith.index_cast %squeeze3A : i32 to index
            %swap3A_150 = arith.constant 32 : index
            %swap3A_151 = tpu.vector_load %arg8[%swap3A_149, %swap3A_150] {strides = array<i32>} : memref<320x128xf32, #tpu.memory_space<vmem>>, vector<16xf32>,
            tpu.vector_store %arg8[%swap3A_149, %swap3A_150], %max3A_148 {strides = array<i32>} : memref<320x128xf32, #tpu.memory_space<vmem>>, vector<16xf32>,
            %get3A_152 = arith.index_cast %squeeze3A : i32 to index
            %get3A_153 = arith.constant 32 : index
            %get3A_154 = tpu.vector_load %arg7[%get3A_152, %get3A_153] {strides = array<i32>} : memref<320x128xf32, #tpu.memory_space<vmem>>, vector<16xf32>,
            %add3A_155 = arith.addf %get3A_154, %get3A_144 : vector<16xf32>
            %swap3A_156 = arith.index_cast %squeeze3A : i32 to index
            %swap3A_157 = arith.constant 32 : index
            %swap3A_158 = tpu.vector_load %arg7[%swap3A_156, %swap3A_157] {strides = array<i32>} : memref<320x128xf32, #tpu.memory_space<vmem>>, vector<16xf32>,
            tpu.vector_store %arg7[%swap3A_156, %swap3A_157], %add3A_155 {strides = array<i32>} : memref<320x128xf32, #tpu.memory_space<vmem>>, vector<16xf32>,
            %get3A_159 = arith.index_cast %while3A_107 : i32 to index
            %get3A_160 = arith.constant 48 : index
            %get3A_161 = tpu.vector_load %arg13[%get3A_159, %get3A_160] {strides = array<i32>} : memref<128x128xf32, #tpu.memory_space<vmem>>, vector<16xf32>,
            %get3A_162 = arith.index_cast %squeeze3A : i32 to index
            %get3A_163 = arith.constant 48 : index
            %get3A_164 = tpu.vector_load %arg8[%get3A_162, %get3A_163] {strides = array<i32>} : memref<320x128xf32, #tpu.memory_space<vmem>>, vector<16xf32>,
            %max3A_165 = arith.maximumf %get3A_164, %get3A_161 : vector<16xf32>
            %swap3A_166 = arith.index_cast %squeeze3A : i32 to index
            %swap3A_167 = arith.constant 48 : index
            %swap3A_168 = tpu.vector_load %arg8[%swap3A_166, %swap3A_167] {strides = array<i32>} : memref<320x128xf32, #tpu.memory_space<vmem>>, vector<16xf32>,
            tpu.vector_store %arg8[%swap3A_166, %swap3A_167], %max3A_165 {strides = array<i32>} : memref<320x128xf32, #tpu.memory_space<vmem>>, vector<16xf32>,
            %get3A_169 = arith.index_cast %squeeze3A : i32 to index
            %get3A_170 = arith.constant 48 : index
            %get3A_171 = tpu.vector_load %arg7[%get3A_169, %get3A_170] {strides = array<i32>} : memref<320x128xf32, #tpu.memory_space<vmem>>, vector<16xf32>,
            %add3A_172 = arith.addf %get3A_171, %get3A_161 : vector<16xf32>
            %swap3A_173 = arith.index_cast %squeeze3A : i32 to index
            %swap3A_174 = arith.constant 48 : index
            %swap3A_175 = tpu.vector_load %arg7[%swap3A_173, %swap3A_174] {strides = array<i32>} : memref<320x128xf32, #tpu.memory_space<vmem>>, vector<16xf32>,
            tpu.vector_store %arg7[%swap3A_173, %swap3A_174], %add3A_172 {strides = array<i32>} : memref<320x128xf32, #tpu.memory_space<vmem>>, vector<16xf32>,
            %get3A_176 = arith.index_cast %while3A_107 : i32 to index
            %get3A_177 = arith.constant 64 : index
            %get3A_178 = tpu.vector_load %arg13[%get3A_176, %get3A_177] {strides = array<i32>} : memref<128x128xf32, #tpu.memory_space<vmem>>, vector<16xf32>,
            %get3A_179 = arith.index_cast %squeeze3A : i32 to index
            %get3A_180 = arith.constant 64 : index
            %get3A_181 = tpu.vector_load %arg8[%get3A_179, %get3A_180] {strides = array<i32>} : memref<320x128xf32, #tpu.memory_space<vmem>>, vector<16xf32>,
            %max3A_182 = arith.maximumf %get3A_181, %get3A_178 : vector<16xf32>
            %swap3A_183 = arith.index_cast %squeeze3A : i32 to index
            %swap3A_184 = arith.constant 64 : index
            %swap3A_185 = tpu.vector_load %arg8[%swap3A_183, %swap3A_184] {strides = array<i32>} : memref<320x128xf32, #tpu.memory_space<vmem>>, vector<16xf32>,
            tpu.vector_store %arg8[%swap3A_183, %swap3A_184], %max3A_182 {strides = array<i32>} : memref<320x128xf32, #tpu.memory_space<vmem>>, vector<16xf32>,
            %get3A_186 = arith.index_cast %squeeze3A : i32 to index
            %get3A_187 = arith.constant 64 : index
            %get3A_188 = tpu.vector_load %arg7[%get3A_186, %get3A_187] {strides = array<i32>} : memref<320x128xf32, #tpu.memory_space<vmem>>, vector<16xf32>,
            %add3A_189 = arith.addf %get3A_188, %get3A_178 : vector<16xf32>
            %swap3A_190 = arith.index_cast %squeeze3A : i32 to index
            %swap3A_191 = arith.constant 64 : index
            %swap3A_192 = tpu.vector_load %arg7[%swap3A_190, %swap3A_191] {strides = array<i32>} : memref<320x128xf32, #tpu.memory_space<vmem>>, vector<16xf32>,
            tpu.vector_store %arg7[%swap3A_190, %swap3A_191], %add3A_189 {strides = array<i32>} : memref<320x128xf32, #tpu.memory_space<vmem>>, vector<16xf32>,
            %get3A_193 = arith.index_cast %while3A_107 : i32 to index
            %get3A_194 = arith.constant 80 : index
            %get3A_195 = tpu.vector_load %arg13[%get3A_193, %get3A_194] {strides = array<i32>} : memref<128x128xf32, #tpu.memory_space<vmem>>, vector<16xf32>,
            %get3A_196 = arith.index_cast %squeeze3A : i32 to index
            %get3A_197 = arith.constant 80 : index
            %get3A_198 = tpu.vector_load %arg8[%get3A_196, %get3A_197] {strides = array<i32>} : memref<320x128xf32, #tpu.memory_space<vmem>>, vector<16xf32>,
            %max3A_199 = arith.maximumf %get3A_198, %get3A_195 : vector<16xf32>
            %swap3A_200 = arith.index_cast %squeeze3A : i32 to index
            %swap3A_201 = arith.constant 80 : index
            %swap3A_202 = tpu.vector_load %arg8[%swap3A_200, %swap3A_201] {strides = array<i32>} : memref<320x128xf32, #tpu.memory_space<vmem>>, vector<16xf32>,
            tpu.vector_store %arg8[%swap3A_200, %swap3A_201], %max3A_199 {strides = array<i32>} : memref<320x128xf32, #tpu.memory_space<vmem>>, vector<16xf32>,
            %get3A_203 = arith.index_cast %squeeze3A : i32 to index
            %get3A_204 = arith.constant 80 : index
            %get3A_205 = tpu.vector_load %arg7[%get3A_203, %get3A_204] {strides = array<i32>} : memref<320x128xf32, #tpu.memory_space<vmem>>, vector<16xf32>,
            %add3A_206 = arith.addf %get3A_205, %get3A_195 : vector<16xf32>
            %swap3A_207 = arith.index_cast %squeeze3A : i32 to index
            %swap3A_208 = arith.constant 80 : index
            %swap3A_209 = tpu.vector_load %arg7[%swap3A_207, %swap3A_208] {strides = array<i32>} : memref<320x128xf32, #tpu.memory_space<vmem>>, vector<16xf32>,
            tpu.vector_store %arg7[%swap3A_207, %swap3A_208], %add3A_206 {strides = array<i32>} : memref<320x128xf32, #tpu.memory_space<vmem>>, vector<16xf32>,
            %get3A_210 = arith.index_cast %while3A_107 : i32 to index
            %get3A_211 = arith.constant 96 : index
            %get3A_212 = tpu.vector_load %arg13[%get3A_210, %get3A_211] {strides = array<i32>} : memref<128x128xf32, #tpu.memory_space<vmem>>, vector<16xf32>,
            %get3A_213 = arith.index_cast %squeeze3A : i32 to index
            %get3A_214 = arith.constant 96 : index
            %get3A_215 = tpu.vector_load %arg8[%get3A_213, %get3A_214] {strides = array<i32>} : memref<320x128xf32, #tpu.memory_space<vmem>>, vector<16xf32>,
            %max3A_216 = arith.maximumf %get3A_215, %get3A_212 : vector<16xf32>
            %swap3A_217 = arith.index_cast %squeeze3A : i32 to index
            %swap3A_218 = arith.constant 96 : index
            %swap3A_219 = tpu.vector_load %arg8[%swap3A_217, %swap3A_218] {strides = array<i32>} : memref<320x128xf32, #tpu.memory_space<vmem>>, vector<16xf32>,
            tpu.vector_store %arg8[%swap3A_217, %swap3A_218], %max3A_216 {strides = array<i32>} : memref<320x128xf32, #tpu.memory_space<vmem>>, vector<16xf32>,
            %get3A_220 = arith.index_cast %squeeze3A : i32 to index
            %get3A_221 = arith.constant 96 : index
            %get3A_222 = tpu.vector_load %arg7[%get3A_220, %get3A_221] {strides = array<i32>} : memref<320x128xf32, #tpu.memory_space<vmem>>, vector<16xf32>,
            %add3A_223 = arith.addf %get3A_222, %get3A_212 : vector<16xf32>
            %swap3A_224 = arith.index_cast %squeeze3A : i32 to index
            %swap3A_225 = arith.constant 96 : index
            %swap3A_226 = tpu.vector_load %arg7[%swap3A_224, %swap3A_225] {strides = array<i32>} : memref<320x128xf32, #tpu.memory_space<vmem>>, vector<16xf32>,
            tpu.vector_store %arg7[%swap3A_224, %swap3A_225], %add3A_223 {strides = array<i32>} : memref<320x128xf32, #tpu.memory_space<vmem>>, vector<16xf32>,
            %get3A_227 = arith.index_cast %while3A_107 : i32 to index
            %get3A_228 = arith.constant 112 : index
            %get3A_229 = tpu.vector_load %arg13[%get3A_227, %get3A_228] {strides = array<i32>} : memref<128x128xf32, #tpu.memory_space<vmem>>, vector<16xf32>,
            %get3A_230 = arith.index_cast %squeeze3A : i32 to index
            %get3A_231 = arith.constant 112 : index
            %get3A_232 = tpu.vector_load %arg8[%get3A_230, %get3A_231] {strides = array<i32>} : memref<320x128xf32, #tpu.memory_space<vmem>>, vector<16xf32>,
            %max3A_233 = arith.maximumf %get3A_232, %get3A_229 : vector<16xf32>
            %swap3A_234 = arith.index_cast %squeeze3A : i32 to index
            %swap3A_235 = arith.constant 112 : index
            %swap3A_236 = tpu.vector_load %arg8[%swap3A_234, %swap3A_235] {strides = array<i32>} : memref<320x128xf32, #tpu.memory_space<vmem>>, vector<16xf32>,
            tpu.vector_store %arg8[%swap3A_234, %swap3A_235], %max3A_233 {strides = array<i32>} : memref<320x128xf32, #tpu.memory_space<vmem>>, vector<16xf32>,
            %get3A_237 = arith.index_cast %squeeze3A : i32 to index
            %get3A_238 = arith.constant 112 : index
            %get3A_239 = tpu.vector_load %arg7[%get3A_237, %get3A_238] {strides = array<i32>} : memref<320x128xf32, #tpu.memory_space<vmem>>, vector<16xf32>,
            %add3A_240 = arith.addf %get3A_239, %get3A_229 : vector<16xf32>
            %swap3A_241 = arith.index_cast %squeeze3A : i32 to index
            %swap3A_242 = arith.constant 112 : index
            %swap3A_243 = tpu.vector_load %arg7[%swap3A_241, %swap3A_242] {strides = array<i32>} : memref<320x128xf32, #tpu.memory_space<vmem>>, vector<16xf32>,
            tpu.vector_store %arg7[%swap3A_241, %swap3A_242], %add3A_240 {strides = array<i32>} : memref<320x128xf32, #tpu.memory_space<vmem>>, vector<16xf32>,
            %get3A_244 = arith.index_cast %squeeze3A : i32 to index
            %get3A_245 = tpu.vector_load %arg9[%get3A_244] {strides = array<i32>} : memref<336xf32, #tpu.memory_space<vmem>>, vector<16xf32>,
            %add3A_246 = arith.addf %get3A_245, %convert_element_type3A_29 : vector<16xf32>
            %swap3A_247 = arith.index_cast %squeeze3A : i32 to index
            %swap3A_248 = tpu.vector_load %arg9[%swap3A_247] {strides = array<i32>} : memref<336xf32, #tpu.memory_space<vmem>>, vector<16xf32>,
            tpu.vector_store %arg9[%swap3A_247], %add3A_246 {strides = array<i32>} : memref<336xf32, #tpu.memory_space<vmem>>, vector<16xf32>,
          }
          %while3A_106 = arith.constant 1 : i32
          scf.for %while3A_107 = %while3A_104 to %while3A_100 step %while3A_106  : i32 {
            %add3A_108 = arith.addi %mul3A_88, %while3A_107 : i32
            %get3A = arith.index_cast %add3A_108 : i32 to index
            %get3A_109 = tpu.vector_load %arg12[%get3A] {strides = array<i32>} : memref<4112xi32, #tpu.memory_space<vmem>>, vector<16xi32>,
            %slice3A = vector.extract_strided_slice %get3A_109 {offsets = [0], sizes = [1], strides = [1]} : vector<16xi32> to vector<1xi32>
            %squeeze3A = vector.extract %slice3A[0] : i32 from vector<1xi32>
            %get3A_110 = arith.index_cast %while3A_107 : i32 to index
            %get3A_111 = arith.constant 0 : index
            %get3A_112 = tpu.vector_load %arg13[%get3A_110, %get3A_111] {strides = array<i32>} : memref<128x128xf32, #tpu.memory_space<vmem>>, vector<16xf32>,
            %get3A_113 = arith.index_cast %squeeze3A : i32 to index
            %get3A_114 = arith.constant 0 : index
            %get3A_115 = tpu.vector_load %arg8[%get3A_113, %get3A_114] {strides = array<i32>} : memref<320x128xf32, #tpu.memory_space<vmem>>, vector<16xf32>,
            %max3A = arith.maximumf %get3A_115, %get3A_112 : vector<16xf32>
            %swap3A = arith.index_cast %squeeze3A : i32 to index
            %swap3A_116 = arith.constant 0 : index
            %swap3A_117 = tpu.vector_load %arg8[%swap3A, %swap3A_116] {strides = array<i32>} : memref<320x128xf32, #tpu.memory_space<vmem>>, vector<16xf32>,
            tpu.vector_store %arg8[%swap3A, %swap3A_116], %max3A {strides = array<i32>} : memref<320x128xf32, #tpu.memory_space<vmem>>, vector<16xf32>,
            %get3A_118 = arith.index_cast %squeeze3A : i32 to index
            %get3A_119 = arith.constant 0 : index
            %get3A_120 = tpu.vector_load %arg7[%get3A_118, %get3A_119] {strides = array<i32>} : memref<320x128xf32, #tpu.memory_space<vmem>>, vector<16xf32>,
            %add3A_121 = arith.addf %get3A_120, %get3A_112 : vector<16xf32>
            %swap3A_122 = arith.index_cast %squeeze3A : i32 to index
            %swap3A_123 = arith.constant 0 : index
            %swap3A_124 = tpu.vector_load %arg7[%swap3A_122, %swap3A_123] {strides = array<i32>} : memref<320x128xf32, #tpu.memory_space<vmem>>, vector<16xf32>,
            tpu.vector_store %arg7[%swap3A_122, %swap3A_123], %add3A_121 {strides = array<i32>} : memref<320x128xf32, #tpu.memory_space<vmem>>, vector<16xf32>,
            %get3A_125 = arith.index_cast %while3A_107 : i32 to index
            %get3A_126 = arith.constant 16 : index
            %get3A_127 = tpu.vector_load %arg13[%get3A_125, %get3A_126] {strides = array<i32>} : memref<128x128xf32, #tpu.memory_space<vmem>>, vector<16xf32>,
            %get3A_128 = arith.index_cast %squeeze3A : i32 to index
            %get3A_129 = arith.constant 16 : index
            %get3A_130 = tpu.vector_load %arg8[%get3A_128, %get3A_129] {strides = array<i32>} : memref<320x128xf32, #tpu.memory_space<vmem>>, vector<16xf32>,
            %max3A_131 = arith.maximumf %get3A_130, %get3A_127 : vector<16xf32>
            %swap3A_132 = arith.index_cast %squeeze3A : i32 to index
            %swap3A_133 = arith.constant 16 : index
            %swap3A_134 = tpu.vector_load %arg8[%swap3A_132, %swap3A_133] {strides = array<i32>} : memref<320x128xf32, #tpu.memory_space<vmem>>, vector<16xf32>,
            tpu.vector_store %arg8[%swap3A_132, %swap3A_133], %max3A_131 {strides = array<i32>} : memref<320x128xf32, #tpu.memory_space<vmem>>, vector<16xf32>,
            %get3A_135 = arith.index_cast %squeeze3A : i32 to index
            %get3A_136 = arith.constant 16 : index
            %get3A_137 = tpu.vector_load %arg7[%get3A_135, %get3A_136] {strides = array<i32>} : memref<320x128xf32, #tpu.memory_space<vmem>>, vector<16xf32>,
            %add3A_138 = arith.addf %get3A_137, %get3A_127 : vector<16xf32>
            %swap3A_139 = arith.index_cast %squeeze3A : i32 to index
            %swap3A_140 = arith.constant 16 : index
            %swap3A_141 = tpu.vector_load %arg7[%swap3A_139, %swap3A_140] {strides = array<i32>} : memref<320x128xf32, #tpu.memory_space<vmem>>, vector<16xf32>,
            tpu.vector_store %arg7[%swap3A_139, %swap3A_140], %add3A_138 {strides = array<i32>} : memref<320x128xf32, #tpu.memory_space<vmem>>, vector<16xf32>,
            %get3A_142 = arith.index_cast %while3A_107 : i32 to index
            %get3A_143 = arith.constant 32 : index
            %get3A_144 = tpu.vector_load %arg13[%get3A_142, %get3A_143] {strides = array<i32>} : memref<128x128xf32, #tpu.memory_space<vmem>>, vector<16xf32>,
            %get3A_145 = arith.index_cast %squeeze3A : i32 to index
            %get3A_146 = arith.constant 32 : index
            %get3A_147 = tpu.vector_load %arg8[%get3A_145, %get3A_146] {strides = array<i32>} : memref<320x128xf32, #tpu.memory_space<vmem>>, vector<16xf32>,
            %max3A_148 = arith.maximumf %get3A_147, %get3A_144 : vector<16xf32>
            %swap3A_149 = arith.index_cast %squeeze3A : i32 to index
            %swap3A_150 = arith.constant 32 : index
            %swap3A_151 = tpu.vector_load %arg8[%swap3A_149, %swap3A_150] {strides = array<i32>} : memref<320x128xf32, #tpu.memory_space<vmem>>, vector<16xf32>,
            tpu.vector_store %arg8[%swap3A_149, %swap3A_150], %max3A_148 {strides = array<i32>} : memref<320x128xf32, #tpu.memory_space<vmem>>, vector<16xf32>,
            %get3A_152 = arith.index_cast %squeeze3A : i32 to index
            %get3A_153 = arith.constant 32 : index
            %get3A_154 = tpu.vector_load %arg7[%get3A_152, %get3A_153] {strides = array<i32>} : memref<320x128xf32, #tpu.memory_space<vmem>>, vector<16xf32>,
            %add3A_155 = arith.addf %get3A_154, %get3A_144 : vector<16xf32>
            %swap3A_156 = arith.index_cast %squeeze3A : i32 to index
            %swap3A_157 = arith.constant 32 : index
            %swap3A_158 = tpu.vector_load %arg7[%swap3A_156, %swap3A_157] {strides = array<i32>} : memref<320x128xf32, #tpu.memory_space<vmem>>, vector<16xf32>,
            tpu.vector_store %arg7[%swap3A_156, %swap3A_157], %add3A_155 {strides = array<i32>} : memref<320x128xf32, #tpu.memory_space<vmem>>, vector<16xf32>,
            %get3A_159 = arith.index_cast %while3A_107 : i32 to index
            %get3A_160 = arith.constant 48 : index
            %get3A_161 = tpu.vector_load %arg13[%get3A_159, %get3A_160] {strides = array<i32>} : memref<128x128xf32, #tpu.memory_space<vmem>>, vector<16xf32>,
            %get3A_162 = arith.index_cast %squeeze3A : i32 to index
            %get3A_163 = arith.constant 48 : index
            %get3A_164 = tpu.vector_load %arg8[%get3A_162, %get3A_163] {strides = array<i32>} : memref<320x128xf32, #tpu.memory_space<vmem>>, vector<16xf32>,
            %max3A_165 = arith.maximumf %get3A_164, %get3A_161 : vector<16xf32>
            %swap3A_166 = arith.index_cast %squeeze3A : i32 to index
            %swap3A_167 = arith.constant 48 : index
            %swap3A_168 = tpu.vector_load %arg8[%swap3A_166, %swap3A_167] {strides = array<i32>} : memref<320x128xf32, #tpu.memory_space<vmem>>, vector<16xf32>,
            tpu.vector_store %arg8[%swap3A_166, %swap3A_167], %max3A_165 {strides = array<i32>} : memref<320x128xf32, #tpu.memory_space<vmem>>, vector<16xf32>,
            %get3A_169 = arith.index_cast %squeeze3A : i32 to index
            %get3A_170 = arith.constant 48 : index
            %get3A_171 = tpu.vector_load %arg7[%get3A_169, %get3A_170] {strides = array<i32>} : memref<320x128xf32, #tpu.memory_space<vmem>>, vector<16xf32>,
            %add3A_172 = arith.addf %get3A_171, %get3A_161 : vector<16xf32>
            %swap3A_173 = arith.index_cast %squeeze3A : i32 to index
            %swap3A_174 = arith.constant 48 : index
            %swap3A_175 = tpu.vector_load %arg7[%swap3A_173, %swap3A_174] {strides = array<i32>} : memref<320x128xf32, #tpu.memory_space<vmem>>, vector<16xf32>,
            tpu.vector_store %arg7[%swap3A_173, %swap3A_174], %add3A_172 {strides = array<i32>} : memref<320x128xf32, #tpu.memory_space<vmem>>, vector<16xf32>,
            %get3A_176 = arith.index_cast %while3A_107 : i32 to index
            %get3A_177 = arith.constant 64 : index
            %get3A_178 = tpu.vector_load %arg13[%get3A_176, %get3A_177] {strides = array<i32>} : memref<128x128xf32, #tpu.memory_space<vmem>>, vector<16xf32>,
            %get3A_179 = arith.index_cast %squeeze3A : i32 to index
            %get3A_180 = arith.constant 64 : index
            %get3A_181 = tpu.vector_load %arg8[%get3A_179, %get3A_180] {strides = array<i32>} : memref<320x128xf32, #tpu.memory_space<vmem>>, vector<16xf32>,
            %max3A_182 = arith.maximumf %get3A_181, %get3A_178 : vector<16xf32>
            %swap3A_183 = arith.index_cast %squeeze3A : i32 to index
            %swap3A_184 = arith.constant 64 : index
            %swap3A_185 = tpu.vector_load %arg8[%swap3A_183, %swap3A_184] {strides = array<i32>} : memref<320x128xf32, #tpu.memory_space<vmem>>, vector<16xf32>,
            tpu.vector_store %arg8[%swap3A_183, %swap3A_184], %max3A_182 {strides = array<i32>} : memref<320x128xf32, #tpu.memory_space<vmem>>, vector<16xf32>,
            %get3A_186 = arith.index_cast %squeeze3A : i32 to index
            %get3A_187 = arith.constant 64 : index
            %get3A_188 = tpu.vector_load %arg7[%get3A_186, %get3A_187] {strides = array<i32>} : memref<320x128xf32, #tpu.memory_space<vmem>>, vector<16xf32>,
            %add3A_189 = arith.addf %get3A_188, %get3A_178 : vector<16xf32>
            %swap3A_190 = arith.index_cast %squeeze3A : i32 to index
            %swap3A_191 = arith.constant 64 : index
            %swap3A_192 = tpu.vector_load %arg7[%swap3A_190, %swap3A_191] {strides = array<i32>} : memref<320x128xf32, #tpu.memory_space<vmem>>, vector<16xf32>,
            tpu.vector_store %arg7[%swap3A_190, %swap3A_191], %add3A_189 {strides = array<i32>} : memref<320x128xf32, #tpu.memory_space<vmem>>, vector<16xf32>,
            %get3A_193 = arith.index_cast %while3A_107 : i32 to index
            %get3A_194 = arith.constant 80 : index
            %get3A_195 = tpu.vector_load %arg13[%get3A_193, %get3A_194] {strides = array<i32>} : memref<128x128xf32, #tpu.memory_space<vmem>>, vector<16xf32>,
            %get3A_196 = arith.index_cast %squeeze3A : i32 to index
            %get3A_197 = arith.constant 80 : index
            %get3A_198 = tpu.vector_load %arg8[%get3A_196, %get3A_197] {strides = array<i32>} : memref<320x128xf32, #tpu.memory_space<vmem>>, vector<16xf32>,
            %max3A_199 = arith.maximumf %get3A_198, %get3A_195 : vector<16xf32>
            %swap3A_200 = arith.index_cast %squeeze3A : i32 to index
            %swap3A_201 = arith.constant 80 : index
            %swap3A_202 = tpu.vector_load %arg8[%swap3A_200, %swap3A_201] {strides = array<i32>} : memref<320x128xf32, #tpu.memory_space<vmem>>, vector<16xf32>,
            tpu.vector_store %arg8[%swap3A_200, %swap3A_201], %max3A_199 {strides = array<i32>} : memref<320x128xf32, #tpu.memory_space<vmem>>, vector<16xf32>,
            %get3A_203 = arith.index_cast %squeeze3A : i32 to index
            %get3A_204 = arith.constant 80 : index
            %get3A_205 = tpu.vector_load %arg7[%get3A_203, %get3A_204] {strides = array<i32>} : memref<320x128xf32, #tpu.memory_space<vmem>>, vector<16xf32>,
            %add3A_206 = arith.addf %get3A_205, %get3A_195 : vector<16xf32>
            %swap3A_207 = arith.index_cast %squeeze3A : i32 to index
            %swap3A_208 = arith.constant 80 : index
            %swap3A_209 = tpu.vector_load %arg7[%swap3A_207, %swap3A_208] {strides = array<i32>} : memref<320x128xf32, #tpu.memory_space<vmem>>, vector<16xf32>,
            tpu.vector_store %arg7[%swap3A_207, %swap3A_208], %add3A_206 {strides = array<i32>} : memref<320x128xf32, #tpu.memory_space<vmem>>, vector<16xf32>,
            %get3A_210 = arith.index_cast %while3A_107 : i32 to index
            %get3A_211 = arith.constant 96 : index
            %get3A_212 = tpu.vector_load %arg13[%get3A_210, %get3A_211] {strides = array<i32>} : memref<128x128xf32, #tpu.memory_space<vmem>>, vector<16xf32>,
            %get3A_213 = arith.index_cast %squeeze3A : i32 to index
            %get3A_214 = arith.constant 96 : index
            %get3A_215 = tpu.vector_load %arg8[%get3A_213, %get3A_214] {strides = array<i32>} : memref<320x128xf32, #tpu.memory_space<vmem>>, vector<16xf32>,
            %max3A_216 = arith.maximumf %get3A_215, %get3A_212 : vector<16xf32>
            %swap3A_217 = arith.index_cast %squeeze3A : i32 to index
            %swap3A_218 = arith.constant 96 : index
            %swap3A_219 = tpu.vector_load %arg8[%swap3A_217, %swap3A_218] {strides = array<i32>} : memref<320x128xf32, #tpu.memory_space<vmem>>, vector<16xf32>,
            tpu.vector_store %arg8[%swap3A_217, %swap3A_218], %max3A_216 {strides = array<i32>} : memref<320x128xf32, #tpu.memory_space<vmem>>, vector<16xf32>,
            %get3A_220 = arith.index_cast %squeeze3A : i32 to index
            %get3A_221 = arith.constant 96 : index
            %get3A_222 = tpu.vector_load %arg7[%get3A_220, %get3A_221] {strides = array<i32>} : memref<320x128xf32, #tpu.memory_space<vmem>>, vector<16xf32>,
            %add3A_223 = arith.addf %get3A_222, %get3A_212 : vector<16xf32>
            %swap3A_224 = arith.index_cast %squeeze3A : i32 to index
            %swap3A_225 = arith.constant 96 : index
            %swap3A_226 = tpu.vector_load %arg7[%swap3A_224, %swap3A_225] {strides = array<i32>} : memref<320x128xf32, #tpu.memory_space<vmem>>, vector<16xf32>,
            tpu.vector_store %arg7[%swap3A_224, %swap3A_225], %add3A_223 {strides = array<i32>} : memref<320x128xf32, #tpu.memory_space<vmem>>, vector<16xf32>,
            %get3A_227 = arith.index_cast %while3A_107 : i32 to index
            %get3A_228 = arith.constant 112 : index
            %get3A_229 = tpu.vector_load %arg13[%get3A_227, %get3A_228] {strides = array<i32>} : memref<128x128xf32, #tpu.memory_space<vmem>>, vector<16xf32>,
            %get3A_230 = arith.index_cast %squeeze3A : i32 to index
            %get3A_231 = arith.constant 112 : index
            %get3A_232 = tpu.vector_load %arg8[%get3A_230, %get3A_231] {strides = array<i32>} : memref<320x128xf32, #tpu.memory_space<vmem>>, vector<16xf32>,
            %max3A_233 = arith.maximumf %get3A_232, %get3A_229 : vector<16xf32>
            %swap3A_234 = arith.index_cast %squeeze3A : i32 to index
            %swap3A_235 = arith.constant 112 : index
            %swap3A_236 = tpu.vector_load %arg8[%swap3A_234, %swap3A_235] {strides = array<i32>} : memref<320x128xf32, #tpu.memory_space<vmem>>, vector<16xf32>,
            tpu.vector_store %arg8[%swap3A_234, %swap3A_235], %max3A_233 {strides = array<i32>} : memref<320x128xf32, #tpu.memory_space<vmem>>, vector<16xf32>,
            %get3A_237 = arith.index_cast %squeeze3A : i32 to index
            %get3A_238 = arith.constant 112 : index
            %get3A_239 = tpu.vector_load %arg7[%get3A_237, %get3A_238] {strides = array<i32>} : memref<320x128xf32, #tpu.memory_space<vmem>>, vector<16xf32>,
            %add3A_240 = arith.addf %get3A_239, %get3A_229 : vector<16xf32>
            %swap3A_241 = arith.index_cast %squeeze3A : i32 to index
            %swap3A_242 = arith.constant 112 : index
            %swap3A_243 = tpu.vector_load %arg7[%swap3A_241, %swap3A_242] {strides = array<i32>} : memref<320x128xf32, #tpu.memory_space<vmem>>, vector<16xf32>,
            tpu.vector_store %arg7[%swap3A_241, %swap3A_242], %add3A_240 {strides = array<i32>} : memref<320x128xf32, #tpu.memory_space<vmem>>, vector<16xf32>,
            %get3A_244 = arith.index_cast %squeeze3A : i32 to index
            %get3A_245 = tpu.vector_load %arg9[%get3A_244] {strides = array<i32>} : memref<336xf32, #tpu.memory_space<vmem>>, vector<16xf32>,
            %add3A_246 = arith.addf %get3A_245, %convert_element_type3A_29 : vector<16xf32>
            %swap3A_247 = arith.index_cast %squeeze3A : i32 to index
            %swap3A_248 = tpu.vector_load %arg9[%swap3A_247] {strides = array<i32>} : memref<336xf32, #tpu.memory_space<vmem>>, vector<16xf32>,
            tpu.vector_store %arg9[%swap3A_247], %add3A_246 {strides = array<i32>} : memref<336xf32, #tpu.memory_space<vmem>>, vector<16xf32>,
          }
        }
        %cond3A_85 = arith.constant 0 : i32
        scf.yield %cond3A_85 : i32
      } else {
        scf.yield %scan3A_49 : i32
      }
      scf.yield %cond3A_55 : i32
    }
    %scan3A_36 = arith.constant 400 : i32
    %gt3A = arith.constant 0 : i32
    %gt3A_37 = arith.cmpi sgt, %scan3A_35, %gt3A : i32
    %convert_element_type3A_38 = arith.extui %gt3A_37 : i1 to i32
    %cond3A = arith.constant 0 : i32
    %cond3A_39 = arith.cmpi ne, %convert_element_type3A_38, %cond3A : i32
    %cond3A_40 = scf.if %cond3A_39 -> (i32) {
      %add3A_41 = arith.constant 128 : i32
      %add3A_42 = arith.addi %scan3A_35, %add3A_41 : i32
      %sub3A = arith.constant 1 : i32
      %sub3A_43 = arith.subi %add3A_42, %sub3A : i32
      %jit3A = arith.constant 128 : i32
      %div3A = arith.divsi %sub3A_43, %jit3A : i32
      %sign3A = arith.constant 0 : i32
      %sign3A_44 = arith.cmpi sgt, %sub3A_43, %sign3A : i32
      %sign3A_45 = arith.extui %sign3A_44 : i1 to i32
      %sign3A_46 = arith.constant 0 : i32
      %sign3A_47 = arith.cmpi slt, %sub3A_43, %sign3A_46 : i32
      %sign3A_48 = arith.extui %sign3A_47 : i1 to i32
      %sign3A_49 = arith.subi %sign3A_45, %sign3A_48 : i32
      %sign3A_50 = arith.constant 0 : i32
      %sign3A_51 = arith.cmpi sgt, %jit3A, %sign3A_50 : i32
      %sign3A_52 = arith.extui %sign3A_51 : i1 to i32
      %sign3A_53 = arith.constant 0 : i32
      %sign3A_54 = arith.cmpi slt, %jit3A, %sign3A_53 : i32
      %sign3A_55 = arith.extui %sign3A_54 : i1 to i32
      %sign3A_56 = arith.subi %sign3A_52, %sign3A_55 : i32
      %ne3A = arith.cmpi ne, %sign3A_49, %sign3A_56 : i32
      %rem3A = arith.remsi %sub3A_43, %jit3A : i32
      %ne3A_57 = arith.constant 0 : i32
      %ne3A_58 = arith.cmpi ne, %rem3A, %ne3A_57 : i32
      %and3A = arith.andi %ne3A, %ne3A_58 : i1
      %sub3A_59 = arith.constant 1 : i32
      %sub3A_60 = arith.subi %div3A, %sub3A_59 : i32
      %select_n3A = arith.select %and3A, %sub3A_60, %div3A : i32
      %while3A = arith.constant 0 : i32
      %while3A_61 = arith.constant 0 : i32
      %while3A_62 = arith.subi %select_n3A, %while3A_61 : i32
      %while3A_63 = arith.addi %while3A_61, %while3A_62 : i32
      %while3A_64 = arith.constant 1 : i32
      %while3A_65 = arith.divsi %while3A_62, %while3A_64 : i32
      %while3A_66 = arith.muli %while3A_65, %while3A_64 : i32
      %while3A_67 = arith.addi %while3A_61, %while3A_66 : i32
      %while3A_68 = arith.constant 1 : i32
      scf.for %while3A_71 = %while3A_61 to %while3A_67 step %while3A_68  : i32 {
        %mul3A_72 = arith.constant 128 : i32
        %mul3A_73 = arith.muli %while3A_71, %mul3A_72 : i32
        %dma_start3A = tpu.memref_slice %arg11[%mul3A_73] : memref<4112xi32, #tpu.memory_space<vmem>> -> memref<128xi32, #tpu.memory_space<vmem>>
        %dma_start3A_74 = arith.constant 0 : i32
        %dma_start3A_75 = arith.constant 0 : i32
        %dma_start3A_76 = tpu.memref_slice %arg3[%dma_start3A_74, %dma_start3A_75] : memref<320000x128xf32, #tpu.memory_space<hbm>> -> memref<320000x128xf32, #tpu.memory_space<hbm>>
        tpu.enqueue_indirect_dma source(%dma_start3A_76 : memref<320000x128xf32, #tpu.memory_space<hbm>>) target(%arg13 : memref<128x128xf32, #tpu.memory_space<vmem>>) offsets(%dma_start3A : memref<128xi32, #tpu.memory_space<vmem>>) semaphore(%arg14 : memref<!tpu.dma_semaphore, #tpu.memory_space<semaphore_mem>>)
        %dma_wait3A = tpu.memref_slice %arg11[%mul3A_73] : memref<4112xi32, #tpu.memory_space<vmem>> -> memref<128xi32, #tpu.memory_space<vmem>>
        %dma_wait3A_77 = arith.constant 0 : i32
        %dma_wait3A_78 = arith.constant 0 : i32
        %dma_wait3A_79 = tpu.memref_slice %arg3[%dma_wait3A_77, %dma_wait3A_78] : memref<320000x128xf32, #tpu.memory_space<hbm>> -> memref<320000x128xf32, #tpu.memory_space<hbm>>
        tpu.wait_indirect_dma semaphore(%arg14 : memref<!tpu.dma_semaphore, #tpu.memory_space<semaphore_mem>>) src(%dma_wait3A_79 : memref<320000x128xf32, #tpu.memory_space<hbm>>) dst(%arg13 : memref<128x128xf32, #tpu.memory_space<vmem>>)
        %sub3A_80 = arith.subi %scan3A_35, %mul3A_73 : i32
        %min3A = arith.constant 128 : i32
        %min3A_81 = arith.minsi %min3A, %sub3A_80 : i32
        %while3A_82 = arith.constant 0 : i32
        %while3A_83 = arith.constant 0 : i32
        %while3A_84 = arith.subi %min3A_81, %while3A_83 : i32
        %while3A_85 = arith.addi %while3A_83, %while3A_84 : i32
        %while3A_86 = arith.constant 1 : i32
        %while3A_87 = arith.divsi %while3A_84, %while3A_86 : i32
        %while3A_88 = arith.muli %while3A_87, %while3A_86 : i32
        %while3A_89 = arith.addi %while3A_83, %while3A_88 : i32
        %while3A_90 = arith.constant 1 : i32
        scf.for %while3A_92 = %while3A_83 to %while3A_89 step %while3A_90  : i32 {
          %add3A_93 = arith.addi %mul3A_73, %while3A_92 : i32
          %get3A = arith.index_cast %add3A_93 : i32 to index
          %get3A_94 = tpu.vector_load %arg12[%get3A] {strides = array<i32>} : memref<4112xi32, #tpu.memory_space<vmem>>, vector<16xi32>,
          %slice3A = vector.extract_strided_slice %get3A_94 {offsets = [0], sizes = [1], strides = [1]} : vector<16xi32> to vector<1xi32>
          %squeeze3A = vector.extract %slice3A[0] : i32 from vector<1xi32>
          %get3A_95 = arith.index_cast %while3A_92 : i32 to index
          %get3A_96 = arith.constant 0 : index
          %get3A_97 = tpu.vector_load %arg13[%get3A_95, %get3A_96] {strides = array<i32>} : memref<128x128xf32, #tpu.memory_space<vmem>>, vector<16xf32>,
          %get3A_98 = arith.index_cast %squeeze3A : i32 to index
          %get3A_99 = arith.constant 0 : index
          %get3A_100 = tpu.vector_load %arg8[%get3A_98, %get3A_99] {strides = array<i32>} : memref<320x128xf32, #tpu.memory_space<vmem>>, vector<16xf32>,
          %max3A = arith.maximumf %get3A_100, %get3A_97 : vector<16xf32>
          %swap3A = arith.index_cast %squeeze3A : i32 to index
          %swap3A_101 = arith.constant 0 : index
          %swap3A_102 = tpu.vector_load %arg8[%swap3A, %swap3A_101] {strides = array<i32>} : memref<320x128xf32, #tpu.memory_space<vmem>>, vector<16xf32>,
          tpu.vector_store %arg8[%swap3A, %swap3A_101], %max3A {strides = array<i32>} : memref<320x128xf32, #tpu.memory_space<vmem>>, vector<16xf32>,
          %get3A_103 = arith.index_cast %squeeze3A : i32 to index
          %get3A_104 = arith.constant 0 : index
          %get3A_105 = tpu.vector_load %arg7[%get3A_103, %get3A_104] {strides = array<i32>} : memref<320x128xf32, #tpu.memory_space<vmem>>, vector<16xf32>,
          %add3A_106 = arith.addf %get3A_105, %get3A_97 : vector<16xf32>
          %swap3A_107 = arith.index_cast %squeeze3A : i32 to index
          %swap3A_108 = arith.constant 0 : index
          %swap3A_109 = tpu.vector_load %arg7[%swap3A_107, %swap3A_108] {strides = array<i32>} : memref<320x128xf32, #tpu.memory_space<vmem>>, vector<16xf32>,
          tpu.vector_store %arg7[%swap3A_107, %swap3A_108], %add3A_106 {strides = array<i32>} : memref<320x128xf32, #tpu.memory_space<vmem>>, vector<16xf32>,
          %get3A_110 = arith.index_cast %while3A_92 : i32 to index
          %get3A_111 = arith.constant 16 : index
          %get3A_112 = tpu.vector_load %arg13[%get3A_110, %get3A_111] {strides = array<i32>} : memref<128x128xf32, #tpu.memory_space<vmem>>, vector<16xf32>,
          %get3A_113 = arith.index_cast %squeeze3A : i32 to index
          %get3A_114 = arith.constant 16 : index
          %get3A_115 = tpu.vector_load %arg8[%get3A_113, %get3A_114] {strides = array<i32>} : memref<320x128xf32, #tpu.memory_space<vmem>>, vector<16xf32>,
          %max3A_116 = arith.maximumf %get3A_115, %get3A_112 : vector<16xf32>
          %swap3A_117 = arith.index_cast %squeeze3A : i32 to index
          %swap3A_118 = arith.constant 16 : index
          %swap3A_119 = tpu.vector_load %arg8[%swap3A_117, %swap3A_118] {strides = array<i32>} : memref<320x128xf32, #tpu.memory_space<vmem>>, vector<16xf32>,
          tpu.vector_store %arg8[%swap3A_117, %swap3A_118], %max3A_116 {strides = array<i32>} : memref<320x128xf32, #tpu.memory_space<vmem>>, vector<16xf32>,
          %get3A_120 = arith.index_cast %squeeze3A : i32 to index
          %get3A_121 = arith.constant 16 : index
          %get3A_122 = tpu.vector_load %arg7[%get3A_120, %get3A_121] {strides = array<i32>} : memref<320x128xf32, #tpu.memory_space<vmem>>, vector<16xf32>,
          %add3A_123 = arith.addf %get3A_122, %get3A_112 : vector<16xf32>
          %swap3A_124 = arith.index_cast %squeeze3A : i32 to index
          %swap3A_125 = arith.constant 16 : index
          %swap3A_126 = tpu.vector_load %arg7[%swap3A_124, %swap3A_125] {strides = array<i32>} : memref<320x128xf32, #tpu.memory_space<vmem>>, vector<16xf32>,
          tpu.vector_store %arg7[%swap3A_124, %swap3A_125], %add3A_123 {strides = array<i32>} : memref<320x128xf32, #tpu.memory_space<vmem>>, vector<16xf32>,
          %get3A_127 = arith.index_cast %while3A_92 : i32 to index
          %get3A_128 = arith.constant 32 : index
          %get3A_129 = tpu.vector_load %arg13[%get3A_127, %get3A_128] {strides = array<i32>} : memref<128x128xf32, #tpu.memory_space<vmem>>, vector<16xf32>,
          %get3A_130 = arith.index_cast %squeeze3A : i32 to index
          %get3A_131 = arith.constant 32 : index
          %get3A_132 = tpu.vector_load %arg8[%get3A_130, %get3A_131] {strides = array<i32>} : memref<320x128xf32, #tpu.memory_space<vmem>>, vector<16xf32>,
          %max3A_133 = arith.maximumf %get3A_132, %get3A_129 : vector<16xf32>
          %swap3A_134 = arith.index_cast %squeeze3A : i32 to index
          %swap3A_135 = arith.constant 32 : index
          %swap3A_136 = tpu.vector_load %arg8[%swap3A_134, %swap3A_135] {strides = array<i32>} : memref<320x128xf32, #tpu.memory_space<vmem>>, vector<16xf32>,
          tpu.vector_store %arg8[%swap3A_134, %swap3A_135], %max3A_133 {strides = array<i32>} : memref<320x128xf32, #tpu.memory_space<vmem>>, vector<16xf32>,
          %get3A_137 = arith.index_cast %squeeze3A : i32 to index
          %get3A_138 = arith.constant 32 : index
          %get3A_139 = tpu.vector_load %arg7[%get3A_137, %get3A_138] {strides = array<i32>} : memref<320x128xf32, #tpu.memory_space<vmem>>, vector<16xf32>,
          %add3A_140 = arith.addf %get3A_139, %get3A_129 : vector<16xf32>
          %swap3A_141 = arith.index_cast %squeeze3A : i32 to index
          %swap3A_142 = arith.constant 32 : index
          %swap3A_143 = tpu.vector_load %arg7[%swap3A_141, %swap3A_142] {strides = array<i32>} : memref<320x128xf32, #tpu.memory_space<vmem>>, vector<16xf32>,
          tpu.vector_store %arg7[%swap3A_141, %swap3A_142], %add3A_140 {strides = array<i32>} : memref<320x128xf32, #tpu.memory_space<vmem>>, vector<16xf32>,
          %get3A_144 = arith.index_cast %while3A_92 : i32 to index
          %get3A_145 = arith.constant 48 : index
          %get3A_146 = tpu.vector_load %arg13[%get3A_144, %get3A_145] {strides = array<i32>} : memref<128x128xf32, #tpu.memory_space<vmem>>, vector<16xf32>,
          %get3A_147 = arith.index_cast %squeeze3A : i32 to index
          %get3A_148 = arith.constant 48 : index
          %get3A_149 = tpu.vector_load %arg8[%get3A_147, %get3A_148] {strides = array<i32>} : memref<320x128xf32, #tpu.memory_space<vmem>>, vector<16xf32>,
          %max3A_150 = arith.maximumf %get3A_149, %get3A_146 : vector<16xf32>
          %swap3A_151 = arith.index_cast %squeeze3A : i32 to index
          %swap3A_152 = arith.constant 48 : index
          %swap3A_153 = tpu.vector_load %arg8[%swap3A_151, %swap3A_152] {strides = array<i32>} : memref<320x128xf32, #tpu.memory_space<vmem>>, vector<16xf32>,
          tpu.vector_store %arg8[%swap3A_151, %swap3A_152], %max3A_150 {strides = array<i32>} : memref<320x128xf32, #tpu.memory_space<vmem>>, vector<16xf32>,
          %get3A_154 = arith.index_cast %squeeze3A : i32 to index
          %get3A_155 = arith.constant 48 : index
          %get3A_156 = tpu.vector_load %arg7[%get3A_154, %get3A_155] {strides = array<i32>} : memref<320x128xf32, #tpu.memory_space<vmem>>, vector<16xf32>,
          %add3A_157 = arith.addf %get3A_156, %get3A_146 : vector<16xf32>
          %swap3A_158 = arith.index_cast %squeeze3A : i32 to index
          %swap3A_159 = arith.constant 48 : index
          %swap3A_160 = tpu.vector_load %arg7[%swap3A_158, %swap3A_159] {strides = array<i32>} : memref<320x128xf32, #tpu.memory_space<vmem>>, vector<16xf32>,
          tpu.vector_store %arg7[%swap3A_158, %swap3A_159], %add3A_157 {strides = array<i32>} : memref<320x128xf32, #tpu.memory_space<vmem>>, vector<16xf32>,
          %get3A_161 = arith.index_cast %while3A_92 : i32 to index
          %get3A_162 = arith.constant 64 : index
          %get3A_163 = tpu.vector_load %arg13[%get3A_161, %get3A_162] {strides = array<i32>} : memref<128x128xf32, #tpu.memory_space<vmem>>, vector<16xf32>,
          %get3A_164 = arith.index_cast %squeeze3A : i32 to index
          %get3A_165 = arith.constant 64 : index
          %get3A_166 = tpu.vector_load %arg8[%get3A_164, %get3A_165] {strides = array<i32>} : memref<320x128xf32, #tpu.memory_space<vmem>>, vector<16xf32>,
          %max3A_167 = arith.maximumf %get3A_166, %get3A_163 : vector<16xf32>
          %swap3A_168 = arith.index_cast %squeeze3A : i32 to index
          %swap3A_169 = arith.constant 64 : index
          %swap3A_170 = tpu.vector_load %arg8[%swap3A_168, %swap3A_169] {strides = array<i32>} : memref<320x128xf32, #tpu.memory_space<vmem>>, vector<16xf32>,
          tpu.vector_store %arg8[%swap3A_168, %swap3A_169], %max3A_167 {strides = array<i32>} : memref<320x128xf32, #tpu.memory_space<vmem>>, vector<16xf32>,
          %get3A_171 = arith.index_cast %squeeze3A : i32 to index
          %get3A_172 = arith.constant 64 : index
          %get3A_173 = tpu.vector_load %arg7[%get3A_171, %get3A_172] {strides = array<i32>} : memref<320x128xf32, #tpu.memory_space<vmem>>, vector<16xf32>,
          %add3A_174 = arith.addf %get3A_173, %get3A_163 : vector<16xf32>
          %swap3A_175 = arith.index_cast %squeeze3A : i32 to index
          %swap3A_176 = arith.constant 64 : index
          %swap3A_177 = tpu.vector_load %arg7[%swap3A_175, %swap3A_176] {strides = array<i32>} : memref<320x128xf32, #tpu.memory_space<vmem>>, vector<16xf32>,
          tpu.vector_store %arg7[%swap3A_175, %swap3A_176], %add3A_174 {strides = array<i32>} : memref<320x128xf32, #tpu.memory_space<vmem>>, vector<16xf32>,
          %get3A_178 = arith.index_cast %while3A_92 : i32 to index
          %get3A_179 = arith.constant 80 : index
          %get3A_180 = tpu.vector_load %arg13[%get3A_178, %get3A_179] {strides = array<i32>} : memref<128x128xf32, #tpu.memory_space<vmem>>, vector<16xf32>,
          %get3A_181 = arith.index_cast %squeeze3A : i32 to index
          %get3A_182 = arith.constant 80 : index
          %get3A_183 = tpu.vector_load %arg8[%get3A_181, %get3A_182] {strides = array<i32>} : memref<320x128xf32, #tpu.memory_space<vmem>>, vector<16xf32>,
          %max3A_184 = arith.maximumf %get3A_183, %get3A_180 : vector<16xf32>
          %swap3A_185 = arith.index_cast %squeeze3A : i32 to index
          %swap3A_186 = arith.constant 80 : index
          %swap3A_187 = tpu.vector_load %arg8[%swap3A_185, %swap3A_186] {strides = array<i32>} : memref<320x128xf32, #tpu.memory_space<vmem>>, vector<16xf32>,
          tpu.vector_store %arg8[%swap3A_185, %swap3A_186], %max3A_184 {strides = array<i32>} : memref<320x128xf32, #tpu.memory_space<vmem>>, vector<16xf32>,
          %get3A_188 = arith.index_cast %squeeze3A : i32 to index
          %get3A_189 = arith.constant 80 : index
          %get3A_190 = tpu.vector_load %arg7[%get3A_188, %get3A_189] {strides = array<i32>} : memref<320x128xf32, #tpu.memory_space<vmem>>, vector<16xf32>,
          %add3A_191 = arith.addf %get3A_190, %get3A_180 : vector<16xf32>
          %swap3A_192 = arith.index_cast %squeeze3A : i32 to index
          %swap3A_193 = arith.constant 80 : index
          %swap3A_194 = tpu.vector_load %arg7[%swap3A_192, %swap3A_193] {strides = array<i32>} : memref<320x128xf32, #tpu.memory_space<vmem>>, vector<16xf32>,
          tpu.vector_store %arg7[%swap3A_192, %swap3A_193], %add3A_191 {strides = array<i32>} : memref<320x128xf32, #tpu.memory_space<vmem>>, vector<16xf32>,
          %get3A_195 = arith.index_cast %while3A_92 : i32 to index
          %get3A_196 = arith.constant 96 : index
          %get3A_197 = tpu.vector_load %arg13[%get3A_195, %get3A_196] {strides = array<i32>} : memref<128x128xf32, #tpu.memory_space<vmem>>, vector<16xf32>,
          %get3A_198 = arith.index_cast %squeeze3A : i32 to index
          %get3A_199 = arith.constant 96 : index
          %get3A_200 = tpu.vector_load %arg8[%get3A_198, %get3A_199] {strides = array<i32>} : memref<320x128xf32, #tpu.memory_space<vmem>>, vector<16xf32>,
          %max3A_201 = arith.maximumf %get3A_200, %get3A_197 : vector<16xf32>
          %swap3A_202 = arith.index_cast %squeeze3A : i32 to index
          %swap3A_203 = arith.constant 96 : index
          %swap3A_204 = tpu.vector_load %arg8[%swap3A_202, %swap3A_203] {strides = array<i32>} : memref<320x128xf32, #tpu.memory_space<vmem>>, vector<16xf32>,
          tpu.vector_store %arg8[%swap3A_202, %swap3A_203], %max3A_201 {strides = array<i32>} : memref<320x128xf32, #tpu.memory_space<vmem>>, vector<16xf32>,
          %get3A_205 = arith.index_cast %squeeze3A : i32 to index
          %get3A_206 = arith.constant 96 : index
          %get3A_207 = tpu.vector_load %arg7[%get3A_205, %get3A_206] {strides = array<i32>} : memref<320x128xf32, #tpu.memory_space<vmem>>, vector<16xf32>,
          %add3A_208 = arith.addf %get3A_207, %get3A_197 : vector<16xf32>
          %swap3A_209 = arith.index_cast %squeeze3A : i32 to index
          %swap3A_210 = arith.constant 96 : index
          %swap3A_211 = tpu.vector_load %arg7[%swap3A_209, %swap3A_210] {strides = array<i32>} : memref<320x128xf32, #tpu.memory_space<vmem>>, vector<16xf32>,
          tpu.vector_store %arg7[%swap3A_209, %swap3A_210], %add3A_208 {strides = array<i32>} : memref<320x128xf32, #tpu.memory_space<vmem>>, vector<16xf32>,
          %get3A_212 = arith.index_cast %while3A_92 : i32 to index
          %get3A_213 = arith.constant 112 : index
          %get3A_214 = tpu.vector_load %arg13[%get3A_212, %get3A_213] {strides = array<i32>} : memref<128x128xf32, #tpu.memory_space<vmem>>, vector<16xf32>,
          %get3A_215 = arith.index_cast %squeeze3A : i32 to index
          %get3A_216 = arith.constant 112 : index
          %get3A_217 = tpu.vector_load %arg8[%get3A_215, %get3A_216] {strides = array<i32>} : memref<320x128xf32, #tpu.memory_space<vmem>>, vector<16xf32>,
          %max3A_218 = arith.maximumf %get3A_217, %get3A_214 : vector<16xf32>
          %swap3A_219 = arith.index_cast %squeeze3A : i32 to index
          %swap3A_220 = arith.constant 112 : index
          %swap3A_221 = tpu.vector_load %arg8[%swap3A_219, %swap3A_220] {strides = array<i32>} : memref<320x128xf32, #tpu.memory_space<vmem>>, vector<16xf32>,
          tpu.vector_store %arg8[%swap3A_219, %swap3A_220], %max3A_218 {strides = array<i32>} : memref<320x128xf32, #tpu.memory_space<vmem>>, vector<16xf32>,
          %get3A_222 = arith.index_cast %squeeze3A : i32 to index
          %get3A_223 = arith.constant 112 : index
          %get3A_224 = tpu.vector_load %arg7[%get3A_222, %get3A_223] {strides = array<i32>} : memref<320x128xf32, #tpu.memory_space<vmem>>, vector<16xf32>,
          %add3A_225 = arith.addf %get3A_224, %get3A_214 : vector<16xf32>
          %swap3A_226 = arith.index_cast %squeeze3A : i32 to index
          %swap3A_227 = arith.constant 112 : index
          %swap3A_228 = tpu.vector_load %arg7[%swap3A_226, %swap3A_227] {strides = array<i32>} : memref<320x128xf32, #tpu.memory_space<vmem>>, vector<16xf32>,
          tpu.vector_store %arg7[%swap3A_226, %swap3A_227], %add3A_225 {strides = array<i32>} : memref<320x128xf32, #tpu.memory_space<vmem>>, vector<16xf32>,
          %get3A_229 = arith.index_cast %squeeze3A : i32 to index
          %get3A_230 = tpu.vector_load %arg9[%get3A_229] {strides = array<i32>} : memref<336xf32, #tpu.memory_space<vmem>>, vector<16xf32>,
          %add3A_231 = arith.addf %get3A_230, %convert_element_type3A_29 : vector<16xf32>
          %swap3A_232 = arith.index_cast %squeeze3A : i32 to index
          %swap3A_233 = tpu.vector_load %arg9[%swap3A_232] {strides = array<i32>} : memref<336xf32, #tpu.memory_space<vmem>>, vector<16xf32>,
          tpu.vector_store %arg9[%swap3A_232], %add3A_231 {strides = array<i32>} : memref<336xf32, #tpu.memory_space<vmem>>, vector<16xf32>,
        }
        %while3A_91 = arith.constant 1 : i32
        scf.for %while3A_92 = %while3A_89 to %while3A_85 step %while3A_91  : i32 {
          %add3A_93 = arith.addi %mul3A_73, %while3A_92 : i32
          %get3A = arith.index_cast %add3A_93 : i32 to index
          %get3A_94 = tpu.vector_load %arg12[%get3A] {strides = array<i32>} : memref<4112xi32, #tpu.memory_space<vmem>>, vector<16xi32>,
          %slice3A = vector.extract_strided_slice %get3A_94 {offsets = [0], sizes = [1], strides = [1]} : vector<16xi32> to vector<1xi32>
          %squeeze3A = vector.extract %slice3A[0] : i32 from vector<1xi32>
          %get3A_95 = arith.index_cast %while3A_92 : i32 to index
          %get3A_96 = arith.constant 0 : index
          %get3A_97 = tpu.vector_load %arg13[%get3A_95, %get3A_96] {strides = array<i32>} : memref<128x128xf32, #tpu.memory_space<vmem>>, vector<16xf32>,
          %get3A_98 = arith.index_cast %squeeze3A : i32 to index
          %get3A_99 = arith.constant 0 : index
          %get3A_100 = tpu.vector_load %arg8[%get3A_98, %get3A_99] {strides = array<i32>} : memref<320x128xf32, #tpu.memory_space<vmem>>, vector<16xf32>,
          %max3A = arith.maximumf %get3A_100, %get3A_97 : vector<16xf32>
          %swap3A = arith.index_cast %squeeze3A : i32 to index
          %swap3A_101 = arith.constant 0 : index
          %swap3A_102 = tpu.vector_load %arg8[%swap3A, %swap3A_101] {strides = array<i32>} : memref<320x128xf32, #tpu.memory_space<vmem>>, vector<16xf32>,
          tpu.vector_store %arg8[%swap3A, %swap3A_101], %max3A {strides = array<i32>} : memref<320x128xf32, #tpu.memory_space<vmem>>, vector<16xf32>,
          %get3A_103 = arith.index_cast %squeeze3A : i32 to index
          %get3A_104 = arith.constant 0 : index
          %get3A_105 = tpu.vector_load %arg7[%get3A_103, %get3A_104] {strides = array<i32>} : memref<320x128xf32, #tpu.memory_space<vmem>>, vector<16xf32>,
          %add3A_106 = arith.addf %get3A_105, %get3A_97 : vector<16xf32>
          %swap3A_107 = arith.index_cast %squeeze3A : i32 to index
          %swap3A_108 = arith.constant 0 : index
          %swap3A_109 = tpu.vector_load %arg7[%swap3A_107, %swap3A_108] {strides = array<i32>} : memref<320x128xf32, #tpu.memory_space<vmem>>, vector<16xf32>,
          tpu.vector_store %arg7[%swap3A_107, %swap3A_108], %add3A_106 {strides = array<i32>} : memref<320x128xf32, #tpu.memory_space<vmem>>, vector<16xf32>,
          %get3A_110 = arith.index_cast %while3A_92 : i32 to index
          %get3A_111 = arith.constant 16 : index
          %get3A_112 = tpu.vector_load %arg13[%get3A_110, %get3A_111] {strides = array<i32>} : memref<128x128xf32, #tpu.memory_space<vmem>>, vector<16xf32>,
          %get3A_113 = arith.index_cast %squeeze3A : i32 to index
          %get3A_114 = arith.constant 16 : index
          %get3A_115 = tpu.vector_load %arg8[%get3A_113, %get3A_114] {strides = array<i32>} : memref<320x128xf32, #tpu.memory_space<vmem>>, vector<16xf32>,
          %max3A_116 = arith.maximumf %get3A_115, %get3A_112 : vector<16xf32>
          %swap3A_117 = arith.index_cast %squeeze3A : i32 to index
          %swap3A_118 = arith.constant 16 : index
          %swap3A_119 = tpu.vector_load %arg8[%swap3A_117, %swap3A_118] {strides = array<i32>} : memref<320x128xf32, #tpu.memory_space<vmem>>, vector<16xf32>,
          tpu.vector_store %arg8[%swap3A_117, %swap3A_118], %max3A_116 {strides = array<i32>} : memref<320x128xf32, #tpu.memory_space<vmem>>, vector<16xf32>,
          %get3A_120 = arith.index_cast %squeeze3A : i32 to index
          %get3A_121 = arith.constant 16 : index
          %get3A_122 = tpu.vector_load %arg7[%get3A_120, %get3A_121] {strides = array<i32>} : memref<320x128xf32, #tpu.memory_space<vmem>>, vector<16xf32>,
          %add3A_123 = arith.addf %get3A_122, %get3A_112 : vector<16xf32>
          %swap3A_124 = arith.index_cast %squeeze3A : i32 to index
          %swap3A_125 = arith.constant 16 : index
          %swap3A_126 = tpu.vector_load %arg7[%swap3A_124, %swap3A_125] {strides = array<i32>} : memref<320x128xf32, #tpu.memory_space<vmem>>, vector<16xf32>,
          tpu.vector_store %arg7[%swap3A_124, %swap3A_125], %add3A_123 {strides = array<i32>} : memref<320x128xf32, #tpu.memory_space<vmem>>, vector<16xf32>,
          %get3A_127 = arith.index_cast %while3A_92 : i32 to index
          %get3A_128 = arith.constant 32 : index
          %get3A_129 = tpu.vector_load %arg13[%get3A_127, %get3A_128] {strides = array<i32>} : memref<128x128xf32, #tpu.memory_space<vmem>>, vector<16xf32>,
          %get3A_130 = arith.index_cast %squeeze3A : i32 to index
          %get3A_131 = arith.constant 32 : index
          %get3A_132 = tpu.vector_load %arg8[%get3A_130, %get3A_131] {strides = array<i32>} : memref<320x128xf32, #tpu.memory_space<vmem>>, vector<16xf32>,
          %max3A_133 = arith.maximumf %get3A_132, %get3A_129 : vector<16xf32>
          %swap3A_134 = arith.index_cast %squeeze3A : i32 to index
          %swap3A_135 = arith.constant 32 : index
          %swap3A_136 = tpu.vector_load %arg8[%swap3A_134, %swap3A_135] {strides = array<i32>} : memref<320x128xf32, #tpu.memory_space<vmem>>, vector<16xf32>,
          tpu.vector_store %arg8[%swap3A_134, %swap3A_135], %max3A_133 {strides = array<i32>} : memref<320x128xf32, #tpu.memory_space<vmem>>, vector<16xf32>,
          %get3A_137 = arith.index_cast %squeeze3A : i32 to index
          %get3A_138 = arith.constant 32 : index
          %get3A_139 = tpu.vector_load %arg7[%get3A_137, %get3A_138] {strides = array<i32>} : memref<320x128xf32, #tpu.memory_space<vmem>>, vector<16xf32>,
          %add3A_140 = arith.addf %get3A_139, %get3A_129 : vector<16xf32>
          %swap3A_141 = arith.index_cast %squeeze3A : i32 to index
          %swap3A_142 = arith.constant 32 : index
          %swap3A_143 = tpu.vector_load %arg7[%swap3A_141, %swap3A_142] {strides = array<i32>} : memref<320x128xf32, #tpu.memory_space<vmem>>, vector<16xf32>,
          tpu.vector_store %arg7[%swap3A_141, %swap3A_142], %add3A_140 {strides = array<i32>} : memref<320x128xf32, #tpu.memory_space<vmem>>, vector<16xf32>,
          %get3A_144 = arith.index_cast %while3A_92 : i32 to index
          %get3A_145 = arith.constant 48 : index
          %get3A_146 = tpu.vector_load %arg13[%get3A_144, %get3A_145] {strides = array<i32>} : memref<128x128xf32, #tpu.memory_space<vmem>>, vector<16xf32>,
          %get3A_147 = arith.index_cast %squeeze3A : i32 to index
          %get3A_148 = arith.constant 48 : index
          %get3A_149 = tpu.vector_load %arg8[%get3A_147, %get3A_148] {strides = array<i32>} : memref<320x128xf32, #tpu.memory_space<vmem>>, vector<16xf32>,
          %max3A_150 = arith.maximumf %get3A_149, %get3A_146 : vector<16xf32>
          %swap3A_151 = arith.index_cast %squeeze3A : i32 to index
          %swap3A_152 = arith.constant 48 : index
          %swap3A_153 = tpu.vector_load %arg8[%swap3A_151, %swap3A_152] {strides = array<i32>} : memref<320x128xf32, #tpu.memory_space<vmem>>, vector<16xf32>,
          tpu.vector_store %arg8[%swap3A_151, %swap3A_152], %max3A_150 {strides = array<i32>} : memref<320x128xf32, #tpu.memory_space<vmem>>, vector<16xf32>,
          %get3A_154 = arith.index_cast %squeeze3A : i32 to index
          %get3A_155 = arith.constant 48 : index
          %get3A_156 = tpu.vector_load %arg7[%get3A_154, %get3A_155] {strides = array<i32>} : memref<320x128xf32, #tpu.memory_space<vmem>>, vector<16xf32>,
          %add3A_157 = arith.addf %get3A_156, %get3A_146 : vector<16xf32>
          %swap3A_158 = arith.index_cast %squeeze3A : i32 to index
          %swap3A_159 = arith.constant 48 : index
          %swap3A_160 = tpu.vector_load %arg7[%swap3A_158, %swap3A_159] {strides = array<i32>} : memref<320x128xf32, #tpu.memory_space<vmem>>, vector<16xf32>,
          tpu.vector_store %arg7[%swap3A_158, %swap3A_159], %add3A_157 {strides = array<i32>} : memref<320x128xf32, #tpu.memory_space<vmem>>, vector<16xf32>,
          %get3A_161 = arith.index_cast %while3A_92 : i32 to index
          %get3A_162 = arith.constant 64 : index
          %get3A_163 = tpu.vector_load %arg13[%get3A_161, %get3A_162] {strides = array<i32>} : memref<128x128xf32, #tpu.memory_space<vmem>>, vector<16xf32>,
          %get3A_164 = arith.index_cast %squeeze3A : i32 to index
          %get3A_165 = arith.constant 64 : index
          %get3A_166 = tpu.vector_load %arg8[%get3A_164, %get3A_165] {strides = array<i32>} : memref<320x128xf32, #tpu.memory_space<vmem>>, vector<16xf32>,
          %max3A_167 = arith.maximumf %get3A_166, %get3A_163 : vector<16xf32>
          %swap3A_168 = arith.index_cast %squeeze3A : i32 to index
          %swap3A_169 = arith.constant 64 : index
          %swap3A_170 = tpu.vector_load %arg8[%swap3A_168, %swap3A_169] {strides = array<i32>} : memref<320x128xf32, #tpu.memory_space<vmem>>, vector<16xf32>,
          tpu.vector_store %arg8[%swap3A_168, %swap3A_169], %max3A_167 {strides = array<i32>} : memref<320x128xf32, #tpu.memory_space<vmem>>, vector<16xf32>,
          %get3A_171 = arith.index_cast %squeeze3A : i32 to index
          %get3A_172 = arith.constant 64 : index
          %get3A_173 = tpu.vector_load %arg7[%get3A_171, %get3A_172] {strides = array<i32>} : memref<320x128xf32, #tpu.memory_space<vmem>>, vector<16xf32>,
          %add3A_174 = arith.addf %get3A_173, %get3A_163 : vector<16xf32>
          %swap3A_175 = arith.index_cast %squeeze3A : i32 to index
          %swap3A_176 = arith.constant 64 : index
          %swap3A_177 = tpu.vector_load %arg7[%swap3A_175, %swap3A_176] {strides = array<i32>} : memref<320x128xf32, #tpu.memory_space<vmem>>, vector<16xf32>,
          tpu.vector_store %arg7[%swap3A_175, %swap3A_176], %add3A_174 {strides = array<i32>} : memref<320x128xf32, #tpu.memory_space<vmem>>, vector<16xf32>,
          %get3A_178 = arith.index_cast %while3A_92 : i32 to index
          %get3A_179 = arith.constant 80 : index
          %get3A_180 = tpu.vector_load %arg13[%get3A_178, %get3A_179] {strides = array<i32>} : memref<128x128xf32, #tpu.memory_space<vmem>>, vector<16xf32>,
          %get3A_181 = arith.index_cast %squeeze3A : i32 to index
          %get3A_182 = arith.constant 80 : index
          %get3A_183 = tpu.vector_load %arg8[%get3A_181, %get3A_182] {strides = array<i32>} : memref<320x128xf32, #tpu.memory_space<vmem>>, vector<16xf32>,
          %max3A_184 = arith.maximumf %get3A_183, %get3A_180 : vector<16xf32>
          %swap3A_185 = arith.index_cast %squeeze3A : i32 to index
          %swap3A_186 = arith.constant 80 : index
          %swap3A_187 = tpu.vector_load %arg8[%swap3A_185, %swap3A_186] {strides = array<i32>} : memref<320x128xf32, #tpu.memory_space<vmem>>, vector<16xf32>,
          tpu.vector_store %arg8[%swap3A_185, %swap3A_186], %max3A_184 {strides = array<i32>} : memref<320x128xf32, #tpu.memory_space<vmem>>, vector<16xf32>,
          %get3A_188 = arith.index_cast %squeeze3A : i32 to index
          %get3A_189 = arith.constant 80 : index
          %get3A_190 = tpu.vector_load %arg7[%get3A_188, %get3A_189] {strides = array<i32>} : memref<320x128xf32, #tpu.memory_space<vmem>>, vector<16xf32>,
          %add3A_191 = arith.addf %get3A_190, %get3A_180 : vector<16xf32>
          %swap3A_192 = arith.index_cast %squeeze3A : i32 to index
          %swap3A_193 = arith.constant 80 : index
          %swap3A_194 = tpu.vector_load %arg7[%swap3A_192, %swap3A_193] {strides = array<i32>} : memref<320x128xf32, #tpu.memory_space<vmem>>, vector<16xf32>,
          tpu.vector_store %arg7[%swap3A_192, %swap3A_193], %add3A_191 {strides = array<i32>} : memref<320x128xf32, #tpu.memory_space<vmem>>, vector<16xf32>,
          %get3A_195 = arith.index_cast %while3A_92 : i32 to index
          %get3A_196 = arith.constant 96 : index
          %get3A_197 = tpu.vector_load %arg13[%get3A_195, %get3A_196] {strides = array<i32>} : memref<128x128xf32, #tpu.memory_space<vmem>>, vector<16xf32>,
          %get3A_198 = arith.index_cast %squeeze3A : i32 to index
          %get3A_199 = arith.constant 96 : index
          %get3A_200 = tpu.vector_load %arg8[%get3A_198, %get3A_199] {strides = array<i32>} : memref<320x128xf32, #tpu.memory_space<vmem>>, vector<16xf32>,
          %max3A_201 = arith.maximumf %get3A_200, %get3A_197 : vector<16xf32>
          %swap3A_202 = arith.index_cast %squeeze3A : i32 to index
          %swap3A_203 = arith.constant 96 : index
          %swap3A_204 = tpu.vector_load %arg8[%swap3A_202, %swap3A_203] {strides = array<i32>} : memref<320x128xf32, #tpu.memory_space<vmem>>, vector<16xf32>,
          tpu.vector_store %arg8[%swap3A_202, %swap3A_203], %max3A_201 {strides = array<i32>} : memref<320x128xf32, #tpu.memory_space<vmem>>, vector<16xf32>,
          %get3A_205 = arith.index_cast %squeeze3A : i32 to index
          %get3A_206 = arith.constant 96 : index
          %get3A_207 = tpu.vector_load %arg7[%get3A_205, %get3A_206] {strides = array<i32>} : memref<320x128xf32, #tpu.memory_space<vmem>>, vector<16xf32>,
          %add3A_208 = arith.addf %get3A_207, %get3A_197 : vector<16xf32>
          %swap3A_209 = arith.index_cast %squeeze3A : i32 to index
          %swap3A_210 = arith.constant 96 : index
          %swap3A_211 = tpu.vector_load %arg7[%swap3A_209, %swap3A_210] {strides = array<i32>} : memref<320x128xf32, #tpu.memory_space<vmem>>, vector<16xf32>,
          tpu.vector_store %arg7[%swap3A_209, %swap3A_210], %add3A_208 {strides = array<i32>} : memref<320x128xf32, #tpu.memory_space<vmem>>, vector<16xf32>,
          %get3A_212 = arith.index_cast %while3A_92 : i32 to index
          %get3A_213 = arith.constant 112 : index
          %get3A_214 = tpu.vector_load %arg13[%get3A_212, %get3A_213] {strides = array<i32>} : memref<128x128xf32, #tpu.memory_space<vmem>>, vector<16xf32>,
          %get3A_215 = arith.index_cast %squeeze3A : i32 to index
          %get3A_216 = arith.constant 112 : index
          %get3A_217 = tpu.vector_load %arg8[%get3A_215, %get3A_216] {strides = array<i32>} : memref<320x128xf32, #tpu.memory_space<vmem>>, vector<16xf32>,
          %max3A_218 = arith.maximumf %get3A_217, %get3A_214 : vector<16xf32>
          %swap3A_219 = arith.index_cast %squeeze3A : i32 to index
          %swap3A_220 = arith.constant 112 : index
          %swap3A_221 = tpu.vector_load %arg8[%swap3A_219, %swap3A_220] {strides = array<i32>} : memref<320x128xf32, #tpu.memory_space<vmem>>, vector<16xf32>,
          tpu.vector_store %arg8[%swap3A_219, %swap3A_220], %max3A_218 {strides = array<i32>} : memref<320x128xf32, #tpu.memory_space<vmem>>, vector<16xf32>,
          %get3A_222 = arith.index_cast %squeeze3A : i32 to index
          %get3A_223 = arith.constant 112 : index
          %get3A_224 = tpu.vector_load %arg7[%get3A_222, %get3A_223] {strides = array<i32>} : memref<320x128xf32, #tpu.memory_space<vmem>>, vector<16xf32>,
          %add3A_225 = arith.addf %get3A_224, %get3A_214 : vector<16xf32>
          %swap3A_226 = arith.index_cast %squeeze3A : i32 to index
          %swap3A_227 = arith.constant 112 : index
          %swap3A_228 = tpu.vector_load %arg7[%swap3A_226, %swap3A_227] {strides = array<i32>} : memref<320x128xf32, #tpu.memory_space<vmem>>, vector<16xf32>,
          tpu.vector_store %arg7[%swap3A_226, %swap3A_227], %add3A_225 {strides = array<i32>} : memref<320x128xf32, #tpu.memory_space<vmem>>, vector<16xf32>,
          %get3A_229 = arith.index_cast %squeeze3A : i32 to index
          %get3A_230 = tpu.vector_load %arg9[%get3A_229] {strides = array<i32>} : memref<336xf32, #tpu.memory_space<vmem>>, vector<16xf32>,
          %add3A_231 = arith.addf %get3A_230, %convert_element_type3A_29 : vector<16xf32>
          %swap3A_232 = arith.index_cast %squeeze3A : i32 to index
          %swap3A_233 = tpu.vector_load %arg9[%swap3A_232] {strides = array<i32>} : memref<336xf32, #tpu.memory_space<vmem>>, vector<16xf32>,
          tpu.vector_store %arg9[%swap3A_232], %add3A_231 {strides = array<i32>} : memref<336xf32, #tpu.memory_space<vmem>>, vector<16xf32>,
        }
      }
      %while3A_69 = arith.constant 1 : i32
      scf.for %while3A_71 = %while3A_67 to %while3A_63 step %while3A_69  : i32 {
        %mul3A_72 = arith.constant 128 : i32
        %mul3A_73 = arith.muli %while3A_71, %mul3A_72 : i32
        %dma_start3A = tpu.memref_slice %arg11[%mul3A_73] : memref<4112xi32, #tpu.memory_space<vmem>> -> memref<128xi32, #tpu.memory_space<vmem>>
        %dma_start3A_74 = arith.constant 0 : i32
        %dma_start3A_75 = arith.constant 0 : i32
        %dma_start3A_76 = tpu.memref_slice %arg3[%dma_start3A_74, %dma_start3A_75] : memref<320000x128xf32, #tpu.memory_space<hbm>> -> memref<320000x128xf32, #tpu.memory_space<hbm>>
        tpu.enqueue_indirect_dma source(%dma_start3A_76 : memref<320000x128xf32, #tpu.memory_space<hbm>>) target(%arg13 : memref<128x128xf32, #tpu.memory_space<vmem>>) offsets(%dma_start3A : memref<128xi32, #tpu.memory_space<vmem>>) semaphore(%arg14 : memref<!tpu.dma_semaphore, #tpu.memory_space<semaphore_mem>>)
        %dma_wait3A = tpu.memref_slice %arg11[%mul3A_73] : memref<4112xi32, #tpu.memory_space<vmem>> -> memref<128xi32, #tpu.memory_space<vmem>>
        %dma_wait3A_77 = arith.constant 0 : i32
        %dma_wait3A_78 = arith.constant 0 : i32
        %dma_wait3A_79 = tpu.memref_slice %arg3[%dma_wait3A_77, %dma_wait3A_78] : memref<320000x128xf32, #tpu.memory_space<hbm>> -> memref<320000x128xf32, #tpu.memory_space<hbm>>
        tpu.wait_indirect_dma semaphore(%arg14 : memref<!tpu.dma_semaphore, #tpu.memory_space<semaphore_mem>>) src(%dma_wait3A_79 : memref<320000x128xf32, #tpu.memory_space<hbm>>) dst(%arg13 : memref<128x128xf32, #tpu.memory_space<vmem>>)
        %sub3A_80 = arith.subi %scan3A_35, %mul3A_73 : i32
        %min3A = arith.constant 128 : i32
        %min3A_81 = arith.minsi %min3A, %sub3A_80 : i32
        %while3A_82 = arith.constant 0 : i32
        %while3A_83 = arith.constant 0 : i32
        %while3A_84 = arith.subi %min3A_81, %while3A_83 : i32
        %while3A_85 = arith.addi %while3A_83, %while3A_84 : i32
        %while3A_86 = arith.constant 1 : i32
        %while3A_87 = arith.divsi %while3A_84, %while3A_86 : i32
        %while3A_88 = arith.muli %while3A_87, %while3A_86 : i32
        %while3A_89 = arith.addi %while3A_83, %while3A_88 : i32
        %while3A_90 = arith.constant 1 : i32
        scf.for %while3A_92 = %while3A_83 to %while3A_89 step %while3A_90  : i32 {
          %add3A_93 = arith.addi %mul3A_73, %while3A_92 : i32
          %get3A = arith.index_cast %add3A_93 : i32 to index
          %get3A_94 = tpu.vector_load %arg12[%get3A] {strides = array<i32>} : memref<4112xi32, #tpu.memory_space<vmem>>, vector<16xi32>,
          %slice3A = vector.extract_strided_slice %get3A_94 {offsets = [0], sizes = [1], strides = [1]} : vector<16xi32> to vector<1xi32>
          %squeeze3A = vector.extract %slice3A[0] : i32 from vector<1xi32>
          %get3A_95 = arith.index_cast %while3A_92 : i32 to index
          %get3A_96 = arith.constant 0 : index
          %get3A_97 = tpu.vector_load %arg13[%get3A_95, %get3A_96] {strides = array<i32>} : memref<128x128xf32, #tpu.memory_space<vmem>>, vector<16xf32>,
          %get3A_98 = arith.index_cast %squeeze3A : i32 to index
          %get3A_99 = arith.constant 0 : index
          %get3A_100 = tpu.vector_load %arg8[%get3A_98, %get3A_99] {strides = array<i32>} : memref<320x128xf32, #tpu.memory_space<vmem>>, vector<16xf32>,
          %max3A = arith.maximumf %get3A_100, %get3A_97 : vector<16xf32>
          %swap3A = arith.index_cast %squeeze3A : i32 to index
          %swap3A_101 = arith.constant 0 : index
          %swap3A_102 = tpu.vector_load %arg8[%swap3A, %swap3A_101] {strides = array<i32>} : memref<320x128xf32, #tpu.memory_space<vmem>>, vector<16xf32>,
          tpu.vector_store %arg8[%swap3A, %swap3A_101], %max3A {strides = array<i32>} : memref<320x128xf32, #tpu.memory_space<vmem>>, vector<16xf32>,
          %get3A_103 = arith.index_cast %squeeze3A : i32 to index
          %get3A_104 = arith.constant 0 : index
          %get3A_105 = tpu.vector_load %arg7[%get3A_103, %get3A_104] {strides = array<i32>} : memref<320x128xf32, #tpu.memory_space<vmem>>, vector<16xf32>,
          %add3A_106 = arith.addf %get3A_105, %get3A_97 : vector<16xf32>
          %swap3A_107 = arith.index_cast %squeeze3A : i32 to index
          %swap3A_108 = arith.constant 0 : index
          %swap3A_109 = tpu.vector_load %arg7[%swap3A_107, %swap3A_108] {strides = array<i32>} : memref<320x128xf32, #tpu.memory_space<vmem>>, vector<16xf32>,
          tpu.vector_store %arg7[%swap3A_107, %swap3A_108], %add3A_106 {strides = array<i32>} : memref<320x128xf32, #tpu.memory_space<vmem>>, vector<16xf32>,
          %get3A_110 = arith.index_cast %while3A_92 : i32 to index
          %get3A_111 = arith.constant 16 : index
          %get3A_112 = tpu.vector_load %arg13[%get3A_110, %get3A_111] {strides = array<i32>} : memref<128x128xf32, #tpu.memory_space<vmem>>, vector<16xf32>,
          %get3A_113 = arith.index_cast %squeeze3A : i32 to index
          %get3A_114 = arith.constant 16 : index
          %get3A_115 = tpu.vector_load %arg8[%get3A_113, %get3A_114] {strides = array<i32>} : memref<320x128xf32, #tpu.memory_space<vmem>>, vector<16xf32>,
          %max3A_116 = arith.maximumf %get3A_115, %get3A_112 : vector<16xf32>
          %swap3A_117 = arith.index_cast %squeeze3A : i32 to index
          %swap3A_118 = arith.constant 16 : index
          %swap3A_119 = tpu.vector_load %arg8[%swap3A_117, %swap3A_118] {strides = array<i32>} : memref<320x128xf32, #tpu.memory_space<vmem>>, vector<16xf32>,
          tpu.vector_store %arg8[%swap3A_117, %swap3A_118], %max3A_116 {strides = array<i32>} : memref<320x128xf32, #tpu.memory_space<vmem>>, vector<16xf32>,
          %get3A_120 = arith.index_cast %squeeze3A : i32 to index
          %get3A_121 = arith.constant 16 : index
          %get3A_122 = tpu.vector_load %arg7[%get3A_120, %get3A_121] {strides = array<i32>} : memref<320x128xf32, #tpu.memory_space<vmem>>, vector<16xf32>,
          %add3A_123 = arith.addf %get3A_122, %get3A_112 : vector<16xf32>
          %swap3A_124 = arith.index_cast %squeeze3A : i32 to index
          %swap3A_125 = arith.constant 16 : index
          %swap3A_126 = tpu.vector_load %arg7[%swap3A_124, %swap3A_125] {strides = array<i32>} : memref<320x128xf32, #tpu.memory_space<vmem>>, vector<16xf32>,
          tpu.vector_store %arg7[%swap3A_124, %swap3A_125], %add3A_123 {strides = array<i32>} : memref<320x128xf32, #tpu.memory_space<vmem>>, vector<16xf32>,
          %get3A_127 = arith.index_cast %while3A_92 : i32 to index
          %get3A_128 = arith.constant 32 : index
          %get3A_129 = tpu.vector_load %arg13[%get3A_127, %get3A_128] {strides = array<i32>} : memref<128x128xf32, #tpu.memory_space<vmem>>, vector<16xf32>,
          %get3A_130 = arith.index_cast %squeeze3A : i32 to index
          %get3A_131 = arith.constant 32 : index
          %get3A_132 = tpu.vector_load %arg8[%get3A_130, %get3A_131] {strides = array<i32>} : memref<320x128xf32, #tpu.memory_space<vmem>>, vector<16xf32>,
          %max3A_133 = arith.maximumf %get3A_132, %get3A_129 : vector<16xf32>
          %swap3A_134 = arith.index_cast %squeeze3A : i32 to index
          %swap3A_135 = arith.constant 32 : index
          %swap3A_136 = tpu.vector_load %arg8[%swap3A_134, %swap3A_135] {strides = array<i32>} : memref<320x128xf32, #tpu.memory_space<vmem>>, vector<16xf32>,
          tpu.vector_store %arg8[%swap3A_134, %swap3A_135], %max3A_133 {strides = array<i32>} : memref<320x128xf32, #tpu.memory_space<vmem>>, vector<16xf32>,
          %get3A_137 = arith.index_cast %squeeze3A : i32 to index
          %get3A_138 = arith.constant 32 : index
          %get3A_139 = tpu.vector_load %arg7[%get3A_137, %get3A_138] {strides = array<i32>} : memref<320x128xf32, #tpu.memory_space<vmem>>, vector<16xf32>,
          %add3A_140 = arith.addf %get3A_139, %get3A_129 : vector<16xf32>
          %swap3A_141 = arith.index_cast %squeeze3A : i32 to index
          %swap3A_142 = arith.constant 32 : index
          %swap3A_143 = tpu.vector_load %arg7[%swap3A_141, %swap3A_142] {strides = array<i32>} : memref<320x128xf32, #tpu.memory_space<vmem>>, vector<16xf32>,
          tpu.vector_store %arg7[%swap3A_141, %swap3A_142], %add3A_140 {strides = array<i32>} : memref<320x128xf32, #tpu.memory_space<vmem>>, vector<16xf32>,
          %get3A_144 = arith.index_cast %while3A_92 : i32 to index
          %get3A_145 = arith.constant 48 : index
          %get3A_146 = tpu.vector_load %arg13[%get3A_144, %get3A_145] {strides = array<i32>} : memref<128x128xf32, #tpu.memory_space<vmem>>, vector<16xf32>,
          %get3A_147 = arith.index_cast %squeeze3A : i32 to index
          %get3A_148 = arith.constant 48 : index
          %get3A_149 = tpu.vector_load %arg8[%get3A_147, %get3A_148] {strides = array<i32>} : memref<320x128xf32, #tpu.memory_space<vmem>>, vector<16xf32>,
          %max3A_150 = arith.maximumf %get3A_149, %get3A_146 : vector<16xf32>
          %swap3A_151 = arith.index_cast %squeeze3A : i32 to index
          %swap3A_152 = arith.constant 48 : index
          %swap3A_153 = tpu.vector_load %arg8[%swap3A_151, %swap3A_152] {strides = array<i32>} : memref<320x128xf32, #tpu.memory_space<vmem>>, vector<16xf32>,
          tpu.vector_store %arg8[%swap3A_151, %swap3A_152], %max3A_150 {strides = array<i32>} : memref<320x128xf32, #tpu.memory_space<vmem>>, vector<16xf32>,
          %get3A_154 = arith.index_cast %squeeze3A : i32 to index
          %get3A_155 = arith.constant 48 : index
          %get3A_156 = tpu.vector_load %arg7[%get3A_154, %get3A_155] {strides = array<i32>} : memref<320x128xf32, #tpu.memory_space<vmem>>, vector<16xf32>,
          %add3A_157 = arith.addf %get3A_156, %get3A_146 : vector<16xf32>
          %swap3A_158 = arith.index_cast %squeeze3A : i32 to index
          %swap3A_159 = arith.constant 48 : index
          %swap3A_160 = tpu.vector_load %arg7[%swap3A_158, %swap3A_159] {strides = array<i32>} : memref<320x128xf32, #tpu.memory_space<vmem>>, vector<16xf32>,
          tpu.vector_store %arg7[%swap3A_158, %swap3A_159], %add3A_157 {strides = array<i32>} : memref<320x128xf32, #tpu.memory_space<vmem>>, vector<16xf32>,
          %get3A_161 = arith.index_cast %while3A_92 : i32 to index
          %get3A_162 = arith.constant 64 : index
          %get3A_163 = tpu.vector_load %arg13[%get3A_161, %get3A_162] {strides = array<i32>} : memref<128x128xf32, #tpu.memory_space<vmem>>, vector<16xf32>,
          %get3A_164 = arith.index_cast %squeeze3A : i32 to index
          %get3A_165 = arith.constant 64 : index
          %get3A_166 = tpu.vector_load %arg8[%get3A_164, %get3A_165] {strides = array<i32>} : memref<320x128xf32, #tpu.memory_space<vmem>>, vector<16xf32>,
          %max3A_167 = arith.maximumf %get3A_166, %get3A_163 : vector<16xf32>
          %swap3A_168 = arith.index_cast %squeeze3A : i32 to index
          %swap3A_169 = arith.constant 64 : index
          %swap3A_170 = tpu.vector_load %arg8[%swap3A_168, %swap3A_169] {strides = array<i32>} : memref<320x128xf32, #tpu.memory_space<vmem>>, vector<16xf32>,
          tpu.vector_store %arg8[%swap3A_168, %swap3A_169], %max3A_167 {strides = array<i32>} : memref<320x128xf32, #tpu.memory_space<vmem>>, vector<16xf32>,
          %get3A_171 = arith.index_cast %squeeze3A : i32 to index
          %get3A_172 = arith.constant 64 : index
          %get3A_173 = tpu.vector_load %arg7[%get3A_171, %get3A_172] {strides = array<i32>} : memref<320x128xf32, #tpu.memory_space<vmem>>, vector<16xf32>,
          %add3A_174 = arith.addf %get3A_173, %get3A_163 : vector<16xf32>
          %swap3A_175 = arith.index_cast %squeeze3A : i32 to index
          %swap3A_176 = arith.constant 64 : index
          %swap3A_177 = tpu.vector_load %arg7[%swap3A_175, %swap3A_176] {strides = array<i32>} : memref<320x128xf32, #tpu.memory_space<vmem>>, vector<16xf32>,
          tpu.vector_store %arg7[%swap3A_175, %swap3A_176], %add3A_174 {strides = array<i32>} : memref<320x128xf32, #tpu.memory_space<vmem>>, vector<16xf32>,
          %get3A_178 = arith.index_cast %while3A_92 : i32 to index
          %get3A_179 = arith.constant 80 : index
          %get3A_180 = tpu.vector_load %arg13[%get3A_178, %get3A_179] {strides = array<i32>} : memref<128x128xf32, #tpu.memory_space<vmem>>, vector<16xf32>,
          %get3A_181 = arith.index_cast %squeeze3A : i32 to index
          %get3A_182 = arith.constant 80 : index
          %get3A_183 = tpu.vector_load %arg8[%get3A_181, %get3A_182] {strides = array<i32>} : memref<320x128xf32, #tpu.memory_space<vmem>>, vector<16xf32>,
          %max3A_184 = arith.maximumf %get3A_183, %get3A_180 : vector<16xf32>
          %swap3A_185 = arith.index_cast %squeeze3A : i32 to index
          %swap3A_186 = arith.constant 80 : index
          %swap3A_187 = tpu.vector_load %arg8[%swap3A_185, %swap3A_186] {strides = array<i32>} : memref<320x128xf32, #tpu.memory_space<vmem>>, vector<16xf32>,
          tpu.vector_store %arg8[%swap3A_185, %swap3A_186], %max3A_184 {strides = array<i32>} : memref<320x128xf32, #tpu.memory_space<vmem>>, vector<16xf32>,
          %get3A_188 = arith.index_cast %squeeze3A : i32 to index
          %get3A_189 = arith.constant 80 : index
          %get3A_190 = tpu.vector_load %arg7[%get3A_188, %get3A_189] {strides = array<i32>} : memref<320x128xf32, #tpu.memory_space<vmem>>, vector<16xf32>,
          %add3A_191 = arith.addf %get3A_190, %get3A_180 : vector<16xf32>
          %swap3A_192 = arith.index_cast %squeeze3A : i32 to index
          %swap3A_193 = arith.constant 80 : index
          %swap3A_194 = tpu.vector_load %arg7[%swap3A_192, %swap3A_193] {strides = array<i32>} : memref<320x128xf32, #tpu.memory_space<vmem>>, vector<16xf32>,
          tpu.vector_store %arg7[%swap3A_192, %swap3A_193], %add3A_191 {strides = array<i32>} : memref<320x128xf32, #tpu.memory_space<vmem>>, vector<16xf32>,
          %get3A_195 = arith.index_cast %while3A_92 : i32 to index
          %get3A_196 = arith.constant 96 : index
          %get3A_197 = tpu.vector_load %arg13[%get3A_195, %get3A_196] {strides = array<i32>} : memref<128x128xf32, #tpu.memory_space<vmem>>, vector<16xf32>,
          %get3A_198 = arith.index_cast %squeeze3A : i32 to index
          %get3A_199 = arith.constant 96 : index
          %get3A_200 = tpu.vector_load %arg8[%get3A_198, %get3A_199] {strides = array<i32>} : memref<320x128xf32, #tpu.memory_space<vmem>>, vector<16xf32>,
          %max3A_201 = arith.maximumf %get3A_200, %get3A_197 : vector<16xf32>
          %swap3A_202 = arith.index_cast %squeeze3A : i32 to index
          %swap3A_203 = arith.constant 96 : index
          %swap3A_204 = tpu.vector_load %arg8[%swap3A_202, %swap3A_203] {strides = array<i32>} : memref<320x128xf32, #tpu.memory_space<vmem>>, vector<16xf32>,
          tpu.vector_store %arg8[%swap3A_202, %swap3A_203], %max3A_201 {strides = array<i32>} : memref<320x128xf32, #tpu.memory_space<vmem>>, vector<16xf32>,
          %get3A_205 = arith.index_cast %squeeze3A : i32 to index
          %get3A_206 = arith.constant 96 : index
          %get3A_207 = tpu.vector_load %arg7[%get3A_205, %get3A_206] {strides = array<i32>} : memref<320x128xf32, #tpu.memory_space<vmem>>, vector<16xf32>,
          %add3A_208 = arith.addf %get3A_207, %get3A_197 : vector<16xf32>
          %swap3A_209 = arith.index_cast %squeeze3A : i32 to index
          %swap3A_210 = arith.constant 96 : index
          %swap3A_211 = tpu.vector_load %arg7[%swap3A_209, %swap3A_210] {strides = array<i32>} : memref<320x128xf32, #tpu.memory_space<vmem>>, vector<16xf32>,
          tpu.vector_store %arg7[%swap3A_209, %swap3A_210], %add3A_208 {strides = array<i32>} : memref<320x128xf32, #tpu.memory_space<vmem>>, vector<16xf32>,
          %get3A_212 = arith.index_cast %while3A_92 : i32 to index
          %get3A_213 = arith.constant 112 : index
          %get3A_214 = tpu.vector_load %arg13[%get3A_212, %get3A_213] {strides = array<i32>} : memref<128x128xf32, #tpu.memory_space<vmem>>, vector<16xf32>,
          %get3A_215 = arith.index_cast %squeeze3A : i32 to index
          %get3A_216 = arith.constant 112 : index
          %get3A_217 = tpu.vector_load %arg8[%get3A_215, %get3A_216] {strides = array<i32>} : memref<320x128xf32, #tpu.memory_space<vmem>>, vector<16xf32>,
          %max3A_218 = arith.maximumf %get3A_217, %get3A_214 : vector<16xf32>
          %swap3A_219 = arith.index_cast %squeeze3A : i32 to index
          %swap3A_220 = arith.constant 112 : index
          %swap3A_221 = tpu.vector_load %arg8[%swap3A_219, %swap3A_220] {strides = array<i32>} : memref<320x128xf32, #tpu.memory_space<vmem>>, vector<16xf32>,
          tpu.vector_store %arg8[%swap3A_219, %swap3A_220], %max3A_218 {strides = array<i32>} : memref<320x128xf32, #tpu.memory_space<vmem>>, vector<16xf32>,
          %get3A_222 = arith.index_cast %squeeze3A : i32 to index
          %get3A_223 = arith.constant 112 : index
          %get3A_224 = tpu.vector_load %arg7[%get3A_222, %get3A_223] {strides = array<i32>} : memref<320x128xf32, #tpu.memory_space<vmem>>, vector<16xf32>,
          %add3A_225 = arith.addf %get3A_224, %get3A_214 : vector<16xf32>
          %swap3A_226 = arith.index_cast %squeeze3A : i32 to index
          %swap3A_227 = arith.constant 112 : index
          %swap3A_228 = tpu.vector_load %arg7[%swap3A_226, %swap3A_227] {strides = array<i32>} : memref<320x128xf32, #tpu.memory_space<vmem>>, vector<16xf32>,
          tpu.vector_store %arg7[%swap3A_226, %swap3A_227], %add3A_225 {strides = array<i32>} : memref<320x128xf32, #tpu.memory_space<vmem>>, vector<16xf32>,
          %get3A_229 = arith.index_cast %squeeze3A : i32 to index
          %get3A_230 = tpu.vector_load %arg9[%get3A_229] {strides = array<i32>} : memref<336xf32, #tpu.memory_space<vmem>>, vector<16xf32>,
          %add3A_231 = arith.addf %get3A_230, %convert_element_type3A_29 : vector<16xf32>
          %swap3A_232 = arith.index_cast %squeeze3A : i32 to index
          %swap3A_233 = tpu.vector_load %arg9[%swap3A_232] {strides = array<i32>} : memref<336xf32, #tpu.memory_space<vmem>>, vector<16xf32>,
          tpu.vector_store %arg9[%swap3A_232], %add3A_231 {strides = array<i32>} : memref<336xf32, #tpu.memory_space<vmem>>, vector<16xf32>,
        }
        %while3A_91 = arith.constant 1 : i32
        scf.for %while3A_92 = %while3A_89 to %while3A_85 step %while3A_91  : i32 {
          %add3A_93 = arith.addi %mul3A_73, %while3A_92 : i32
          %get3A = arith.index_cast %add3A_93 : i32 to index
          %get3A_94 = tpu.vector_load %arg12[%get3A] {strides = array<i32>} : memref<4112xi32, #tpu.memory_space<vmem>>, vector<16xi32>,
          %slice3A = vector.extract_strided_slice %get3A_94 {offsets = [0], sizes = [1], strides = [1]} : vector<16xi32> to vector<1xi32>
          %squeeze3A = vector.extract %slice3A[0] : i32 from vector<1xi32>
          %get3A_95 = arith.index_cast %while3A_92 : i32 to index
          %get3A_96 = arith.constant 0 : index
          %get3A_97 = tpu.vector_load %arg13[%get3A_95, %get3A_96] {strides = array<i32>} : memref<128x128xf32, #tpu.memory_space<vmem>>, vector<16xf32>,
          %get3A_98 = arith.index_cast %squeeze3A : i32 to index
          %get3A_99 = arith.constant 0 : index
          %get3A_100 = tpu.vector_load %arg8[%get3A_98, %get3A_99] {strides = array<i32>} : memref<320x128xf32, #tpu.memory_space<vmem>>, vector<16xf32>,
          %max3A = arith.maximumf %get3A_100, %get3A_97 : vector<16xf32>
          %swap3A = arith.index_cast %squeeze3A : i32 to index
          %swap3A_101 = arith.constant 0 : index
          %swap3A_102 = tpu.vector_load %arg8[%swap3A, %swap3A_101] {strides = array<i32>} : memref<320x128xf32, #tpu.memory_space<vmem>>, vector<16xf32>,
          tpu.vector_store %arg8[%swap3A, %swap3A_101], %max3A {strides = array<i32>} : memref<320x128xf32, #tpu.memory_space<vmem>>, vector<16xf32>,
          %get3A_103 = arith.index_cast %squeeze3A : i32 to index
          %get3A_104 = arith.constant 0 : index
          %get3A_105 = tpu.vector_load %arg7[%get3A_103, %get3A_104] {strides = array<i32>} : memref<320x128xf32, #tpu.memory_space<vmem>>, vector<16xf32>,
          %add3A_106 = arith.addf %get3A_105, %get3A_97 : vector<16xf32>
          %swap3A_107 = arith.index_cast %squeeze3A : i32 to index
          %swap3A_108 = arith.constant 0 : index
          %swap3A_109 = tpu.vector_load %arg7[%swap3A_107, %swap3A_108] {strides = array<i32>} : memref<320x128xf32, #tpu.memory_space<vmem>>, vector<16xf32>,
          tpu.vector_store %arg7[%swap3A_107, %swap3A_108], %add3A_106 {strides = array<i32>} : memref<320x128xf32, #tpu.memory_space<vmem>>, vector<16xf32>,
          %get3A_110 = arith.index_cast %while3A_92 : i32 to index
          %get3A_111 = arith.constant 16 : index
          %get3A_112 = tpu.vector_load %arg13[%get3A_110, %get3A_111] {strides = array<i32>} : memref<128x128xf32, #tpu.memory_space<vmem>>, vector<16xf32>,
          %get3A_113 = arith.index_cast %squeeze3A : i32 to index
          %get3A_114 = arith.constant 16 : index
          %get3A_115 = tpu.vector_load %arg8[%get3A_113, %get3A_114] {strides = array<i32>} : memref<320x128xf32, #tpu.memory_space<vmem>>, vector<16xf32>,
          %max3A_116 = arith.maximumf %get3A_115, %get3A_112 : vector<16xf32>
          %swap3A_117 = arith.index_cast %squeeze3A : i32 to index
          %swap3A_118 = arith.constant 16 : index
          %swap3A_119 = tpu.vector_load %arg8[%swap3A_117, %swap3A_118] {strides = array<i32>} : memref<320x128xf32, #tpu.memory_space<vmem>>, vector<16xf32>,
          tpu.vector_store %arg8[%swap3A_117, %swap3A_118], %max3A_116 {strides = array<i32>} : memref<320x128xf32, #tpu.memory_space<vmem>>, vector<16xf32>,
          %get3A_120 = arith.index_cast %squeeze3A : i32 to index
          %get3A_121 = arith.constant 16 : index
          %get3A_122 = tpu.vector_load %arg7[%get3A_120, %get3A_121] {strides = array<i32>} : memref<320x128xf32, #tpu.memory_space<vmem>>, vector<16xf32>,
          %add3A_123 = arith.addf %get3A_122, %get3A_112 : vector<16xf32>
          %swap3A_124 = arith.index_cast %squeeze3A : i32 to index
          %swap3A_125 = arith.constant 16 : index
          %swap3A_126 = tpu.vector_load %arg7[%swap3A_124, %swap3A_125] {strides = array<i32>} : memref<320x128xf32, #tpu.memory_space<vmem>>, vector<16xf32>,
          tpu.vector_store %arg7[%swap3A_124, %swap3A_125], %add3A_123 {strides = array<i32>} : memref<320x128xf32, #tpu.memory_space<vmem>>, vector<16xf32>,
          %get3A_127 = arith.index_cast %while3A_92 : i32 to index
          %get3A_128 = arith.constant 32 : index
          %get3A_129 = tpu.vector_load %arg13[%get3A_127, %get3A_128] {strides = array<i32>} : memref<128x128xf32, #tpu.memory_space<vmem>>, vector<16xf32>,
          %get3A_130 = arith.index_cast %squeeze3A : i32 to index
          %get3A_131 = arith.constant 32 : index
          %get3A_132 = tpu.vector_load %arg8[%get3A_130, %get3A_131] {strides = array<i32>} : memref<320x128xf32, #tpu.memory_space<vmem>>, vector<16xf32>,
          %max3A_133 = arith.maximumf %get3A_132, %get3A_129 : vector<16xf32>
          %swap3A_134 = arith.index_cast %squeeze3A : i32 to index
          %swap3A_135 = arith.constant 32 : index
          %swap3A_136 = tpu.vector_load %arg8[%swap3A_134, %swap3A_135] {strides = array<i32>} : memref<320x128xf32, #tpu.memory_space<vmem>>, vector<16xf32>,
          tpu.vector_store %arg8[%swap3A_134, %swap3A_135], %max3A_133 {strides = array<i32>} : memref<320x128xf32, #tpu.memory_space<vmem>>, vector<16xf32>,
          %get3A_137 = arith.index_cast %squeeze3A : i32 to index
          %get3A_138 = arith.constant 32 : index
          %get3A_139 = tpu.vector_load %arg7[%get3A_137, %get3A_138] {strides = array<i32>} : memref<320x128xf32, #tpu.memory_space<vmem>>, vector<16xf32>,
          %add3A_140 = arith.addf %get3A_139, %get3A_129 : vector<16xf32>
          %swap3A_141 = arith.index_cast %squeeze3A : i32 to index
          %swap3A_142 = arith.constant 32 : index
          %swap3A_143 = tpu.vector_load %arg7[%swap3A_141, %swap3A_142] {strides = array<i32>} : memref<320x128xf32, #tpu.memory_space<vmem>>, vector<16xf32>,
          tpu.vector_store %arg7[%swap3A_141, %swap3A_142], %add3A_140 {strides = array<i32>} : memref<320x128xf32, #tpu.memory_space<vmem>>, vector<16xf32>,
          %get3A_144 = arith.index_cast %while3A_92 : i32 to index
          %get3A_145 = arith.constant 48 : index
          %get3A_146 = tpu.vector_load %arg13[%get3A_144, %get3A_145] {strides = array<i32>} : memref<128x128xf32, #tpu.memory_space<vmem>>, vector<16xf32>,
          %get3A_147 = arith.index_cast %squeeze3A : i32 to index
          %get3A_148 = arith.constant 48 : index
          %get3A_149 = tpu.vector_load %arg8[%get3A_147, %get3A_148] {strides = array<i32>} : memref<320x128xf32, #tpu.memory_space<vmem>>, vector<16xf32>,
          %max3A_150 = arith.maximumf %get3A_149, %get3A_146 : vector<16xf32>
          %swap3A_151 = arith.index_cast %squeeze3A : i32 to index
          %swap3A_152 = arith.constant 48 : index
          %swap3A_153 = tpu.vector_load %arg8[%swap3A_151, %swap3A_152] {strides = array<i32>} : memref<320x128xf32, #tpu.memory_space<vmem>>, vector<16xf32>,
          tpu.vector_store %arg8[%swap3A_151, %swap3A_152], %max3A_150 {strides = array<i32>} : memref<320x128xf32, #tpu.memory_space<vmem>>, vector<16xf32>,
          %get3A_154 = arith.index_cast %squeeze3A : i32 to index
          %get3A_155 = arith.constant 48 : index
          %get3A_156 = tpu.vector_load %arg7[%get3A_154, %get3A_155] {strides = array<i32>} : memref<320x128xf32, #tpu.memory_space<vmem>>, vector<16xf32>,
          %add3A_157 = arith.addf %get3A_156, %get3A_146 : vector<16xf32>
          %swap3A_158 = arith.index_cast %squeeze3A : i32 to index
          %swap3A_159 = arith.constant 48 : index
          %swap3A_160 = tpu.vector_load %arg7[%swap3A_158, %swap3A_159] {strides = array<i32>} : memref<320x128xf32, #tpu.memory_space<vmem>>, vector<16xf32>,
          tpu.vector_store %arg7[%swap3A_158, %swap3A_159], %add3A_157 {strides = array<i32>} : memref<320x128xf32, #tpu.memory_space<vmem>>, vector<16xf32>,
          %get3A_161 = arith.index_cast %while3A_92 : i32 to index
          %get3A_162 = arith.constant 64 : index
          %get3A_163 = tpu.vector_load %arg13[%get3A_161, %get3A_162] {strides = array<i32>} : memref<128x128xf32, #tpu.memory_space<vmem>>, vector<16xf32>,
          %get3A_164 = arith.index_cast %squeeze3A : i32 to index
          %get3A_165 = arith.constant 64 : index
          %get3A_166 = tpu.vector_load %arg8[%get3A_164, %get3A_165] {strides = array<i32>} : memref<320x128xf32, #tpu.memory_space<vmem>>, vector<16xf32>,
          %max3A_167 = arith.maximumf %get3A_166, %get3A_163 : vector<16xf32>
          %swap3A_168 = arith.index_cast %squeeze3A : i32 to index
          %swap3A_169 = arith.constant 64 : index
          %swap3A_170 = tpu.vector_load %arg8[%swap3A_168, %swap3A_169] {strides = array<i32>} : memref<320x128xf32, #tpu.memory_space<vmem>>, vector<16xf32>,
          tpu.vector_store %arg8[%swap3A_168, %swap3A_169], %max3A_167 {strides = array<i32>} : memref<320x128xf32, #tpu.memory_space<vmem>>, vector<16xf32>,
          %get3A_171 = arith.index_cast %squeeze3A : i32 to index
          %get3A_172 = arith.constant 64 : index
          %get3A_173 = tpu.vector_load %arg7[%get3A_171, %get3A_172] {strides = array<i32>} : memref<320x128xf32, #tpu.memory_space<vmem>>, vector<16xf32>,
          %add3A_174 = arith.addf %get3A_173, %get3A_163 : vector<16xf32>
          %swap3A_175 = arith.index_cast %squeeze3A : i32 to index
          %swap3A_176 = arith.constant 64 : index
          %swap3A_177 = tpu.vector_load %arg7[%swap3A_175, %swap3A_176] {strides = array<i32>} : memref<320x128xf32, #tpu.memory_space<vmem>>, vector<16xf32>,
          tpu.vector_store %arg7[%swap3A_175, %swap3A_176], %add3A_174 {strides = array<i32>} : memref<320x128xf32, #tpu.memory_space<vmem>>, vector<16xf32>,
          %get3A_178 = arith.index_cast %while3A_92 : i32 to index
          %get3A_179 = arith.constant 80 : index
          %get3A_180 = tpu.vector_load %arg13[%get3A_178, %get3A_179] {strides = array<i32>} : memref<128x128xf32, #tpu.memory_space<vmem>>, vector<16xf32>,
          %get3A_181 = arith.index_cast %squeeze3A : i32 to index
          %get3A_182 = arith.constant 80 : index
          %get3A_183 = tpu.vector_load %arg8[%get3A_181, %get3A_182] {strides = array<i32>} : memref<320x128xf32, #tpu.memory_space<vmem>>, vector<16xf32>,
          %max3A_184 = arith.maximumf %get3A_183, %get3A_180 : vector<16xf32>
          %swap3A_185 = arith.index_cast %squeeze3A : i32 to index
          %swap3A_186 = arith.constant 80 : index
          %swap3A_187 = tpu.vector_load %arg8[%swap3A_185, %swap3A_186] {strides = array<i32>} : memref<320x128xf32, #tpu.memory_space<vmem>>, vector<16xf32>,
          tpu.vector_store %arg8[%swap3A_185, %swap3A_186], %max3A_184 {strides = array<i32>} : memref<320x128xf32, #tpu.memory_space<vmem>>, vector<16xf32>,
          %get3A_188 = arith.index_cast %squeeze3A : i32 to index
          %get3A_189 = arith.constant 80 : index
          %get3A_190 = tpu.vector_load %arg7[%get3A_188, %get3A_189] {strides = array<i32>} : memref<320x128xf32, #tpu.memory_space<vmem>>, vector<16xf32>,
          %add3A_191 = arith.addf %get3A_190, %get3A_180 : vector<16xf32>
          %swap3A_192 = arith.index_cast %squeeze3A : i32 to index
          %swap3A_193 = arith.constant 80 : index
          %swap3A_194 = tpu.vector_load %arg7[%swap3A_192, %swap3A_193] {strides = array<i32>} : memref<320x128xf32, #tpu.memory_space<vmem>>, vector<16xf32>,
          tpu.vector_store %arg7[%swap3A_192, %swap3A_193], %add3A_191 {strides = array<i32>} : memref<320x128xf32, #tpu.memory_space<vmem>>, vector<16xf32>,
          %get3A_195 = arith.index_cast %while3A_92 : i32 to index
          %get3A_196 = arith.constant 96 : index
          %get3A_197 = tpu.vector_load %arg13[%get3A_195, %get3A_196] {strides = array<i32>} : memref<128x128xf32, #tpu.memory_space<vmem>>, vector<16xf32>,
          %get3A_198 = arith.index_cast %squeeze3A : i32 to index
          %get3A_199 = arith.constant 96 : index
          %get3A_200 = tpu.vector_load %arg8[%get3A_198, %get3A_199] {strides = array<i32>} : memref<320x128xf32, #tpu.memory_space<vmem>>, vector<16xf32>,
          %max3A_201 = arith.maximumf %get3A_200, %get3A_197 : vector<16xf32>
          %swap3A_202 = arith.index_cast %squeeze3A : i32 to index
          %swap3A_203 = arith.constant 96 : index
          %swap3A_204 = tpu.vector_load %arg8[%swap3A_202, %swap3A_203] {strides = array<i32>} : memref<320x128xf32, #tpu.memory_space<vmem>>, vector<16xf32>,
          tpu.vector_store %arg8[%swap3A_202, %swap3A_203], %max3A_201 {strides = array<i32>} : memref<320x128xf32, #tpu.memory_space<vmem>>, vector<16xf32>,
          %get3A_205 = arith.index_cast %squeeze3A : i32 to index
          %get3A_206 = arith.constant 96 : index
          %get3A_207 = tpu.vector_load %arg7[%get3A_205, %get3A_206] {strides = array<i32>} : memref<320x128xf32, #tpu.memory_space<vmem>>, vector<16xf32>,
          %add3A_208 = arith.addf %get3A_207, %get3A_197 : vector<16xf32>
          %swap3A_209 = arith.index_cast %squeeze3A : i32 to index
          %swap3A_210 = arith.constant 96 : index
          %swap3A_211 = tpu.vector_load %arg7[%swap3A_209, %swap3A_210] {strides = array<i32>} : memref<320x128xf32, #tpu.memory_space<vmem>>, vector<16xf32>,
          tpu.vector_store %arg7[%swap3A_209, %swap3A_210], %add3A_208 {strides = array<i32>} : memref<320x128xf32, #tpu.memory_space<vmem>>, vector<16xf32>,
          %get3A_212 = arith.index_cast %while3A_92 : i32 to index
          %get3A_213 = arith.constant 112 : index
          %get3A_214 = tpu.vector_load %arg13[%get3A_212, %get3A_213] {strides = array<i32>} : memref<128x128xf32, #tpu.memory_space<vmem>>, vector<16xf32>,
          %get3A_215 = arith.index_cast %squeeze3A : i32 to index
          %get3A_216 = arith.constant 112 : index
          %get3A_217 = tpu.vector_load %arg8[%get3A_215, %get3A_216] {strides = array<i32>} : memref<320x128xf32, #tpu.memory_space<vmem>>, vector<16xf32>,
          %max3A_218 = arith.maximumf %get3A_217, %get3A_214 : vector<16xf32>
          %swap3A_219 = arith.index_cast %squeeze3A : i32 to index
          %swap3A_220 = arith.constant 112 : index
          %swap3A_221 = tpu.vector_load %arg8[%swap3A_219, %swap3A_220] {strides = array<i32>} : memref<320x128xf32, #tpu.memory_space<vmem>>, vector<16xf32>,
          tpu.vector_store %arg8[%swap3A_219, %swap3A_220], %max3A_218 {strides = array<i32>} : memref<320x128xf32, #tpu.memory_space<vmem>>, vector<16xf32>,
          %get3A_222 = arith.index_cast %squeeze3A : i32 to index
          %get3A_223 = arith.constant 112 : index
          %get3A_224 = tpu.vector_load %arg7[%get3A_222, %get3A_223] {strides = array<i32>} : memref<320x128xf32, #tpu.memory_space<vmem>>, vector<16xf32>,
          %add3A_225 = arith.addf %get3A_224, %get3A_214 : vector<16xf32>
          %swap3A_226 = arith.index_cast %squeeze3A : i32 to index
          %swap3A_227 = arith.constant 112 : index
          %swap3A_228 = tpu.vector_load %arg7[%swap3A_226, %swap3A_227] {strides = array<i32>} : memref<320x128xf32, #tpu.memory_space<vmem>>, vector<16xf32>,
          tpu.vector_store %arg7[%swap3A_226, %swap3A_227], %add3A_225 {strides = array<i32>} : memref<320x128xf32, #tpu.memory_space<vmem>>, vector<16xf32>,
          %get3A_229 = arith.index_cast %squeeze3A : i32 to index
          %get3A_230 = tpu.vector_load %arg9[%get3A_229] {strides = array<i32>} : memref<336xf32, #tpu.memory_space<vmem>>, vector<16xf32>,
          %add3A_231 = arith.addf %get3A_230, %convert_element_type3A_29 : vector<16xf32>
          %swap3A_232 = arith.index_cast %squeeze3A : i32 to index
          %swap3A_233 = tpu.vector_load %arg9[%swap3A_232] {strides = array<i32>} : memref<336xf32, #tpu.memory_space<vmem>>, vector<16xf32>,
          tpu.vector_store %arg9[%swap3A_232], %add3A_231 {strides = array<i32>} : memref<336xf32, #tpu.memory_space<vmem>>, vector<16xf32>,
        }
      }
      %cond3A_70 = arith.constant 0 : i32
      scf.yield %cond3A_70 : i32
    } else {
      scf.yield %scan3A_35 : i32
    }
    "tpu.region"() ({
      %run_scoped3A = tpu.sem_alloc : memref<!tpu.dma_semaphore, #tpu.memory_space<semaphore_mem>>
      %dma_start3A = arith.constant 0 : i32
      %dma_start3A_41 = tpu.memref_slice %arg4[%mul3A_2, %dma_start3A] : memref<10240x128xf32, #tpu.memory_space<hbm>> -> memref<320x128xf32, #tpu.memory_space<hbm>>
      %dma_start3A_42 = arith.constant 0 : i32
      %dma_start3A_43 = tpu.memref_slice %arg4[%mul3A_2, %dma_start3A_42] : memref<10240x128xf32, #tpu.memory_space<hbm>> -> memref<320x128xf32, #tpu.memory_space<hbm>>
      tpu.enqueue_dma source(%arg7 : memref<320x128xf32, #tpu.memory_space<vmem>>) target(%dma_start3A_43 : memref<320x128xf32, #tpu.memory_space<hbm>>) target_semaphore(%run_scoped3A : memref<!tpu.dma_semaphore, #tpu.memory_space<semaphore_mem>>)
      %dma_wait3A = arith.constant 0 : i32
      %dma_wait3A_44 = tpu.memref_slice %arg4[%mul3A_2, %dma_wait3A] : memref<10240x128xf32, #tpu.memory_space<hbm>> -> memref<320x128xf32, #tpu.memory_space<hbm>>
      %dma_wait3A_45 = arith.constant 0 : i32
      %dma_wait3A_46 = tpu.memref_slice %arg4[%mul3A_2, %dma_wait3A_45] : memref<10240x128xf32, #tpu.memory_space<hbm>> -> memref<320x128xf32, #tpu.memory_space<hbm>>
      tpu.wait_dma2 semaphore(%run_scoped3A : memref<!tpu.dma_semaphore, #tpu.memory_space<semaphore_mem>>) src(%arg7 : memref<320x128xf32, #tpu.memory_space<vmem>>) dst(%dma_wait3A_46 : memref<320x128xf32, #tpu.memory_space<hbm>>)
      tpu.yield
    }) : () -> ()
    "tpu.region"() ({
      %run_scoped3A = tpu.sem_alloc : memref<!tpu.dma_semaphore, #tpu.memory_space<semaphore_mem>>
      %dma_start3A = arith.constant 0 : i32
      %dma_start3A_41 = tpu.memref_slice %arg5[%mul3A_2, %dma_start3A] : memref<10240x128xf32, #tpu.memory_space<hbm>> -> memref<320x128xf32, #tpu.memory_space<hbm>>
      %dma_start3A_42 = arith.constant 0 : i32
      %dma_start3A_43 = tpu.memref_slice %arg5[%mul3A_2, %dma_start3A_42] : memref<10240x128xf32, #tpu.memory_space<hbm>> -> memref<320x128xf32, #tpu.memory_space<hbm>>
      tpu.enqueue_dma source(%arg8 : memref<320x128xf32, #tpu.memory_space<vmem>>) target(%dma_start3A_43 : memref<320x128xf32, #tpu.memory_space<hbm>>) target_semaphore(%run_scoped3A : memref<!tpu.dma_semaphore, #tpu.memory_space<semaphore_mem>>)
      %dma_wait3A = arith.constant 0 : i32
      %dma_wait3A_44 = tpu.memref_slice %arg5[%mul3A_2, %dma_wait3A] : memref<10240x128xf32, #tpu.memory_space<hbm>> -> memref<320x128xf32, #tpu.memory_space<hbm>>
      %dma_wait3A_45 = arith.constant 0 : i32
      %dma_wait3A_46 = tpu.memref_slice %arg5[%mul3A_2, %dma_wait3A_45] : memref<10240x128xf32, #tpu.memory_space<hbm>> -> memref<320x128xf32, #tpu.memory_space<hbm>>
      tpu.wait_dma2 semaphore(%run_scoped3A : memref<!tpu.dma_semaphore, #tpu.memory_space<semaphore_mem>>) src(%arg8 : memref<320x128xf32, #tpu.memory_space<vmem>>) dst(%dma_wait3A_46 : memref<320x128xf32, #tpu.memory_space<hbm>>)
      tpu.yield
    }) : () -> ()
    "tpu.region"() ({
      %run_scoped3A = tpu.sem_alloc : memref<!tpu.dma_semaphore, #tpu.memory_space<semaphore_mem>>
      %dma_start3A = arith.constant 0 : i32
      %dma_start3A_41 = tpu.memref_slice %arg9[%dma_start3A] : memref<336xf32, #tpu.memory_space<vmem>> -> memref<320xf32, #tpu.memory_space<vmem>>
      %dma_start3A_42 = tpu.memref_slice %arg6[%mul3A_2] : memref<10240xf32, #tpu.memory_space<hbm>> -> memref<320xf32, #tpu.memory_space<hbm>>
      %dma_start3A_43 = tpu.memref_slice %arg6[%mul3A_2] : memref<10240xf32, #tpu.memory_space<hbm>> -> memref<320xf32, #tpu.memory_space<hbm>>
      %dma_start3A_44 = arith.constant 0 : i32
      %dma_start3A_45 = tpu.memref_slice %arg9[%dma_start3A_44] : memref<336xf32, #tpu.memory_space<vmem>> -> memref<320xf32, #tpu.memory_space<vmem>>
      tpu.enqueue_dma source(%dma_start3A_45 : memref<320xf32, #tpu.memory_space<vmem>>) target(%dma_start3A_43 : memref<320xf32, #tpu.memory_space<hbm>>) target_semaphore(%run_scoped3A : memref<!tpu.dma_semaphore, #tpu.memory_space<semaphore_mem>>)
      %dma_wait3A = arith.constant 0 : i32
      %dma_wait3A_46 = tpu.memref_slice %arg9[%dma_wait3A] : memref<336xf32, #tpu.memory_space<vmem>> -> memref<320xf32, #tpu.memory_space<vmem>>
      %dma_wait3A_47 = tpu.memref_slice %arg6[%mul3A_2] : memref<10240xf32, #tpu.memory_space<hbm>> -> memref<320xf32, #tpu.memory_space<hbm>>
      %dma_wait3A_48 = tpu.memref_slice %arg6[%mul3A_2] : memref<10240xf32, #tpu.memory_space<hbm>> -> memref<320xf32, #tpu.memory_space<hbm>>
      %dma_wait3A_49 = arith.constant 0 : i32
      %dma_wait3A_50 = tpu.memref_slice %arg9[%dma_wait3A_49] : memref<336xf32, #tpu.memory_space<vmem>> -> memref<320xf32, #tpu.memory_space<vmem>>
      tpu.wait_dma2 semaphore(%run_scoped3A : memref<!tpu.dma_semaphore, #tpu.memory_space<semaphore_mem>>) src(%dma_wait3A_50 : memref<320xf32, #tpu.memory_space<vmem>>) dst(%dma_wait3A_48 : memref<320xf32, #tpu.memory_space<hbm>>)
      tpu.yield
    }) : () -> ()
    return
  }
}

#map = affine_map<(d0, d1) -> (0, 0)>
#map1 = affine_map<(d0, d1) -> (0)>
module attributes {stable_mosaic.version = 14 : i64} {
  func.func @k(%arg0: i32, %arg1: i32, %arg2: memref<10000x128xf32, #tpu.memory_space<hbm>>, %arg3: memref<10000x128xf32, #tpu.memory_space<hbm>>, %arg4: memref<10000x128xf32, #tpu.memory_space<hbm>>, %arg5: memref<10000x128xf32, #tpu.memory_space<hbm>>, %arg6: memref<320000xi32, #tpu.memory_space<hbm>>, %arg7: memref<320000x128xf32, #tpu.memory_space<hbm>>, %arg8: memref<320000x128xf32, #tpu.memory_space<hbm>>, %arg9: memref<320000x128xf32, #tpu.memory_space<hbm>>, %arg10: memref<10000x128xf32, #tpu.memory_space<hbm>>, %arg11: memref<10000x128xf32, #tpu.memory_space<hbm>>, %arg12: memref<10000x128xf32, #tpu.memory_space<hbm>>, %arg13: memref<10000x128xf32, #tpu.memory_space<hbm>>, %arg14: memref<40xi32, #tpu.memory_space<vmem>>, %arg15: memref<40xi32, #tpu.memory_space<vmem>>, %arg16: memref<40xi32, #tpu.memory_space<vmem>>, %arg17: memref<40xi32, #tpu.memory_space<vmem>>, %arg18: memref<40xi32, #tpu.memory_space<vmem>>, %arg19: memref<200x128xf32, #tpu.memory_space<vmem>>, %arg20: memref<10000x128xf32, #tpu.memory_space<vmem_shared>>, %arg21: memref<!tpu.dma_semaphore, #tpu.memory_space<semaphore_mem>>) attributes {dimension_semantics = [#tpu.dimension_semantics<core_parallel>, #tpu.dimension_semantics<subcore_parallel>], iteration_bounds = array<i64: 2, 16>, scalar_prefetch = 0 : i64, scratch_operands = 8 : i64, tpu.core_type = #tpu.core_type<sc_vector_subcore>, window_params = [{transform_indices = #map}, {transform_indices = #map}, {transform_indices = #map}, {transform_indices = #map}, {transform_indices = #map1}, {transform_indices = #map}, {transform_indices = #map}, {transform_indices = #map}, {transform_indices = #map}, {transform_indices = #map}, {transform_indices = #map}, {transform_indices = #map}]} {
    %mul3A = arith.constant 624 : i32
    %mul3A_0 = arith.muli %arg1, %mul3A : i32
    %eq3A = arith.constant 0 : i32
    %eq3A_1 = arith.cmpi eq, %arg0, %eq3A : i32
    %convert_element_type3A = arith.extui %eq3A_1 : i1 to i32
    %cond3A = arith.constant 0 : i32
    %cond3A_2 = arith.cmpi ne, %convert_element_type3A, %cond3A : i32
    scf.if %cond3A_2 {
      %lt3A = arith.constant 15 : i32
      %lt3A_61 = arith.cmpi slt, %arg1, %lt3A : i32
      %convert_element_type3A_62 = arith.extui %lt3A_61 : i1 to i32
      %cond3A_63 = arith.constant 0 : i32
      %cond3A_64 = arith.cmpi ne, %convert_element_type3A_62, %cond3A_63 : i32
      scf.if %cond3A_64 {
        "tpu.region"() ({
          %run_scoped3A = tpu.sem_alloc : memref<!tpu.dma_semaphore, #tpu.memory_space<semaphore_mem>>
          %dma_start3A = arith.constant 0 : i32
          %dma_start3A_70 = tpu.memref_slice %arg20[%mul3A_0, %dma_start3A] : memref<10000x128xf32, #tpu.memory_space<vmem_shared>> -> memref<624x128xf32, #tpu.memory_space<vmem_shared>>
          %dma_start3A_71 = arith.constant 0 : i32
          %dma_start3A_72 = tpu.memref_slice %arg2[%mul3A_0, %dma_start3A_71] : memref<10000x128xf32, #tpu.memory_space<hbm>> -> memref<624x128xf32, #tpu.memory_space<hbm>>
          tpu.enqueue_dma source(%dma_start3A_72 : memref<624x128xf32, #tpu.memory_space<hbm>>) target(%dma_start3A_70 : memref<624x128xf32, #tpu.memory_space<vmem_shared>>) target_semaphore(%run_scoped3A : memref<!tpu.dma_semaphore, #tpu.memory_space<semaphore_mem>>)
          %dma_wait3A = arith.constant 0 : i32
          %dma_wait3A_73 = tpu.memref_slice %arg20[%mul3A_0, %dma_wait3A] : memref<10000x128xf32, #tpu.memory_space<vmem_shared>> -> memref<624x128xf32, #tpu.memory_space<vmem_shared>>
          %dma_wait3A_74 = arith.constant 0 : i32
          %dma_wait3A_75 = tpu.memref_slice %arg2[%mul3A_0, %dma_wait3A_74] : memref<10000x128xf32, #tpu.memory_space<hbm>> -> memref<624x128xf32, #tpu.memory_space<hbm>>
          tpu.wait_dma2 semaphore(%run_scoped3A : memref<!tpu.dma_semaphore, #tpu.memory_space<semaphore_mem>>) src(%dma_wait3A_75 : memref<624x128xf32, #tpu.memory_space<hbm>>) dst(%dma_wait3A_73 : memref<624x128xf32, #tpu.memory_space<vmem_shared>>)
          tpu.yield
        }) : () -> ()
      } else {
      }
      %eq3A_65 = arith.constant 15 : i32
      %eq3A_66 = arith.cmpi eq, %arg1, %eq3A_65 : i32
      %convert_element_type3A_67 = arith.extui %eq3A_66 : i1 to i32
      %cond3A_68 = arith.constant 0 : i32
      %cond3A_69 = arith.cmpi ne, %convert_element_type3A_67, %cond3A_68 : i32
      scf.if %cond3A_69 {
        "tpu.region"() ({
          %run_scoped3A = tpu.sem_alloc : memref<!tpu.dma_semaphore, #tpu.memory_space<semaphore_mem>>
          %dma_start3A = arith.constant 0 : i32
          %dma_start3A_70 = tpu.memref_slice %arg20[%mul3A_0, %dma_start3A] : memref<10000x128xf32, #tpu.memory_space<vmem_shared>> -> memref<640x128xf32, #tpu.memory_space<vmem_shared>>
          %dma_start3A_71 = arith.constant 0 : i32
          %dma_start3A_72 = tpu.memref_slice %arg2[%mul3A_0, %dma_start3A_71] : memref<10000x128xf32, #tpu.memory_space<hbm>> -> memref<640x128xf32, #tpu.memory_space<hbm>>
          tpu.enqueue_dma source(%dma_start3A_72 : memref<640x128xf32, #tpu.memory_space<hbm>>) target(%dma_start3A_70 : memref<640x128xf32, #tpu.memory_space<vmem_shared>>) target_semaphore(%run_scoped3A : memref<!tpu.dma_semaphore, #tpu.memory_space<semaphore_mem>>)
          %dma_wait3A = arith.constant 0 : i32
          %dma_wait3A_73 = tpu.memref_slice %arg20[%mul3A_0, %dma_wait3A] : memref<10000x128xf32, #tpu.memory_space<vmem_shared>> -> memref<640x128xf32, #tpu.memory_space<vmem_shared>>
          %dma_wait3A_74 = arith.constant 0 : i32
          %dma_wait3A_75 = tpu.memref_slice %arg2[%mul3A_0, %dma_wait3A_74] : memref<10000x128xf32, #tpu.memory_space<hbm>> -> memref<640x128xf32, #tpu.memory_space<hbm>>
          tpu.wait_dma2 semaphore(%run_scoped3A : memref<!tpu.dma_semaphore, #tpu.memory_space<semaphore_mem>>) src(%dma_wait3A_75 : memref<640x128xf32, #tpu.memory_space<hbm>>) dst(%dma_wait3A_73 : memref<640x128xf32, #tpu.memory_space<vmem_shared>>)
          tpu.yield
        }) : () -> ()
      } else {
      }
    } else {
    }
    %eq3A_3 = arith.constant 1 : i32
    %eq3A_4 = arith.cmpi eq, %arg0, %eq3A_3 : i32
    %convert_element_type3A_5 = arith.extui %eq3A_4 : i1 to i32
    %cond3A_6 = arith.constant 0 : i32
    %cond3A_7 = arith.cmpi ne, %convert_element_type3A_5, %cond3A_6 : i32
    scf.if %cond3A_7 {
      %lt3A = arith.constant 15 : i32
      %lt3A_61 = arith.cmpi slt, %arg1, %lt3A : i32
      %convert_element_type3A_62 = arith.extui %lt3A_61 : i1 to i32
      %cond3A_63 = arith.constant 0 : i32
      %cond3A_64 = arith.cmpi ne, %convert_element_type3A_62, %cond3A_63 : i32
      scf.if %cond3A_64 {
        "tpu.region"() ({
          %run_scoped3A = tpu.sem_alloc : memref<!tpu.dma_semaphore, #tpu.memory_space<semaphore_mem>>
          %dma_start3A = arith.constant 0 : i32
          %dma_start3A_70 = tpu.memref_slice %arg20[%mul3A_0, %dma_start3A] : memref<10000x128xf32, #tpu.memory_space<vmem_shared>> -> memref<624x128xf32, #tpu.memory_space<vmem_shared>>
          %dma_start3A_71 = arith.constant 0 : i32
          %dma_start3A_72 = tpu.memref_slice %arg3[%mul3A_0, %dma_start3A_71] : memref<10000x128xf32, #tpu.memory_space<hbm>> -> memref<624x128xf32, #tpu.memory_space<hbm>>
          tpu.enqueue_dma source(%dma_start3A_72 : memref<624x128xf32, #tpu.memory_space<hbm>>) target(%dma_start3A_70 : memref<624x128xf32, #tpu.memory_space<vmem_shared>>) target_semaphore(%run_scoped3A : memref<!tpu.dma_semaphore, #tpu.memory_space<semaphore_mem>>)
          %dma_wait3A = arith.constant 0 : i32
          %dma_wait3A_73 = tpu.memref_slice %arg20[%mul3A_0, %dma_wait3A] : memref<10000x128xf32, #tpu.memory_space<vmem_shared>> -> memref<624x128xf32, #tpu.memory_space<vmem_shared>>
          %dma_wait3A_74 = arith.constant 0 : i32
          %dma_wait3A_75 = tpu.memref_slice %arg3[%mul3A_0, %dma_wait3A_74] : memref<10000x128xf32, #tpu.memory_space<hbm>> -> memref<624x128xf32, #tpu.memory_space<hbm>>
          tpu.wait_dma2 semaphore(%run_scoped3A : memref<!tpu.dma_semaphore, #tpu.memory_space<semaphore_mem>>) src(%dma_wait3A_75 : memref<624x128xf32, #tpu.memory_space<hbm>>) dst(%dma_wait3A_73 : memref<624x128xf32, #tpu.memory_space<vmem_shared>>)
          tpu.yield
        }) : () -> ()
      } else {
      }
      %eq3A_65 = arith.constant 15 : i32
      %eq3A_66 = arith.cmpi eq, %arg1, %eq3A_65 : i32
      %convert_element_type3A_67 = arith.extui %eq3A_66 : i1 to i32
      %cond3A_68 = arith.constant 0 : i32
      %cond3A_69 = arith.cmpi ne, %convert_element_type3A_67, %cond3A_68 : i32
      scf.if %cond3A_69 {
        "tpu.region"() ({
          %run_scoped3A = tpu.sem_alloc : memref<!tpu.dma_semaphore, #tpu.memory_space<semaphore_mem>>
          %dma_start3A = arith.constant 0 : i32
          %dma_start3A_70 = tpu.memref_slice %arg20[%mul3A_0, %dma_start3A] : memref<10000x128xf32, #tpu.memory_space<vmem_shared>> -> memref<640x128xf32, #tpu.memory_space<vmem_shared>>
          %dma_start3A_71 = arith.constant 0 : i32
          %dma_start3A_72 = tpu.memref_slice %arg3[%mul3A_0, %dma_start3A_71] : memref<10000x128xf32, #tpu.memory_space<hbm>> -> memref<640x128xf32, #tpu.memory_space<hbm>>
          tpu.enqueue_dma source(%dma_start3A_72 : memref<640x128xf32, #tpu.memory_space<hbm>>) target(%dma_start3A_70 : memref<640x128xf32, #tpu.memory_space<vmem_shared>>) target_semaphore(%run_scoped3A : memref<!tpu.dma_semaphore, #tpu.memory_space<semaphore_mem>>)
          %dma_wait3A = arith.constant 0 : i32
          %dma_wait3A_73 = tpu.memref_slice %arg20[%mul3A_0, %dma_wait3A] : memref<10000x128xf32, #tpu.memory_space<vmem_shared>> -> memref<640x128xf32, #tpu.memory_space<vmem_shared>>
          %dma_wait3A_74 = arith.constant 0 : i32
          %dma_wait3A_75 = tpu.memref_slice %arg3[%mul3A_0, %dma_wait3A_74] : memref<10000x128xf32, #tpu.memory_space<hbm>> -> memref<640x128xf32, #tpu.memory_space<hbm>>
          tpu.wait_dma2 semaphore(%run_scoped3A : memref<!tpu.dma_semaphore, #tpu.memory_space<semaphore_mem>>) src(%dma_wait3A_75 : memref<640x128xf32, #tpu.memory_space<hbm>>) dst(%dma_wait3A_73 : memref<640x128xf32, #tpu.memory_space<vmem_shared>>)
          tpu.yield
        }) : () -> ()
      } else {
      }
    } else {
    }
    %barrier3A = arith.constant 0 : index
    tpu.barrier barrier_id(%barrier3A)
    %eq3A_8 = arith.constant 0 : i32
    %eq3A_9 = arith.cmpi eq, %arg0, %eq3A_8 : i32
    %convert_element_type3A_10 = arith.extui %eq3A_9 : i1 to i32
    %cond3A_11 = arith.constant 0 : i32
    %cond3A_12 = arith.cmpi ne, %convert_element_type3A_10, %cond3A_11 : i32
    scf.if %cond3A_12 {
      %mul3A_61 = arith.constant 20000 : i32
      %mul3A_62 = arith.muli %arg1, %mul3A_61 : i32
      %scan3A_63 = arith.constant 0 : i32
      %scan3A_64 = arith.constant 0 : i32
      %scan3A_65 = arith.constant 100 : i32
      %scan3A_66 = arith.addi %scan3A_64, %scan3A_65 : i32
      %scan3A_67 = arith.constant 1 : i32
      scf.for %scan3A_69 = %scan3A_64 to %scan3A_66 step %scan3A_67  : i32 {
        %mul3A_70 = arith.constant 200 : i32
        %mul3A_71 = arith.muli %scan3A_69, %mul3A_70 : i32
        %add3A_72 = arith.addi %mul3A_62, %mul3A_71 : i32
        %add3A_73 = arith.constant 0 : i32
        %add3A_74 = arith.addi %add3A_72, %add3A_73 : i32
        "tpu.region"() ({
          %run_scoped3A = tpu.sem_alloc : memref<!tpu.dma_semaphore, #tpu.memory_space<semaphore_mem>>
          %dma_start3A_141 = tpu.memref_slice %arg6[%add3A_74] : memref<320000xi32, #tpu.memory_space<hbm>> -> memref<40xi32, #tpu.memory_space<hbm>>
          %dma_start3A_142 = tpu.memref_slice %arg6[%add3A_74] : memref<320000xi32, #tpu.memory_space<hbm>> -> memref<40xi32, #tpu.memory_space<hbm>>
          tpu.enqueue_dma source(%dma_start3A_142 : memref<40xi32, #tpu.memory_space<hbm>>) target(%arg14 : memref<40xi32, #tpu.memory_space<vmem>>) target_semaphore(%run_scoped3A : memref<!tpu.dma_semaphore, #tpu.memory_space<semaphore_mem>>)
          %dma_wait3A_143 = tpu.memref_slice %arg6[%add3A_74] : memref<320000xi32, #tpu.memory_space<hbm>> -> memref<40xi32, #tpu.memory_space<hbm>>
          %dma_wait3A_144 = tpu.memref_slice %arg6[%add3A_74] : memref<320000xi32, #tpu.memory_space<hbm>> -> memref<40xi32, #tpu.memory_space<hbm>>
          tpu.wait_dma2 semaphore(%run_scoped3A : memref<!tpu.dma_semaphore, #tpu.memory_space<semaphore_mem>>) src(%dma_wait3A_144 : memref<40xi32, #tpu.memory_space<hbm>>) dst(%arg14 : memref<40xi32, #tpu.memory_space<vmem>>)
          tpu.yield
        }) : () -> ()
        %add3A_75 = arith.constant 40 : i32
        %add3A_76 = arith.addi %add3A_72, %add3A_75 : i32
        "tpu.region"() ({
          %run_scoped3A = tpu.sem_alloc : memref<!tpu.dma_semaphore, #tpu.memory_space<semaphore_mem>>
          %dma_start3A_141 = tpu.memref_slice %arg6[%add3A_76] : memref<320000xi32, #tpu.memory_space<hbm>> -> memref<40xi32, #tpu.memory_space<hbm>>
          %dma_start3A_142 = tpu.memref_slice %arg6[%add3A_76] : memref<320000xi32, #tpu.memory_space<hbm>> -> memref<40xi32, #tpu.memory_space<hbm>>
          tpu.enqueue_dma source(%dma_start3A_142 : memref<40xi32, #tpu.memory_space<hbm>>) target(%arg15 : memref<40xi32, #tpu.memory_space<vmem>>) target_semaphore(%run_scoped3A : memref<!tpu.dma_semaphore, #tpu.memory_space<semaphore_mem>>)
          %dma_wait3A_143 = tpu.memref_slice %arg6[%add3A_76] : memref<320000xi32, #tpu.memory_space<hbm>> -> memref<40xi32, #tpu.memory_space<hbm>>
          %dma_wait3A_144 = tpu.memref_slice %arg6[%add3A_76] : memref<320000xi32, #tpu.memory_space<hbm>> -> memref<40xi32, #tpu.memory_space<hbm>>
          tpu.wait_dma2 semaphore(%run_scoped3A : memref<!tpu.dma_semaphore, #tpu.memory_space<semaphore_mem>>) src(%dma_wait3A_144 : memref<40xi32, #tpu.memory_space<hbm>>) dst(%arg15 : memref<40xi32, #tpu.memory_space<vmem>>)
          tpu.yield
        }) : () -> ()
        %add3A_77 = arith.constant 80 : i32
        %add3A_78 = arith.addi %add3A_72, %add3A_77 : i32
        "tpu.region"() ({
          %run_scoped3A = tpu.sem_alloc : memref<!tpu.dma_semaphore, #tpu.memory_space<semaphore_mem>>
          %dma_start3A_141 = tpu.memref_slice %arg6[%add3A_78] : memref<320000xi32, #tpu.memory_space<hbm>> -> memref<40xi32, #tpu.memory_space<hbm>>
          %dma_start3A_142 = tpu.memref_slice %arg6[%add3A_78] : memref<320000xi32, #tpu.memory_space<hbm>> -> memref<40xi32, #tpu.memory_space<hbm>>
          tpu.enqueue_dma source(%dma_start3A_142 : memref<40xi32, #tpu.memory_space<hbm>>) target(%arg16 : memref<40xi32, #tpu.memory_space<vmem>>) target_semaphore(%run_scoped3A : memref<!tpu.dma_semaphore, #tpu.memory_space<semaphore_mem>>)
          %dma_wait3A_143 = tpu.memref_slice %arg6[%add3A_78] : memref<320000xi32, #tpu.memory_space<hbm>> -> memref<40xi32, #tpu.memory_space<hbm>>
          %dma_wait3A_144 = tpu.memref_slice %arg6[%add3A_78] : memref<320000xi32, #tpu.memory_space<hbm>> -> memref<40xi32, #tpu.memory_space<hbm>>
          tpu.wait_dma2 semaphore(%run_scoped3A : memref<!tpu.dma_semaphore, #tpu.memory_space<semaphore_mem>>) src(%dma_wait3A_144 : memref<40xi32, #tpu.memory_space<hbm>>) dst(%arg16 : memref<40xi32, #tpu.memory_space<vmem>>)
          tpu.yield
        }) : () -> ()
        %add3A_79 = arith.constant 120 : i32
        %add3A_80 = arith.addi %add3A_72, %add3A_79 : i32
        "tpu.region"() ({
          %run_scoped3A = tpu.sem_alloc : memref<!tpu.dma_semaphore, #tpu.memory_space<semaphore_mem>>
          %dma_start3A_141 = tpu.memref_slice %arg6[%add3A_80] : memref<320000xi32, #tpu.memory_space<hbm>> -> memref<40xi32, #tpu.memory_space<hbm>>
          %dma_start3A_142 = tpu.memref_slice %arg6[%add3A_80] : memref<320000xi32, #tpu.memory_space<hbm>> -> memref<40xi32, #tpu.memory_space<hbm>>
          tpu.enqueue_dma source(%dma_start3A_142 : memref<40xi32, #tpu.memory_space<hbm>>) target(%arg17 : memref<40xi32, #tpu.memory_space<vmem>>) target_semaphore(%run_scoped3A : memref<!tpu.dma_semaphore, #tpu.memory_space<semaphore_mem>>)
          %dma_wait3A_143 = tpu.memref_slice %arg6[%add3A_80] : memref<320000xi32, #tpu.memory_space<hbm>> -> memref<40xi32, #tpu.memory_space<hbm>>
          %dma_wait3A_144 = tpu.memref_slice %arg6[%add3A_80] : memref<320000xi32, #tpu.memory_space<hbm>> -> memref<40xi32, #tpu.memory_space<hbm>>
          tpu.wait_dma2 semaphore(%run_scoped3A : memref<!tpu.dma_semaphore, #tpu.memory_space<semaphore_mem>>) src(%dma_wait3A_144 : memref<40xi32, #tpu.memory_space<hbm>>) dst(%arg17 : memref<40xi32, #tpu.memory_space<vmem>>)
          tpu.yield
        }) : () -> ()
        %add3A_81 = arith.constant 160 : i32
        %add3A_82 = arith.addi %add3A_72, %add3A_81 : i32
        "tpu.region"() ({
          %run_scoped3A = tpu.sem_alloc : memref<!tpu.dma_semaphore, #tpu.memory_space<semaphore_mem>>
          %dma_start3A_141 = tpu.memref_slice %arg6[%add3A_82] : memref<320000xi32, #tpu.memory_space<hbm>> -> memref<40xi32, #tpu.memory_space<hbm>>
          %dma_start3A_142 = tpu.memref_slice %arg6[%add3A_82] : memref<320000xi32, #tpu.memory_space<hbm>> -> memref<40xi32, #tpu.memory_space<hbm>>
          tpu.enqueue_dma source(%dma_start3A_142 : memref<40xi32, #tpu.memory_space<hbm>>) target(%arg18 : memref<40xi32, #tpu.memory_space<vmem>>) target_semaphore(%run_scoped3A : memref<!tpu.dma_semaphore, #tpu.memory_space<semaphore_mem>>)
          %dma_wait3A_143 = tpu.memref_slice %arg6[%add3A_82] : memref<320000xi32, #tpu.memory_space<hbm>> -> memref<40xi32, #tpu.memory_space<hbm>>
          %dma_wait3A_144 = tpu.memref_slice %arg6[%add3A_82] : memref<320000xi32, #tpu.memory_space<hbm>> -> memref<40xi32, #tpu.memory_space<hbm>>
          tpu.wait_dma2 semaphore(%run_scoped3A : memref<!tpu.dma_semaphore, #tpu.memory_space<semaphore_mem>>) src(%dma_wait3A_144 : memref<40xi32, #tpu.memory_space<hbm>>) dst(%arg18 : memref<40xi32, #tpu.memory_space<vmem>>)
          tpu.yield
        }) : () -> ()
        "tpu.region"() ({
          %run_scoped3A = tpu.sem_alloc : memref<!tpu.dma_semaphore, #tpu.memory_space<semaphore_mem>>
          %dma_start3A_141 = arith.constant 0 : i32
          %dma_start3A_142 = tpu.memref_slice %arg7[%add3A_72, %dma_start3A_141] : memref<320000x128xf32, #tpu.memory_space<hbm>> -> memref<200x128xf32, #tpu.memory_space<hbm>>
          %dma_start3A_143 = arith.constant 0 : i32
          %dma_start3A_144 = tpu.memref_slice %arg7[%add3A_72, %dma_start3A_143] : memref<320000x128xf32, #tpu.memory_space<hbm>> -> memref<200x128xf32, #tpu.memory_space<hbm>>
          tpu.enqueue_dma source(%dma_start3A_144 : memref<200x128xf32, #tpu.memory_space<hbm>>) target(%arg19 : memref<200x128xf32, #tpu.memory_space<vmem>>) target_semaphore(%run_scoped3A : memref<!tpu.dma_semaphore, #tpu.memory_space<semaphore_mem>>)
          %dma_wait3A_145 = arith.constant 0 : i32
          %dma_wait3A_146 = tpu.memref_slice %arg7[%add3A_72, %dma_wait3A_145] : memref<320000x128xf32, #tpu.memory_space<hbm>> -> memref<200x128xf32, #tpu.memory_space<hbm>>
          %dma_wait3A_147 = arith.constant 0 : i32
          %dma_wait3A_148 = tpu.memref_slice %arg7[%add3A_72, %dma_wait3A_147] : memref<320000x128xf32, #tpu.memory_space<hbm>> -> memref<200x128xf32, #tpu.memory_space<hbm>>
          tpu.wait_dma2 semaphore(%run_scoped3A : memref<!tpu.dma_semaphore, #tpu.memory_space<semaphore_mem>>) src(%dma_wait3A_148 : memref<200x128xf32, #tpu.memory_space<hbm>>) dst(%arg19 : memref<200x128xf32, #tpu.memory_space<vmem>>)
          tpu.yield
        }) : () -> ()
        %dma_start3A = arith.constant 0 : i32
        %dma_start3A_83 = arith.constant 0 : i32
        %dma_start3A_84 = tpu.memref_slice %arg19[%dma_start3A, %dma_start3A_83] : memref<200x128xf32, #tpu.memory_space<vmem>> -> memref<40x128xf32, #tpu.memory_space<vmem>>
        %dma_start3A_85 = arith.constant 0 : i32
        %dma_start3A_86 = arith.constant 0 : i32
        %dma_start3A_87 = tpu.memref_slice %arg20[%dma_start3A_85, %dma_start3A_86] : memref<10000x128xf32, #tpu.memory_space<vmem_shared>> -> memref<10000x128xf32, #tpu.memory_space<vmem_shared>>
        tpu.enqueue_indirect_dma source(%dma_start3A_84 : memref<40x128xf32, #tpu.memory_space<vmem>>) target(%dma_start3A_87 : memref<10000x128xf32, #tpu.memory_space<vmem_shared>>) offsets(%arg14 : memref<40xi32, #tpu.memory_space<vmem>>) semaphore(%arg21 : memref<!tpu.dma_semaphore, #tpu.memory_space<semaphore_mem>>) {add = true}
        %dma_start3A_88 = arith.constant 40 : i32
        %dma_start3A_89 = arith.constant 0 : i32
        %dma_start3A_90 = tpu.memref_slice %arg19[%dma_start3A_88, %dma_start3A_89] : memref<200x128xf32, #tpu.memory_space<vmem>> -> memref<40x128xf32, #tpu.memory_space<vmem>>
        %dma_start3A_91 = arith.constant 0 : i32
        %dma_start3A_92 = arith.constant 0 : i32
        %dma_start3A_93 = tpu.memref_slice %arg20[%dma_start3A_91, %dma_start3A_92] : memref<10000x128xf32, #tpu.memory_space<vmem_shared>> -> memref<10000x128xf32, #tpu.memory_space<vmem_shared>>
        tpu.enqueue_indirect_dma source(%dma_start3A_90 : memref<40x128xf32, #tpu.memory_space<vmem>>) target(%dma_start3A_93 : memref<10000x128xf32, #tpu.memory_space<vmem_shared>>) offsets(%arg15 : memref<40xi32, #tpu.memory_space<vmem>>) semaphore(%arg21 : memref<!tpu.dma_semaphore, #tpu.memory_space<semaphore_mem>>) {add = true}
        %dma_start3A_94 = arith.constant 80 : i32
        %dma_start3A_95 = arith.constant 0 : i32
        %dma_start3A_96 = tpu.memref_slice %arg19[%dma_start3A_94, %dma_start3A_95] : memref<200x128xf32, #tpu.memory_space<vmem>> -> memref<40x128xf32, #tpu.memory_space<vmem>>
        %dma_start3A_97 = arith.constant 0 : i32
        %dma_start3A_98 = arith.constant 0 : i32
        %dma_start3A_99 = tpu.memref_slice %arg20[%dma_start3A_97, %dma_start3A_98] : memref<10000x128xf32, #tpu.memory_space<vmem_shared>> -> memref<10000x128xf32, #tpu.memory_space<vmem_shared>>
        tpu.enqueue_indirect_dma source(%dma_start3A_96 : memref<40x128xf32, #tpu.memory_space<vmem>>) target(%dma_start3A_99 : memref<10000x128xf32, #tpu.memory_space<vmem_shared>>) offsets(%arg16 : memref<40xi32, #tpu.memory_space<vmem>>) semaphore(%arg21 : memref<!tpu.dma_semaphore, #tpu.memory_space<semaphore_mem>>) {add = true}
        %dma_start3A_100 = arith.constant 120 : i32
        %dma_start3A_101 = arith.constant 0 : i32
        %dma_start3A_102 = tpu.memref_slice %arg19[%dma_start3A_100, %dma_start3A_101] : memref<200x128xf32, #tpu.memory_space<vmem>> -> memref<40x128xf32, #tpu.memory_space<vmem>>
        %dma_start3A_103 = arith.constant 0 : i32
        %dma_start3A_104 = arith.constant 0 : i32
        %dma_start3A_105 = tpu.memref_slice %arg20[%dma_start3A_103, %dma_start3A_104] : memref<10000x128xf32, #tpu.memory_space<vmem_shared>> -> memref<10000x128xf32, #tpu.memory_space<vmem_shared>>
        tpu.enqueue_indirect_dma source(%dma_start3A_102 : memref<40x128xf32, #tpu.memory_space<vmem>>) target(%dma_start3A_105 : memref<10000x128xf32, #tpu.memory_space<vmem_shared>>) offsets(%arg17 : memref<40xi32, #tpu.memory_space<vmem>>) semaphore(%arg21 : memref<!tpu.dma_semaphore, #tpu.memory_space<semaphore_mem>>) {add = true}
        %dma_start3A_106 = arith.constant 160 : i32
        %dma_start3A_107 = arith.constant 0 : i32
        %dma_start3A_108 = tpu.memref_slice %arg19[%dma_start3A_106, %dma_start3A_107] : memref<200x128xf32, #tpu.memory_space<vmem>> -> memref<40x128xf32, #tpu.memory_space<vmem>>
        %dma_start3A_109 = arith.constant 0 : i32
        %dma_start3A_110 = arith.constant 0 : i32
        %dma_start3A_111 = tpu.memref_slice %arg20[%dma_start3A_109, %dma_start3A_110] : memref<10000x128xf32, #tpu.memory_space<vmem_shared>> -> memref<10000x128xf32, #tpu.memory_space<vmem_shared>>
        tpu.enqueue_indirect_dma source(%dma_start3A_108 : memref<40x128xf32, #tpu.memory_space<vmem>>) target(%dma_start3A_111 : memref<10000x128xf32, #tpu.memory_space<vmem_shared>>) offsets(%arg18 : memref<40xi32, #tpu.memory_space<vmem>>) semaphore(%arg21 : memref<!tpu.dma_semaphore, #tpu.memory_space<semaphore_mem>>) {add = true}
        %dma_wait3A = arith.constant 0 : i32
        %dma_wait3A_112 = arith.constant 0 : i32
        %dma_wait3A_113 = tpu.memref_slice %arg19[%dma_wait3A, %dma_wait3A_112] : memref<200x128xf32, #tpu.memory_space<vmem>> -> memref<40x128xf32, #tpu.memory_space<vmem>>
        %dma_wait3A_114 = arith.constant 0 : i32
        %dma_wait3A_115 = arith.constant 0 : i32
        %dma_wait3A_116 = tpu.memref_slice %arg20[%dma_wait3A_114, %dma_wait3A_115] : memref<10000x128xf32, #tpu.memory_space<vmem_shared>> -> memref<10000x128xf32, #tpu.memory_space<vmem_shared>>
        tpu.wait_indirect_dma semaphore(%arg21 : memref<!tpu.dma_semaphore, #tpu.memory_space<semaphore_mem>>) src(%dma_wait3A_113 : memref<40x128xf32, #tpu.memory_space<vmem>>) dst(%dma_wait3A_116 : memref<10000x128xf32, #tpu.memory_space<vmem_shared>>)
        %dma_wait3A_117 = arith.constant 40 : i32
        %dma_wait3A_118 = arith.constant 0 : i32
        %dma_wait3A_119 = tpu.memref_slice %arg19[%dma_wait3A_117, %dma_wait3A_118] : memref<200x128xf32, #tpu.memory_space<vmem>> -> memref<40x128xf32, #tpu.memory_space<vmem>>
        %dma_wait3A_120 = arith.constant 0 : i32
        %dma_wait3A_121 = arith.constant 0 : i32
        %dma_wait3A_122 = tpu.memref_slice %arg20[%dma_wait3A_120, %dma_wait3A_121] : memref<10000x128xf32, #tpu.memory_space<vmem_shared>> -> memref<10000x128xf32, #tpu.memory_space<vmem_shared>>
        tpu.wait_indirect_dma semaphore(%arg21 : memref<!tpu.dma_semaphore, #tpu.memory_space<semaphore_mem>>) src(%dma_wait3A_119 : memref<40x128xf32, #tpu.memory_space<vmem>>) dst(%dma_wait3A_122 : memref<10000x128xf32, #tpu.memory_space<vmem_shared>>)
        %dma_wait3A_123 = arith.constant 80 : i32
        %dma_wait3A_124 = arith.constant 0 : i32
        %dma_wait3A_125 = tpu.memref_slice %arg19[%dma_wait3A_123, %dma_wait3A_124] : memref<200x128xf32, #tpu.memory_space<vmem>> -> memref<40x128xf32, #tpu.memory_space<vmem>>
        %dma_wait3A_126 = arith.constant 0 : i32
        %dma_wait3A_127 = arith.constant 0 : i32
        %dma_wait3A_128 = tpu.memref_slice %arg20[%dma_wait3A_126, %dma_wait3A_127] : memref<10000x128xf32, #tpu.memory_space<vmem_shared>> -> memref<10000x128xf32, #tpu.memory_space<vmem_shared>>
        tpu.wait_indirect_dma semaphore(%arg21 : memref<!tpu.dma_semaphore, #tpu.memory_space<semaphore_mem>>) src(%dma_wait3A_125 : memref<40x128xf32, #tpu.memory_space<vmem>>) dst(%dma_wait3A_128 : memref<10000x128xf32, #tpu.memory_space<vmem_shared>>)
        %dma_wait3A_129 = arith.constant 120 : i32
        %dma_wait3A_130 = arith.constant 0 : i32
        %dma_wait3A_131 = tpu.memref_slice %arg19[%dma_wait3A_129, %dma_wait3A_130] : memref<200x128xf32, #tpu.memory_space<vmem>> -> memref<40x128xf32, #tpu.memory_space<vmem>>
        %dma_wait3A_132 = arith.constant 0 : i32
        %dma_wait3A_133 = arith.constant 0 : i32
        %dma_wait3A_134 = tpu.memref_slice %arg20[%dma_wait3A_132, %dma_wait3A_133] : memref<10000x128xf32, #tpu.memory_space<vmem_shared>> -> memref<10000x128xf32, #tpu.memory_space<vmem_shared>>
        tpu.wait_indirect_dma semaphore(%arg21 : memref<!tpu.dma_semaphore, #tpu.memory_space<semaphore_mem>>) src(%dma_wait3A_131 : memref<40x128xf32, #tpu.memory_space<vmem>>) dst(%dma_wait3A_134 : memref<10000x128xf32, #tpu.memory_space<vmem_shared>>)
        %dma_wait3A_135 = arith.constant 160 : i32
        %dma_wait3A_136 = arith.constant 0 : i32
        %dma_wait3A_137 = tpu.memref_slice %arg19[%dma_wait3A_135, %dma_wait3A_136] : memref<200x128xf32, #tpu.memory_space<vmem>> -> memref<40x128xf32, #tpu.memory_space<vmem>>
        %dma_wait3A_138 = arith.constant 0 : i32
        %dma_wait3A_139 = arith.constant 0 : i32
        %dma_wait3A_140 = tpu.memref_slice %arg20[%dma_wait3A_138, %dma_wait3A_139] : memref<10000x128xf32, #tpu.memory_space<vmem_shared>> -> memref<10000x128xf32, #tpu.memory_space<vmem_shared>>
        tpu.wait_indirect_dma semaphore(%arg21 : memref<!tpu.dma_semaphore, #tpu.memory_space<semaphore_mem>>) src(%dma_wait3A_137 : memref<40x128xf32, #tpu.memory_space<vmem>>) dst(%dma_wait3A_140 : memref<10000x128xf32, #tpu.memory_space<vmem_shared>>)
      }
      %scan3A_68 = arith.constant 100 : i32
    } else {
    }
    %eq3A_13 = arith.constant 1 : i32
    %eq3A_14 = arith.cmpi eq, %arg0, %eq3A_13 : i32
    %convert_element_type3A_15 = arith.extui %eq3A_14 : i1 to i32
    %cond3A_16 = arith.constant 0 : i32
    %cond3A_17 = arith.cmpi ne, %convert_element_type3A_15, %cond3A_16 : i32
    scf.if %cond3A_17 {
      %mul3A_61 = arith.constant 20000 : i32
      %mul3A_62 = arith.muli %arg1, %mul3A_61 : i32
      %scan3A_63 = arith.constant 0 : i32
      %scan3A_64 = arith.constant 0 : i32
      %scan3A_65 = arith.constant 100 : i32
      %scan3A_66 = arith.addi %scan3A_64, %scan3A_65 : i32
      %scan3A_67 = arith.constant 1 : i32
      scf.for %scan3A_69 = %scan3A_64 to %scan3A_66 step %scan3A_67  : i32 {
        %mul3A_70 = arith.constant 200 : i32
        %mul3A_71 = arith.muli %scan3A_69, %mul3A_70 : i32
        %add3A_72 = arith.addi %mul3A_62, %mul3A_71 : i32
        %add3A_73 = arith.constant 0 : i32
        %add3A_74 = arith.addi %add3A_72, %add3A_73 : i32
        "tpu.region"() ({
          %run_scoped3A = tpu.sem_alloc : memref<!tpu.dma_semaphore, #tpu.memory_space<semaphore_mem>>
          %dma_start3A_141 = tpu.memref_slice %arg6[%add3A_74] : memref<320000xi32, #tpu.memory_space<hbm>> -> memref<40xi32, #tpu.memory_space<hbm>>
          %dma_start3A_142 = tpu.memref_slice %arg6[%add3A_74] : memref<320000xi32, #tpu.memory_space<hbm>> -> memref<40xi32, #tpu.memory_space<hbm>>
          tpu.enqueue_dma source(%dma_start3A_142 : memref<40xi32, #tpu.memory_space<hbm>>) target(%arg14 : memref<40xi32, #tpu.memory_space<vmem>>) target_semaphore(%run_scoped3A : memref<!tpu.dma_semaphore, #tpu.memory_space<semaphore_mem>>)
          %dma_wait3A_143 = tpu.memref_slice %arg6[%add3A_74] : memref<320000xi32, #tpu.memory_space<hbm>> -> memref<40xi32, #tpu.memory_space<hbm>>
          %dma_wait3A_144 = tpu.memref_slice %arg6[%add3A_74] : memref<320000xi32, #tpu.memory_space<hbm>> -> memref<40xi32, #tpu.memory_space<hbm>>
          tpu.wait_dma2 semaphore(%run_scoped3A : memref<!tpu.dma_semaphore, #tpu.memory_space<semaphore_mem>>) src(%dma_wait3A_144 : memref<40xi32, #tpu.memory_space<hbm>>) dst(%arg14 : memref<40xi32, #tpu.memory_space<vmem>>)
          tpu.yield
        }) : () -> ()
        %add3A_75 = arith.constant 40 : i32
        %add3A_76 = arith.addi %add3A_72, %add3A_75 : i32
        "tpu.region"() ({
          %run_scoped3A = tpu.sem_alloc : memref<!tpu.dma_semaphore, #tpu.memory_space<semaphore_mem>>
          %dma_start3A_141 = tpu.memref_slice %arg6[%add3A_76] : memref<320000xi32, #tpu.memory_space<hbm>> -> memref<40xi32, #tpu.memory_space<hbm>>
          %dma_start3A_142 = tpu.memref_slice %arg6[%add3A_76] : memref<320000xi32, #tpu.memory_space<hbm>> -> memref<40xi32, #tpu.memory_space<hbm>>
          tpu.enqueue_dma source(%dma_start3A_142 : memref<40xi32, #tpu.memory_space<hbm>>) target(%arg15 : memref<40xi32, #tpu.memory_space<vmem>>) target_semaphore(%run_scoped3A : memref<!tpu.dma_semaphore, #tpu.memory_space<semaphore_mem>>)
          %dma_wait3A_143 = tpu.memref_slice %arg6[%add3A_76] : memref<320000xi32, #tpu.memory_space<hbm>> -> memref<40xi32, #tpu.memory_space<hbm>>
          %dma_wait3A_144 = tpu.memref_slice %arg6[%add3A_76] : memref<320000xi32, #tpu.memory_space<hbm>> -> memref<40xi32, #tpu.memory_space<hbm>>
          tpu.wait_dma2 semaphore(%run_scoped3A : memref<!tpu.dma_semaphore, #tpu.memory_space<semaphore_mem>>) src(%dma_wait3A_144 : memref<40xi32, #tpu.memory_space<hbm>>) dst(%arg15 : memref<40xi32, #tpu.memory_space<vmem>>)
          tpu.yield
        }) : () -> ()
        %add3A_77 = arith.constant 80 : i32
        %add3A_78 = arith.addi %add3A_72, %add3A_77 : i32
        "tpu.region"() ({
          %run_scoped3A = tpu.sem_alloc : memref<!tpu.dma_semaphore, #tpu.memory_space<semaphore_mem>>
          %dma_start3A_141 = tpu.memref_slice %arg6[%add3A_78] : memref<320000xi32, #tpu.memory_space<hbm>> -> memref<40xi32, #tpu.memory_space<hbm>>
          %dma_start3A_142 = tpu.memref_slice %arg6[%add3A_78] : memref<320000xi32, #tpu.memory_space<hbm>> -> memref<40xi32, #tpu.memory_space<hbm>>
          tpu.enqueue_dma source(%dma_start3A_142 : memref<40xi32, #tpu.memory_space<hbm>>) target(%arg16 : memref<40xi32, #tpu.memory_space<vmem>>) target_semaphore(%run_scoped3A : memref<!tpu.dma_semaphore, #tpu.memory_space<semaphore_mem>>)
          %dma_wait3A_143 = tpu.memref_slice %arg6[%add3A_78] : memref<320000xi32, #tpu.memory_space<hbm>> -> memref<40xi32, #tpu.memory_space<hbm>>
          %dma_wait3A_144 = tpu.memref_slice %arg6[%add3A_78] : memref<320000xi32, #tpu.memory_space<hbm>> -> memref<40xi32, #tpu.memory_space<hbm>>
          tpu.wait_dma2 semaphore(%run_scoped3A : memref<!tpu.dma_semaphore, #tpu.memory_space<semaphore_mem>>) src(%dma_wait3A_144 : memref<40xi32, #tpu.memory_space<hbm>>) dst(%arg16 : memref<40xi32, #tpu.memory_space<vmem>>)
          tpu.yield
        }) : () -> ()
        %add3A_79 = arith.constant 120 : i32
        %add3A_80 = arith.addi %add3A_72, %add3A_79 : i32
        "tpu.region"() ({
          %run_scoped3A = tpu.sem_alloc : memref<!tpu.dma_semaphore, #tpu.memory_space<semaphore_mem>>
          %dma_start3A_141 = tpu.memref_slice %arg6[%add3A_80] : memref<320000xi32, #tpu.memory_space<hbm>> -> memref<40xi32, #tpu.memory_space<hbm>>
          %dma_start3A_142 = tpu.memref_slice %arg6[%add3A_80] : memref<320000xi32, #tpu.memory_space<hbm>> -> memref<40xi32, #tpu.memory_space<hbm>>
          tpu.enqueue_dma source(%dma_start3A_142 : memref<40xi32, #tpu.memory_space<hbm>>) target(%arg17 : memref<40xi32, #tpu.memory_space<vmem>>) target_semaphore(%run_scoped3A : memref<!tpu.dma_semaphore, #tpu.memory_space<semaphore_mem>>)
          %dma_wait3A_143 = tpu.memref_slice %arg6[%add3A_80] : memref<320000xi32, #tpu.memory_space<hbm>> -> memref<40xi32, #tpu.memory_space<hbm>>
          %dma_wait3A_144 = tpu.memref_slice %arg6[%add3A_80] : memref<320000xi32, #tpu.memory_space<hbm>> -> memref<40xi32, #tpu.memory_space<hbm>>
          tpu.wait_dma2 semaphore(%run_scoped3A : memref<!tpu.dma_semaphore, #tpu.memory_space<semaphore_mem>>) src(%dma_wait3A_144 : memref<40xi32, #tpu.memory_space<hbm>>) dst(%arg17 : memref<40xi32, #tpu.memory_space<vmem>>)
          tpu.yield
        }) : () -> ()
        %add3A_81 = arith.constant 160 : i32
        %add3A_82 = arith.addi %add3A_72, %add3A_81 : i32
        "tpu.region"() ({
          %run_scoped3A = tpu.sem_alloc : memref<!tpu.dma_semaphore, #tpu.memory_space<semaphore_mem>>
          %dma_start3A_141 = tpu.memref_slice %arg6[%add3A_82] : memref<320000xi32, #tpu.memory_space<hbm>> -> memref<40xi32, #tpu.memory_space<hbm>>
          %dma_start3A_142 = tpu.memref_slice %arg6[%add3A_82] : memref<320000xi32, #tpu.memory_space<hbm>> -> memref<40xi32, #tpu.memory_space<hbm>>
          tpu.enqueue_dma source(%dma_start3A_142 : memref<40xi32, #tpu.memory_space<hbm>>) target(%arg18 : memref<40xi32, #tpu.memory_space<vmem>>) target_semaphore(%run_scoped3A : memref<!tpu.dma_semaphore, #tpu.memory_space<semaphore_mem>>)
          %dma_wait3A_143 = tpu.memref_slice %arg6[%add3A_82] : memref<320000xi32, #tpu.memory_space<hbm>> -> memref<40xi32, #tpu.memory_space<hbm>>
          %dma_wait3A_144 = tpu.memref_slice %arg6[%add3A_82] : memref<320000xi32, #tpu.memory_space<hbm>> -> memref<40xi32, #tpu.memory_space<hbm>>
          tpu.wait_dma2 semaphore(%run_scoped3A : memref<!tpu.dma_semaphore, #tpu.memory_space<semaphore_mem>>) src(%dma_wait3A_144 : memref<40xi32, #tpu.memory_space<hbm>>) dst(%arg18 : memref<40xi32, #tpu.memory_space<vmem>>)
          tpu.yield
        }) : () -> ()
        "tpu.region"() ({
          %run_scoped3A = tpu.sem_alloc : memref<!tpu.dma_semaphore, #tpu.memory_space<semaphore_mem>>
          %dma_start3A_141 = arith.constant 0 : i32
          %dma_start3A_142 = tpu.memref_slice %arg8[%add3A_72, %dma_start3A_141] : memref<320000x128xf32, #tpu.memory_space<hbm>> -> memref<200x128xf32, #tpu.memory_space<hbm>>
          %dma_start3A_143 = arith.constant 0 : i32
          %dma_start3A_144 = tpu.memref_slice %arg8[%add3A_72, %dma_start3A_143] : memref<320000x128xf32, #tpu.memory_space<hbm>> -> memref<200x128xf32, #tpu.memory_space<hbm>>
          tpu.enqueue_dma source(%dma_start3A_144 : memref<200x128xf32, #tpu.memory_space<hbm>>) target(%arg19 : memref<200x128xf32, #tpu.memory_space<vmem>>) target_semaphore(%run_scoped3A : memref<!tpu.dma_semaphore, #tpu.memory_space<semaphore_mem>>)
          %dma_wait3A_145 = arith.constant 0 : i32
          %dma_wait3A_146 = tpu.memref_slice %arg8[%add3A_72, %dma_wait3A_145] : memref<320000x128xf32, #tpu.memory_space<hbm>> -> memref<200x128xf32, #tpu.memory_space<hbm>>
          %dma_wait3A_147 = arith.constant 0 : i32
          %dma_wait3A_148 = tpu.memref_slice %arg8[%add3A_72, %dma_wait3A_147] : memref<320000x128xf32, #tpu.memory_space<hbm>> -> memref<200x128xf32, #tpu.memory_space<hbm>>
          tpu.wait_dma2 semaphore(%run_scoped3A : memref<!tpu.dma_semaphore, #tpu.memory_space<semaphore_mem>>) src(%dma_wait3A_148 : memref<200x128xf32, #tpu.memory_space<hbm>>) dst(%arg19 : memref<200x128xf32, #tpu.memory_space<vmem>>)
          tpu.yield
        }) : () -> ()
        %dma_start3A = arith.constant 0 : i32
        %dma_start3A_83 = arith.constant 0 : i32
        %dma_start3A_84 = tpu.memref_slice %arg19[%dma_start3A, %dma_start3A_83] : memref<200x128xf32, #tpu.memory_space<vmem>> -> memref<40x128xf32, #tpu.memory_space<vmem>>
        %dma_start3A_85 = arith.constant 0 : i32
        %dma_start3A_86 = arith.constant 0 : i32
        %dma_start3A_87 = tpu.memref_slice %arg20[%dma_start3A_85, %dma_start3A_86] : memref<10000x128xf32, #tpu.memory_space<vmem_shared>> -> memref<10000x128xf32, #tpu.memory_space<vmem_shared>>
        tpu.enqueue_indirect_dma source(%dma_start3A_84 : memref<40x128xf32, #tpu.memory_space<vmem>>) target(%dma_start3A_87 : memref<10000x128xf32, #tpu.memory_space<vmem_shared>>) offsets(%arg14 : memref<40xi32, #tpu.memory_space<vmem>>) semaphore(%arg21 : memref<!tpu.dma_semaphore, #tpu.memory_space<semaphore_mem>>) {add = true}
        %dma_start3A_88 = arith.constant 40 : i32
        %dma_start3A_89 = arith.constant 0 : i32
        %dma_start3A_90 = tpu.memref_slice %arg19[%dma_start3A_88, %dma_start3A_89] : memref<200x128xf32, #tpu.memory_space<vmem>> -> memref<40x128xf32, #tpu.memory_space<vmem>>
        %dma_start3A_91 = arith.constant 0 : i32
        %dma_start3A_92 = arith.constant 0 : i32
        %dma_start3A_93 = tpu.memref_slice %arg20[%dma_start3A_91, %dma_start3A_92] : memref<10000x128xf32, #tpu.memory_space<vmem_shared>> -> memref<10000x128xf32, #tpu.memory_space<vmem_shared>>
        tpu.enqueue_indirect_dma source(%dma_start3A_90 : memref<40x128xf32, #tpu.memory_space<vmem>>) target(%dma_start3A_93 : memref<10000x128xf32, #tpu.memory_space<vmem_shared>>) offsets(%arg15 : memref<40xi32, #tpu.memory_space<vmem>>) semaphore(%arg21 : memref<!tpu.dma_semaphore, #tpu.memory_space<semaphore_mem>>) {add = true}
        %dma_start3A_94 = arith.constant 80 : i32
        %dma_start3A_95 = arith.constant 0 : i32
        %dma_start3A_96 = tpu.memref_slice %arg19[%dma_start3A_94, %dma_start3A_95] : memref<200x128xf32, #tpu.memory_space<vmem>> -> memref<40x128xf32, #tpu.memory_space<vmem>>
        %dma_start3A_97 = arith.constant 0 : i32
        %dma_start3A_98 = arith.constant 0 : i32
        %dma_start3A_99 = tpu.memref_slice %arg20[%dma_start3A_97, %dma_start3A_98] : memref<10000x128xf32, #tpu.memory_space<vmem_shared>> -> memref<10000x128xf32, #tpu.memory_space<vmem_shared>>
        tpu.enqueue_indirect_dma source(%dma_start3A_96 : memref<40x128xf32, #tpu.memory_space<vmem>>) target(%dma_start3A_99 : memref<10000x128xf32, #tpu.memory_space<vmem_shared>>) offsets(%arg16 : memref<40xi32, #tpu.memory_space<vmem>>) semaphore(%arg21 : memref<!tpu.dma_semaphore, #tpu.memory_space<semaphore_mem>>) {add = true}
        %dma_start3A_100 = arith.constant 120 : i32
        %dma_start3A_101 = arith.constant 0 : i32
        %dma_start3A_102 = tpu.memref_slice %arg19[%dma_start3A_100, %dma_start3A_101] : memref<200x128xf32, #tpu.memory_space<vmem>> -> memref<40x128xf32, #tpu.memory_space<vmem>>
        %dma_start3A_103 = arith.constant 0 : i32
        %dma_start3A_104 = arith.constant 0 : i32
        %dma_start3A_105 = tpu.memref_slice %arg20[%dma_start3A_103, %dma_start3A_104] : memref<10000x128xf32, #tpu.memory_space<vmem_shared>> -> memref<10000x128xf32, #tpu.memory_space<vmem_shared>>
        tpu.enqueue_indirect_dma source(%dma_start3A_102 : memref<40x128xf32, #tpu.memory_space<vmem>>) target(%dma_start3A_105 : memref<10000x128xf32, #tpu.memory_space<vmem_shared>>) offsets(%arg17 : memref<40xi32, #tpu.memory_space<vmem>>) semaphore(%arg21 : memref<!tpu.dma_semaphore, #tpu.memory_space<semaphore_mem>>) {add = true}
        %dma_start3A_106 = arith.constant 160 : i32
        %dma_start3A_107 = arith.constant 0 : i32
        %dma_start3A_108 = tpu.memref_slice %arg19[%dma_start3A_106, %dma_start3A_107] : memref<200x128xf32, #tpu.memory_space<vmem>> -> memref<40x128xf32, #tpu.memory_space<vmem>>
        %dma_start3A_109 = arith.constant 0 : i32
        %dma_start3A_110 = arith.constant 0 : i32
        %dma_start3A_111 = tpu.memref_slice %arg20[%dma_start3A_109, %dma_start3A_110] : memref<10000x128xf32, #tpu.memory_space<vmem_shared>> -> memref<10000x128xf32, #tpu.memory_space<vmem_shared>>
        tpu.enqueue_indirect_dma source(%dma_start3A_108 : memref<40x128xf32, #tpu.memory_space<vmem>>) target(%dma_start3A_111 : memref<10000x128xf32, #tpu.memory_space<vmem_shared>>) offsets(%arg18 : memref<40xi32, #tpu.memory_space<vmem>>) semaphore(%arg21 : memref<!tpu.dma_semaphore, #tpu.memory_space<semaphore_mem>>) {add = true}
        %dma_wait3A = arith.constant 0 : i32
        %dma_wait3A_112 = arith.constant 0 : i32
        %dma_wait3A_113 = tpu.memref_slice %arg19[%dma_wait3A, %dma_wait3A_112] : memref<200x128xf32, #tpu.memory_space<vmem>> -> memref<40x128xf32, #tpu.memory_space<vmem>>
        %dma_wait3A_114 = arith.constant 0 : i32
        %dma_wait3A_115 = arith.constant 0 : i32
        %dma_wait3A_116 = tpu.memref_slice %arg20[%dma_wait3A_114, %dma_wait3A_115] : memref<10000x128xf32, #tpu.memory_space<vmem_shared>> -> memref<10000x128xf32, #tpu.memory_space<vmem_shared>>
        tpu.wait_indirect_dma semaphore(%arg21 : memref<!tpu.dma_semaphore, #tpu.memory_space<semaphore_mem>>) src(%dma_wait3A_113 : memref<40x128xf32, #tpu.memory_space<vmem>>) dst(%dma_wait3A_116 : memref<10000x128xf32, #tpu.memory_space<vmem_shared>>)
        %dma_wait3A_117 = arith.constant 40 : i32
        %dma_wait3A_118 = arith.constant 0 : i32
        %dma_wait3A_119 = tpu.memref_slice %arg19[%dma_wait3A_117, %dma_wait3A_118] : memref<200x128xf32, #tpu.memory_space<vmem>> -> memref<40x128xf32, #tpu.memory_space<vmem>>
        %dma_wait3A_120 = arith.constant 0 : i32
        %dma_wait3A_121 = arith.constant 0 : i32
        %dma_wait3A_122 = tpu.memref_slice %arg20[%dma_wait3A_120, %dma_wait3A_121] : memref<10000x128xf32, #tpu.memory_space<vmem_shared>> -> memref<10000x128xf32, #tpu.memory_space<vmem_shared>>
        tpu.wait_indirect_dma semaphore(%arg21 : memref<!tpu.dma_semaphore, #tpu.memory_space<semaphore_mem>>) src(%dma_wait3A_119 : memref<40x128xf32, #tpu.memory_space<vmem>>) dst(%dma_wait3A_122 : memref<10000x128xf32, #tpu.memory_space<vmem_shared>>)
        %dma_wait3A_123 = arith.constant 80 : i32
        %dma_wait3A_124 = arith.constant 0 : i32
        %dma_wait3A_125 = tpu.memref_slice %arg19[%dma_wait3A_123, %dma_wait3A_124] : memref<200x128xf32, #tpu.memory_space<vmem>> -> memref<40x128xf32, #tpu.memory_space<vmem>>
        %dma_wait3A_126 = arith.constant 0 : i32
        %dma_wait3A_127 = arith.constant 0 : i32
        %dma_wait3A_128 = tpu.memref_slice %arg20[%dma_wait3A_126, %dma_wait3A_127] : memref<10000x128xf32, #tpu.memory_space<vmem_shared>> -> memref<10000x128xf32, #tpu.memory_space<vmem_shared>>
        tpu.wait_indirect_dma semaphore(%arg21 : memref<!tpu.dma_semaphore, #tpu.memory_space<semaphore_mem>>) src(%dma_wait3A_125 : memref<40x128xf32, #tpu.memory_space<vmem>>) dst(%dma_wait3A_128 : memref<10000x128xf32, #tpu.memory_space<vmem_shared>>)
        %dma_wait3A_129 = arith.constant 120 : i32
        %dma_wait3A_130 = arith.constant 0 : i32
        %dma_wait3A_131 = tpu.memref_slice %arg19[%dma_wait3A_129, %dma_wait3A_130] : memref<200x128xf32, #tpu.memory_space<vmem>> -> memref<40x128xf32, #tpu.memory_space<vmem>>
        %dma_wait3A_132 = arith.constant 0 : i32
        %dma_wait3A_133 = arith.constant 0 : i32
        %dma_wait3A_134 = tpu.memref_slice %arg20[%dma_wait3A_132, %dma_wait3A_133] : memref<10000x128xf32, #tpu.memory_space<vmem_shared>> -> memref<10000x128xf32, #tpu.memory_space<vmem_shared>>
        tpu.wait_indirect_dma semaphore(%arg21 : memref<!tpu.dma_semaphore, #tpu.memory_space<semaphore_mem>>) src(%dma_wait3A_131 : memref<40x128xf32, #tpu.memory_space<vmem>>) dst(%dma_wait3A_134 : memref<10000x128xf32, #tpu.memory_space<vmem_shared>>)
        %dma_wait3A_135 = arith.constant 160 : i32
        %dma_wait3A_136 = arith.constant 0 : i32
        %dma_wait3A_137 = tpu.memref_slice %arg19[%dma_wait3A_135, %dma_wait3A_136] : memref<200x128xf32, #tpu.memory_space<vmem>> -> memref<40x128xf32, #tpu.memory_space<vmem>>
        %dma_wait3A_138 = arith.constant 0 : i32
        %dma_wait3A_139 = arith.constant 0 : i32
        %dma_wait3A_140 = tpu.memref_slice %arg20[%dma_wait3A_138, %dma_wait3A_139] : memref<10000x128xf32, #tpu.memory_space<vmem_shared>> -> memref<10000x128xf32, #tpu.memory_space<vmem_shared>>
        tpu.wait_indirect_dma semaphore(%arg21 : memref<!tpu.dma_semaphore, #tpu.memory_space<semaphore_mem>>) src(%dma_wait3A_137 : memref<40x128xf32, #tpu.memory_space<vmem>>) dst(%dma_wait3A_140 : memref<10000x128xf32, #tpu.memory_space<vmem_shared>>)
      }
      %scan3A_68 = arith.constant 100 : i32
    } else {
    }
    %barrier3A_18 = arith.constant 0 : index
    tpu.barrier barrier_id(%barrier3A_18)
    %eq3A_19 = arith.constant 0 : i32
    %eq3A_20 = arith.cmpi eq, %arg0, %eq3A_19 : i32
    %convert_element_type3A_21 = arith.extui %eq3A_20 : i1 to i32
    %cond3A_22 = arith.constant 0 : i32
    %cond3A_23 = arith.cmpi ne, %convert_element_type3A_21, %cond3A_22 : i32
    scf.if %cond3A_23 {
      %lt3A = arith.constant 15 : i32
      %lt3A_61 = arith.cmpi slt, %arg1, %lt3A : i32
      %convert_element_type3A_62 = arith.extui %lt3A_61 : i1 to i32
      %cond3A_63 = arith.constant 0 : i32
      %cond3A_64 = arith.cmpi ne, %convert_element_type3A_62, %cond3A_63 : i32
      scf.if %cond3A_64 {
        "tpu.region"() ({
          %run_scoped3A = tpu.sem_alloc : memref<!tpu.dma_semaphore, #tpu.memory_space<semaphore_mem>>
          %dma_start3A = arith.constant 0 : i32
          %dma_start3A_70 = tpu.memref_slice %arg10[%mul3A_0, %dma_start3A] : memref<10000x128xf32, #tpu.memory_space<hbm>> -> memref<624x128xf32, #tpu.memory_space<hbm>>
          %dma_start3A_71 = arith.constant 0 : i32
          %dma_start3A_72 = tpu.memref_slice %arg20[%mul3A_0, %dma_start3A_71] : memref<10000x128xf32, #tpu.memory_space<vmem_shared>> -> memref<624x128xf32, #tpu.memory_space<vmem_shared>>
          tpu.enqueue_dma source(%dma_start3A_72 : memref<624x128xf32, #tpu.memory_space<vmem_shared>>) target(%dma_start3A_70 : memref<624x128xf32, #tpu.memory_space<hbm>>) target_semaphore(%run_scoped3A : memref<!tpu.dma_semaphore, #tpu.memory_space<semaphore_mem>>)
          %dma_wait3A = arith.constant 0 : i32
          %dma_wait3A_73 = tpu.memref_slice %arg10[%mul3A_0, %dma_wait3A] : memref<10000x128xf32, #tpu.memory_space<hbm>> -> memref<624x128xf32, #tpu.memory_space<hbm>>
          %dma_wait3A_74 = arith.constant 0 : i32
          %dma_wait3A_75 = tpu.memref_slice %arg20[%mul3A_0, %dma_wait3A_74] : memref<10000x128xf32, #tpu.memory_space<vmem_shared>> -> memref<624x128xf32, #tpu.memory_space<vmem_shared>>
          tpu.wait_dma2 semaphore(%run_scoped3A : memref<!tpu.dma_semaphore, #tpu.memory_space<semaphore_mem>>) src(%dma_wait3A_75 : memref<624x128xf32, #tpu.memory_space<vmem_shared>>) dst(%dma_wait3A_73 : memref<624x128xf32, #tpu.memory_space<hbm>>)
          tpu.yield
        }) : () -> ()
      } else {
      }
      %eq3A_65 = arith.constant 15 : i32
      %eq3A_66 = arith.cmpi eq, %arg1, %eq3A_65 : i32
      %convert_element_type3A_67 = arith.extui %eq3A_66 : i1 to i32
      %cond3A_68 = arith.constant 0 : i32
      %cond3A_69 = arith.cmpi ne, %convert_element_type3A_67, %cond3A_68 : i32
      scf.if %cond3A_69 {
        "tpu.region"() ({
          %run_scoped3A = tpu.sem_alloc : memref<!tpu.dma_semaphore, #tpu.memory_space<semaphore_mem>>
          %dma_start3A = arith.constant 0 : i32
          %dma_start3A_70 = tpu.memref_slice %arg10[%mul3A_0, %dma_start3A] : memref<10000x128xf32, #tpu.memory_space<hbm>> -> memref<640x128xf32, #tpu.memory_space<hbm>>
          %dma_start3A_71 = arith.constant 0 : i32
          %dma_start3A_72 = tpu.memref_slice %arg20[%mul3A_0, %dma_start3A_71] : memref<10000x128xf32, #tpu.memory_space<vmem_shared>> -> memref<640x128xf32, #tpu.memory_space<vmem_shared>>
          tpu.enqueue_dma source(%dma_start3A_72 : memref<640x128xf32, #tpu.memory_space<vmem_shared>>) target(%dma_start3A_70 : memref<640x128xf32, #tpu.memory_space<hbm>>) target_semaphore(%run_scoped3A : memref<!tpu.dma_semaphore, #tpu.memory_space<semaphore_mem>>)
          %dma_wait3A = arith.constant 0 : i32
          %dma_wait3A_73 = tpu.memref_slice %arg10[%mul3A_0, %dma_wait3A] : memref<10000x128xf32, #tpu.memory_space<hbm>> -> memref<640x128xf32, #tpu.memory_space<hbm>>
          %dma_wait3A_74 = arith.constant 0 : i32
          %dma_wait3A_75 = tpu.memref_slice %arg20[%mul3A_0, %dma_wait3A_74] : memref<10000x128xf32, #tpu.memory_space<vmem_shared>> -> memref<640x128xf32, #tpu.memory_space<vmem_shared>>
          tpu.wait_dma2 semaphore(%run_scoped3A : memref<!tpu.dma_semaphore, #tpu.memory_space<semaphore_mem>>) src(%dma_wait3A_75 : memref<640x128xf32, #tpu.memory_space<vmem_shared>>) dst(%dma_wait3A_73 : memref<640x128xf32, #tpu.memory_space<hbm>>)
          tpu.yield
        }) : () -> ()
      } else {
      }
    } else {
    }
    %eq3A_24 = arith.constant 1 : i32
    %eq3A_25 = arith.cmpi eq, %arg0, %eq3A_24 : i32
    %convert_element_type3A_26 = arith.extui %eq3A_25 : i1 to i32
    %cond3A_27 = arith.constant 0 : i32
    %cond3A_28 = arith.cmpi ne, %convert_element_type3A_26, %cond3A_27 : i32
    scf.if %cond3A_28 {
      %lt3A = arith.constant 15 : i32
      %lt3A_61 = arith.cmpi slt, %arg1, %lt3A : i32
      %convert_element_type3A_62 = arith.extui %lt3A_61 : i1 to i32
      %cond3A_63 = arith.constant 0 : i32
      %cond3A_64 = arith.cmpi ne, %convert_element_type3A_62, %cond3A_63 : i32
      scf.if %cond3A_64 {
        "tpu.region"() ({
          %run_scoped3A = tpu.sem_alloc : memref<!tpu.dma_semaphore, #tpu.memory_space<semaphore_mem>>
          %dma_start3A = arith.constant 0 : i32
          %dma_start3A_70 = tpu.memref_slice %arg11[%mul3A_0, %dma_start3A] : memref<10000x128xf32, #tpu.memory_space<hbm>> -> memref<624x128xf32, #tpu.memory_space<hbm>>
          %dma_start3A_71 = arith.constant 0 : i32
          %dma_start3A_72 = tpu.memref_slice %arg20[%mul3A_0, %dma_start3A_71] : memref<10000x128xf32, #tpu.memory_space<vmem_shared>> -> memref<624x128xf32, #tpu.memory_space<vmem_shared>>
          tpu.enqueue_dma source(%dma_start3A_72 : memref<624x128xf32, #tpu.memory_space<vmem_shared>>) target(%dma_start3A_70 : memref<624x128xf32, #tpu.memory_space<hbm>>) target_semaphore(%run_scoped3A : memref<!tpu.dma_semaphore, #tpu.memory_space<semaphore_mem>>)
          %dma_wait3A = arith.constant 0 : i32
          %dma_wait3A_73 = tpu.memref_slice %arg11[%mul3A_0, %dma_wait3A] : memref<10000x128xf32, #tpu.memory_space<hbm>> -> memref<624x128xf32, #tpu.memory_space<hbm>>
          %dma_wait3A_74 = arith.constant 0 : i32
          %dma_wait3A_75 = tpu.memref_slice %arg20[%mul3A_0, %dma_wait3A_74] : memref<10000x128xf32, #tpu.memory_space<vmem_shared>> -> memref<624x128xf32, #tpu.memory_space<vmem_shared>>
          tpu.wait_dma2 semaphore(%run_scoped3A : memref<!tpu.dma_semaphore, #tpu.memory_space<semaphore_mem>>) src(%dma_wait3A_75 : memref<624x128xf32, #tpu.memory_space<vmem_shared>>) dst(%dma_wait3A_73 : memref<624x128xf32, #tpu.memory_space<hbm>>)
          tpu.yield
        }) : () -> ()
      } else {
      }
      %eq3A_65 = arith.constant 15 : i32
      %eq3A_66 = arith.cmpi eq, %arg1, %eq3A_65 : i32
      %convert_element_type3A_67 = arith.extui %eq3A_66 : i1 to i32
      %cond3A_68 = arith.constant 0 : i32
      %cond3A_69 = arith.cmpi ne, %convert_element_type3A_67, %cond3A_68 : i32
      scf.if %cond3A_69 {
        "tpu.region"() ({
          %run_scoped3A = tpu.sem_alloc : memref<!tpu.dma_semaphore, #tpu.memory_space<semaphore_mem>>
          %dma_start3A = arith.constant 0 : i32
          %dma_start3A_70 = tpu.memref_slice %arg11[%mul3A_0, %dma_start3A] : memref<10000x128xf32, #tpu.memory_space<hbm>> -> memref<640x128xf32, #tpu.memory_space<hbm>>
          %dma_start3A_71 = arith.constant 0 : i32
          %dma_start3A_72 = tpu.memref_slice %arg20[%mul3A_0, %dma_start3A_71] : memref<10000x128xf32, #tpu.memory_space<vmem_shared>> -> memref<640x128xf32, #tpu.memory_space<vmem_shared>>
          tpu.enqueue_dma source(%dma_start3A_72 : memref<640x128xf32, #tpu.memory_space<vmem_shared>>) target(%dma_start3A_70 : memref<640x128xf32, #tpu.memory_space<hbm>>) target_semaphore(%run_scoped3A : memref<!tpu.dma_semaphore, #tpu.memory_space<semaphore_mem>>)
          %dma_wait3A = arith.constant 0 : i32
          %dma_wait3A_73 = tpu.memref_slice %arg11[%mul3A_0, %dma_wait3A] : memref<10000x128xf32, #tpu.memory_space<hbm>> -> memref<640x128xf32, #tpu.memory_space<hbm>>
          %dma_wait3A_74 = arith.constant 0 : i32
          %dma_wait3A_75 = tpu.memref_slice %arg20[%mul3A_0, %dma_wait3A_74] : memref<10000x128xf32, #tpu.memory_space<vmem_shared>> -> memref<640x128xf32, #tpu.memory_space<vmem_shared>>
          tpu.wait_dma2 semaphore(%run_scoped3A : memref<!tpu.dma_semaphore, #tpu.memory_space<semaphore_mem>>) src(%dma_wait3A_75 : memref<640x128xf32, #tpu.memory_space<vmem_shared>>) dst(%dma_wait3A_73 : memref<640x128xf32, #tpu.memory_space<hbm>>)
          tpu.yield
        }) : () -> ()
      } else {
      }
    } else {
    }
    %barrier3A_29 = arith.constant 0 : index
    tpu.barrier barrier_id(%barrier3A_29)
    %eq3A_30 = arith.constant 0 : i32
    %eq3A_31 = arith.cmpi eq, %arg0, %eq3A_30 : i32
    %convert_element_type3A_32 = arith.extui %eq3A_31 : i1 to i32
    %cond3A_33 = arith.constant 0 : i32
    %cond3A_34 = arith.cmpi ne, %convert_element_type3A_32, %cond3A_33 : i32
    scf.if %cond3A_34 {
      %lt3A = arith.constant 15 : i32
      %lt3A_61 = arith.cmpi slt, %arg1, %lt3A : i32
      %convert_element_type3A_62 = arith.extui %lt3A_61 : i1 to i32
      %cond3A_63 = arith.constant 0 : i32
      %cond3A_64 = arith.cmpi ne, %convert_element_type3A_62, %cond3A_63 : i32
      scf.if %cond3A_64 {
        "tpu.region"() ({
          %run_scoped3A = tpu.sem_alloc : memref<!tpu.dma_semaphore, #tpu.memory_space<semaphore_mem>>
          %dma_start3A = arith.constant 0 : i32
          %dma_start3A_70 = tpu.memref_slice %arg20[%mul3A_0, %dma_start3A] : memref<10000x128xf32, #tpu.memory_space<vmem_shared>> -> memref<624x128xf32, #tpu.memory_space<vmem_shared>>
          %dma_start3A_71 = arith.constant 0 : i32
          %dma_start3A_72 = tpu.memref_slice %arg4[%mul3A_0, %dma_start3A_71] : memref<10000x128xf32, #tpu.memory_space<hbm>> -> memref<624x128xf32, #tpu.memory_space<hbm>>
          tpu.enqueue_dma source(%dma_start3A_72 : memref<624x128xf32, #tpu.memory_space<hbm>>) target(%dma_start3A_70 : memref<624x128xf32, #tpu.memory_space<vmem_shared>>) target_semaphore(%run_scoped3A : memref<!tpu.dma_semaphore, #tpu.memory_space<semaphore_mem>>)
          %dma_wait3A = arith.constant 0 : i32
          %dma_wait3A_73 = tpu.memref_slice %arg20[%mul3A_0, %dma_wait3A] : memref<10000x128xf32, #tpu.memory_space<vmem_shared>> -> memref<624x128xf32, #tpu.memory_space<vmem_shared>>
          %dma_wait3A_74 = arith.constant 0 : i32
          %dma_wait3A_75 = tpu.memref_slice %arg4[%mul3A_0, %dma_wait3A_74] : memref<10000x128xf32, #tpu.memory_space<hbm>> -> memref<624x128xf32, #tpu.memory_space<hbm>>
          tpu.wait_dma2 semaphore(%run_scoped3A : memref<!tpu.dma_semaphore, #tpu.memory_space<semaphore_mem>>) src(%dma_wait3A_75 : memref<624x128xf32, #tpu.memory_space<hbm>>) dst(%dma_wait3A_73 : memref<624x128xf32, #tpu.memory_space<vmem_shared>>)
          tpu.yield
        }) : () -> ()
      } else {
      }
      %eq3A_65 = arith.constant 15 : i32
      %eq3A_66 = arith.cmpi eq, %arg1, %eq3A_65 : i32
      %convert_element_type3A_67 = arith.extui %eq3A_66 : i1 to i32
      %cond3A_68 = arith.constant 0 : i32
      %cond3A_69 = arith.cmpi ne, %convert_element_type3A_67, %cond3A_68 : i32
      scf.if %cond3A_69 {
        "tpu.region"() ({
          %run_scoped3A = tpu.sem_alloc : memref<!tpu.dma_semaphore, #tpu.memory_space<semaphore_mem>>
          %dma_start3A = arith.constant 0 : i32
          %dma_start3A_70 = tpu.memref_slice %arg20[%mul3A_0, %dma_start3A] : memref<10000x128xf32, #tpu.memory_space<vmem_shared>> -> memref<640x128xf32, #tpu.memory_space<vmem_shared>>
          %dma_start3A_71 = arith.constant 0 : i32
          %dma_start3A_72 = tpu.memref_slice %arg4[%mul3A_0, %dma_start3A_71] : memref<10000x128xf32, #tpu.memory_space<hbm>> -> memref<640x128xf32, #tpu.memory_space<hbm>>
          tpu.enqueue_dma source(%dma_start3A_72 : memref<640x128xf32, #tpu.memory_space<hbm>>) target(%dma_start3A_70 : memref<640x128xf32, #tpu.memory_space<vmem_shared>>) target_semaphore(%run_scoped3A : memref<!tpu.dma_semaphore, #tpu.memory_space<semaphore_mem>>)
          %dma_wait3A = arith.constant 0 : i32
          %dma_wait3A_73 = tpu.memref_slice %arg20[%mul3A_0, %dma_wait3A] : memref<10000x128xf32, #tpu.memory_space<vmem_shared>> -> memref<640x128xf32, #tpu.memory_space<vmem_shared>>
          %dma_wait3A_74 = arith.constant 0 : i32
          %dma_wait3A_75 = tpu.memref_slice %arg4[%mul3A_0, %dma_wait3A_74] : memref<10000x128xf32, #tpu.memory_space<hbm>> -> memref<640x128xf32, #tpu.memory_space<hbm>>
          tpu.wait_dma2 semaphore(%run_scoped3A : memref<!tpu.dma_semaphore, #tpu.memory_space<semaphore_mem>>) src(%dma_wait3A_75 : memref<640x128xf32, #tpu.memory_space<hbm>>) dst(%dma_wait3A_73 : memref<640x128xf32, #tpu.memory_space<vmem_shared>>)
          tpu.yield
        }) : () -> ()
      } else {
      }
    } else {
    }
    %eq3A_35 = arith.constant 1 : i32
    %eq3A_36 = arith.cmpi eq, %arg0, %eq3A_35 : i32
    %convert_element_type3A_37 = arith.extui %eq3A_36 : i1 to i32
    %cond3A_38 = arith.constant 0 : i32
    %cond3A_39 = arith.cmpi ne, %convert_element_type3A_37, %cond3A_38 : i32
    scf.if %cond3A_39 {
      %lt3A = arith.constant 15 : i32
      %lt3A_61 = arith.cmpi slt, %arg1, %lt3A : i32
      %convert_element_type3A_62 = arith.extui %lt3A_61 : i1 to i32
      %cond3A_63 = arith.constant 0 : i32
      %cond3A_64 = arith.cmpi ne, %convert_element_type3A_62, %cond3A_63 : i32
      scf.if %cond3A_64 {
        "tpu.region"() ({
          %run_scoped3A = tpu.sem_alloc : memref<!tpu.dma_semaphore, #tpu.memory_space<semaphore_mem>>
          %dma_start3A = arith.constant 0 : i32
          %dma_start3A_70 = tpu.memref_slice %arg20[%mul3A_0, %dma_start3A] : memref<10000x128xf32, #tpu.memory_space<vmem_shared>> -> memref<624x128xf32, #tpu.memory_space<vmem_shared>>
          %dma_start3A_71 = arith.constant 0 : i32
          %dma_start3A_72 = tpu.memref_slice %arg5[%mul3A_0, %dma_start3A_71] : memref<10000x128xf32, #tpu.memory_space<hbm>> -> memref<624x128xf32, #tpu.memory_space<hbm>>
          tpu.enqueue_dma source(%dma_start3A_72 : memref<624x128xf32, #tpu.memory_space<hbm>>) target(%dma_start3A_70 : memref<624x128xf32, #tpu.memory_space<vmem_shared>>) target_semaphore(%run_scoped3A : memref<!tpu.dma_semaphore, #tpu.memory_space<semaphore_mem>>)
          %dma_wait3A = arith.constant 0 : i32
          %dma_wait3A_73 = tpu.memref_slice %arg20[%mul3A_0, %dma_wait3A] : memref<10000x128xf32, #tpu.memory_space<vmem_shared>> -> memref<624x128xf32, #tpu.memory_space<vmem_shared>>
          %dma_wait3A_74 = arith.constant 0 : i32
          %dma_wait3A_75 = tpu.memref_slice %arg5[%mul3A_0, %dma_wait3A_74] : memref<10000x128xf32, #tpu.memory_space<hbm>> -> memref<624x128xf32, #tpu.memory_space<hbm>>
          tpu.wait_dma2 semaphore(%run_scoped3A : memref<!tpu.dma_semaphore, #tpu.memory_space<semaphore_mem>>) src(%dma_wait3A_75 : memref<624x128xf32, #tpu.memory_space<hbm>>) dst(%dma_wait3A_73 : memref<624x128xf32, #tpu.memory_space<vmem_shared>>)
          tpu.yield
        }) : () -> ()
      } else {
      }
      %eq3A_65 = arith.constant 15 : i32
      %eq3A_66 = arith.cmpi eq, %arg1, %eq3A_65 : i32
      %convert_element_type3A_67 = arith.extui %eq3A_66 : i1 to i32
      %cond3A_68 = arith.constant 0 : i32
      %cond3A_69 = arith.cmpi ne, %convert_element_type3A_67, %cond3A_68 : i32
      scf.if %cond3A_69 {
        "tpu.region"() ({
          %run_scoped3A = tpu.sem_alloc : memref<!tpu.dma_semaphore, #tpu.memory_space<semaphore_mem>>
          %dma_start3A = arith.constant 0 : i32
          %dma_start3A_70 = tpu.memref_slice %arg20[%mul3A_0, %dma_start3A] : memref<10000x128xf32, #tpu.memory_space<vmem_shared>> -> memref<640x128xf32, #tpu.memory_space<vmem_shared>>
          %dma_start3A_71 = arith.constant 0 : i32
          %dma_start3A_72 = tpu.memref_slice %arg5[%mul3A_0, %dma_start3A_71] : memref<10000x128xf32, #tpu.memory_space<hbm>> -> memref<640x128xf32, #tpu.memory_space<hbm>>
          tpu.enqueue_dma source(%dma_start3A_72 : memref<640x128xf32, #tpu.memory_space<hbm>>) target(%dma_start3A_70 : memref<640x128xf32, #tpu.memory_space<vmem_shared>>) target_semaphore(%run_scoped3A : memref<!tpu.dma_semaphore, #tpu.memory_space<semaphore_mem>>)
          %dma_wait3A = arith.constant 0 : i32
          %dma_wait3A_73 = tpu.memref_slice %arg20[%mul3A_0, %dma_wait3A] : memref<10000x128xf32, #tpu.memory_space<vmem_shared>> -> memref<640x128xf32, #tpu.memory_space<vmem_shared>>
          %dma_wait3A_74 = arith.constant 0 : i32
          %dma_wait3A_75 = tpu.memref_slice %arg5[%mul3A_0, %dma_wait3A_74] : memref<10000x128xf32, #tpu.memory_space<hbm>> -> memref<640x128xf32, #tpu.memory_space<hbm>>
          tpu.wait_dma2 semaphore(%run_scoped3A : memref<!tpu.dma_semaphore, #tpu.memory_space<semaphore_mem>>) src(%dma_wait3A_75 : memref<640x128xf32, #tpu.memory_space<hbm>>) dst(%dma_wait3A_73 : memref<640x128xf32, #tpu.memory_space<vmem_shared>>)
          tpu.yield
        }) : () -> ()
      } else {
      }
    } else {
    }
    %barrier3A_40 = arith.constant 0 : index
    tpu.barrier barrier_id(%barrier3A_40)
    %mul3A_41 = arith.constant 160000 : i32
    %mul3A_42 = arith.muli %arg0, %mul3A_41 : i32
    %mul3A_43 = arith.constant 10000 : i32
    %mul3A_44 = arith.muli %arg1, %mul3A_43 : i32
    %add3A = arith.addi %mul3A_42, %mul3A_44 : i32
    %scan3A = arith.constant 0 : i32
    %scan3A_45 = arith.constant 0 : i32
    %scan3A_46 = arith.constant 50 : i32
    %scan3A_47 = arith.addi %scan3A_45, %scan3A_46 : i32
    %scan3A_48 = arith.constant 1 : i32
    scf.for %scan3A_61 = %scan3A_45 to %scan3A_47 step %scan3A_48  : i32 {
      %mul3A_62 = arith.constant 200 : i32
      %mul3A_63 = arith.muli %scan3A_61, %mul3A_62 : i32
      %add3A_64 = arith.addi %add3A, %mul3A_63 : i32
      %add3A_65 = arith.constant 0 : i32
      %add3A_66 = arith.addi %add3A_64, %add3A_65 : i32
      "tpu.region"() ({
        %run_scoped3A = tpu.sem_alloc : memref<!tpu.dma_semaphore, #tpu.memory_space<semaphore_mem>>
        %dma_start3A_133 = tpu.memref_slice %arg6[%add3A_66] : memref<320000xi32, #tpu.memory_space<hbm>> -> memref<40xi32, #tpu.memory_space<hbm>>
        %dma_start3A_134 = tpu.memref_slice %arg6[%add3A_66] : memref<320000xi32, #tpu.memory_space<hbm>> -> memref<40xi32, #tpu.memory_space<hbm>>
        tpu.enqueue_dma source(%dma_start3A_134 : memref<40xi32, #tpu.memory_space<hbm>>) target(%arg14 : memref<40xi32, #tpu.memory_space<vmem>>) target_semaphore(%run_scoped3A : memref<!tpu.dma_semaphore, #tpu.memory_space<semaphore_mem>>)
        %dma_wait3A_135 = tpu.memref_slice %arg6[%add3A_66] : memref<320000xi32, #tpu.memory_space<hbm>> -> memref<40xi32, #tpu.memory_space<hbm>>
        %dma_wait3A_136 = tpu.memref_slice %arg6[%add3A_66] : memref<320000xi32, #tpu.memory_space<hbm>> -> memref<40xi32, #tpu.memory_space<hbm>>
        tpu.wait_dma2 semaphore(%run_scoped3A : memref<!tpu.dma_semaphore, #tpu.memory_space<semaphore_mem>>) src(%dma_wait3A_136 : memref<40xi32, #tpu.memory_space<hbm>>) dst(%arg14 : memref<40xi32, #tpu.memory_space<vmem>>)
        tpu.yield
      }) : () -> ()
      %add3A_67 = arith.constant 40 : i32
      %add3A_68 = arith.addi %add3A_64, %add3A_67 : i32
      "tpu.region"() ({
        %run_scoped3A = tpu.sem_alloc : memref<!tpu.dma_semaphore, #tpu.memory_space<semaphore_mem>>
        %dma_start3A_133 = tpu.memref_slice %arg6[%add3A_68] : memref<320000xi32, #tpu.memory_space<hbm>> -> memref<40xi32, #tpu.memory_space<hbm>>
        %dma_start3A_134 = tpu.memref_slice %arg6[%add3A_68] : memref<320000xi32, #tpu.memory_space<hbm>> -> memref<40xi32, #tpu.memory_space<hbm>>
        tpu.enqueue_dma source(%dma_start3A_134 : memref<40xi32, #tpu.memory_space<hbm>>) target(%arg15 : memref<40xi32, #tpu.memory_space<vmem>>) target_semaphore(%run_scoped3A : memref<!tpu.dma_semaphore, #tpu.memory_space<semaphore_mem>>)
        %dma_wait3A_135 = tpu.memref_slice %arg6[%add3A_68] : memref<320000xi32, #tpu.memory_space<hbm>> -> memref<40xi32, #tpu.memory_space<hbm>>
        %dma_wait3A_136 = tpu.memref_slice %arg6[%add3A_68] : memref<320000xi32, #tpu.memory_space<hbm>> -> memref<40xi32, #tpu.memory_space<hbm>>
        tpu.wait_dma2 semaphore(%run_scoped3A : memref<!tpu.dma_semaphore, #tpu.memory_space<semaphore_mem>>) src(%dma_wait3A_136 : memref<40xi32, #tpu.memory_space<hbm>>) dst(%arg15 : memref<40xi32, #tpu.memory_space<vmem>>)
        tpu.yield
      }) : () -> ()
      %add3A_69 = arith.constant 80 : i32
      %add3A_70 = arith.addi %add3A_64, %add3A_69 : i32
      "tpu.region"() ({
        %run_scoped3A = tpu.sem_alloc : memref<!tpu.dma_semaphore, #tpu.memory_space<semaphore_mem>>
        %dma_start3A_133 = tpu.memref_slice %arg6[%add3A_70] : memref<320000xi32, #tpu.memory_space<hbm>> -> memref<40xi32, #tpu.memory_space<hbm>>
        %dma_start3A_134 = tpu.memref_slice %arg6[%add3A_70] : memref<320000xi32, #tpu.memory_space<hbm>> -> memref<40xi32, #tpu.memory_space<hbm>>
        tpu.enqueue_dma source(%dma_start3A_134 : memref<40xi32, #tpu.memory_space<hbm>>) target(%arg16 : memref<40xi32, #tpu.memory_space<vmem>>) target_semaphore(%run_scoped3A : memref<!tpu.dma_semaphore, #tpu.memory_space<semaphore_mem>>)
        %dma_wait3A_135 = tpu.memref_slice %arg6[%add3A_70] : memref<320000xi32, #tpu.memory_space<hbm>> -> memref<40xi32, #tpu.memory_space<hbm>>
        %dma_wait3A_136 = tpu.memref_slice %arg6[%add3A_70] : memref<320000xi32, #tpu.memory_space<hbm>> -> memref<40xi32, #tpu.memory_space<hbm>>
        tpu.wait_dma2 semaphore(%run_scoped3A : memref<!tpu.dma_semaphore, #tpu.memory_space<semaphore_mem>>) src(%dma_wait3A_136 : memref<40xi32, #tpu.memory_space<hbm>>) dst(%arg16 : memref<40xi32, #tpu.memory_space<vmem>>)
        tpu.yield
      }) : () -> ()
      %add3A_71 = arith.constant 120 : i32
      %add3A_72 = arith.addi %add3A_64, %add3A_71 : i32
      "tpu.region"() ({
        %run_scoped3A = tpu.sem_alloc : memref<!tpu.dma_semaphore, #tpu.memory_space<semaphore_mem>>
        %dma_start3A_133 = tpu.memref_slice %arg6[%add3A_72] : memref<320000xi32, #tpu.memory_space<hbm>> -> memref<40xi32, #tpu.memory_space<hbm>>
        %dma_start3A_134 = tpu.memref_slice %arg6[%add3A_72] : memref<320000xi32, #tpu.memory_space<hbm>> -> memref<40xi32, #tpu.memory_space<hbm>>
        tpu.enqueue_dma source(%dma_start3A_134 : memref<40xi32, #tpu.memory_space<hbm>>) target(%arg17 : memref<40xi32, #tpu.memory_space<vmem>>) target_semaphore(%run_scoped3A : memref<!tpu.dma_semaphore, #tpu.memory_space<semaphore_mem>>)
        %dma_wait3A_135 = tpu.memref_slice %arg6[%add3A_72] : memref<320000xi32, #tpu.memory_space<hbm>> -> memref<40xi32, #tpu.memory_space<hbm>>
        %dma_wait3A_136 = tpu.memref_slice %arg6[%add3A_72] : memref<320000xi32, #tpu.memory_space<hbm>> -> memref<40xi32, #tpu.memory_space<hbm>>
        tpu.wait_dma2 semaphore(%run_scoped3A : memref<!tpu.dma_semaphore, #tpu.memory_space<semaphore_mem>>) src(%dma_wait3A_136 : memref<40xi32, #tpu.memory_space<hbm>>) dst(%arg17 : memref<40xi32, #tpu.memory_space<vmem>>)
        tpu.yield
      }) : () -> ()
      %add3A_73 = arith.constant 160 : i32
      %add3A_74 = arith.addi %add3A_64, %add3A_73 : i32
      "tpu.region"() ({
        %run_scoped3A = tpu.sem_alloc : memref<!tpu.dma_semaphore, #tpu.memory_space<semaphore_mem>>
        %dma_start3A_133 = tpu.memref_slice %arg6[%add3A_74] : memref<320000xi32, #tpu.memory_space<hbm>> -> memref<40xi32, #tpu.memory_space<hbm>>
        %dma_start3A_134 = tpu.memref_slice %arg6[%add3A_74] : memref<320000xi32, #tpu.memory_space<hbm>> -> memref<40xi32, #tpu.memory_space<hbm>>
        tpu.enqueue_dma source(%dma_start3A_134 : memref<40xi32, #tpu.memory_space<hbm>>) target(%arg18 : memref<40xi32, #tpu.memory_space<vmem>>) target_semaphore(%run_scoped3A : memref<!tpu.dma_semaphore, #tpu.memory_space<semaphore_mem>>)
        %dma_wait3A_135 = tpu.memref_slice %arg6[%add3A_74] : memref<320000xi32, #tpu.memory_space<hbm>> -> memref<40xi32, #tpu.memory_space<hbm>>
        %dma_wait3A_136 = tpu.memref_slice %arg6[%add3A_74] : memref<320000xi32, #tpu.memory_space<hbm>> -> memref<40xi32, #tpu.memory_space<hbm>>
        tpu.wait_dma2 semaphore(%run_scoped3A : memref<!tpu.dma_semaphore, #tpu.memory_space<semaphore_mem>>) src(%dma_wait3A_136 : memref<40xi32, #tpu.memory_space<hbm>>) dst(%arg18 : memref<40xi32, #tpu.memory_space<vmem>>)
        tpu.yield
      }) : () -> ()
      "tpu.region"() ({
        %run_scoped3A = tpu.sem_alloc : memref<!tpu.dma_semaphore, #tpu.memory_space<semaphore_mem>>
        %dma_start3A_133 = arith.constant 0 : i32
        %dma_start3A_134 = tpu.memref_slice %arg9[%add3A_64, %dma_start3A_133] : memref<320000x128xf32, #tpu.memory_space<hbm>> -> memref<200x128xf32, #tpu.memory_space<hbm>>
        %dma_start3A_135 = arith.constant 0 : i32
        %dma_start3A_136 = tpu.memref_slice %arg9[%add3A_64, %dma_start3A_135] : memref<320000x128xf32, #tpu.memory_space<hbm>> -> memref<200x128xf32, #tpu.memory_space<hbm>>
        tpu.enqueue_dma source(%dma_start3A_136 : memref<200x128xf32, #tpu.memory_space<hbm>>) target(%arg19 : memref<200x128xf32, #tpu.memory_space<vmem>>) target_semaphore(%run_scoped3A : memref<!tpu.dma_semaphore, #tpu.memory_space<semaphore_mem>>)
        %dma_wait3A_137 = arith.constant 0 : i32
        %dma_wait3A_138 = tpu.memref_slice %arg9[%add3A_64, %dma_wait3A_137] : memref<320000x128xf32, #tpu.memory_space<hbm>> -> memref<200x128xf32, #tpu.memory_space<hbm>>
        %dma_wait3A_139 = arith.constant 0 : i32
        %dma_wait3A_140 = tpu.memref_slice %arg9[%add3A_64, %dma_wait3A_139] : memref<320000x128xf32, #tpu.memory_space<hbm>> -> memref<200x128xf32, #tpu.memory_space<hbm>>
        tpu.wait_dma2 semaphore(%run_scoped3A : memref<!tpu.dma_semaphore, #tpu.memory_space<semaphore_mem>>) src(%dma_wait3A_140 : memref<200x128xf32, #tpu.memory_space<hbm>>) dst(%arg19 : memref<200x128xf32, #tpu.memory_space<vmem>>)
        tpu.yield
      }) : () -> ()
      %dma_start3A = arith.constant 0 : i32
      %dma_start3A_75 = arith.constant 0 : i32
      %dma_start3A_76 = tpu.memref_slice %arg19[%dma_start3A, %dma_start3A_75] : memref<200x128xf32, #tpu.memory_space<vmem>> -> memref<40x128xf32, #tpu.memory_space<vmem>>
      %dma_start3A_77 = arith.constant 0 : i32
      %dma_start3A_78 = arith.constant 0 : i32
      %dma_start3A_79 = tpu.memref_slice %arg20[%dma_start3A_77, %dma_start3A_78] : memref<10000x128xf32, #tpu.memory_space<vmem_shared>> -> memref<10000x128xf32, #tpu.memory_space<vmem_shared>>
      tpu.enqueue_indirect_dma source(%dma_start3A_76 : memref<40x128xf32, #tpu.memory_space<vmem>>) target(%dma_start3A_79 : memref<10000x128xf32, #tpu.memory_space<vmem_shared>>) offsets(%arg14 : memref<40xi32, #tpu.memory_space<vmem>>) semaphore(%arg21 : memref<!tpu.dma_semaphore, #tpu.memory_space<semaphore_mem>>) {add = true}
      %dma_start3A_80 = arith.constant 40 : i32
      %dma_start3A_81 = arith.constant 0 : i32
      %dma_start3A_82 = tpu.memref_slice %arg19[%dma_start3A_80, %dma_start3A_81] : memref<200x128xf32, #tpu.memory_space<vmem>> -> memref<40x128xf32, #tpu.memory_space<vmem>>
      %dma_start3A_83 = arith.constant 0 : i32
      %dma_start3A_84 = arith.constant 0 : i32
      %dma_start3A_85 = tpu.memref_slice %arg20[%dma_start3A_83, %dma_start3A_84] : memref<10000x128xf32, #tpu.memory_space<vmem_shared>> -> memref<10000x128xf32, #tpu.memory_space<vmem_shared>>
      tpu.enqueue_indirect_dma source(%dma_start3A_82 : memref<40x128xf32, #tpu.memory_space<vmem>>) target(%dma_start3A_85 : memref<10000x128xf32, #tpu.memory_space<vmem_shared>>) offsets(%arg15 : memref<40xi32, #tpu.memory_space<vmem>>) semaphore(%arg21 : memref<!tpu.dma_semaphore, #tpu.memory_space<semaphore_mem>>) {add = true}
      %dma_start3A_86 = arith.constant 80 : i32
      %dma_start3A_87 = arith.constant 0 : i32
      %dma_start3A_88 = tpu.memref_slice %arg19[%dma_start3A_86, %dma_start3A_87] : memref<200x128xf32, #tpu.memory_space<vmem>> -> memref<40x128xf32, #tpu.memory_space<vmem>>
      %dma_start3A_89 = arith.constant 0 : i32
      %dma_start3A_90 = arith.constant 0 : i32
      %dma_start3A_91 = tpu.memref_slice %arg20[%dma_start3A_89, %dma_start3A_90] : memref<10000x128xf32, #tpu.memory_space<vmem_shared>> -> memref<10000x128xf32, #tpu.memory_space<vmem_shared>>
      tpu.enqueue_indirect_dma source(%dma_start3A_88 : memref<40x128xf32, #tpu.memory_space<vmem>>) target(%dma_start3A_91 : memref<10000x128xf32, #tpu.memory_space<vmem_shared>>) offsets(%arg16 : memref<40xi32, #tpu.memory_space<vmem>>) semaphore(%arg21 : memref<!tpu.dma_semaphore, #tpu.memory_space<semaphore_mem>>) {add = true}
      %dma_start3A_92 = arith.constant 120 : i32
      %dma_start3A_93 = arith.constant 0 : i32
      %dma_start3A_94 = tpu.memref_slice %arg19[%dma_start3A_92, %dma_start3A_93] : memref<200x128xf32, #tpu.memory_space<vmem>> -> memref<40x128xf32, #tpu.memory_space<vmem>>
      %dma_start3A_95 = arith.constant 0 : i32
      %dma_start3A_96 = arith.constant 0 : i32
      %dma_start3A_97 = tpu.memref_slice %arg20[%dma_start3A_95, %dma_start3A_96] : memref<10000x128xf32, #tpu.memory_space<vmem_shared>> -> memref<10000x128xf32, #tpu.memory_space<vmem_shared>>
      tpu.enqueue_indirect_dma source(%dma_start3A_94 : memref<40x128xf32, #tpu.memory_space<vmem>>) target(%dma_start3A_97 : memref<10000x128xf32, #tpu.memory_space<vmem_shared>>) offsets(%arg17 : memref<40xi32, #tpu.memory_space<vmem>>) semaphore(%arg21 : memref<!tpu.dma_semaphore, #tpu.memory_space<semaphore_mem>>) {add = true}
      %dma_start3A_98 = arith.constant 160 : i32
      %dma_start3A_99 = arith.constant 0 : i32
      %dma_start3A_100 = tpu.memref_slice %arg19[%dma_start3A_98, %dma_start3A_99] : memref<200x128xf32, #tpu.memory_space<vmem>> -> memref<40x128xf32, #tpu.memory_space<vmem>>
      %dma_start3A_101 = arith.constant 0 : i32
      %dma_start3A_102 = arith.constant 0 : i32
      %dma_start3A_103 = tpu.memref_slice %arg20[%dma_start3A_101, %dma_start3A_102] : memref<10000x128xf32, #tpu.memory_space<vmem_shared>> -> memref<10000x128xf32, #tpu.memory_space<vmem_shared>>
      tpu.enqueue_indirect_dma source(%dma_start3A_100 : memref<40x128xf32, #tpu.memory_space<vmem>>) target(%dma_start3A_103 : memref<10000x128xf32, #tpu.memory_space<vmem_shared>>) offsets(%arg18 : memref<40xi32, #tpu.memory_space<vmem>>) semaphore(%arg21 : memref<!tpu.dma_semaphore, #tpu.memory_space<semaphore_mem>>) {add = true}
      %dma_wait3A = arith.constant 0 : i32
      %dma_wait3A_104 = arith.constant 0 : i32
      %dma_wait3A_105 = tpu.memref_slice %arg19[%dma_wait3A, %dma_wait3A_104] : memref<200x128xf32, #tpu.memory_space<vmem>> -> memref<40x128xf32, #tpu.memory_space<vmem>>
      %dma_wait3A_106 = arith.constant 0 : i32
      %dma_wait3A_107 = arith.constant 0 : i32
      %dma_wait3A_108 = tpu.memref_slice %arg20[%dma_wait3A_106, %dma_wait3A_107] : memref<10000x128xf32, #tpu.memory_space<vmem_shared>> -> memref<10000x128xf32, #tpu.memory_space<vmem_shared>>
      tpu.wait_indirect_dma semaphore(%arg21 : memref<!tpu.dma_semaphore, #tpu.memory_space<semaphore_mem>>) src(%dma_wait3A_105 : memref<40x128xf32, #tpu.memory_space<vmem>>) dst(%dma_wait3A_108 : memref<10000x128xf32, #tpu.memory_space<vmem_shared>>)
      %dma_wait3A_109 = arith.constant 40 : i32
      %dma_wait3A_110 = arith.constant 0 : i32
      %dma_wait3A_111 = tpu.memref_slice %arg19[%dma_wait3A_109, %dma_wait3A_110] : memref<200x128xf32, #tpu.memory_space<vmem>> -> memref<40x128xf32, #tpu.memory_space<vmem>>
      %dma_wait3A_112 = arith.constant 0 : i32
      %dma_wait3A_113 = arith.constant 0 : i32
      %dma_wait3A_114 = tpu.memref_slice %arg20[%dma_wait3A_112, %dma_wait3A_113] : memref<10000x128xf32, #tpu.memory_space<vmem_shared>> -> memref<10000x128xf32, #tpu.memory_space<vmem_shared>>
      tpu.wait_indirect_dma semaphore(%arg21 : memref<!tpu.dma_semaphore, #tpu.memory_space<semaphore_mem>>) src(%dma_wait3A_111 : memref<40x128xf32, #tpu.memory_space<vmem>>) dst(%dma_wait3A_114 : memref<10000x128xf32, #tpu.memory_space<vmem_shared>>)
      %dma_wait3A_115 = arith.constant 80 : i32
      %dma_wait3A_116 = arith.constant 0 : i32
      %dma_wait3A_117 = tpu.memref_slice %arg19[%dma_wait3A_115, %dma_wait3A_116] : memref<200x128xf32, #tpu.memory_space<vmem>> -> memref<40x128xf32, #tpu.memory_space<vmem>>
      %dma_wait3A_118 = arith.constant 0 : i32
      %dma_wait3A_119 = arith.constant 0 : i32
      %dma_wait3A_120 = tpu.memref_slice %arg20[%dma_wait3A_118, %dma_wait3A_119] : memref<10000x128xf32, #tpu.memory_space<vmem_shared>> -> memref<10000x128xf32, #tpu.memory_space<vmem_shared>>
      tpu.wait_indirect_dma semaphore(%arg21 : memref<!tpu.dma_semaphore, #tpu.memory_space<semaphore_mem>>) src(%dma_wait3A_117 : memref<40x128xf32, #tpu.memory_space<vmem>>) dst(%dma_wait3A_120 : memref<10000x128xf32, #tpu.memory_space<vmem_shared>>)
      %dma_wait3A_121 = arith.constant 120 : i32
      %dma_wait3A_122 = arith.constant 0 : i32
      %dma_wait3A_123 = tpu.memref_slice %arg19[%dma_wait3A_121, %dma_wait3A_122] : memref<200x128xf32, #tpu.memory_space<vmem>> -> memref<40x128xf32, #tpu.memory_space<vmem>>
      %dma_wait3A_124 = arith.constant 0 : i32
      %dma_wait3A_125 = arith.constant 0 : i32
      %dma_wait3A_126 = tpu.memref_slice %arg20[%dma_wait3A_124, %dma_wait3A_125] : memref<10000x128xf32, #tpu.memory_space<vmem_shared>> -> memref<10000x128xf32, #tpu.memory_space<vmem_shared>>
      tpu.wait_indirect_dma semaphore(%arg21 : memref<!tpu.dma_semaphore, #tpu.memory_space<semaphore_mem>>) src(%dma_wait3A_123 : memref<40x128xf32, #tpu.memory_space<vmem>>) dst(%dma_wait3A_126 : memref<10000x128xf32, #tpu.memory_space<vmem_shared>>)
      %dma_wait3A_127 = arith.constant 160 : i32
      %dma_wait3A_128 = arith.constant 0 : i32
      %dma_wait3A_129 = tpu.memref_slice %arg19[%dma_wait3A_127, %dma_wait3A_128] : memref<200x128xf32, #tpu.memory_space<vmem>> -> memref<40x128xf32, #tpu.memory_space<vmem>>
      %dma_wait3A_130 = arith.constant 0 : i32
      %dma_wait3A_131 = arith.constant 0 : i32
      %dma_wait3A_132 = tpu.memref_slice %arg20[%dma_wait3A_130, %dma_wait3A_131] : memref<10000x128xf32, #tpu.memory_space<vmem_shared>> -> memref<10000x128xf32, #tpu.memory_space<vmem_shared>>
      tpu.wait_indirect_dma semaphore(%arg21 : memref<!tpu.dma_semaphore, #tpu.memory_space<semaphore_mem>>) src(%dma_wait3A_129 : memref<40x128xf32, #tpu.memory_space<vmem>>) dst(%dma_wait3A_132 : memref<10000x128xf32, #tpu.memory_space<vmem_shared>>)
    }
    %scan3A_49 = arith.constant 50 : i32
    %barrier3A_50 = arith.constant 0 : index
    tpu.barrier barrier_id(%barrier3A_50)
    %eq3A_51 = arith.constant 0 : i32
    %eq3A_52 = arith.cmpi eq, %arg0, %eq3A_51 : i32
    %convert_element_type3A_53 = arith.extui %eq3A_52 : i1 to i32
    %cond3A_54 = arith.constant 0 : i32
    %cond3A_55 = arith.cmpi ne, %convert_element_type3A_53, %cond3A_54 : i32
    scf.if %cond3A_55 {
      %lt3A = arith.constant 15 : i32
      %lt3A_61 = arith.cmpi slt, %arg1, %lt3A : i32
      %convert_element_type3A_62 = arith.extui %lt3A_61 : i1 to i32
      %cond3A_63 = arith.constant 0 : i32
      %cond3A_64 = arith.cmpi ne, %convert_element_type3A_62, %cond3A_63 : i32
      scf.if %cond3A_64 {
        "tpu.region"() ({
          %run_scoped3A = tpu.sem_alloc : memref<!tpu.dma_semaphore, #tpu.memory_space<semaphore_mem>>
          %dma_start3A = arith.constant 0 : i32
          %dma_start3A_70 = tpu.memref_slice %arg12[%mul3A_0, %dma_start3A] : memref<10000x128xf32, #tpu.memory_space<hbm>> -> memref<624x128xf32, #tpu.memory_space<hbm>>
          %dma_start3A_71 = arith.constant 0 : i32
          %dma_start3A_72 = tpu.memref_slice %arg20[%mul3A_0, %dma_start3A_71] : memref<10000x128xf32, #tpu.memory_space<vmem_shared>> -> memref<624x128xf32, #tpu.memory_space<vmem_shared>>
          tpu.enqueue_dma source(%dma_start3A_72 : memref<624x128xf32, #tpu.memory_space<vmem_shared>>) target(%dma_start3A_70 : memref<624x128xf32, #tpu.memory_space<hbm>>) target_semaphore(%run_scoped3A : memref<!tpu.dma_semaphore, #tpu.memory_space<semaphore_mem>>)
          %dma_wait3A = arith.constant 0 : i32
          %dma_wait3A_73 = tpu.memref_slice %arg12[%mul3A_0, %dma_wait3A] : memref<10000x128xf32, #tpu.memory_space<hbm>> -> memref<624x128xf32, #tpu.memory_space<hbm>>
          %dma_wait3A_74 = arith.constant 0 : i32
          %dma_wait3A_75 = tpu.memref_slice %arg20[%mul3A_0, %dma_wait3A_74] : memref<10000x128xf32, #tpu.memory_space<vmem_shared>> -> memref<624x128xf32, #tpu.memory_space<vmem_shared>>
          tpu.wait_dma2 semaphore(%run_scoped3A : memref<!tpu.dma_semaphore, #tpu.memory_space<semaphore_mem>>) src(%dma_wait3A_75 : memref<624x128xf32, #tpu.memory_space<vmem_shared>>) dst(%dma_wait3A_73 : memref<624x128xf32, #tpu.memory_space<hbm>>)
          tpu.yield
        }) : () -> ()
      } else {
      }
      %eq3A_65 = arith.constant 15 : i32
      %eq3A_66 = arith.cmpi eq, %arg1, %eq3A_65 : i32
      %convert_element_type3A_67 = arith.extui %eq3A_66 : i1 to i32
      %cond3A_68 = arith.constant 0 : i32
      %cond3A_69 = arith.cmpi ne, %convert_element_type3A_67, %cond3A_68 : i32
      scf.if %cond3A_69 {
        "tpu.region"() ({
          %run_scoped3A = tpu.sem_alloc : memref<!tpu.dma_semaphore, #tpu.memory_space<semaphore_mem>>
          %dma_start3A = arith.constant 0 : i32
          %dma_start3A_70 = tpu.memref_slice %arg12[%mul3A_0, %dma_start3A] : memref<10000x128xf32, #tpu.memory_space<hbm>> -> memref<640x128xf32, #tpu.memory_space<hbm>>
          %dma_start3A_71 = arith.constant 0 : i32
          %dma_start3A_72 = tpu.memref_slice %arg20[%mul3A_0, %dma_start3A_71] : memref<10000x128xf32, #tpu.memory_space<vmem_shared>> -> memref<640x128xf32, #tpu.memory_space<vmem_shared>>
          tpu.enqueue_dma source(%dma_start3A_72 : memref<640x128xf32, #tpu.memory_space<vmem_shared>>) target(%dma_start3A_70 : memref<640x128xf32, #tpu.memory_space<hbm>>) target_semaphore(%run_scoped3A : memref<!tpu.dma_semaphore, #tpu.memory_space<semaphore_mem>>)
          %dma_wait3A = arith.constant 0 : i32
          %dma_wait3A_73 = tpu.memref_slice %arg12[%mul3A_0, %dma_wait3A] : memref<10000x128xf32, #tpu.memory_space<hbm>> -> memref<640x128xf32, #tpu.memory_space<hbm>>
          %dma_wait3A_74 = arith.constant 0 : i32
          %dma_wait3A_75 = tpu.memref_slice %arg20[%mul3A_0, %dma_wait3A_74] : memref<10000x128xf32, #tpu.memory_space<vmem_shared>> -> memref<640x128xf32, #tpu.memory_space<vmem_shared>>
          tpu.wait_dma2 semaphore(%run_scoped3A : memref<!tpu.dma_semaphore, #tpu.memory_space<semaphore_mem>>) src(%dma_wait3A_75 : memref<640x128xf32, #tpu.memory_space<vmem_shared>>) dst(%dma_wait3A_73 : memref<640x128xf32, #tpu.memory_space<hbm>>)
          tpu.yield
        }) : () -> ()
      } else {
      }
    } else {
    }
    %eq3A_56 = arith.constant 1 : i32
    %eq3A_57 = arith.cmpi eq, %arg0, %eq3A_56 : i32
    %convert_element_type3A_58 = arith.extui %eq3A_57 : i1 to i32
    %cond3A_59 = arith.constant 0 : i32
    %cond3A_60 = arith.cmpi ne, %convert_element_type3A_58, %cond3A_59 : i32
    scf.if %cond3A_60 {
      %lt3A = arith.constant 15 : i32
      %lt3A_61 = arith.cmpi slt, %arg1, %lt3A : i32
      %convert_element_type3A_62 = arith.extui %lt3A_61 : i1 to i32
      %cond3A_63 = arith.constant 0 : i32
      %cond3A_64 = arith.cmpi ne, %convert_element_type3A_62, %cond3A_63 : i32
      scf.if %cond3A_64 {
        "tpu.region"() ({
          %run_scoped3A = tpu.sem_alloc : memref<!tpu.dma_semaphore, #tpu.memory_space<semaphore_mem>>
          %dma_start3A = arith.constant 0 : i32
          %dma_start3A_70 = tpu.memref_slice %arg13[%mul3A_0, %dma_start3A] : memref<10000x128xf32, #tpu.memory_space<hbm>> -> memref<624x128xf32, #tpu.memory_space<hbm>>
          %dma_start3A_71 = arith.constant 0 : i32
          %dma_start3A_72 = tpu.memref_slice %arg20[%mul3A_0, %dma_start3A_71] : memref<10000x128xf32, #tpu.memory_space<vmem_shared>> -> memref<624x128xf32, #tpu.memory_space<vmem_shared>>
          tpu.enqueue_dma source(%dma_start3A_72 : memref<624x128xf32, #tpu.memory_space<vmem_shared>>) target(%dma_start3A_70 : memref<624x128xf32, #tpu.memory_space<hbm>>) target_semaphore(%run_scoped3A : memref<!tpu.dma_semaphore, #tpu.memory_space<semaphore_mem>>)
          %dma_wait3A = arith.constant 0 : i32
          %dma_wait3A_73 = tpu.memref_slice %arg13[%mul3A_0, %dma_wait3A] : memref<10000x128xf32, #tpu.memory_space<hbm>> -> memref<624x128xf32, #tpu.memory_space<hbm>>
          %dma_wait3A_74 = arith.constant 0 : i32
          %dma_wait3A_75 = tpu.memref_slice %arg20[%mul3A_0, %dma_wait3A_74] : memref<10000x128xf32, #tpu.memory_space<vmem_shared>> -> memref<624x128xf32, #tpu.memory_space<vmem_shared>>
          tpu.wait_dma2 semaphore(%run_scoped3A : memref<!tpu.dma_semaphore, #tpu.memory_space<semaphore_mem>>) src(%dma_wait3A_75 : memref<624x128xf32, #tpu.memory_space<vmem_shared>>) dst(%dma_wait3A_73 : memref<624x128xf32, #tpu.memory_space<hbm>>)
          tpu.yield
        }) : () -> ()
      } else {
      }
      %eq3A_65 = arith.constant 15 : i32
      %eq3A_66 = arith.cmpi eq, %arg1, %eq3A_65 : i32
      %convert_element_type3A_67 = arith.extui %eq3A_66 : i1 to i32
      %cond3A_68 = arith.constant 0 : i32
      %cond3A_69 = arith.cmpi ne, %convert_element_type3A_67, %cond3A_68 : i32
      scf.if %cond3A_69 {
        "tpu.region"() ({
          %run_scoped3A = tpu.sem_alloc : memref<!tpu.dma_semaphore, #tpu.memory_space<semaphore_mem>>
          %dma_start3A = arith.constant 0 : i32
          %dma_start3A_70 = tpu.memref_slice %arg13[%mul3A_0, %dma_start3A] : memref<10000x128xf32, #tpu.memory_space<hbm>> -> memref<640x128xf32, #tpu.memory_space<hbm>>
          %dma_start3A_71 = arith.constant 0 : i32
          %dma_start3A_72 = tpu.memref_slice %arg20[%mul3A_0, %dma_start3A_71] : memref<10000x128xf32, #tpu.memory_space<vmem_shared>> -> memref<640x128xf32, #tpu.memory_space<vmem_shared>>
          tpu.enqueue_dma source(%dma_start3A_72 : memref<640x128xf32, #tpu.memory_space<vmem_shared>>) target(%dma_start3A_70 : memref<640x128xf32, #tpu.memory_space<hbm>>) target_semaphore(%run_scoped3A : memref<!tpu.dma_semaphore, #tpu.memory_space<semaphore_mem>>)
          %dma_wait3A = arith.constant 0 : i32
          %dma_wait3A_73 = tpu.memref_slice %arg13[%mul3A_0, %dma_wait3A] : memref<10000x128xf32, #tpu.memory_space<hbm>> -> memref<640x128xf32, #tpu.memory_space<hbm>>
          %dma_wait3A_74 = arith.constant 0 : i32
          %dma_wait3A_75 = tpu.memref_slice %arg20[%mul3A_0, %dma_wait3A_74] : memref<10000x128xf32, #tpu.memory_space<vmem_shared>> -> memref<640x128xf32, #tpu.memory_space<vmem_shared>>
          tpu.wait_dma2 semaphore(%run_scoped3A : memref<!tpu.dma_semaphore, #tpu.memory_space<semaphore_mem>>) src(%dma_wait3A_75 : memref<640x128xf32, #tpu.memory_space<vmem_shared>>) dst(%dma_wait3A_73 : memref<640x128xf32, #tpu.memory_space<hbm>>)
          tpu.yield
        }) : () -> ()
      } else {
      }
    } else {
    }
    return
  }
}

#map = affine_map<(d0, d1) -> (0, 0)>
#map1 = affine_map<(d0, d1) -> (0)>
module attributes {stable_mosaic.version = 14 : i64} {
  func.func @k(%arg0: i32, %arg1: i32, %arg2: memref<10000x128xf32, #tpu.memory_space<hbm>>, %arg3: memref<640000xi32, #tpu.memory_space<hbm>>, %arg4: memref<640000x128xf32, #tpu.memory_space<hbm>>, %arg5: memref<400xi32, #tpu.memory_space<vmem>>, %arg6: memref<400x128xf32, #tpu.memory_space<vmem>>, %arg7: memref<!tpu.dma_semaphore, #tpu.memory_space<semaphore_mem>>) attributes {dimension_semantics = [#tpu.dimension_semantics<core_parallel>, #tpu.dimension_semantics<subcore_parallel>], iteration_bounds = array<i64: 2, 16>, scalar_prefetch = 0 : i64, scratch_operands = 3 : i64, tpu.core_type = #tpu.core_type<sc_vector_subcore>, window_params = [{transform_indices = #map}, {transform_indices = #map1}, {transform_indices = #map}]} {
    %mul3A = arith.constant 2 : i32
    %mul3A_0 = arith.muli %arg1, %mul3A : i32
    %add3A = arith.addi %mul3A_0, %arg0 : i32
    %mul3A_1 = arith.constant 20000 : i32
    %mul3A_2 = arith.muli %add3A, %mul3A_1 : i32
    %scan3A = arith.constant 0 : i32
    %scan3A_3 = arith.constant 0 : i32
    %scan3A_4 = arith.constant 50 : i32
    %scan3A_5 = arith.addi %scan3A_3, %scan3A_4 : i32
    %scan3A_6 = arith.constant 1 : i32
    scf.for %scan3A_8 = %scan3A_3 to %scan3A_5 step %scan3A_6  : i32 {
      %mul3A_9 = arith.constant 400 : i32
      %mul3A_10 = arith.muli %scan3A_8, %mul3A_9 : i32
      %add3A_11 = arith.addi %mul3A_2, %mul3A_10 : i32
      "tpu.region"() ({
        %run_scoped3A = tpu.sem_alloc : memref<!tpu.dma_semaphore, #tpu.memory_space<semaphore_mem>>
        %dma_start3A_90 = tpu.memref_slice %arg3[%add3A_11] : memref<640000xi32, #tpu.memory_space<hbm>> -> memref<400xi32, #tpu.memory_space<hbm>>
        %dma_start3A_91 = tpu.memref_slice %arg3[%add3A_11] : memref<640000xi32, #tpu.memory_space<hbm>> -> memref<400xi32, #tpu.memory_space<hbm>>
        tpu.enqueue_dma source(%dma_start3A_91 : memref<400xi32, #tpu.memory_space<hbm>>) target(%arg5 : memref<400xi32, #tpu.memory_space<vmem>>) target_semaphore(%run_scoped3A : memref<!tpu.dma_semaphore, #tpu.memory_space<semaphore_mem>>)
        %dma_wait3A_92 = tpu.memref_slice %arg3[%add3A_11] : memref<640000xi32, #tpu.memory_space<hbm>> -> memref<400xi32, #tpu.memory_space<hbm>>
        %dma_wait3A_93 = tpu.memref_slice %arg3[%add3A_11] : memref<640000xi32, #tpu.memory_space<hbm>> -> memref<400xi32, #tpu.memory_space<hbm>>
        tpu.wait_dma2 semaphore(%run_scoped3A : memref<!tpu.dma_semaphore, #tpu.memory_space<semaphore_mem>>) src(%dma_wait3A_93 : memref<400xi32, #tpu.memory_space<hbm>>) dst(%arg5 : memref<400xi32, #tpu.memory_space<vmem>>)
        tpu.yield
      }) : () -> ()
      %dma_start3A = arith.constant 0 : i32
      %dma_start3A_12 = arith.constant 0 : i32
      %dma_start3A_13 = tpu.memref_slice %arg6[%dma_start3A, %dma_start3A_12] : memref<400x128xf32, #tpu.memory_space<vmem>> -> memref<80x128xf32, #tpu.memory_space<vmem>>
      %dma_start3A_14 = arith.constant 0 : i32
      %dma_start3A_15 = tpu.memref_slice %arg5[%dma_start3A_14] : memref<400xi32, #tpu.memory_space<vmem>> -> memref<80xi32, #tpu.memory_space<vmem>>
      %dma_start3A_16 = arith.constant 0 : i32
      %dma_start3A_17 = arith.constant 0 : i32
      %dma_start3A_18 = tpu.memref_slice %arg2[%dma_start3A_16, %dma_start3A_17] : memref<10000x128xf32, #tpu.memory_space<hbm>> -> memref<10000x128xf32, #tpu.memory_space<hbm>>
      tpu.enqueue_indirect_dma source(%dma_start3A_18 : memref<10000x128xf32, #tpu.memory_space<hbm>>) target(%dma_start3A_13 : memref<80x128xf32, #tpu.memory_space<vmem>>) offsets(%dma_start3A_15 : memref<80xi32, #tpu.memory_space<vmem>>) semaphore(%arg7 : memref<!tpu.dma_semaphore, #tpu.memory_space<semaphore_mem>>)
      %dma_start3A_19 = arith.constant 80 : i32
      %dma_start3A_20 = arith.constant 0 : i32
      %dma_start3A_21 = tpu.memref_slice %arg6[%dma_start3A_19, %dma_start3A_20] : memref<400x128xf32, #tpu.memory_space<vmem>> -> memref<80x128xf32, #tpu.memory_space<vmem>>
      %dma_start3A_22 = arith.constant 80 : i32
      %dma_start3A_23 = tpu.memref_slice %arg5[%dma_start3A_22] : memref<400xi32, #tpu.memory_space<vmem>> -> memref<80xi32, #tpu.memory_space<vmem>>
      %dma_start3A_24 = arith.constant 0 : i32
      %dma_start3A_25 = arith.constant 0 : i32
      %dma_start3A_26 = tpu.memref_slice %arg2[%dma_start3A_24, %dma_start3A_25] : memref<10000x128xf32, #tpu.memory_space<hbm>> -> memref<10000x128xf32, #tpu.memory_space<hbm>>
      tpu.enqueue_indirect_dma source(%dma_start3A_26 : memref<10000x128xf32, #tpu.memory_space<hbm>>) target(%dma_start3A_21 : memref<80x128xf32, #tpu.memory_space<vmem>>) offsets(%dma_start3A_23 : memref<80xi32, #tpu.memory_space<vmem>>) semaphore(%arg7 : memref<!tpu.dma_semaphore, #tpu.memory_space<semaphore_mem>>)
      %dma_start3A_27 = arith.constant 160 : i32
      %dma_start3A_28 = arith.constant 0 : i32
      %dma_start3A_29 = tpu.memref_slice %arg6[%dma_start3A_27, %dma_start3A_28] : memref<400x128xf32, #tpu.memory_space<vmem>> -> memref<80x128xf32, #tpu.memory_space<vmem>>
      %dma_start3A_30 = arith.constant 160 : i32
      %dma_start3A_31 = tpu.memref_slice %arg5[%dma_start3A_30] : memref<400xi32, #tpu.memory_space<vmem>> -> memref<80xi32, #tpu.memory_space<vmem>>
      %dma_start3A_32 = arith.constant 0 : i32
      %dma_start3A_33 = arith.constant 0 : i32
      %dma_start3A_34 = tpu.memref_slice %arg2[%dma_start3A_32, %dma_start3A_33] : memref<10000x128xf32, #tpu.memory_space<hbm>> -> memref<10000x128xf32, #tpu.memory_space<hbm>>
      tpu.enqueue_indirect_dma source(%dma_start3A_34 : memref<10000x128xf32, #tpu.memory_space<hbm>>) target(%dma_start3A_29 : memref<80x128xf32, #tpu.memory_space<vmem>>) offsets(%dma_start3A_31 : memref<80xi32, #tpu.memory_space<vmem>>) semaphore(%arg7 : memref<!tpu.dma_semaphore, #tpu.memory_space<semaphore_mem>>)
      %dma_start3A_35 = arith.constant 240 : i32
      %dma_start3A_36 = arith.constant 0 : i32
      %dma_start3A_37 = tpu.memref_slice %arg6[%dma_start3A_35, %dma_start3A_36] : memref<400x128xf32, #tpu.memory_space<vmem>> -> memref<80x128xf32, #tpu.memory_space<vmem>>
      %dma_start3A_38 = arith.constant 240 : i32
      %dma_start3A_39 = tpu.memref_slice %arg5[%dma_start3A_38] : memref<400xi32, #tpu.memory_space<vmem>> -> memref<80xi32, #tpu.memory_space<vmem>>
      %dma_start3A_40 = arith.constant 0 : i32
      %dma_start3A_41 = arith.constant 0 : i32
      %dma_start3A_42 = tpu.memref_slice %arg2[%dma_start3A_40, %dma_start3A_41] : memref<10000x128xf32, #tpu.memory_space<hbm>> -> memref<10000x128xf32, #tpu.memory_space<hbm>>
      tpu.enqueue_indirect_dma source(%dma_start3A_42 : memref<10000x128xf32, #tpu.memory_space<hbm>>) target(%dma_start3A_37 : memref<80x128xf32, #tpu.memory_space<vmem>>) offsets(%dma_start3A_39 : memref<80xi32, #tpu.memory_space<vmem>>) semaphore(%arg7 : memref<!tpu.dma_semaphore, #tpu.memory_space<semaphore_mem>>)
      %dma_start3A_43 = arith.constant 320 : i32
      %dma_start3A_44 = arith.constant 0 : i32
      %dma_start3A_45 = tpu.memref_slice %arg6[%dma_start3A_43, %dma_start3A_44] : memref<400x128xf32, #tpu.memory_space<vmem>> -> memref<80x128xf32, #tpu.memory_space<vmem>>
      %dma_start3A_46 = arith.constant 320 : i32
      %dma_start3A_47 = tpu.memref_slice %arg5[%dma_start3A_46] : memref<400xi32, #tpu.memory_space<vmem>> -> memref<80xi32, #tpu.memory_space<vmem>>
      %dma_start3A_48 = arith.constant 0 : i32
      %dma_start3A_49 = arith.constant 0 : i32
      %dma_start3A_50 = tpu.memref_slice %arg2[%dma_start3A_48, %dma_start3A_49] : memref<10000x128xf32, #tpu.memory_space<hbm>> -> memref<10000x128xf32, #tpu.memory_space<hbm>>
      tpu.enqueue_indirect_dma source(%dma_start3A_50 : memref<10000x128xf32, #tpu.memory_space<hbm>>) target(%dma_start3A_45 : memref<80x128xf32, #tpu.memory_space<vmem>>) offsets(%dma_start3A_47 : memref<80xi32, #tpu.memory_space<vmem>>) semaphore(%arg7 : memref<!tpu.dma_semaphore, #tpu.memory_space<semaphore_mem>>)
      %dma_wait3A = arith.constant 0 : i32
      %dma_wait3A_51 = arith.constant 0 : i32
      %dma_wait3A_52 = tpu.memref_slice %arg6[%dma_wait3A, %dma_wait3A_51] : memref<400x128xf32, #tpu.memory_space<vmem>> -> memref<80x128xf32, #tpu.memory_space<vmem>>
      %dma_wait3A_53 = arith.constant 0 : i32
      %dma_wait3A_54 = tpu.memref_slice %arg5[%dma_wait3A_53] : memref<400xi32, #tpu.memory_space<vmem>> -> memref<80xi32, #tpu.memory_space<vmem>>
      %dma_wait3A_55 = arith.constant 0 : i32
      %dma_wait3A_56 = arith.constant 0 : i32
      %dma_wait3A_57 = tpu.memref_slice %arg2[%dma_wait3A_55, %dma_wait3A_56] : memref<10000x128xf32, #tpu.memory_space<hbm>> -> memref<10000x128xf32, #tpu.memory_space<hbm>>
      tpu.wait_indirect_dma semaphore(%arg7 : memref<!tpu.dma_semaphore, #tpu.memory_space<semaphore_mem>>) src(%dma_wait3A_57 : memref<10000x128xf32, #tpu.memory_space<hbm>>) dst(%dma_wait3A_52 : memref<80x128xf32, #tpu.memory_space<vmem>>)
      %dma_wait3A_58 = arith.constant 80 : i32
      %dma_wait3A_59 = arith.constant 0 : i32
      %dma_wait3A_60 = tpu.memref_slice %arg6[%dma_wait3A_58, %dma_wait3A_59] : memref<400x128xf32, #tpu.memory_space<vmem>> -> memref<80x128xf32, #tpu.memory_space<vmem>>
      %dma_wait3A_61 = arith.constant 80 : i32
      %dma_wait3A_62 = tpu.memref_slice %arg5[%dma_wait3A_61] : memref<400xi32, #tpu.memory_space<vmem>> -> memref<80xi32, #tpu.memory_space<vmem>>
      %dma_wait3A_63 = arith.constant 0 : i32
      %dma_wait3A_64 = arith.constant 0 : i32
      %dma_wait3A_65 = tpu.memref_slice %arg2[%dma_wait3A_63, %dma_wait3A_64] : memref<10000x128xf32, #tpu.memory_space<hbm>> -> memref<10000x128xf32, #tpu.memory_space<hbm>>
      tpu.wait_indirect_dma semaphore(%arg7 : memref<!tpu.dma_semaphore, #tpu.memory_space<semaphore_mem>>) src(%dma_wait3A_65 : memref<10000x128xf32, #tpu.memory_space<hbm>>) dst(%dma_wait3A_60 : memref<80x128xf32, #tpu.memory_space<vmem>>)
      %dma_wait3A_66 = arith.constant 160 : i32
      %dma_wait3A_67 = arith.constant 0 : i32
      %dma_wait3A_68 = tpu.memref_slice %arg6[%dma_wait3A_66, %dma_wait3A_67] : memref<400x128xf32, #tpu.memory_space<vmem>> -> memref<80x128xf32, #tpu.memory_space<vmem>>
      %dma_wait3A_69 = arith.constant 160 : i32
      %dma_wait3A_70 = tpu.memref_slice %arg5[%dma_wait3A_69] : memref<400xi32, #tpu.memory_space<vmem>> -> memref<80xi32, #tpu.memory_space<vmem>>
      %dma_wait3A_71 = arith.constant 0 : i32
      %dma_wait3A_72 = arith.constant 0 : i32
      %dma_wait3A_73 = tpu.memref_slice %arg2[%dma_wait3A_71, %dma_wait3A_72] : memref<10000x128xf32, #tpu.memory_space<hbm>> -> memref<10000x128xf32, #tpu.memory_space<hbm>>
      tpu.wait_indirect_dma semaphore(%arg7 : memref<!tpu.dma_semaphore, #tpu.memory_space<semaphore_mem>>) src(%dma_wait3A_73 : memref<10000x128xf32, #tpu.memory_space<hbm>>) dst(%dma_wait3A_68 : memref<80x128xf32, #tpu.memory_space<vmem>>)
      %dma_wait3A_74 = arith.constant 240 : i32
      %dma_wait3A_75 = arith.constant 0 : i32
      %dma_wait3A_76 = tpu.memref_slice %arg6[%dma_wait3A_74, %dma_wait3A_75] : memref<400x128xf32, #tpu.memory_space<vmem>> -> memref<80x128xf32, #tpu.memory_space<vmem>>
      %dma_wait3A_77 = arith.constant 240 : i32
      %dma_wait3A_78 = tpu.memref_slice %arg5[%dma_wait3A_77] : memref<400xi32, #tpu.memory_space<vmem>> -> memref<80xi32, #tpu.memory_space<vmem>>
      %dma_wait3A_79 = arith.constant 0 : i32
      %dma_wait3A_80 = arith.constant 0 : i32
      %dma_wait3A_81 = tpu.memref_slice %arg2[%dma_wait3A_79, %dma_wait3A_80] : memref<10000x128xf32, #tpu.memory_space<hbm>> -> memref<10000x128xf32, #tpu.memory_space<hbm>>
      tpu.wait_indirect_dma semaphore(%arg7 : memref<!tpu.dma_semaphore, #tpu.memory_space<semaphore_mem>>) src(%dma_wait3A_81 : memref<10000x128xf32, #tpu.memory_space<hbm>>) dst(%dma_wait3A_76 : memref<80x128xf32, #tpu.memory_space<vmem>>)
      %dma_wait3A_82 = arith.constant 320 : i32
      %dma_wait3A_83 = arith.constant 0 : i32
      %dma_wait3A_84 = tpu.memref_slice %arg6[%dma_wait3A_82, %dma_wait3A_83] : memref<400x128xf32, #tpu.memory_space<vmem>> -> memref<80x128xf32, #tpu.memory_space<vmem>>
      %dma_wait3A_85 = arith.constant 320 : i32
      %dma_wait3A_86 = tpu.memref_slice %arg5[%dma_wait3A_85] : memref<400xi32, #tpu.memory_space<vmem>> -> memref<80xi32, #tpu.memory_space<vmem>>
      %dma_wait3A_87 = arith.constant 0 : i32
      %dma_wait3A_88 = arith.constant 0 : i32
      %dma_wait3A_89 = tpu.memref_slice %arg2[%dma_wait3A_87, %dma_wait3A_88] : memref<10000x128xf32, #tpu.memory_space<hbm>> -> memref<10000x128xf32, #tpu.memory_space<hbm>>
      tpu.wait_indirect_dma semaphore(%arg7 : memref<!tpu.dma_semaphore, #tpu.memory_space<semaphore_mem>>) src(%dma_wait3A_89 : memref<10000x128xf32, #tpu.memory_space<hbm>>) dst(%dma_wait3A_84 : memref<80x128xf32, #tpu.memory_space<vmem>>)
      "tpu.region"() ({
        %run_scoped3A = tpu.sem_alloc : memref<!tpu.dma_semaphore, #tpu.memory_space<semaphore_mem>>
        %dma_start3A_90 = arith.constant 0 : i32
        %dma_start3A_91 = tpu.memref_slice %arg4[%add3A_11, %dma_start3A_90] : memref<640000x128xf32, #tpu.memory_space<hbm>> -> memref<400x128xf32, #tpu.memory_space<hbm>>
        %dma_start3A_92 = arith.constant 0 : i32
        %dma_start3A_93 = tpu.memref_slice %arg4[%add3A_11, %dma_start3A_92] : memref<640000x128xf32, #tpu.memory_space<hbm>> -> memref<400x128xf32, #tpu.memory_space<hbm>>
        tpu.enqueue_dma source(%arg6 : memref<400x128xf32, #tpu.memory_space<vmem>>) target(%dma_start3A_93 : memref<400x128xf32, #tpu.memory_space<hbm>>) target_semaphore(%run_scoped3A : memref<!tpu.dma_semaphore, #tpu.memory_space<semaphore_mem>>)
        %dma_wait3A_94 = arith.constant 0 : i32
        %dma_wait3A_95 = tpu.memref_slice %arg4[%add3A_11, %dma_wait3A_94] : memref<640000x128xf32, #tpu.memory_space<hbm>> -> memref<400x128xf32, #tpu.memory_space<hbm>>
        %dma_wait3A_96 = arith.constant 0 : i32
        %dma_wait3A_97 = tpu.memref_slice %arg4[%add3A_11, %dma_wait3A_96] : memref<640000x128xf32, #tpu.memory_space<hbm>> -> memref<400x128xf32, #tpu.memory_space<hbm>>
        tpu.wait_dma2 semaphore(%run_scoped3A : memref<!tpu.dma_semaphore, #tpu.memory_space<semaphore_mem>>) src(%arg6 : memref<400x128xf32, #tpu.memory_space<vmem>>) dst(%dma_wait3A_97 : memref<400x128xf32, #tpu.memory_space<hbm>>)
        tpu.yield
      }) : () -> ()
    }
    %scan3A_7 = arith.constant 50 : i32
    return
  }
}

module attributes {stable_mosaic.version = 14 : i64} {
  func.func @body(%arg0: i32, %arg1: memref<256x128xf32, #tpu.memory_space<vmem>>, %arg2: memref<256x128xf32, #tpu.memory_space<vmem>>, %arg3: memref<256x20xf32, #tpu.memory_space<vmem>>, %arg4: memref<256x16xf32, #tpu.memory_space<vmem>>, %arg5: memref<256x3xf32, #tpu.memory_space<vmem>>, %arg6: memref<20x128xf32, #tpu.memory_space<vmem>>, %arg7: memref<1x128xf32, #tpu.memory_space<vmem>>, %arg8: memref<16x128xf32, #tpu.memory_space<vmem>>, %arg9: memref<1x128xf32, #tpu.memory_space<vmem>>, %arg10: memref<512x128xf32, #tpu.memory_space<vmem>>, %arg11: memref<1x128xf32, #tpu.memory_space<vmem>>, %arg12: memref<128x128xf32, #tpu.memory_space<vmem>>, %arg13: memref<1x128xf32, #tpu.memory_space<vmem>>, %arg14: memref<128x384xf32, #tpu.memory_space<vmem>>, %arg15: memref<1x384xf32, #tpu.memory_space<vmem>>, %arg16: memref<20x384xf32, #tpu.memory_space<vmem>>, %arg17: memref<256x128xf32, #tpu.memory_space<vmem>>, %arg18: memref<256x128xf32, #tpu.memory_space<vmem>>, %arg19: memref<256x128xf32, #tpu.memory_space<vmem>>, %arg20: memref<256x128xf32, #tpu.memory_space<vmem>>) attributes {dimension_semantics = [#tpu.dimension_semantics<arbitrary>], iteration_bounds = array<i64: 1250>, scalar_prefetch = 0 : i64, scratch_operands = 0 : i64, tpu.core_type = #tpu.core_type<tc>, window_params = [{transform_indices = @transform_0, window_bounds = array<i64: 256, 128>}, {transform_indices = @transform_1, window_bounds = array<i64: 256, 128>}, {transform_indices = @transform_2, window_bounds = array<i64: 256, 20>}, {transform_indices = @transform_3, window_bounds = array<i64: 256, 16>}, {transform_indices = @transform_4, window_bounds = array<i64: 256, 3>}, {pipeline_mode = #tpu.pipeline_mode<synchronous>, transform_indices = @transform_5, window_bounds = array<i64: 20, 128>}, {pipeline_mode = #tpu.pipeline_mode<synchronous>, transform_indices = @transform_6, window_bounds = array<i64: 1, 128>}, {pipeline_mode = #tpu.pipeline_mode<synchronous>, transform_indices = @transform_7, window_bounds = array<i64: 16, 128>}, {pipeline_mode = #tpu.pipeline_mode<synchronous>, transform_indices = @transform_8, window_bounds = array<i64: 1, 128>}, {pipeline_mode = #tpu.pipeline_mode<synchronous>, transform_indices = @transform_9, window_bounds = array<i64: 512, 128>}, {pipeline_mode = #tpu.pipeline_mode<synchronous>, transform_indices = @transform_10, window_bounds = array<i64: 1, 128>}, {pipeline_mode = #tpu.pipeline_mode<synchronous>, transform_indices = @transform_11, window_bounds = array<i64: 128, 128>}, {pipeline_mode = #tpu.pipeline_mode<synchronous>, transform_indices = @transform_12, window_bounds = array<i64: 1, 128>}, {pipeline_mode = #tpu.pipeline_mode<synchronous>, transform_indices = @transform_13, window_bounds = array<i64: 128, 384>}, {pipeline_mode = #tpu.pipeline_mode<synchronous>, transform_indices = @transform_14, window_bounds = array<i64: 1, 384>}, {pipeline_mode = #tpu.pipeline_mode<synchronous>, transform_indices = @transform_15, window_bounds = array<i64: 20, 384>}, {transform_indices = @transform_16, window_bounds = array<i64: 256, 128>}, {transform_indices = @transform_17, window_bounds = array<i64: 256, 128>}, {transform_indices = @transform_18, window_bounds = array<i64: 256, 128>}, {transform_indices = @transform_19, window_bounds = array<i64: 256, 128>}]} {
    %get3A = arith.constant 0 : index
    %get3A_0 = arith.constant 0 : index
    %get3A_1 = vector.load %arg3[%get3A, %get3A_0] : memref<256x20xf32, #tpu.memory_space<vmem>>, vector<256x20xf32>
    %get3A_2 = arith.constant 0 : index
    %get3A_3 = arith.constant 0 : index
    %get3A_4 = vector.load %arg6[%get3A_2, %get3A_3] : memref<20x128xf32, #tpu.memory_space<vmem>>, vector<20x128xf32>
    %dot_general3A = arith.constant dense<0.000000e+00> : vector<256x128xf32>
    %dot_general3A_5 = tpu.matmul %get3A_1, %get3A_4, %dot_general3A {dimension_numbers = #tpu.dot_dimension_numbers<[1], [0], [0], [1], [0, 0, 1, 1], [], []>, transpose_lhs_hint = false} : vector<256x20xf32>, vector<20x128xf32>, vector<256x128xf32> -> vector<256x128xf32>
    %get3A_6 = arith.constant 0 : index
    %get3A_7 = arith.constant 0 : index
    %get3A_8 = vector.load %arg7[%get3A_6, %get3A_7] : memref<1x128xf32, #tpu.memory_space<vmem>>, vector<1x128xf32>
    %add3A = vector.broadcast %get3A_8 : vector<1x128xf32> to vector<256x128xf32>
    %add3A_9 = arith.addf %dot_general3A_5, %add3A : vector<256x128xf32>
    %max3A = arith.constant 0.000000e+00 : f32
    %max3A_10 = vector.broadcast %max3A : f32 to vector<256x128xf32>
    %max3A_11 = arith.maximumf %add3A_9, %max3A_10 : vector<256x128xf32>
    %get3A_12 = arith.constant 0 : index
    %get3A_13 = arith.constant 0 : index
    %get3A_14 = vector.load %arg4[%get3A_12, %get3A_13] : memref<256x16xf32, #tpu.memory_space<vmem>>, vector<256x16xf32>
    %get3A_15 = arith.constant 0 : index
    %get3A_16 = arith.constant 0 : index
    %get3A_17 = vector.load %arg8[%get3A_15, %get3A_16] : memref<16x128xf32, #tpu.memory_space<vmem>>, vector<16x128xf32>
    %dot_general3A_18 = arith.constant dense<0.000000e+00> : vector<256x128xf32>
    %dot_general3A_19 = tpu.matmul %get3A_14, %get3A_17, %dot_general3A_18 {dimension_numbers = #tpu.dot_dimension_numbers<[1], [0], [0], [1], [0, 0, 1, 1], [], []>, transpose_lhs_hint = false} : vector<256x16xf32>, vector<16x128xf32>, vector<256x128xf32> -> vector<256x128xf32>
    %get3A_20 = arith.constant 0 : index
    %get3A_21 = arith.constant 0 : index
    %get3A_22 = vector.load %arg9[%get3A_20, %get3A_21] : memref<1x128xf32, #tpu.memory_space<vmem>>, vector<1x128xf32>
    %add3A_23 = vector.broadcast %get3A_22 : vector<1x128xf32> to vector<256x128xf32>
    %add3A_24 = arith.addf %dot_general3A_19, %add3A_23 : vector<256x128xf32>
    %get3A_25 = arith.constant 0 : index
    %get3A_26 = arith.constant 0 : index
    %get3A_27 = vector.load %arg10[%get3A_25, %get3A_26] : memref<512x128xf32, #tpu.memory_space<vmem>>, vector<512x128xf32>
    %get3A_28 = arith.constant 0 : index
    %get3A_29 = arith.constant 0 : index
    %get3A_30 = vector.load %arg2[%get3A_28, %get3A_29] : memref<256x128xf32, #tpu.memory_space<vmem>>, vector<256x128xf32>
    %get3A_31 = arith.constant 0 : index
    %get3A_32 = arith.constant 0 : index
    %get3A_33 = vector.load %arg1[%get3A_31, %get3A_32] : memref<256x128xf32, #tpu.memory_space<vmem>>, vector<256x128xf32>
    %slice3A = vector.extract_strided_slice %get3A_27 {offsets = [0, 0], sizes = [128, 128], strides = [1, 1]} : vector<512x128xf32> to vector<128x128xf32>
    %dot_general3A_34 = arith.constant dense<0.000000e+00> : vector<256x128xf32>
    %dot_general3A_35 = tpu.matmul %get3A_33, %slice3A, %dot_general3A_34 {dimension_numbers = #tpu.dot_dimension_numbers<[1], [0], [0], [1], [0, 0, 1, 1], [], []>, transpose_lhs_hint = false} : vector<256x128xf32>, vector<128x128xf32>, vector<256x128xf32> -> vector<256x128xf32>
    %slice3A_36 = vector.extract_strided_slice %get3A_27 {offsets = [128, 0], sizes = [128, 128], strides = [1, 1]} : vector<512x128xf32> to vector<128x128xf32>
    %dot_general3A_37 = arith.constant dense<0.000000e+00> : vector<256x128xf32>
    %dot_general3A_38 = tpu.matmul %get3A_30, %slice3A_36, %dot_general3A_37 {dimension_numbers = #tpu.dot_dimension_numbers<[1], [0], [0], [1], [0, 0, 1, 1], [], []>, transpose_lhs_hint = false} : vector<256x128xf32>, vector<128x128xf32>, vector<256x128xf32> -> vector<256x128xf32>
    %add3A_39 = arith.addf %dot_general3A_35, %dot_general3A_38 : vector<256x128xf32>
    %slice3A_40 = vector.extract_strided_slice %get3A_27 {offsets = [256, 0], sizes = [128, 128], strides = [1, 1]} : vector<512x128xf32> to vector<128x128xf32>
    %dot_general3A_41 = arith.constant dense<0.000000e+00> : vector<256x128xf32>
    %dot_general3A_42 = tpu.matmul %max3A_11, %slice3A_40, %dot_general3A_41 {dimension_numbers = #tpu.dot_dimension_numbers<[1], [0], [0], [1], [0, 0, 1, 1], [], []>, transpose_lhs_hint = false} : vector<256x128xf32>, vector<128x128xf32>, vector<256x128xf32> -> vector<256x128xf32>
    %add3A_43 = arith.addf %add3A_39, %dot_general3A_42 : vector<256x128xf32>
    %slice3A_44 = vector.extract_strided_slice %get3A_27 {offsets = [384, 0], sizes = [128, 128], strides = [1, 1]} : vector<512x128xf32> to vector<128x128xf32>
    %dot_general3A_45 = arith.constant dense<0.000000e+00> : vector<256x128xf32>
    %dot_general3A_46 = tpu.matmul %add3A_24, %slice3A_44, %dot_general3A_45 {dimension_numbers = #tpu.dot_dimension_numbers<[1], [0], [0], [1], [0, 0, 1, 1], [], []>, transpose_lhs_hint = false} : vector<256x128xf32>, vector<128x128xf32>, vector<256x128xf32> -> vector<256x128xf32>
    %add3A_47 = arith.addf %add3A_43, %dot_general3A_46 : vector<256x128xf32>
    %get3A_48 = arith.constant 0 : index
    %get3A_49 = arith.constant 0 : index
    %get3A_50 = vector.load %arg11[%get3A_48, %get3A_49] : memref<1x128xf32, #tpu.memory_space<vmem>>, vector<1x128xf32>
    %add3A_51 = vector.broadcast %get3A_50 : vector<1x128xf32> to vector<256x128xf32>
    %add3A_52 = arith.addf %add3A_47, %add3A_51 : vector<256x128xf32>
    %get3A_53 = arith.constant 0 : index
    %get3A_54 = arith.constant 0 : index
    %get3A_55 = vector.load %arg12[%get3A_53, %get3A_54] : memref<128x128xf32, #tpu.memory_space<vmem>>, vector<128x128xf32>
    %dot_general3A_56 = arith.constant dense<0.000000e+00> : vector<256x128xf32>
    %dot_general3A_57 = tpu.matmul %add3A_52, %get3A_55, %dot_general3A_56 {dimension_numbers = #tpu.dot_dimension_numbers<[1], [0], [0], [1], [0, 0, 1, 1], [], []>, transpose_lhs_hint = false} : vector<256x128xf32>, vector<128x128xf32>, vector<256x128xf32> -> vector<256x128xf32>
    %get3A_58 = arith.constant 0 : index
    %get3A_59 = arith.constant 0 : index
    %get3A_60 = vector.load %arg13[%get3A_58, %get3A_59] : memref<1x128xf32, #tpu.memory_space<vmem>>, vector<1x128xf32>
    %add3A_61 = vector.broadcast %get3A_60 : vector<1x128xf32> to vector<256x128xf32>
    %add3A_62 = arith.addf %dot_general3A_57, %add3A_61 : vector<256x128xf32>
    %logistic3A = arith.negf %add3A_62 : vector<256x128xf32>
    %logistic3A_63 = math.exp %logistic3A : vector<256x128xf32>
    %logistic3A_64 = arith.constant 1.000000e+00 : f32
    %logistic3A_65 = vector.broadcast %logistic3A_64 : f32 to vector<256x128xf32>
    %logistic3A_66 = arith.addf %logistic3A_65, %logistic3A_63 : vector<256x128xf32>
    %logistic3A_67 = arith.divf %logistic3A_65, %logistic3A_66 : vector<256x128xf32>
    %mul3A = arith.mulf %add3A_62, %logistic3A_67 : vector<256x128xf32>
    %get3A_68 = arith.constant 0 : index
    %get3A_69 = arith.constant 0 : index
    %get3A_70 = vector.load %arg14[%get3A_68, %get3A_69] : memref<128x384xf32, #tpu.memory_space<vmem>>, vector<128x384xf32>
    %dot_general3A_71 = arith.constant dense<0.000000e+00> : vector<256x384xf32>
    %dot_general3A_72 = tpu.matmul %mul3A, %get3A_70, %dot_general3A_71 {dimension_numbers = #tpu.dot_dimension_numbers<[1], [0], [0], [1], [0, 0, 1, 1], [], []>, transpose_lhs_hint = false} : vector<256x128xf32>, vector<128x384xf32>, vector<256x384xf32> -> vector<256x384xf32>
    %get3A_73 = arith.constant 0 : index
    %get3A_74 = arith.constant 0 : index
    %get3A_75 = vector.load %arg15[%get3A_73, %get3A_74] : memref<1x384xf32, #tpu.memory_space<vmem>>, vector<1x384xf32>
    %add3A_76 = vector.broadcast %get3A_75 : vector<1x384xf32> to vector<256x384xf32>
    %add3A_77 = arith.addf %dot_general3A_72, %add3A_76 : vector<256x384xf32>
    %get3A_78 = arith.constant 0 : index
    %get3A_79 = arith.constant 0 : index
    %get3A_80 = vector.load %arg16[%get3A_78, %get3A_79] : memref<20x384xf32, #tpu.memory_space<vmem>>, vector<20x384xf32>
    %dot_general3A_81 = arith.constant dense<0.000000e+00> : vector<256x384xf32>
    %dot_general3A_82 = tpu.matmul %get3A_1, %get3A_80, %dot_general3A_81 {dimension_numbers = #tpu.dot_dimension_numbers<[1], [0], [0], [1], [0, 0, 1, 1], [], []>, transpose_lhs_hint = false} : vector<256x20xf32>, vector<20x384xf32>, vector<256x384xf32> -> vector<256x384xf32>
    %mul3A_83 = arith.mulf %add3A_77, %dot_general3A_82 : vector<256x384xf32>
    %slice3A_84 = vector.extract_strided_slice %mul3A_83 {offsets = [0, 0], sizes = [256, 128], strides = [1, 1]} : vector<256x384xf32> to vector<256x128xf32>
    %slice3A_85 = vector.extract_strided_slice %mul3A_83 {offsets = [0, 128], sizes = [256, 128], strides = [1, 1]} : vector<256x384xf32> to vector<256x128xf32>
    %slice3A_86 = vector.extract_strided_slice %mul3A_83 {offsets = [0, 256], sizes = [256, 128], strides = [1, 1]} : vector<256x384xf32> to vector<256x128xf32>
    %swap3A = arith.constant 0 : index
    %swap3A_87 = arith.constant 0 : index
    %swap3A_88 = vector.load %arg17[%swap3A, %swap3A_87] : memref<256x128xf32, #tpu.memory_space<vmem>>, vector<256x128xf32>
    tpu.vector_store %arg17[%swap3A, %swap3A_87], %slice3A_86 {strides = array<i32>} : memref<256x128xf32, #tpu.memory_space<vmem>>, vector<256x128xf32>,
    %get3A_89 = arith.constant 0 : index
    %get3A_90 = arith.constant 0 : index
    %get3A_91 = vector.load %arg5[%get3A_89, %get3A_90] : memref<256x3xf32, #tpu.memory_space<vmem>>, vector<256x3xf32>
    %mul3A_92 = arith.mulf %get3A_30, %slice3A_84 : vector<256x128xf32>
    %slice3A_93 = vector.extract_strided_slice %get3A_91 {offsets = [0, 0], sizes = [256, 1], strides = [1, 1]} : vector<256x3xf32> to vector<256x1xf32>
    %mul3A_94 = vector.broadcast %slice3A_93 : vector<256x1xf32> to vector<256x128xf32>
    %mul3A_95 = arith.mulf %slice3A_85, %mul3A_94 : vector<256x128xf32>
    %add3A_96 = arith.addf %mul3A_92, %mul3A_95 : vector<256x128xf32>
    %swap3A_97 = arith.constant 0 : index
    %swap3A_98 = arith.constant 0 : index
    %swap3A_99 = vector.load %arg18[%swap3A_97, %swap3A_98] : memref<256x128xf32, #tpu.memory_space<vmem>>, vector<256x128xf32>
    tpu.vector_store %arg18[%swap3A_97, %swap3A_98], %add3A_96 {strides = array<i32>} : memref<256x128xf32, #tpu.memory_space<vmem>>, vector<256x128xf32>,
    %slice3A_100 = vector.extract_strided_slice %get3A_91 {offsets = [0, 1], sizes = [256, 1], strides = [1, 1]} : vector<256x3xf32> to vector<256x1xf32>
    %mul3A_101 = vector.broadcast %slice3A_100 : vector<256x1xf32> to vector<256x128xf32>
    %mul3A_102 = arith.mulf %slice3A_85, %mul3A_101 : vector<256x128xf32>
    %add3A_103 = arith.addf %mul3A_92, %mul3A_102 : vector<256x128xf32>
    %swap3A_104 = arith.constant 0 : index
    %swap3A_105 = arith.constant 0 : index
    %swap3A_106 = vector.load %arg19[%swap3A_104, %swap3A_105] : memref<256x128xf32, #tpu.memory_space<vmem>>, vector<256x128xf32>
    tpu.vector_store %arg19[%swap3A_104, %swap3A_105], %add3A_103 {strides = array<i32>} : memref<256x128xf32, #tpu.memory_space<vmem>>, vector<256x128xf32>,
    %slice3A_107 = vector.extract_strided_slice %get3A_91 {offsets = [0, 2], sizes = [256, 1], strides = [1, 1]} : vector<256x3xf32> to vector<256x1xf32>
    %mul3A_108 = vector.broadcast %slice3A_107 : vector<256x1xf32> to vector<256x128xf32>
    %mul3A_109 = arith.mulf %slice3A_85, %mul3A_108 : vector<256x128xf32>
    %add3A_110 = arith.addf %mul3A_92, %mul3A_109 : vector<256x128xf32>
    %swap3A_111 = arith.constant 0 : index
    %swap3A_112 = arith.constant 0 : index
    %swap3A_113 = vector.load %arg20[%swap3A_111, %swap3A_112] : memref<256x128xf32, #tpu.memory_space<vmem>>, vector<256x128xf32>
    tpu.vector_store %arg20[%swap3A_111, %swap3A_112], %add3A_110 {strides = array<i32>} : memref<256x128xf32, #tpu.memory_space<vmem>>, vector<256x128xf32>,
    return
  }
  func.func @transform_0(%arg0: i32) -> (i32, i32) {
    %c0_i32 = arith.constant 0 : i32
    %c0_i32_0 = arith.constant 0 : i32
    return %arg0, %c0_i32 : i32, i32
  }
  func.func @transform_1(%arg0: i32) -> (i32, i32) {
    %add3A = arith.constant 1250 : i32
    %add3A_0 = arith.addi %arg0, %add3A : i32
    %c0_i32 = arith.constant 0 : i32
    %c0_i32_1 = arith.constant 0 : i32
    return %add3A_0, %c0_i32 : i32, i32
  }
  func.func @transform_2(%arg0: i32) -> (i32, i32) {
    %c0_i32 = arith.constant 0 : i32
    %c0_i32_0 = arith.constant 0 : i32
    return %arg0, %c0_i32 : i32, i32
  }
  func.func @transform_3(%arg0: i32) -> (i32, i32) {
    %c0_i32 = arith.constant 0 : i32
    %c0_i32_0 = arith.constant 0 : i32
    return %arg0, %c0_i32 : i32, i32
  }
  func.func @transform_4(%arg0: i32) -> (i32, i32) {
    %c0_i32 = arith.constant 0 : i32
    %c0_i32_0 = arith.constant 0 : i32
    return %arg0, %c0_i32 : i32, i32
  }
  func.func @transform_5(%arg0: i32) -> (i32, i32) {
    %c0_i32 = arith.constant 0 : i32
    %c0_i32_0 = arith.constant 0 : i32
    %c0_i32_1 = arith.constant 0 : i32
    return %c0_i32, %c0_i32_0 : i32, i32
  }
  func.func @transform_6(%arg0: i32) -> (i32, i32) {
    %c0_i32 = arith.constant 0 : i32
    %c0_i32_0 = arith.constant 0 : i32
    %c0_i32_1 = arith.constant 0 : i32
    return %c0_i32, %c0_i32_0 : i32, i32
  }
  func.func @transform_7(%arg0: i32) -> (i32, i32) {
    %c0_i32 = arith.constant 0 : i32
    %c0_i32_0 = arith.constant 0 : i32
    %c0_i32_1 = arith.constant 0 : i32
    return %c0_i32, %c0_i32_0 : i32, i32
  }
  func.func @transform_8(%arg0: i32) -> (i32, i32) {
    %c0_i32 = arith.constant 0 : i32
    %c0_i32_0 = arith.constant 0 : i32
    %c0_i32_1 = arith.constant 0 : i32
    return %c0_i32, %c0_i32_0 : i32, i32
  }
  func.func @transform_9(%arg0: i32) -> (i32, i32) {
    %c0_i32 = arith.constant 0 : i32
    %c0_i32_0 = arith.constant 0 : i32
    %c0_i32_1 = arith.constant 0 : i32
    return %c0_i32, %c0_i32_0 : i32, i32
  }
  func.func @transform_10(%arg0: i32) -> (i32, i32) {
    %c0_i32 = arith.constant 0 : i32
    %c0_i32_0 = arith.constant 0 : i32
    %c0_i32_1 = arith.constant 0 : i32
    return %c0_i32, %c0_i32_0 : i32, i32
  }
  func.func @transform_11(%arg0: i32) -> (i32, i32) {
    %c0_i32 = arith.constant 0 : i32
    %c0_i32_0 = arith.constant 0 : i32
    %c0_i32_1 = arith.constant 0 : i32
    return %c0_i32, %c0_i32_0 : i32, i32
  }
  func.func @transform_12(%arg0: i32) -> (i32, i32) {
    %c0_i32 = arith.constant 0 : i32
    %c0_i32_0 = arith.constant 0 : i32
    %c0_i32_1 = arith.constant 0 : i32
    return %c0_i32, %c0_i32_0 : i32, i32
  }
  func.func @transform_13(%arg0: i32) -> (i32, i32) {
    %c0_i32 = arith.constant 0 : i32
    %c0_i32_0 = arith.constant 0 : i32
    %c0_i32_1 = arith.constant 0 : i32
    return %c0_i32, %c0_i32_0 : i32, i32
  }
  func.func @transform_14(%arg0: i32) -> (i32, i32) {
    %c0_i32 = arith.constant 0 : i32
    %c0_i32_0 = arith.constant 0 : i32
    %c0_i32_1 = arith.constant 0 : i32
    return %c0_i32, %c0_i32_0 : i32, i32
  }
  func.func @transform_15(%arg0: i32) -> (i32, i32) {
    %c0_i32 = arith.constant 0 : i32
    %c0_i32_0 = arith.constant 0 : i32
    %c0_i32_1 = arith.constant 0 : i32
    return %c0_i32, %c0_i32_0 : i32, i32
  }
  func.func @transform_16(%arg0: i32) -> (i32, i32) {
    %c0_i32 = arith.constant 0 : i32
    %c0_i32_0 = arith.constant 0 : i32
    return %arg0, %c0_i32 : i32, i32
  }
  func.func @transform_17(%arg0: i32) -> (i32, i32) {
    %c0_i32 = arith.constant 0 : i32
    %c0_i32_0 = arith.constant 0 : i32
    return %arg0, %c0_i32 : i32, i32
  }
  func.func @transform_18(%arg0: i32) -> (i32, i32) {
    %c0_i32 = arith.constant 0 : i32
    %c0_i32_0 = arith.constant 0 : i32
    return %arg0, %c0_i32 : i32, i32
  }
  func.func @transform_19(%arg0: i32) -> (i32, i32) {
    %c0_i32 = arith.constant 0 : i32
    %c0_i32_0 = arith.constant 0 : i32
    return %arg0, %c0_i32 : i32, i32
  }
}

module attributes {stable_mosaic.version = 14 : i64} {
  func.func @body(%arg0: i32, %arg1: memref<256x128xf32, #tpu.memory_space<vmem>>, %arg2: memref<256x128xf32, #tpu.memory_space<vmem>>, %arg3: memref<256x128xf32, #tpu.memory_space<vmem>>, %arg4: memref<256x1xf32, #tpu.memory_space<vmem>>, %arg5: memref<1x10240xf32, #tpu.memory_space<vmem>>, %arg6: memref<640x128xf32, #tpu.memory_space<vmem>>, %arg7: memref<1x128xf32, #tpu.memory_space<vmem>>, %arg8: memref<256x128xf32, #tpu.memory_space<vmem>>) attributes {dimension_semantics = [#tpu.dimension_semantics<arbitrary>], iteration_bounds = array<i64: 40>, scalar_prefetch = 0 : i64, scratch_operands = 0 : i64, tpu.core_type = #tpu.core_type<tc>, window_params = [{transform_indices = @transform_0, window_bounds = array<i64: 256, 128>}, {transform_indices = @transform_1, window_bounds = array<i64: 256, 128>}, {transform_indices = @transform_2, window_bounds = array<i64: 256, 128>}, {transform_indices = @transform_3, window_bounds = array<i64: 256, 1>}, {pipeline_mode = #tpu.pipeline_mode<synchronous>, transform_indices = @transform_4, window_bounds = array<i64: 1, 10240>}, {pipeline_mode = #tpu.pipeline_mode<synchronous>, transform_indices = @transform_5, window_bounds = array<i64: 640, 128>}, {pipeline_mode = #tpu.pipeline_mode<synchronous>, transform_indices = @transform_6, window_bounds = array<i64: 1, 128>}, {transform_indices = @transform_7, window_bounds = array<i64: 256, 128>}]} {
    %get3A = arith.constant 0 : index
    %get3A_0 = arith.constant 0 : index
    %get3A_1 = vector.load %arg5[%get3A, %get3A_0] : memref<1x10240xf32, #tpu.memory_space<vmem>>, vector<1x10240xf32>
    %log1p3A = math.log1p %get3A_1 : vector<1x10240xf32>
    %reduce_sum3A = vector.shape_cast %log1p3A : vector<1x10240xf32> to vector<1x1x10240xf32>
    %reduce_sum3A_2 = arith.constant dense<0.000000e+00> : vector<1xf32>
    %reduce_sum3A_3 = vector.multi_reduction <add>, %reduce_sum3A, %reduce_sum3A_2 [1, 2] : vector<1x1x10240xf32> to vector<1xf32>
    %reduce_sum3A_4 = vector.shape_cast %reduce_sum3A_3 : vector<1xf32> to vector<1x1x1xf32>
    %reduce_sum3A_5 = vector.extract %reduce_sum3A_4[0, 0, 0] : f32 from vector<1x1x1xf32>
    %div3A = arith.constant 1.000000e+04 : f32
    %div3A_6 = arith.divf %reduce_sum3A_5, %div3A : f32
    %get3A_7 = arith.constant 0 : index
    %get3A_8 = arith.constant 0 : index
    %get3A_9 = vector.load %arg4[%get3A_7, %get3A_8] : memref<256x1xf32, #tpu.memory_space<vmem>>, vector<256x1xf32>
    %get3A_10 = arith.constant 0 : index
    %get3A_11 = arith.constant 0 : index
    %get3A_12 = vector.load %arg1[%get3A_10, %get3A_11] : memref<256x128xf32, #tpu.memory_space<vmem>>, vector<256x128xf32>
    %get3A_13 = arith.constant 0 : index
    %get3A_14 = arith.constant 0 : index
    %get3A_15 = vector.load %arg2[%get3A_13, %get3A_14] : memref<256x128xf32, #tpu.memory_space<vmem>>, vector<256x128xf32>
    %max3A = arith.constant 1.000000e+00 : f32
    %max3A_16 = vector.broadcast %max3A : f32 to vector<256x1xf32>
    %max3A_17 = arith.maximumf %get3A_9, %max3A_16 : vector<256x1xf32>
    %div3A_18 = vector.broadcast %max3A_17 : vector<256x1xf32> to vector<256x128xf32>
    %div3A_19 = arith.divf %get3A_15, %div3A_18 : vector<256x128xf32>
    %gt3A = arith.constant 0.000000e+00 : f32
    %gt3A_20 = vector.broadcast %gt3A : f32 to vector<256x1xf32>
    %gt3A_21 = arith.cmpf ogt, %get3A_9, %gt3A_20 : vector<256x1xf32>
    %get3A_22 = arith.constant 0 : index
    %get3A_23 = arith.constant 0 : index
    %get3A_24 = vector.load %arg3[%get3A_22, %get3A_23] : memref<256x128xf32, #tpu.memory_space<vmem>>, vector<256x128xf32>
    %jit3A = arith.constant 0.000000e+00 : f32
    %broadcast_in_dim3A = vector.shape_cast %gt3A_21 : vector<256x1xi1> to vector<256x1xi1>
    %broadcast_in_dim3A_25 = vector.broadcast %broadcast_in_dim3A : vector<256x1xi1> to vector<256x128xi1>
    %broadcast_in_dim3A_26 = vector.broadcast %jit3A : f32 to vector<256x128xf32>
    %select_n3A = arith.select %broadcast_in_dim3A_25, %get3A_24, %broadcast_in_dim3A_26 : vector<256x128xi1>, vector<256x128xf32>
    %log1p3A_27 = math.log1p %get3A_9 : vector<256x1xf32>
    %div3A_28 = vector.broadcast %div3A_6 : f32 to vector<256x1xf32>
    %div3A_29 = arith.divf %log1p3A_27, %div3A_28 : vector<256x1xf32>
    %get3A_30 = arith.constant 0 : index
    %get3A_31 = arith.constant 0 : index
    %get3A_32 = vector.load %arg6[%get3A_30, %get3A_31] : memref<640x128xf32, #tpu.memory_space<vmem>>, vector<640x128xf32>
    %slice3A = vector.extract_strided_slice %get3A_32 {offsets = [0, 0], sizes = [128, 128], strides = [1, 1]} : vector<640x128xf32> to vector<128x128xf32>
    %dot_general3A = arith.constant dense<0.000000e+00> : vector<256x128xf32>
    %dot_general3A_33 = tpu.matmul %get3A_12, %slice3A, %dot_general3A {dimension_numbers = #tpu.dot_dimension_numbers<[1], [0], [0], [1], [0, 0, 1, 1], [], []>, transpose_lhs_hint = false} : vector<256x128xf32>, vector<128x128xf32>, vector<256x128xf32> -> vector<256x128xf32>
    %slice3A_34 = vector.extract_strided_slice %get3A_32 {offsets = [128, 0], sizes = [128, 128], strides = [1, 1]} : vector<640x128xf32> to vector<128x128xf32>
    %dot_general3A_35 = arith.constant dense<0.000000e+00> : vector<256x128xf32>
    %dot_general3A_36 = tpu.matmul %div3A_19, %slice3A_34, %dot_general3A_35 {dimension_numbers = #tpu.dot_dimension_numbers<[1], [0], [0], [1], [0, 0, 1, 1], [], []>, transpose_lhs_hint = false} : vector<256x128xf32>, vector<128x128xf32>, vector<256x128xf32> -> vector<256x128xf32>
    %add3A = arith.addf %dot_general3A_33, %dot_general3A_36 : vector<256x128xf32>
    %slice3A_37 = vector.extract_strided_slice %get3A_32 {offsets = [256, 0], sizes = [128, 128], strides = [1, 1]} : vector<640x128xf32> to vector<128x128xf32>
    %dot_general3A_38 = arith.constant dense<0.000000e+00> : vector<256x128xf32>
    %dot_general3A_39 = tpu.matmul %select_n3A, %slice3A_37, %dot_general3A_38 {dimension_numbers = #tpu.dot_dimension_numbers<[1], [0], [0], [1], [0, 0, 1, 1], [], []>, transpose_lhs_hint = false} : vector<256x128xf32>, vector<128x128xf32>, vector<256x128xf32> -> vector<256x128xf32>
    %add3A_40 = arith.addf %add3A, %dot_general3A_39 : vector<256x128xf32>
    %mul3A = vector.broadcast %div3A_29 : vector<256x1xf32> to vector<256x128xf32>
    %mul3A_41 = arith.mulf %div3A_19, %mul3A : vector<256x128xf32>
    %slice3A_42 = vector.extract_strided_slice %get3A_32 {offsets = [384, 0], sizes = [128, 128], strides = [1, 1]} : vector<640x128xf32> to vector<128x128xf32>
    %dot_general3A_43 = arith.constant dense<0.000000e+00> : vector<256x128xf32>
    %dot_general3A_44 = tpu.matmul %mul3A_41, %slice3A_42, %dot_general3A_43 {dimension_numbers = #tpu.dot_dimension_numbers<[1], [0], [0], [1], [0, 0, 1, 1], [], []>, transpose_lhs_hint = false} : vector<256x128xf32>, vector<128x128xf32>, vector<256x128xf32> -> vector<256x128xf32>
    %add3A_45 = arith.addf %add3A_40, %dot_general3A_44 : vector<256x128xf32>
    %mul3A_46 = vector.broadcast %div3A_29 : vector<256x1xf32> to vector<256x128xf32>
    %mul3A_47 = arith.mulf %select_n3A, %mul3A_46 : vector<256x128xf32>
    %slice3A_48 = vector.extract_strided_slice %get3A_32 {offsets = [512, 0], sizes = [128, 128], strides = [1, 1]} : vector<640x128xf32> to vector<128x128xf32>
    %dot_general3A_49 = arith.constant dense<0.000000e+00> : vector<256x128xf32>
    %dot_general3A_50 = tpu.matmul %mul3A_47, %slice3A_48, %dot_general3A_49 {dimension_numbers = #tpu.dot_dimension_numbers<[1], [0], [0], [1], [0, 0, 1, 1], [], []>, transpose_lhs_hint = false} : vector<256x128xf32>, vector<128x128xf32>, vector<256x128xf32> -> vector<256x128xf32>
    %add3A_51 = arith.addf %add3A_45, %dot_general3A_50 : vector<256x128xf32>
    %get3A_52 = arith.constant 0 : index
    %get3A_53 = arith.constant 0 : index
    %get3A_54 = vector.load %arg7[%get3A_52, %get3A_53] : memref<1x128xf32, #tpu.memory_space<vmem>>, vector<1x128xf32>
    %add3A_55 = vector.broadcast %get3A_54 : vector<1x128xf32> to vector<256x128xf32>
    %add3A_56 = arith.addf %add3A_51, %add3A_55 : vector<256x128xf32>
    %add3A_57 = arith.addf %get3A_12, %add3A_56 : vector<256x128xf32>
    %swap3A = arith.constant 0 : index
    %swap3A_58 = arith.constant 0 : index
    %swap3A_59 = vector.load %arg8[%swap3A, %swap3A_58] : memref<256x128xf32, #tpu.memory_space<vmem>>, vector<256x128xf32>
    tpu.vector_store %arg8[%swap3A, %swap3A_58], %add3A_57 {strides = array<i32>} : memref<256x128xf32, #tpu.memory_space<vmem>>, vector<256x128xf32>,
    return
  }
  func.func @transform_0(%arg0: i32) -> (i32, i32) {
    %c0_i32 = arith.constant 0 : i32
    %c0_i32_0 = arith.constant 0 : i32
    return %arg0, %c0_i32 : i32, i32
  }
  func.func @transform_1(%arg0: i32) -> (i32, i32) {
    %c0_i32 = arith.constant 0 : i32
    %c0_i32_0 = arith.constant 0 : i32
    return %arg0, %c0_i32 : i32, i32
  }
  func.func @transform_2(%arg0: i32) -> (i32, i32) {
    %c0_i32 = arith.constant 0 : i32
    %c0_i32_0 = arith.constant 0 : i32
    return %arg0, %c0_i32 : i32, i32
  }
  func.func @transform_3(%arg0: i32) -> (i32, i32) {
    %c0_i32 = arith.constant 0 : i32
    %c0_i32_0 = arith.constant 0 : i32
    return %arg0, %c0_i32 : i32, i32
  }
  func.func @transform_4(%arg0: i32) -> (i32, i32) {
    %c0_i32 = arith.constant 0 : i32
    %c0_i32_0 = arith.constant 0 : i32
    %c0_i32_1 = arith.constant 0 : i32
    return %c0_i32, %c0_i32_0 : i32, i32
  }
  func.func @transform_5(%arg0: i32) -> (i32, i32) {
    %c0_i32 = arith.constant 0 : i32
    %c0_i32_0 = arith.constant 0 : i32
    %c0_i32_1 = arith.constant 0 : i32
    return %c0_i32, %c0_i32_0 : i32, i32
  }
  func.func @transform_6(%arg0: i32) -> (i32, i32) {
    %c0_i32 = arith.constant 0 : i32
    %c0_i32_0 = arith.constant 0 : i32
    %c0_i32_1 = arith.constant 0 : i32
    return %c0_i32, %c0_i32_0 : i32, i32
  }
  func.func @transform_7(%arg0: i32) -> (i32, i32) {
    %c0_i32 = arith.constant 0 : i32
    %c0_i32_0 = arith.constant 0 : i32
    return %arg0, %c0_i32 : i32, i32
  }
}

module attributes {stable_mosaic.version = 14 : i64} {
  func.func @body(%arg0: i32, %arg1: memref<200x128xf32, #tpu.memory_space<vmem>>, %arg2: memref<200x128xf32, #tpu.memory_space<vmem>>, %arg3: memref<200x128xf32, #tpu.memory_space<vmem>>) attributes {dimension_semantics = [#tpu.dimension_semantics<arbitrary>], iteration_bounds = array<i64: 50>, scalar_prefetch = 0 : i64, scratch_operands = 0 : i64, tpu.core_type = #tpu.core_type<tc>, window_params = [{transform_indices = @transform_0, window_bounds = array<i64: 200, 128>}, {transform_indices = @transform_1, window_bounds = array<i64: 200, 128>}, {transform_indices = @transform_2, window_bounds = array<i64: 200, 128>}]} {
    %get3A = arith.constant 0 : index
    %get3A_0 = arith.constant 0 : index
    %get3A_1 = vector.load %arg1[%get3A, %get3A_0] : memref<200x128xf32, #tpu.memory_space<vmem>>, vector<200x128xf32>
    %get3A_2 = arith.constant 0 : index
    %get3A_3 = arith.constant 0 : index
    %get3A_4 = vector.load %arg2[%get3A_2, %get3A_3] : memref<200x128xf32, #tpu.memory_space<vmem>>, vector<200x128xf32>
    %add3A = arith.addf %get3A_1, %get3A_4 : vector<200x128xf32>
    %swap3A = arith.constant 0 : index
    %swap3A_5 = arith.constant 0 : index
    %swap3A_6 = vector.load %arg3[%swap3A, %swap3A_5] : memref<200x128xf32, #tpu.memory_space<vmem>>, vector<200x128xf32>
    tpu.vector_store %arg3[%swap3A, %swap3A_5], %add3A {strides = array<i32>} : memref<200x128xf32, #tpu.memory_space<vmem>>, vector<200x128xf32>,
    return
  }
  func.func @transform_0(%arg0: i32) -> (i32, i32) {
    %c0_i32 = arith.constant 0 : i32
    %c0_i32_0 = arith.constant 0 : i32
    return %arg0, %c0_i32 : i32, i32
  }
  func.func @transform_1(%arg0: i32) -> (i32, i32) {
    %c0_i32 = arith.constant 0 : i32
    %c0_i32_0 = arith.constant 0 : i32
    return %arg0, %c0_i32 : i32, i32
  }
  func.func @transform_2(%arg0: i32) -> (i32, i32) {
    %c0_i32 = arith.constant 0 : i32
    %c0_i32_0 = arith.constant 0 : i32
    return %arg0, %c0_i32 : i32, i32
  }
}

</mosaic_0001>

<sc_bundles>
// kernel: kernel.11.cloned.1.call-start
scs
__scs_entry_jumppad:
0x0: {  	(pc) =	sbr.rel $0x88, $3  }
0x1: {  	(tag) =	ssettag $0x0;
	lr =	simm.s32 $0x1  }
0x2: {  	[smem:$0x3F8E] =	sst lr;
	_ =	strace $0xD0000000  }
0x3: {  	_ = 	snop  }
0x4: {  	_ = 	snop  }
0x5: {  	_ = 	snop  }
0x6: {  	_ = 	snop  }
0x7: {  	_ = 	snop  }
__scs_overlays_trampoline_lowered:
0x8: {  	[smem:$0x3F9D] =	sst s0  }
0x9: {  	[smem:$0x3F9E] =	sst s1  }
0xa: {  	[smem:$0x3F9F] =	sst s2  }
0xb: {  	[smem:$0x3FA0] =	sst s3  }
0xc: {  	[smem:$0x3FA1] =	sst s4  }
0xd: {  	[smem:$0x3FA2] =	sst s5  }
0xe: {  	[smem:$0x3FA3] =	sst s6  }
0xf: {  	[smem:$0x3FA4] =	sst s7  }
0x10: {  	[smem:$0x3FA5] =	sst s8  }
0x11: {  	[smem:$0x3FA6] =	sst s9;
	s0 =	simm.s32 @!p0 $0x0  }
0x12: {  	s1 =	sld [smem:$0x3F8C];
	s0 =	simm.s32 @p0 $0x1  }
0x13: {  	[smem:$0x3FA7] =	sst s0;
	s0 =	simm.s32 @!p1 $0x0  }
0x14: {  	s2 =	sld [smem:$0x3F8B];
	s0 =	simm.s32 @p1 $0x1  }
0x15: {  	[smem:$0x3FA8] =	sst s0;
	s0 =	simm.s32 @!p2 $0x0  }
0x16: {  	s3 =	sld [smem:$0x3FDB];
	s0 =	simm.s32 @p2 $0x1  }
0x17: {  	s4 =	simm.s32 $0x1BF5;
	[smem:$0x3FAA] =	sst s0  }
0x18: {  	s0 =	sld [smem:$0x3F8D];
	_ =	swait.ge [sflag:s4], $0x0  }
0x19: {  	s7 =	sld [smem:$0x3F8E]  }
0x1a: {  	s8 =	sadd.s32 $0xFFFFE003, lr  }
0x1b: {  	s9 =	sadd.s32 $0xFFFFFEF7, lr;
	s5 =	simm.s32 $0xFFFFFFFF;
	p2 =	slt.u32 s8, $0xFFFFF086  }
0x1c: {  	p1 =	slt.u32 s9, $0xF7A;
	s5 =	simm.s32 @!p2 $0x0  }
0x1d: {  	s5 =	simm.s32 @p1 $0x1;
	p0 =	seq.s32 s7, s2  }
0x1e: {  	s7 =	smul.u32 @!p0 $0xF7A, s2;
	p2 =	seq.s32 @!p0 s5, $0x0  }
0x1f: {  	s9 =	smul.u32 $0xF7A, s1;
	s8 =	simm.s32 @!p0 $0x1BF5;
	p2 =	por !p2, p0  }
0x20: {  	[sflag:s8] =	ssyncset.s32 @!p0 $0xFFFFF086;
	s6 =	sadd.s32 @!p0 s3, s7;
	s7 =	simm.s32 @!p0 $0x108  }
0x21: {  	s3 =	sadd.s32 s3, s9;
	s6 =	sadd.s32 @!p0 $0x88, s6;
	s7 =	simm.s32 @p2 $0x1082  }
0x22: {  	[simem:s7], [sflag:s8] =	dma.local @!p0 [hbm:s6], $0xF7A  }
0x23: {  	s9 =	sor.u32 $0xD0000000, s2;
	s6 =	simm.s32 $0x108;
	_ =	swait.ge @!p0 [sflag:s8], $0x0  }
0x24: {  	s3 =	sadd.s32 $0x88, s3;
	s6 =	simm.s32 @!p1 $0x1082;
	[sflag:s4] =	ssyncset.s32 $0xFFFFF086  }
0x25: {  	[simem:s6], [sflag:s4] =	dma.local [hbm:s3], $0xF7A  }
0x26: {  	[smem:$0x3F8E] =	sst s1;
	(tag) =	ssettag s2;
	_ =	strace s9  }
0x27: {  	s1 =	sld [smem:$0x3F9E]  }
0x28: {  	s2 =	sld [smem:$0x3F9F]  }
0x29: {  	s4 =	sld [smem:$0x3FA1]  }
0x2a: {  	p0 =	seq.s32 s5, $0x0;
	s5 =	sld [smem:$0x3FA2]  }
0x2b: {  	s6 =	sld [smem:$0x3FA3]  }
0x2c: {  	s7 =	sld [smem:$0x3FA4]  }
0x2d: {  	s3 =	simm.s32 $0x108;
	s8 =	sld [smem:$0x3FA5]  }
0x2e: {  	s3 =	simm.s32 @!p0 $0x1082;
	s9 =	sld [smem:$0x3FA6]  }
0x2f: {  	lr =	sadd.s32 s0, s3;
	s0 =	sld [smem:$0x3F9D]  }
0x30: {  	s3 =	sld [smem:$0x3FA0]  }
0x31: {  	[smem:$0x3FA9] =	sst s10  }
0x32: {  	s10 =	sld [smem:$0x3FA7];
	_ =	sdelay $0x3  }
0x33: {  	p0 =	seq.s32 s10, $0x1;
	s10 =	sld [smem:$0x3FA9];
	_ =	sdelay $0x3  }
0x34: {  	[smem:$0x3FA9] =	sst s10  }
0x35: {  	s10 =	sld [smem:$0x3FA8];
	_ =	sdelay $0x3  }
0x36: {  	p1 =	seq.s32 s10, $0x1;
	s10 =	sld [smem:$0x3FA9];
	_ =	sdelay $0x3  }
0x37: {  	[smem:$0x3FA9] =	sst s10  }
0x38: {  	s10 =	sld [smem:$0x3FAA]  }
0x39: {  	_ = 	snop;
	(pc) =	sbr.ind lr, $3  }
0x3a: {  	_ = 	snop  }
0x3b: {  	_ = 	snop  }
0x3c: {  	p2 =	seq.s32 s10, $0x1;
	s10 =	sld [smem:$0x3FA9]  }
0x3d: {  	_ =	shalt  }
0x3e: {  	_ =	shalt  }
0x3f: {  	_ =	shalt  }
0x40: {  	_ =	shalt  }
0x41: {  	_ =	shalt  }
0x42: {  	_ =	shalt  }
0x43: {  	_ =	shalt  }
0x44: {  	_ =	shalt  }
0x45: {  	_ =	shalt  }
0x46: {  	_ =	shalt  }
0x47: {  	_ =	shalt  }
0x48: {  	_ =	shalt  }
0x49: {  	_ =	shalt  }
0x4a: {  	_ =	shalt  }
0x4b: {  	_ =	shalt  }
0x4c: {  	_ =	shalt  }
0x4d: {  	_ =	shalt  }
0x4e: {  	_ =	shalt  }
0x4f: {  	_ =	shalt  }
0x50: {  	_ =	shalt  }
0x51: {  	_ =	shalt  }
0x52: {  	_ =	shalt  }
0x53: {  	_ =	shalt  }
0x54: {  	_ =	shalt  }
0x55: {  	_ =	shalt  }
0x56: {  	_ =	shalt  }
0x57: {  	_ =	shalt  }
0x58: {  	_ =	shalt  }
0x59: {  	_ =	shalt  }
0x5a: {  	_ =	shalt  }
0x5b: {  	_ =	shalt  }
0x5c: {  	_ =	shalt  }
0x5d: {  	_ =	shalt  }
0x5e: {  	_ =	shalt  }
0x5f: {  	_ =	shalt  }
0x60: {  	_ =	shalt  }
0x61: {  	_ =	shalt  }
0x62: {  	_ =	shalt  }
0x63: {  	_ =	shalt  }
0x64: {  	_ =	shalt  }
0x65: {  	_ =	shalt  }
0x66: {  	_ =	shalt  }
0x67: {  	_ =	shalt  }
0x68: {  	_ =	shalt  }
0x69: {  	_ =	shalt  }
0x6a: {  	_ =	shalt  }
0x6b: {  	_ =	shalt  }
0x6c: {  	_ =	shalt  }
0x6d: {  	_ =	shalt  }
0x6e: {  	_ =	shalt  }
0x6f: {  	_ =	shalt  }
0x70: {  	_ =	shalt  }
0x71: {  	_ =	shalt  }
0x72: {  	_ =	shalt  }
0x73: {  	_ =	shalt  }
0x74: {  	_ =	shalt  }
0x75: {  	_ =	shalt  }
0x76: {  	_ =	shalt  }
0x77: {  	_ =	shalt  }
0x78: {  	_ =	shalt  }
0x79: {  	_ =	shalt  }
0x7a: {  	_ =	shalt  }
0x7b: {  	_ =	shalt  }
0x7c: {  	_ =	shalt  }
0x7d: {  	_ =	shalt  }
0x7e: {  	_ =	shalt  }
0x7f: {  	_ =	shalt  }
0x80: {  	_ =	shalt  }
0x81: {  	_ =	shalt  }
0x82: {  	_ =	shalt  }
0x83: {  	_ =	shalt  }
0x84: {  	_ =	shalt  }
0x85: {  	_ =	shalt  }
0x86: {  	_ =	shalt  }
0x87: {  	_ =	shalt  }
.Lfunc_end0:
.L_simem_size_0:
called_computation.1_lowered:
.L_overlay_start_0:
0x88: {  	s2 =	sld [smem:$0x3FD9]  }
0x89: {  	s3 =	sld [smem:$0x3FFE];
	_ =	sdelay $0x1  }
0x8a: {  	s1 =	srdreg.scid  }
0x8b: {  	s0 =	sand.u32 $0x1, s1  }
0x8c: {  	s14 =	sshll.u32 s0, $0xA;
	s2 =	sadd.s32 s3, s2  }
0x8d: {  	s2 =	sadd.s32 s2, s14  }
0x8e: {  	[smem:$0x3FB5] =	sst s2  }
0x8f: {  	_ = 	snop  }
0x90: {  	s2 =	sld [smem:$0x3FD0];
	_ =	sdelay $0x2  }
0x91: {  	s15 =	simm.s32 $0xB;
	s4 =	simm.s32 $0x10  }
0x92: {  	[smem:s4], [sflag:s15] =	dma.local [hbm:s2], $0x1  }
0x93: {  	_ =	swait.eq [sflag:s15], $0x1  }
0x94: {  	[sflag:s15] =	ssyncset.done $0x0  }
0x95: {  	s16 =	sld [smem:$0x10];
	[sflag:s15] =	ssyncadd.s32 $0xFFFFFFFF  }
0x96: {  	s17 =	sld [smem:$0x11];
	(tm) =	ssettm $0x1  }
0x97: {  	s18 =	sld [smem:$0x3FFB];
	_ =	sdelay $0x3  }
0x98: {  	_ =	strace s18  }
0x99: {  	s4 =	sld [smem:$0x3FFC];
	_ =	sdelay $0x3  }
0x9a: {  	_ =	strace s4  }
0x9b: {  	s4 =	sld [smem:$0x3FFD];
	_ =	sdelay $0x3  }
0x9c: {  	_ =	strace s4  }
0x9d: {  	_ =	strace $0x8FFFFFFF  }
0x9e: {  	s19 =	sld [smem:$0x3FDB];
	_ =	sdelay $0x1  }
0x9f: {  	s5 =	simm.s32 $_scs_section_size  }
0xa0: {  	s6 =	simm.s32 $_size__tile_overlayer_lowered;
	s7 =	simm.s32 $_tile_overlayer_lowered  }
0xa1: {  	s22 =	simm.s32 $0x1BFF;
	s21 =	sshll.u32 s7, $0x1;
	s4 =	sadd.s32 s5, s19  }
0xa2: {  	s8 =	simm.s32 $0x0;
	s20 =	sshll.u32 s6, $0x1;
	s6 =	sadd.s32 s21, s4  }
0xa3: {  	[timem:s8], [sflag:s22] =	dma.local [hbm:s6], s20  }
0xa4: {  	_ =	swait.ge [sflag:s22], s20  }
0xa5: {  	s5 =	ssub.s32 $0x0, s20;
	[sflag:s22] =	ssyncset.done $0x0  }
0xa6: {  	[sflag:s22] =	ssyncadd.s32 s5;
	_ =	sdelay $0x1  }
0xa7: {  	s23 =	simm.s32 $0x1B8B  }
0xa8: {  	_ =	swait.ge [sflag:s23], $0x1  }
0xa9: {  	[sflag:s23] =	ssyncset.done $0x0  }
0xaa: {  	s25 =	simm.s32 $0x1B8E;
	s24 =	sld [smem:$0x3FFE];
	[sflag:s23] =	ssyncadd.s32 $0xFFFFFFFF  }
0xab: {  	s26 =	simm.s32 $execute0_lowered;
	[smem:$0x3FD2] =	sst s25  }
0xac: {  	s6 =	sshll.u32 s26, $0x1;
	_ =	strace $0x80000049;
	[dreg:$0x1] =	wrdreg $0xFFFFFFFF  }
0xad: {  	s28 =	simm.s32 $_size_execute0_lowered;
	s4 =	sadd.s32 s4, s6;
	[dreg:$0x0] =	wrdreg $0x0  }
0xae: {  	s6 =	sshll.u32 s28, $0x1;
	[dreg:$0x2] =	wrdreg s4  }
0xaf: {  	[dreg:$0x3] =	wrdreg s6  }
0xb0: {  	[dreg:$0x4] =	wrdreg $0xC0  }
0xb1: {  	_ =	task [dreg:s8], $0x5FFFF  }
0xb2: {  	[dreg:$0x1] =	wrdreg $0xFFFFFFFF  }
0xb3: {  	[dreg:$0x0] =	wrdreg $0x60  }
0xb4: {  	[dreg:$0x2] =	wrdreg s17  }
0xb5: {  	[dreg:$0x3] =	wrdreg s24  }
0xb6: {  	[dreg:$0x4] =	wrdreg s16  }
0xb7: {  	[dreg:$0x5] =	wrdreg $0x9  }
0xb8: {  	_ =	task.clear_ibuf [dreg:s8], $0x6FFFF;
	_ =	strace $0x90000049  }
0xb9: {  	s29 =	simm.s32 $0x9;
	_ =	strace $0x8000004B  }
0xba: {  	_ =	swait.ge [sflag:s29], $0x1  }
0xbb: {  	[sflag:s29] =	ssyncadd.s32 $0xFFFFFFFF  }
0xbc: {  	_ =	strace $0x9000004B  }
0xbd: {  	_ =	sfence  }
0xbe: {  	s30 =	sld [smem:$0x0];
	_ =	sdelay $0x2  }
0xbf: {  	s31 =	sshll.u32 s1, $0xD;
	s1 =	sshrl.u32 s1, $0x2  }
0xc0: {  	s3 =	sand.u32 $0x4000, s31;
	s1 =	sadd.s32 s1, s30  }
0xc1: {  	s0 =	sor.u32 s3, s0;
	s1 =	sshll.u32 s1, $0x11  }
0xc2: {  	s0 =	sor.u32 s1, s0  }
0xc3: {  	s0 =	sadd.s32 $0x8F2B, s0  }
0xc4: {  	[sflag:s0] =	ssyncadd.remote.s32 $0x1  }
0xc5: {  	_ =	sfence.sel $0xFFFF  }
0xc6: {  	[dreg:$0x0] =	wrdreg $0xFFFFFFFF;
	(pc) =	sbr.abs _section_cstart, $3  }
0xc7: {  	[dreg:$0x1] =	wrdreg $0xFFFFFFFF  }
0xc8: {  	_ =	task.clear_ibuf [dreg:s8], $0x2FFFF;
	_ =	strace $0x9FFFFFFF  }
0xc9: {  	(tm) =	ssettm $0x7FFFFFFF  }
tec
execute0_lowered:
.L_overlay_start_1:
0x0: {  	(tag) =	ssettag $0x1  }
0x1: {  	s1 =	rddreg [dreg:$0x0]  }
0x2: {  	s2 =	srdreg.scid;
	s5 =	rddreg [dreg:$0x1]  }
0x3: {  	s0 =	stileid.u32;
	s7 =	rddreg [dreg:$0x2];
	s3 =	simm.s32 $0x0  }
0x4: {  	s12 =	simm.s32 $0x15580;
	s13 =	simm.s32 $0x80;
	s14 =	simm.s32 $0x16600  }
0x5: {  	s15 =	simm.s32 $0x1;
	s4 =	sand.u32 $0x1, s2;
	s29 =	sshll.u32 s0, $0x1  }
0x6: {  	s16 =	simm.s32 $0xA000;
	s17 =	simm.s32 $0x14000;
	s6 =	sor.u32 s4, s29  }
0x7: {  	s18 =	simm.s32 $0x0;
	s2 =	rddreg [dreg:$0x3];
	s8 =	smul.u32 $0x1400, s6  }
0x8: {  	[smem:$0x7FF] =	sst s3;
	s9 =	ssub.s32 $0x2, s4;
	s10 =	smul.u32 $0x140, s6  }
.Ltmp0:
0x9: {  	_ =	strace $0x8000004A;
	s30 =	sshrl.u32 s9, $0x1;
	(pc) =	sbr.rel .LBB2_1-.Ltmp0, $4  }
0xa: {  	s4 =	sadd.s32 $0x1878000, s5;
	s9 =	ssub.s32 s9, s30;
	s8 =	sadd.s32 s8, s5  }
0xb: {  	v2 =	vimm.f32 $0.0e+00;
	s11 =	sadd.s32 $0x140, s10;
	s31 =	sshrl.u32 s10, $0x3;
	v0 =	vmov s10;
	s10 =	simm.s32 $0x2  }
0xc: {  	v3 =	vimm.f32 $-3.000000010e+38;
	vm0 =	vcmask $0x300;
	v4 =	vimm.s32 $0x0;
	s5 =	sadd.s32 $0x4200, s8;
	s6 =	sadd.s32 $0x2C200, s8;
	s7 =	sadd.s32 s7, s31  }
0xd: {  	v5 =	vlaneseq.u32;
	v6 =	vsel vm0, $0x3F800000, v2;
	s8 =	smax.u32 s9, $0x1;
	s9 =	simm.s32 $0x14180;
	v1 =	vmov s11;
	s11 =	simm.s32 $0x14500  }
.LBB2_23:
0xe: {  	[hbm4b:s5+s3] =	stream.linear.scatter [tilespmem:s3], [sflag:$0x2], $0xA000, $0x38;
	[tilespmem:$0x1A600] =	vst v63  }
0xf: {  	_ =	swait.ge [sflag:s10], $0xA000  }
0x10: {  	[sflag:s10] =	ssyncset.done $0x0  }
0x11: {  	[sflag:s10] =	ssyncadd.s32 $0xFFFF6000  }
0x12: {  	[hbm4b:s6+s3] =	stream.linear.scatter [tilespmem:s16], [sflag:$0x2], $0xA000, $0x38;
	[tilespmem:$0x1A600] =	vst v63  }
0x13: {  	s18 =	sadd.s32 $0x1, s18;
	_ =	swait.ge [sflag:s10], $0xA000  }
0x14: {  	p0 =	sne.s32 s18, s8;
	[sflag:s10] =	ssyncset.done $0x0  }
.Ltmp1:
0x15: {  	[sflag:s10] =	ssyncadd.s32 $0xFFFF6000;
	(pc) =	sbr.rel @!p0 .LBB2_24-.Ltmp1, $4  }
0x16: {  	[hbm4b:s7+s3] =	stream.linear.scatter [tilespmem:s17], [sflag:$0x2], $0x140, $0x38;
	[tilespmem:$0x1A600] =	vst v63  }
0x17: {  	_ =	swait.ge [sflag:s10], $0x140  }
0x18: {  	[sflag:s10] =	ssyncset.done $0x0  }
0x19: {  	[sflag:s10] =	ssyncadd.s32 $0xFFFFFEC0  }
.LBB2_1:
0x1a: {  	s19 =	simm.s32 $0x0;
	s20 =	simm.s32 $0x200  }
.LBB2_2:
0x1b: {  	p0 =	sne.s32 s20, $0x27E00;
	[tilespmem:s19+$0xA070] =	vst v3  }
0x1c: {  	[tilespmem:s19+$0x0] =	vst v2  }
0x1d: {  	[tilespmem:s19+$0xA000] =	vst v3  }
0x1e: {  	[tilespmem:s19+$0x10] =	vst v2  }
0x1f: {  	[tilespmem:s19+$0xA010] =	vst v3  }
0x20: {  	[tilespmem:s19+$0x20] =	vst v2  }
0x21: {  	[tilespmem:s19+$0xA020] =	vst v3  }
0x22: {  	[tilespmem:s19+$0x30] =	vst v2  }
0x23: {  	[tilespmem:s19+$0xA030] =	vst v3  }
0x24: {  	[tilespmem:s19+$0x40] =	vst v2  }
0x25: {  	[tilespmem:s19+$0xA040] =	vst v3  }
.Ltmp2:
0x26: {  	[tilespmem:s19+$0x50] =	vst v2;
	(pc) =	sbr.rel @p0 .LBB2_2-.Ltmp2, $4  }
0x27: {  	[tilespmem:s19+$0xA050] =	vst v3  }
0x28: {  	[tilespmem:s19+$0x60] =	vst v2  }
0x29: {  	[tilespmem:s19+$0xA060] =	vst v3  }
0x2a: {  	[tilespmem:s19+$0x70] =	vst v2;
	s19 =	sshra.s32 s20, $0x2;
	s20 =	sadd.s32 $0x200, s20  }
0x2b: {  	[tilespmem:s19+$0xA070] =	vst v3  }
0x2c: {  	[tilespmem:s19+$0x0] =	vst v2  }
0x2d: {  	[tilespmem:s19+$0xA000] =	vst v3  }
0x2e: {  	[tilespmem:s19+$0x10] =	vst v2  }
0x2f: {  	[tilespmem:s19+$0xA010] =	vst v3  }
0x30: {  	[tilespmem:s19+$0x20] =	vst v2  }
0x31: {  	[tilespmem:s19+$0xA020] =	vst v3  }
0x32: {  	[tilespmem:s19+$0x30] =	vst v2  }
0x33: {  	[tilespmem:s19+$0xA030] =	vst v3  }
0x34: {  	[tilespmem:s19+$0x40] =	vst v2  }
0x35: {  	[tilespmem:s19+$0xA040] =	vst v3  }
0x36: {  	[tilespmem:s19+$0x50] =	vst v2  }
0x37: {  	[tilespmem:s19+$0xA050] =	vst v3  }
0x38: {  	[tilespmem:s19+$0x60] =	vst v2  }
0x39: {  	[tilespmem:s19+$0xA060] =	vst v3  }
0x3a: {  	[tilespmem:s19+$0x70] =	vst v2  }
0x3b: {  	[tilespmem:$0x14000] =	vst v2  }
0x3c: {  	[tilespmem:$0x14010] =	vst v2  }
0x3d: {  	[tilespmem:$0x14020] =	vst v2  }
0x3e: {  	[tilespmem:$0x14030] =	vst v2  }
0x3f: {  	[tilespmem:$0x14040] =	vst v2  }
0x40: {  	[tilespmem:$0x14050] =	vst v2  }
0x41: {  	[tilespmem:$0x14060] =	vst v2  }
0x42: {  	[tilespmem:$0x14070] =	vst v2  }
0x43: {  	[tilespmem:$0x14080] =	vst v2  }
0x44: {  	[tilespmem:$0x14090] =	vst v2  }
0x45: {  	[tilespmem:$0x140A0] =	vst v2  }
0x46: {  	[tilespmem:$0x140B0] =	vst v2  }
0x47: {  	[tilespmem:$0x140C0] =	vst v2  }
0x48: {  	[tilespmem:$0x140D0] =	vst v2  }
0x49: {  	[tilespmem:$0x140E0] =	vst v2  }
0x4a: {  	[tilespmem:$0x140F0] =	vst v2  }
0x4b: {  	[tilespmem:$0x14100] =	vst v2  }
0x4c: {  	[tilespmem:$0x14110] =	vst v2  }
0x4d: {  	[tilespmem:$0x14120] =	vst v2  }
0x4e: {  	[tilespmem:$0x14130] =	vst v2  }
0x4f: {  	s20 =	simm.s32 $0x0;
	s19 =	simm.s32 $0x40;
	s21 =	simm.s32 $0x0;
	[tilespmem:$0x14140] =	vst v2  }
.LBB2_4:
0x50: {  	p0 =	sne.s32 s19, $0x4000;
	[tilespmem:s21+$0x14500] =	vst v4;
	s21 =	smov.u32 s19;
	s19 =	sadd.s32 $0x40, s19  }
.Ltmp3:
0x51: {  	(pc) =	sbr.rel @p0 .LBB2_4-.Ltmp3, $2  }
0x52: {  	_ =	sdelay $0x2  }
0x53: {  	s21 =	sshra.s32 s21, $0x2  }
.Ltmp4:
0x54: {  	(pc) =	sbr.rel .LBB2_6-.Ltmp4, $2  }
0x55: {  	_ =	sdelay $0x2  }
0x56: {  	[tilespmem:s21+$0x14500] =	vst v4;
	s22 =	simm.s32 $0x0;
	s21 =	simm.s32 $0x0  }
.LBB2_15:
0x57: {  	s21 =	sadd.s32 $0x1, s21  }
0x58: {  	p1 =	sne.s32 s21, $0x190  }
.Ltmp5:
0x59: {  	_ = 	snop;
	(pc) =	sbr.rel @!p1 .LBB2_16-.Ltmp5, $3  }
0x5a: {  	_ =	sdelay $0x1  }
0x5b: {  	p0 =	sgt.s32 s19, $0xCDF;
	s22 =	smov.u32 s19  }
0x5c: {  	s20 =	sadd.s32 $0x320, s20;
	s22 =	simm.s32 @p0 $0x0  }
.LBB2_6:
0x5d: {  	s19 =	smul.u32 $0x320, s21;
	_ =	sdelay $0x1  }
0x5e: {  	s19 =	sshrl.u32 s19, $0x3  }
0x5f: {  	s23 =	simm.s32 $0x0;
	s19 =	sadd.s32 s1, s19  }
0x60: {  	[tilespmem:s9], [sflag:$0x2] =	stream.linear.gather [hbm4b:s19+s23], $0x320, $0x38;
	[tilespmem:$0x1A600] =	vst v63  }
0x61: {  	_ =	swait.ge [sflag:s10], $0x320  }
0x62: {  	[sflag:s10] =	ssyncset.done $0x0  }
0x63: {  	s29 =	simm.s32 $0x0;
	[sflag:s10] =	ssyncadd.s32 $0xFFFFFCE0  }
0x64: {  	v7 =	vld [tilespmem:s29+$0x14180];
	_ =	sdelay $0x4  }
0x65: {  	vm0 =	vge.s32 v7, v0;
	vm1 =	vlt.s32 v7, v1  }
0x66: {  	vm0 =	vmand vm0, vm1  }
0x67: {  	v8 =	vsel vm0, $0x1, v4  }
0x68: {  	(xrf0) =	vadd.scan.msk.s32 $0xffff, v8;
	_ =	sdelay $0x4  }
0x69: {  	v8 =	vsel vm0, $0xFFFFFFFF, v4  }
0x6a: {  	v8 =	vadd.s32 s22, v8;
	v9, _, _ =	vpop (xrf0)  }
0x6b: {  	v8 =	vadd.s32 v9, v8;
	_ =	sdelay $0x1  }
0x6c: {  	(v2sf) =	vpush v9, $0xF;
	_ =	sdelay $0x1  }
0x6d: {  	v63 =	vor.u32 s20, v5  }
0x6e: {  	v7 =	vsub.s32 v7, v0;
	[tilespmem:v8+s11+$0x0] =	vst.idx.msk vm0, v63  }
0x6f: {  	s30 =	simm.s32 $0x10;
	[tilespmem:v8+s12+$0x0] =	vst.idx.msk vm0, v7  }
0x70: {  	v7 =	vld [tilespmem:s30+$0x14180];
	_ =	sdelay $0x4  }
0x71: {  	vm0 =	vge.s32 v7, v0;
	vm1 =	vlt.s32 v7, v1  }
0x72: {  	vm0 =	vmand vm0, vm1  }
0x73: {  	v8 =	vsel vm0, $0x1, v4  }
0x74: {  	(xrf0) =	vadd.scan.msk.s32 $0xffff, v8;
	_ =	sdelay $0x1  }
0x75: {  	s24 =	simm.s32 $0xC0;
	s31 =	spop (v2sf)  }
0x76: {  	s23 =	simm.s32 $0x80;
	s19 =	sadd.s32 s22, s31;
	s22 =	smov.u32 s20  }
.LBB2_7:
0x77: {  	p0 =	sne.s32 s24, $0xC40  }
0x78: {  	v8 =	vsel vm0, $0xFFFFFFFF, v4  }
0x79: {  	v8 =	vadd.s32 s19, v8;
	v9, _, _ =	vpop (xrf0)  }
0x7a: {  	v8 =	vadd.s32 v9, v8;
	(v2sf) =	vpush v9, $0xF;
	_ =	sdelay $0x2  }
0x7b: {  	s22 =	sadd.s32 $0x10, s22  }
0x7c: {  	v9 =	vor.u32 s22, v5  }
0x7d: {  	v7 =	vsub.s32 v7, v0;
	[tilespmem:v8+s11+$0x0] =	vst.idx.msk vm0, v9  }
0x7e: {  	s25 =	sshra.s32 s23, $0x2;
	s23 =	smov.u32 s24;
	[tilespmem:v8+s12+$0x0] =	vst.idx.msk vm0, v7  }
0x7f: {  	v7 =	vld [tilespmem:s25+$0x14180];
	_ =	sdelay $0x4  }
0x80: {  	vm0 =	vge.s32 v7, v0;
	vm1 =	vlt.s32 v7, v1  }
0x81: {  	vm0 =	vmand vm0, vm1  }
.Ltmp6:
0x82: {  	v8 =	vsel vm0, $0x1, v4;
	(pc) =	sbr.rel @p0 .LBB2_7-.Ltmp6, $3  }
0x83: {  	(xrf0) =	vadd.scan.msk.s32 $0xffff, v8;
	s25 =	spop (v2sf)  }
0x84: {  	s19 =	sadd.s32 s19, s25;
	_ =	sdelay $0x1  }
0x85: {  	s24 =	sadd.s32 $0x40, s24  }
0x86: {  	_ = 	snop  }
0x87: {  	v8 =	vsel vm0, $0xFFFFFFFF, v4  }
0x88: {  	v8 =	vadd.s32 s19, v8;
	v9, _, _ =	vpop (xrf0)  }
0x89: {  	v8 =	vadd.s32 v9, v8;
	_ =	sdelay $0x2  }
0x8a: {  	s24 =	sadd.s32 $0x10, s22  }
0x8b: {  	v10 =	vor.u32 s24, v5  }
0x8c: {  	v7 =	vsub.s32 v7, v0;
	[tilespmem:v8+s11+$0x0] =	vst.idx.msk vm0, v10  }
0x8d: {  	s28 =	sshra.s32 s23, $0x2;
	[tilespmem:v8+s12+$0x0] =	vst.idx.msk vm0, v7  }
0x8e: {  	v7 =	vld [tilespmem:s28+$0x14180];
	_ =	sdelay $0x4  }
0x8f: {  	vm15 =	vge.s32 v7, v0;
	vm1 =	vlt.s32 v7, v1  }
0x90: {  	vm0 =	vmand vm15, vm1  }
0x91: {  	v8 =	vsel vm0, $0x1, v4  }
0x92: {  	(xrf0) =	vadd.scan.msk.s32 $0xffff, v8;
	_ =	sdelay $0x5  }
0x93: {  	(v2sf) =	vpush v9, $0xF;
	v8, _, _ =	vpop (xrf0)  }
0x94: {  	(v2sf) =	vpush v8, $0xF;
	_ =	sdelay $0xd  }
0x95: {  	s29 =	spop (v2sf)  }
0x96: {  	s22 =	sadd.s32 s19, s29;
	s30 =	spop (v2sf)  }
0x97: {  	s19 =	sadd.s32 s22, s30  }
0x98: {  	p0 =	slt.s32 s19, $0xCE0  }
0x99: {  	s23 =	sadd.s32 @!p0 $0x7F, s19  }
0x9a: {  	s25 =	sand.u32 @!p0 $0x7F, s23  }
0x9b: {  	v62 =	vsel vm0, $0xFFFFFFFF, v4;
	p2 =	slt.s32 @!p0 s23, $0x0;
	p1 =	sne.s32 @!p0 s25, $0x0  }
0x9c: {  	v9 =	vadd.s32 s22, v62;
	s22 =	sshra.s32 @!p0 s23, $0x1F;
	p1 =	por @!p0 !p2, !p1  }
0x9d: {  	s22 =	sshrl.u32 @!p0 s22, $0x19;
	p1 =	por @!p0 !p1, !p1  }
0x9e: {  	s22 =	sadd.s32 @!p0 s22, s23;
	s23 =	simm.s32 @!p0 $0x1;
	p1 =	por !p1, p0  }
0x9f: {  	s22 =	sshra.s32 @!p0 s22, $0x7;
	s23 =	simm.s32 @p1 $0x0  }
0xa0: {  	s22 =	ssub.s32 @!p0 s22, s23  }
0xa1: {  	v8 =	vadd.s32 v8, v9;
	p1 =	slt.s32 @!p0 s22, $0x1  }
0xa2: {  	p1 =	por p0, p1  }
.Ltmp7:
0xa3: {  	_ = 	snop;
	(pc) =	sbr.rel @p1 .LBB2_15-.Ltmp7, $4  }
0xa4: {  	s31 =	sadd.s32 $0x10, s24  }
0xa5: {  	v63 =	vor.u32 s31, v5  }
0xa6: {  	v7 =	vsub.s32 v7, v0;
	[tilespmem:v8+s11+$0x0] =	vst.idx.msk vm0, v63  }
0xa7: {  	[tilespmem:v8+s12+$0x0] =	vst.idx.msk vm0, v7  }
.Ltmp8:
0xa8: {  	(pc) =	sbr.rel .LBB2_10-.Ltmp8, $2  }
0xa9: {  	_ =	sdelay $0x2  }
0xaa: {  	s23 =	simm.s32 @!p0 $0x0;
	s24 =	simm.s32 @!p0 $0x15580;
	s25 =	smov.u32 s19  }
.LBB2_13:
0xab: {  	[tilespmem:s28+$0x14000] =	vst v7  }
.LBB2_14:
0xac: {  	s23 =	sadd.s32 $0x1, s23  }
0xad: {  	p0 =	sne.s32 s23, s22  }
.Ltmp9:
0xae: {  	_ = 	snop;
	(pc) =	sbr.rel @!p0 .LBB2_15-.Ltmp9, $2  }
0xaf: {  	_ =	sdelay $0x2  }
0xb0: {  	s25 =	sadd.s32 $0xFFFFFF80, s25;
	s24 =	sadd.s32 $0x80, s24  }
.LBB2_10:
0xb1: {  	s28 =	sshll.u32 s23, $0x7  }
0xb2: {  	s26 =	sshll.u32 s23, $0x9;
	s31 =	ssub.s32 s19, s28  }
0xb3: {  	s26 =	sshra.s32 s26, $0x2;
	p0 =	slt.s32 s31, $0x1  }
.Ltmp10:
0xb4: {  	s26 =	sadd.s32 $0x14500, s26;
	(pc) =	sbr.rel @p0 .LBB2_14-.Ltmp10, $4  }
0xb5: {  	[tilespmem:s14], [sflag:$0x1] =	stream.indirect.gather [hbm4b:s4+s13], $0x80, s26, s13, $0xb8;
	[tilespmem:$0x1A600] =	vst v63  }
0xb6: {  	_ =	swait.ge [sflag:s15], $0x4000  }
0xb7: {  	[sflag:s15] =	ssyncset.done $0x0  }
0xb8: {  	[sflag:s15] =	ssyncadd.s32 $0xFFFFC000  }
0xb9: {  	v7 =	vld [tilespmem:s24+$0x0];
	_ =	sdelay $0x4  }
0xba: {  	(v2sf) =	vpush v7, $0x0;
	_ =	sdelay $0xe  }
0xbb: {  	s26 =	simm.s32 $0x16640;
	s28 =	spop (v2sf)  }
0xbc: {  	v7 =	vld [tilespmem:s26+$0xFFFFFFC0];
	s29 =	sshll.u32 s28, $0x7  }
0xbd: {  	v8 =	vld [tilespmem:s29+$0x0]  }
0xbe: {  	v9 =	vld [tilespmem:s29+$0xA000];
	_ =	sdelay $0x4  }
0xbf: {  	v8 =	vadd.f32 v8, v7;
	v7 =	vmax.f32 v9, v7  }
0xc0: {  	[tilespmem:s29+$0xA000] =	vst v7;
	v7 =	vld [tilespmem:s29+$0x10]  }
0xc1: {  	[tilespmem:s29+$0x0] =	vst v8;
	v8 =	vld [tilespmem:s29+$0xA010]  }
0xc2: {  	v57 =	vld [tilespmem:s26+$0xFFFFFFD0];
	_ =	sdelay $0x4  }
0xc3: {  	v8 =	vmax.f32 v8, v57;
	v7 =	vadd.f32 v7, v57  }
0xc4: {  	[tilespmem:s29+$0xA010] =	vst v8;
	v8 =	vld [tilespmem:s29+$0xA020]  }
0xc5: {  	[tilespmem:s29+$0x10] =	vst v7;
	v7 =	vld [tilespmem:s29+$0x20]  }
0xc6: {  	v58 =	vld [tilespmem:s26+$0xFFFFFFE0];
	_ =	sdelay $0x4  }
0xc7: {  	v8 =	vmax.f32 v8, v58;
	v7 =	vadd.f32 v7, v58  }
0xc8: {  	[tilespmem:s29+$0xA020] =	vst v8;
	v8 =	vld [tilespmem:s29+$0xA030]  }
0xc9: {  	[tilespmem:s29+$0x20] =	vst v7;
	v7 =	vld [tilespmem:s29+$0x30]  }
0xca: {  	v59 =	vld [tilespmem:s26+$0xFFFFFFF0];
	_ =	sdelay $0x4  }
0xcb: {  	v8 =	vmax.f32 v8, v59;
	v7 =	vadd.f32 v7, v59  }
0xcc: {  	[tilespmem:s29+$0xA030] =	vst v8;
	v8 =	vld [tilespmem:s29+$0xA040]  }
0xcd: {  	[tilespmem:s29+$0x30] =	vst v7;
	v7 =	vld [tilespmem:s29+$0x40]  }
0xce: {  	v60 =	vld [tilespmem:s26+$0x0];
	_ =	sdelay $0x4  }
0xcf: {  	v8 =	vmax.f32 v8, v60;
	v7 =	vadd.f32 v7, v60  }
0xd0: {  	[tilespmem:s29+$0xA040] =	vst v8;
	v8 =	vld [tilespmem:s29+$0xA050]  }
0xd1: {  	[tilespmem:s29+$0x40] =	vst v7;
	v7 =	vld [tilespmem:s29+$0x50]  }
0xd2: {  	v61 =	vld [tilespmem:s26+$0x10];
	_ =	sdelay $0x4  }
0xd3: {  	v8 =	vmax.f32 v8, v61;
	v7 =	vadd.f32 v7, v61  }
0xd4: {  	[tilespmem:s29+$0xA050] =	vst v8;
	v8 =	vld [tilespmem:s29+$0xA060]  }
0xd5: {  	[tilespmem:s29+$0x50] =	vst v7;
	v7 =	vld [tilespmem:s29+$0x60]  }
0xd6: {  	v62 =	vld [tilespmem:s26+$0x20];
	_ =	sdelay $0x4  }
0xd7: {  	v8 =	vmax.f32 v8, v62;
	v7 =	vadd.f32 v7, v62  }
0xd8: {  	[tilespmem:s29+$0xA060] =	vst v8;
	v8 =	vld [tilespmem:s29+$0xA070]  }
0xd9: {  	[tilespmem:s29+$0x60] =	vst v7;
	v7 =	vld [tilespmem:s29+$0x70]  }
0xda: {  	v63 =	vld [tilespmem:s26+$0x30];
	_ =	sdelay $0x4  }
0xdb: {  	v8 =	vmax.f32 v8, v63;
	v7 =	vadd.f32 v7, v63  }
0xdc: {  	[tilespmem:s29+$0xA070] =	vst v8  }
0xdd: {  	p0 =	sgt.s32 s25, $0x1;
	[tilespmem:s29+$0x70] =	vst v7;
	s29 =	smov.u32 s25  }
0xde: {  	s29 =	simm.s32 @!p0 $0x1  }
0xdf: {  	v7 =	vld [tilespmem:s28+$0x14000];
	s29 =	smin.u32 s29, $0x80  }
0xe0: {  	p0 =	sne.s32 s29, $0x1  }
.Ltmp11:
0xe1: {  	_ = 	snop;
	(pc) =	sbr.rel @!p0 .LBB2_13-.Ltmp11, $3  }
0xe2: {  	_ =	sdelay $0x1  }
0xe3: {  	v7 =	vadd.f32 v6, v7  }
0xe4: {  	s30 =	smov.u32 s24;
	s29 =	sadd.s32 $0xFFFFFFFF, s29  }
.LBB2_12:
0xe5: {  	p0 =	sne.s32 s29, $0x1;
	s30 =	sadd.s32 $0x1, s30;
	s26 =	sadd.s32 $0x80, s26  }
0xe6: {  	s29 =	sadd.s32 $0xFFFFFFFF, s29;
	[tilespmem:s28+$0x14000] =	vst v7  }
0xe7: {  	v7 =	vld [tilespmem:s30+$0x0];
	_ =	sdelay $0x4  }
0xe8: {  	(v2sf) =	vpush v7, $0x0;
	_ =	sdelay $0xe  }
0xe9: {  	s28 =	spop (v2sf)  }
0xea: {  	v7 =	vld [tilespmem:s26+$0xFFFFFFC0];
	s31 =	sshll.u32 s28, $0x7  }
0xeb: {  	v8 =	vld [tilespmem:s31+$0x0]  }
0xec: {  	v9 =	vld [tilespmem:s31+$0xA000];
	_ =	sdelay $0x3  }
0xed: {  	v8 =	vadd.f32 v8, v7  }
0xee: {  	v7 =	vmax.f32 v9, v7  }
0xef: {  	[tilespmem:s31+$0x0] =	vst v8;
	v8 =	vld [tilespmem:s31+$0xA010]  }
0xf0: {  	[tilespmem:s31+$0xA000] =	vst v7;
	v7 =	vld [tilespmem:s31+$0x10]  }
0xf1: {  	v9 =	vld [tilespmem:s26+$0xFFFFFFD0];
	_ =	sdelay $0x4  }
0xf2: {  	v8 =	vmax.f32 v8, v9;
	v7 =	vadd.f32 v7, v9  }
0xf3: {  	[tilespmem:s31+$0xA010] =	vst v8;
	v8 =	vld [tilespmem:s31+$0xA020]  }
0xf4: {  	[tilespmem:s31+$0x10] =	vst v7;
	v7 =	vld [tilespmem:s31+$0x20]  }
0xf5: {  	v9 =	vld [tilespmem:s26+$0xFFFFFFE0];
	_ =	sdelay $0x4  }
0xf6: {  	v8 =	vmax.f32 v8, v9;
	v7 =	vadd.f32 v7, v9  }
0xf7: {  	[tilespmem:s31+$0xA020] =	vst v8;
	v8 =	vld [tilespmem:s31+$0xA030]  }
0xf8: {  	[tilespmem:s31+$0x20] =	vst v7;
	v7 =	vld [tilespmem:s31+$0x30]  }
0xf9: {  	v9 =	vld [tilespmem:s26+$0xFFFFFFF0];
	_ =	sdelay $0x4  }
0xfa: {  	v8 =	vmax.f32 v8, v9;
	v7 =	vadd.f32 v7, v9  }
0xfb: {  	[tilespmem:s31+$0xA030] =	vst v8;
	v8 =	vld [tilespmem:s31+$0xA040]  }
0xfc: {  	[tilespmem:s31+$0x30] =	vst v7;
	v7 =	vld [tilespmem:s31+$0x40]  }
0xfd: {  	v9 =	vld [tilespmem:s26+$0x0];
	_ =	sdelay $0x4  }
0xfe: {  	v8 =	vmax.f32 v8, v9;
	v7 =	vadd.f32 v7, v9  }
0xff: {  	[tilespmem:s31+$0xA040] =	vst v8;
	v8 =	vld [tilespmem:s31+$0xA050]  }
0x100: {  	[tilespmem:s31+$0x40] =	vst v7;
	v7 =	vld [tilespmem:s31+$0x50]  }
0x101: {  	v9 =	vld [tilespmem:s26+$0x10];
	_ =	sdelay $0x4  }
0x102: {  	v8 =	vmax.f32 v8, v9;
	v7 =	vadd.f32 v7, v9  }
0x103: {  	[tilespmem:s31+$0xA050] =	vst v8;
	v8 =	vld [tilespmem:s31+$0xA060]  }
0x104: {  	[tilespmem:s31+$0x50] =	vst v7;
	v7 =	vld [tilespmem:s31+$0x60]  }
0x105: {  	v9 =	vld [tilespmem:s26+$0x20];
	_ =	sdelay $0x4  }
0x106: {  	v8 =	vmax.f32 v8, v9;
	v7 =	vadd.f32 v7, v9  }
0x107: {  	[tilespmem:s31+$0xA060] =	vst v8;
	v8 =	vld [tilespmem:s31+$0xA070]  }
0x108: {  	[tilespmem:s31+$0x60] =	vst v7;
	v7 =	vld [tilespmem:s31+$0x70]  }
0x109: {  	v9 =	vld [tilespmem:s26+$0x30];
	_ =	sdelay $0x4  }
0x10a: {  	v8 =	vmax.f32 v8, v9;
	v7 =	vadd.f32 v7, v9  }
0x10b: {  	[tilespmem:s31+$0xA070] =	vst v8  }
0x10c: {  	[tilespmem:s31+$0x70] =	vst v7  }
0x10d: {  	v7 =	vld [tilespmem:s28+$0x14000]  }
.Ltmp12:
0x10e: {  	(pc) =	sbr.rel @p0 .LBB2_12-.Ltmp12, $2  }
0x10f: {  	_ =	sdelay $0x2  }
0x110: {  	v7 =	vadd.f32 v6, v7  }
.Ltmp13:
0x111: {  	_ = 	snop;
	(pc) =	sbr.rel .LBB2_13-.Ltmp13, $1  }
0x112: {  	_ =	sdelay $0x3  }
.LBB2_16:
0x113: {  	p0 =	slt.s32 s22, $0x1  }
0x114: {  	s20 =	sadd.s32 @!p0 $0x7F, s22  }
0x115: {  	s21 =	sand.u32 @!p0 $0x7F, s20  }
0x116: {  	p1 =	slt.s32 @!p0 s20, $0x0;
	p2 =	sne.s32 @!p0 s21, $0x0  }
0x117: {  	s21 =	sshra.s32 @!p0 s20, $0x1F;
	p1 =	por @!p0 !p1, !p2  }
0x118: {  	s21 =	sshrl.u32 @!p0 s21, $0x19;
	p1 =	por @!p0 !p1, !p1  }
0x119: {  	s20 =	sadd.s32 @!p0 s21, s20;
	s21 =	simm.s32 @!p0 $0x1;
	p1 =	por !p1, p0  }
0x11a: {  	s20 =	sshra.s32 @!p0 s20, $0x7;
	s21 =	simm.s32 @p1 $0x0  }
0x11b: {  	s20 =	ssub.s32 @!p0 s20, s21  }
0x11c: {  	p1 =	slt.s32 @!p0 s20, $0x1  }
0x11d: {  	p1 =	por p0, p1  }
.Ltmp14:
0x11e: {  	_ = 	snop;
	(pc) =	sbr.rel @p1 .LBB2_23-.Ltmp14, $1  }
0x11f: {  	_ =	sdelay $0x3  }
.Ltmp15:
0x120: {  	(pc) =	sbr.rel .LBB2_18-.Ltmp15, $2  }
0x121: {  	_ =	sdelay $0x2  }
0x122: {  	s21 =	simm.s32 @!p0 $0x0;
	s23 =	simm.s32 @!p0 $0x15580  }
.LBB2_21:
0x123: {  	[tilespmem:s25+$0x14000] =	vst v7  }
.LBB2_22:
0x124: {  	s21 =	sadd.s32 $0x1, s21  }
0x125: {  	p0 =	sne.s32 s21, s20  }
.Ltmp16:
0x126: {  	_ = 	snop;
	(pc) =	sbr.rel @!p0 .LBB2_23-.Ltmp16, $2  }
0x127: {  	_ =	sdelay $0x2  }
0x128: {  	s19 =	sadd.s32 $0xFFFFFF80, s19;
	s23 =	sadd.s32 $0x80, s23  }
.LBB2_18:
0x129: {  	s25 =	sshll.u32 s21, $0x7  }
0x12a: {  	s24 =	sshll.u32 s21, $0x9;
	s31 =	ssub.s32 s22, s25  }
0x12b: {  	s24 =	sshra.s32 s24, $0x2;
	p0 =	slt.s32 s31, $0x1  }
.Ltmp17:
0x12c: {  	s24 =	sadd.s32 $0x14500, s24;
	(pc) =	sbr.rel @p0 .LBB2_22-.Ltmp17, $4  }
0x12d: {  	[tilespmem:s14], [sflag:$0x1] =	stream.indirect.gather [hbm4b:s4+s13], $0x80, s24, s13, $0xb8;
	[tilespmem:$0x1A600] =	vst v63  }
0x12e: {  	_ =	swait.ge [sflag:s15], $0x4000  }
0x12f: {  	[sflag:s15] =	ssyncset.done $0x0  }
0x130: {  	[sflag:s15] =	ssyncadd.s32 $0xFFFFC000  }
0x131: {  	v7 =	vld [tilespmem:s23+$0x0];
	_ =	sdelay $0x4  }
0x132: {  	(v2sf) =	vpush v7, $0x0;
	_ =	sdelay $0xe  }
0x133: {  	s24 =	simm.s32 $0x16640;
	s25 =	spop (v2sf)  }
0x134: {  	v7 =	vld [tilespmem:s24+$0xFFFFFFC0];
	s26 =	sshll.u32 s25, $0x7  }
0x135: {  	v8 =	vld [tilespmem:s26+$0x0]  }
0x136: {  	v9 =	vld [tilespmem:s26+$0xA000];
	_ =	sdelay $0x4  }
0x137: {  	v8 =	vadd.f32 v8, v7;
	v7 =	vmax.f32 v9, v7  }
0x138: {  	[tilespmem:s26+$0xA000] =	vst v7;
	v7 =	vld [tilespmem:s26+$0x10]  }
0x139: {  	[tilespmem:s26+$0x0] =	vst v8;
	v8 =	vld [tilespmem:s26+$0xA010]  }
0x13a: {  	v57 =	vld [tilespmem:s24+$0xFFFFFFD0];
	_ =	sdelay $0x4  }
0x13b: {  	v8 =	vmax.f32 v8, v57;
	v7 =	vadd.f32 v7, v57  }
0x13c: {  	[tilespmem:s26+$0xA010] =	vst v8;
	v8 =	vld [tilespmem:s26+$0xA020]  }
0x13d: {  	[tilespmem:s26+$0x10] =	vst v7;
	v7 =	vld [tilespmem:s26+$0x20]  }
0x13e: {  	v58 =	vld [tilespmem:s24+$0xFFFFFFE0];
	_ =	sdelay $0x4  }
0x13f: {  	v8 =	vmax.f32 v8, v58;
	v7 =	vadd.f32 v7, v58  }
0x140: {  	[tilespmem:s26+$0xA020] =	vst v8;
	v8 =	vld [tilespmem:s26+$0xA030]  }
0x141: {  	[tilespmem:s26+$0x20] =	vst v7;
	v7 =	vld [tilespmem:s26+$0x30]  }
0x142: {  	v59 =	vld [tilespmem:s24+$0xFFFFFFF0];
	_ =	sdelay $0x4  }
0x143: {  	v8 =	vmax.f32 v8, v59;
	v7 =	vadd.f32 v7, v59  }
0x144: {  	[tilespmem:s26+$0xA030] =	vst v8;
	v8 =	vld [tilespmem:s26+$0xA040]  }
0x145: {  	[tilespmem:s26+$0x30] =	vst v7;
	v7 =	vld [tilespmem:s26+$0x40]  }
0x146: {  	v60 =	vld [tilespmem:s24+$0x0];
	_ =	sdelay $0x4  }
0x147: {  	v8 =	vmax.f32 v8, v60;
	v7 =	vadd.f32 v7, v60  }
0x148: {  	[tilespmem:s26+$0xA040] =	vst v8;
	v8 =	vld [tilespmem:s26+$0xA050]  }
0x149: {  	[tilespmem:s26+$0x40] =	vst v7;
	v7 =	vld [tilespmem:s26+$0x50]  }
0x14a: {  	v61 =	vld [tilespmem:s24+$0x10];
	_ =	sdelay $0x4  }
0x14b: {  	v8 =	vmax.f32 v8, v61;
	v7 =	vadd.f32 v7, v61  }
0x14c: {  	[tilespmem:s26+$0xA050] =	vst v8;
	v8 =	vld [tilespmem:s26+$0xA060]  }
0x14d: {  	[tilespmem:s26+$0x50] =	vst v7;
	v7 =	vld [tilespmem:s26+$0x60]  }
0x14e: {  	v62 =	vld [tilespmem:s24+$0x20];
	_ =	sdelay $0x4  }
0x14f: {  	v8 =	vmax.f32 v8, v62;
	v7 =	vadd.f32 v7, v62  }
0x150: {  	[tilespmem:s26+$0xA060] =	vst v8;
	v8 =	vld [tilespmem:s26+$0xA070]  }
0x151: {  	[tilespmem:s26+$0x60] =	vst v7;
	v7 =	vld [tilespmem:s26+$0x70]  }
0x152: {  	v63 =	vld [tilespmem:s24+$0x30];
	_ =	sdelay $0x4  }
0x153: {  	v8 =	vmax.f32 v8, v63;
	v7 =	vadd.f32 v7, v63  }
0x154: {  	[tilespmem:s26+$0xA070] =	vst v8  }
0x155: {  	p0 =	sgt.s32 s19, $0x1;
	[tilespmem:s26+$0x70] =	vst v7;
	s26 =	smov.u32 s19  }
0x156: {  	s26 =	simm.s32 @!p0 $0x1  }
0x157: {  	v7 =	vld [tilespmem:s25+$0x14000];
	s26 =	smin.u32 s26, $0x80  }
0x158: {  	p0 =	sne.s32 s26, $0x1  }
.Ltmp18:
0x159: {  	_ = 	snop;
	(pc) =	sbr.rel @!p0 .LBB2_21-.Ltmp18, $3  }
0x15a: {  	_ =	sdelay $0x1  }
0x15b: {  	v7 =	vadd.f32 v6, v7  }
0x15c: {  	s28 =	smov.u32 s23;
	s26 =	sadd.s32 $0xFFFFFFFF, s26  }
.LBB2_20:
0x15d: {  	p0 =	sne.s32 s26, $0x1;
	s28 =	sadd.s32 $0x1, s28;
	s24 =	sadd.s32 $0x80, s24  }
0x15e: {  	s26 =	sadd.s32 $0xFFFFFFFF, s26;
	[tilespmem:s25+$0x14000] =	vst v7  }
0x15f: {  	v7 =	vld [tilespmem:s28+$0x0];
	_ =	sdelay $0x4  }
0x160: {  	(v2sf) =	vpush v7, $0x0;
	_ =	sdelay $0xe  }
0x161: {  	s25 =	spop (v2sf)  }
0x162: {  	v7 =	vld [tilespmem:s24+$0xFFFFFFC0];
	s29 =	sshll.u32 s25, $0x7  }
0x163: {  	v8 =	vld [tilespmem:s29+$0x0]  }
0x164: {  	v9 =	vld [tilespmem:s29+$0xA000];
	_ =	sdelay $0x3  }
0x165: {  	v8 =	vadd.f32 v8, v7  }
0x166: {  	v7 =	vmax.f32 v9, v7  }
0x167: {  	[tilespmem:s29+$0x0] =	vst v8;
	v8 =	vld [tilespmem:s29+$0xA010]  }
0x168: {  	[tilespmem:s29+$0xA000] =	vst v7;
	v7 =	vld [tilespmem:s29+$0x10]  }
0x169: {  	v9 =	vld [tilespmem:s24+$0xFFFFFFD0];
	_ =	sdelay $0x4  }
0x16a: {  	v8 =	vmax.f32 v8, v9;
	v7 =	vadd.f32 v7, v9  }
0x16b: {  	[tilespmem:s29+$0xA010] =	vst v8;
	v8 =	vld [tilespmem:s29+$0xA020]  }
0x16c: {  	[tilespmem:s29+$0x10] =	vst v7;
	v7 =	vld [tilespmem:s29+$0x20]  }
0x16d: {  	v9 =	vld [tilespmem:s24+$0xFFFFFFE0];
	_ =	sdelay $0x4  }
0x16e: {  	v8 =	vmax.f32 v8, v9;
	v7 =	vadd.f32 v7, v9  }
0x16f: {  	[tilespmem:s29+$0xA020] =	vst v8;
	v8 =	vld [tilespmem:s29+$0xA030]  }
0x170: {  	[tilespmem:s29+$0x20] =	vst v7;
	v7 =	vld [tilespmem:s29+$0x30]  }
0x171: {  	v9 =	vld [tilespmem:s24+$0xFFFFFFF0];
	_ =	sdelay $0x4  }
0x172: {  	v8 =	vmax.f32 v8, v9;
	v7 =	vadd.f32 v7, v9  }
0x173: {  	[tilespmem:s29+$0xA030] =	vst v8;
	v8 =	vld [tilespmem:s29+$0xA040]  }
0x174: {  	[tilespmem:s29+$0x30] =	vst v7;
	v7 =	vld [tilespmem:s29+$0x40]  }
0x175: {  	v9 =	vld [tilespmem:s24+$0x0];
	_ =	sdelay $0x4  }
0x176: {  	v8 =	vmax.f32 v8, v9;
	v7 =	vadd.f32 v7, v9  }
0x177: {  	[tilespmem:s29+$0xA040] =	vst v8;
	v8 =	vld [tilespmem:s29+$0xA050]  }
0x178: {  	[tilespmem:s29+$0x40] =	vst v7;
	v7 =	vld [tilespmem:s29+$0x50]  }
0x179: {  	v9 =	vld [tilespmem:s24+$0x10];
	_ =	sdelay $0x4  }
0x17a: {  	v8 =	vmax.f32 v8, v9;
	v7 =	vadd.f32 v7, v9  }
0x17b: {  	[tilespmem:s29+$0xA050] =	vst v8;
	v8 =	vld [tilespmem:s29+$0xA060]  }
0x17c: {  	[tilespmem:s29+$0x50] =	vst v7;
	v7 =	vld [tilespmem:s29+$0x60]  }
0x17d: {  	v9 =	vld [tilespmem:s24+$0x20];
	_ =	sdelay $0x4  }
0x17e: {  	v8 =	vmax.f32 v8, v9;
	v7 =	vadd.f32 v7, v9  }
0x17f: {  	[tilespmem:s29+$0xA060] =	vst v8;
	v8 =	vld [tilespmem:s29+$0xA070]  }
0x180: {  	[tilespmem:s29+$0x60] =	vst v7;
	v7 =	vld [tilespmem:s29+$0x70]  }
0x181: {  	v9 =	vld [tilespmem:s24+$0x30];
	_ =	sdelay $0x4  }
0x182: {  	v8 =	vmax.f32 v8, v9;
	v7 =	vadd.f32 v7, v9  }
0x183: {  	[tilespmem:s29+$0xA070] =	vst v8  }
0x184: {  	[tilespmem:s29+$0x70] =	vst v7  }
0x185: {  	v7 =	vld [tilespmem:s25+$0x14000]  }
.Ltmp19:
0x186: {  	(pc) =	sbr.rel @p0 .LBB2_20-.Ltmp19, $2  }
0x187: {  	_ =	sdelay $0x2  }
0x188: {  	v7 =	vadd.f32 v6, v7  }
.Ltmp20:
0x189: {  	_ = 	snop;
	(pc) =	sbr.rel .LBB2_21-.Ltmp20, $1  }
0x18a: {  	_ =	sdelay $0x3  }
.LBB2_24:
0x18b: {  	_ =	sfence.sel $0x180000  }
0x18c: {  	[bflag:$0x0] =	sbarrier.arrive $0xFFFF  }
0x18d: {  	p0 =	sne.s32 s0, $0x0;
	_ =	strace $0x9000004A  }
0x18e: {  	s0 =	sadd.s32 @!p0 $0x100000, s2;
	[bflag:$0x2] =	sbarrier.arrive $0xFFFF  }
0x18f: {  	[sflag:s0] =	ssyncadd.tile.s32 @!p0 $0x1;
	_ =	shalt  }
.Lfunc_end2:
_tile_overlayer_lowered:
.L_overlay_start_2:
0x190: {  	(tag) =	ssettag $0x2  }
0x191: {  	s0 =	rddreg [dreg:$0x0];
	s2 =	stileid.u32  }
0x192: {  	s1 =	rddreg [dreg:$0x1];
	p0 =	sne.s32 s2, $0x0  }
0x193: {  	s3 =	rddreg [dreg:$0x2];
	[bflag:$0x3] =	sbarrier.arrive $0xFFFF;
	s2 =	simm.s32 @!p0 $0x1C02  }
0x194: {  	[timem:s3], [sflag:s2] =	dma.local @!p0 [hbm:s0], s1  }
0x195: {  	s0 =	simm.s32 @!p0 $0x2  }
0x196: {  	_ =	swait.ge @!p0 [sflag:s0], s1  }
0x197: {  	s1 =	ssub.s32 @!p0 $0x0, s1;
	[sflag:s0] =	ssyncset.done @!p0 $0x0  }
0x198: {  	[sflag:s0] =	ssyncadd.s32 @!p0 s1  }
0x199: {  	[bflag:$0x3] =	sbarrier.arrive $0xFFFF  }
0x19a: {  	_ =	shalt  }

// kernel: kernel.14.cloned.1.call-start
scs
__scs_entry_jumppad:
0x0: {  	(pc) =	sbr.rel $0x88, $3  }
0x1: {  	(tag) =	ssettag $0x0;
	lr =	simm.s32 $0x1  }
0x2: {  	[smem:$0x3F8E] =	sst lr;
	_ =	strace $0xD0000000  }
0x3: {  	_ = 	snop  }
0x4: {  	_ = 	snop  }
0x5: {  	_ = 	snop  }
0x6: {  	_ = 	snop  }
0x7: {  	_ = 	snop  }
__scs_overlays_trampoline_lowered:
0x8: {  	[smem:$0x3F9D] =	sst s0  }
0x9: {  	[smem:$0x3F9E] =	sst s1  }
0xa: {  	[smem:$0x3F9F] =	sst s2  }
0xb: {  	[smem:$0x3FA0] =	sst s3  }
0xc: {  	[smem:$0x3FA1] =	sst s4  }
0xd: {  	[smem:$0x3FA2] =	sst s5  }
0xe: {  	[smem:$0x3FA3] =	sst s6  }
0xf: {  	[smem:$0x3FA4] =	sst s7  }
0x10: {  	[smem:$0x3FA5] =	sst s8  }
0x11: {  	[smem:$0x3FA6] =	sst s9;
	s0 =	simm.s32 @!p0 $0x0  }
0x12: {  	s1 =	sld [smem:$0x3F8C];
	s0 =	simm.s32 @p0 $0x1  }
0x13: {  	[smem:$0x3FA7] =	sst s0;
	s0 =	simm.s32 @!p1 $0x0  }
0x14: {  	s2 =	sld [smem:$0x3F8B];
	s0 =	simm.s32 @p1 $0x1  }
0x15: {  	[smem:$0x3FA8] =	sst s0;
	s0 =	simm.s32 @!p2 $0x0  }
0x16: {  	s3 =	sld [smem:$0x3FDB];
	s0 =	simm.s32 @p2 $0x1  }
0x17: {  	s4 =	simm.s32 $0x1BF5;
	[smem:$0x3FAA] =	sst s0  }
0x18: {  	s0 =	sld [smem:$0x3F8D];
	_ =	swait.ge [sflag:s4], $0x0  }
0x19: {  	s7 =	sld [smem:$0x3F8E]  }
0x1a: {  	s8 =	sadd.s32 $0xFFFFE003, lr  }
0x1b: {  	s9 =	sadd.s32 $0xFFFFFEF7, lr;
	s5 =	simm.s32 $0xFFFFFFFF;
	p2 =	slt.u32 s8, $0xFFFFF086  }
0x1c: {  	p1 =	slt.u32 s9, $0xF7A;
	s5 =	simm.s32 @!p2 $0x0  }
0x1d: {  	s5 =	simm.s32 @p1 $0x1;
	p0 =	seq.s32 s7, s2  }
0x1e: {  	s7 =	smul.u32 @!p0 $0xF7A, s2;
	p2 =	seq.s32 @!p0 s5, $0x0  }
0x1f: {  	s9 =	smul.u32 $0xF7A, s1;
	s8 =	simm.s32 @!p0 $0x1BF5;
	p2 =	por !p2, p0  }
0x20: {  	[sflag:s8] =	ssyncset.s32 @!p0 $0xFFFFF086;
	s6 =	sadd.s32 @!p0 s3, s7;
	s7 =	simm.s32 @!p0 $0x108  }
0x21: {  	s3 =	sadd.s32 s3, s9;
	s6 =	sadd.s32 @!p0 $0x88, s6;
	s7 =	simm.s32 @p2 $0x1082  }
0x22: {  	[simem:s7], [sflag:s8] =	dma.local @!p0 [hbm:s6], $0xF7A  }
0x23: {  	s9 =	sor.u32 $0xD0000000, s2;
	s6 =	simm.s32 $0x108;
	_ =	swait.ge @!p0 [sflag:s8], $0x0  }
0x24: {  	s3 =	sadd.s32 $0x88, s3;
	s6 =	simm.s32 @!p1 $0x1082;
	[sflag:s4] =	ssyncset.s32 $0xFFFFF086  }
0x25: {  	[simem:s6], [sflag:s4] =	dma.local [hbm:s3], $0xF7A  }
0x26: {  	[smem:$0x3F8E] =	sst s1;
	(tag) =	ssettag s2;
	_ =	strace s9  }
0x27: {  	s1 =	sld [smem:$0x3F9E]  }
0x28: {  	s2 =	sld [smem:$0x3F9F]  }
0x29: {  	s4 =	sld [smem:$0x3FA1]  }
0x2a: {  	p0 =	seq.s32 s5, $0x0;
	s5 =	sld [smem:$0x3FA2]  }
0x2b: {  	s6 =	sld [smem:$0x3FA3]  }
0x2c: {  	s7 =	sld [smem:$0x3FA4]  }
0x2d: {  	s3 =	simm.s32 $0x108;
	s8 =	sld [smem:$0x3FA5]  }
0x2e: {  	s3 =	simm.s32 @!p0 $0x1082;
	s9 =	sld [smem:$0x3FA6]  }
0x2f: {  	lr =	sadd.s32 s0, s3;
	s0 =	sld [smem:$0x3F9D]  }
0x30: {  	s3 =	sld [smem:$0x3FA0]  }
0x31: {  	[smem:$0x3FA9] =	sst s10  }
0x32: {  	s10 =	sld [smem:$0x3FA7];
	_ =	sdelay $0x3  }
0x33: {  	p0 =	seq.s32 s10, $0x1;
	s10 =	sld [smem:$0x3FA9];
	_ =	sdelay $0x3  }
0x34: {  	[smem:$0x3FA9] =	sst s10  }
0x35: {  	s10 =	sld [smem:$0x3FA8];
	_ =	sdelay $0x3  }
0x36: {  	p1 =	seq.s32 s10, $0x1;
	s10 =	sld [smem:$0x3FA9];
	_ =	sdelay $0x3  }
0x37: {  	[smem:$0x3FA9] =	sst s10  }
0x38: {  	s10 =	sld [smem:$0x3FAA]  }
0x39: {  	_ = 	snop;
	(pc) =	sbr.ind lr, $3  }
0x3a: {  	_ = 	snop  }
0x3b: {  	_ = 	snop  }
0x3c: {  	p2 =	seq.s32 s10, $0x1;
	s10 =	sld [smem:$0x3FA9]  }
0x3d: {  	_ =	shalt  }
0x3e: {  	_ =	shalt  }
0x3f: {  	_ =	shalt  }
0x40: {  	_ =	shalt  }
0x41: {  	_ =	shalt  }
0x42: {  	_ =	shalt  }
0x43: {  	_ =	shalt  }
0x44: {  	_ =	shalt  }
0x45: {  	_ =	shalt  }
0x46: {  	_ =	shalt  }
0x47: {  	_ =	shalt  }
0x48: {  	_ =	shalt  }
0x49: {  	_ =	shalt  }
0x4a: {  	_ =	shalt  }
0x4b: {  	_ =	shalt  }
0x4c: {  	_ =	shalt  }
0x4d: {  	_ =	shalt  }
0x4e: {  	_ =	shalt  }
0x4f: {  	_ =	shalt  }
0x50: {  	_ =	shalt  }
0x51: {  	_ =	shalt  }
0x52: {  	_ =	shalt  }
0x53: {  	_ =	shalt  }
0x54: {  	_ =	shalt  }
0x55: {  	_ =	shalt  }
0x56: {  	_ =	shalt  }
0x57: {  	_ =	shalt  }
0x58: {  	_ =	shalt  }
0x59: {  	_ =	shalt  }
0x5a: {  	_ =	shalt  }
0x5b: {  	_ =	shalt  }
0x5c: {  	_ =	shalt  }
0x5d: {  	_ =	shalt  }
0x5e: {  	_ =	shalt  }
0x5f: {  	_ =	shalt  }
0x60: {  	_ =	shalt  }
0x61: {  	_ =	shalt  }
0x62: {  	_ =	shalt  }
0x63: {  	_ =	shalt  }
0x64: {  	_ =	shalt  }
0x65: {  	_ =	shalt  }
0x66: {  	_ =	shalt  }
0x67: {  	_ =	shalt  }
0x68: {  	_ =	shalt  }
0x69: {  	_ =	shalt  }
0x6a: {  	_ =	shalt  }
0x6b: {  	_ =	shalt  }
0x6c: {  	_ =	shalt  }
0x6d: {  	_ =	shalt  }
0x6e: {  	_ =	shalt  }
0x6f: {  	_ =	shalt  }
0x70: {  	_ =	shalt  }
0x71: {  	_ =	shalt  }
0x72: {  	_ =	shalt  }
0x73: {  	_ =	shalt  }
0x74: {  	_ =	shalt  }
0x75: {  	_ =	shalt  }
0x76: {  	_ =	shalt  }
0x77: {  	_ =	shalt  }
0x78: {  	_ =	shalt  }
0x79: {  	_ =	shalt  }
0x7a: {  	_ =	shalt  }
0x7b: {  	_ =	shalt  }
0x7c: {  	_ =	shalt  }
0x7d: {  	_ =	shalt  }
0x7e: {  	_ =	shalt  }
0x7f: {  	_ =	shalt  }
0x80: {  	_ =	shalt  }
0x81: {  	_ =	shalt  }
0x82: {  	_ =	shalt  }
0x83: {  	_ =	shalt  }
0x84: {  	_ =	shalt  }
0x85: {  	_ =	shalt  }
0x86: {  	_ =	shalt  }
0x87: {  	_ =	shalt  }
.Lfunc_end0:
.L_simem_size_0:
called_computation.2_lowered:
.L_overlay_start_0:
0x88: {  	s2 =	sld [smem:$0x3FD9]  }
0x89: {  	s3 =	sld [smem:$0x3FFE];
	_ =	sdelay $0x1  }
0x8a: {  	s1 =	srdreg.scid  }
0x8b: {  	s0 =	sand.u32 $0x1, s1  }
0x8c: {  	s17 =	sshll.u32 s0, $0xA;
	s2 =	sadd.s32 s3, s2  }
0x8d: {  	s2 =	sadd.s32 s2, s17  }
0x8e: {  	[smem:$0x3FB5] =	sst s2  }
0x8f: {  	_ = 	snop  }
0x90: {  	(tm) =	ssettm $0x1  }
0x91: {  	s18 =	sld [smem:$0x3FFB];
	_ =	sdelay $0x3  }
0x92: {  	_ =	strace s18  }
0x93: {  	s2 =	sld [smem:$0x3FFC];
	_ =	sdelay $0x3  }
0x94: {  	_ =	strace s2  }
0x95: {  	s2 =	sld [smem:$0x3FFD];
	_ =	sdelay $0x3  }
0x96: {  	_ =	strace s2  }
0x97: {  	_ =	strace $0x8FFFFFFF  }
0x98: {  	s19 =	sld [smem:$0x3FDB];
	_ =	sdelay $0x1  }
0x99: {  	s20 =	simm.s32 $_scs_section_size  }
0x9a: {  	s4 =	simm.s32 $_size__tile_overlayer_lowered;
	s5 =	simm.s32 $_tile_overlayer_lowered  }
0x9b: {  	s6 =	simm.s32 $0x1BFF;
	s21 =	sshll.u32 s5, $0x1;
	s3 =	sadd.s32 s20, s19  }
0x9c: {  	s22 =	simm.s32 $0x0;
	s4 =	sshll.u32 s4, $0x1;
	s5 =	sadd.s32 s21, s3  }
0x9d: {  	[timem:s22], [sflag:s6] =	dma.local [hbm:s5], s4  }
0x9e: {  	_ =	swait.ge [sflag:s6], s4  }
0x9f: {  	s4 =	ssub.s32 $0x0, s4;
	[sflag:s6] =	ssyncset.done $0x0  }
0xa0: {  	[sflag:s6] =	ssyncadd.s32 s4;
	_ =	sdelay $0x1  }
0xa1: {  	s23 =	simm.s32 $0x1B8B  }
0xa2: {  	_ =	swait.ge [sflag:s23], $0x1  }
0xa3: {  	[sflag:s23] =	ssyncset.done $0x0  }
0xa4: {  	[sflag:s23] =	ssyncadd.s32 $0xFFFFFFFF  }
0xa5: {  	s4 =	sld [smem:$0x0]  }
0xa6: {  	s5 =	sand.u32 $0xFFFFFFFE, s1  }
0xa7: {  	p0 =	sne.s32 s1, s5  }
0xa8: {  	s5 =	sshll.u32 @p0 s5, $0xE  }
0xa9: {  	s5 =	sadd.s32 @p0 $0x11B8D, s5;
	s6 =	sshll.u32 @p0 s4, $0x11  }
0xaa: {  	s5 =	sor.u32 @p0 s6, s5  }
0xab: {  	[sflag:s5] =	ssyncadd.remote.s32 @p0 $0x1;
	_ =	sdelay $0x1  }
0xac: {  	s5 =	simm.s32 @p0 $0x1B8D  }
0xad: {  	_ =	swait.eq @p0 [sflag:s5], $0x1  }
0xae: {  	[sflag:s5] =	ssyncadd.s32 @p0 $0xFFFFFFFF  }
0xaf: {  	s6 =	sshll.u32 @!p0 s1, $0xE  }
0xb0: {  	s6 =	sor.u32 @!p0 $0x4000, s6;
	s5 =	simm.s32 @!p0 $0x1B8D  }
0xb1: {  	s4 =	sshll.u32 @!p0 s4, $0x11;
	s6 =	sadd.s32 @!p0 $0x11B8D, s6;
	_ =	swait.eq @!p0 [sflag:s5], $0x1  }
0xb2: {  	s4 =	sor.u32 @!p0 s4, s6;
	[sflag:s5] =	ssyncadd.s32 @!p0 $0xFFFFFFFF  }
0xb3: {  	s25 =	simm.s32 $0x1B8E;
	s24 =	sld [smem:$0x3FFE];
	[sflag:s4] =	ssyncadd.remote.s32 @!p0 $0x1  }
0xb4: {  	s26 =	simm.s32 $execute0_lowered;
	[smem:$0x3FD2] =	sst s25  }
0xb5: {  	s5 =	sshll.u32 s26, $0x1;
	_ =	strace $0x8000004C;
	[dreg:$0x1] =	wrdreg $0xFFFFFFFF  }
0xb6: {  	s28 =	simm.s32 $_size_execute0_lowered;
	s3 =	sadd.s32 s3, s5;
	[dreg:$0x0] =	wrdreg $0x0  }
0xb7: {  	s5 =	sshll.u32 s28, $0x1;
	[dreg:$0x2] =	wrdreg s3  }
0xb8: {  	[dreg:$0x3] =	wrdreg s5  }
0xb9: {  	[dreg:$0x4] =	wrdreg $0xC0  }
0xba: {  	_ =	task [dreg:s22], $0x5FFFF  }
0xbb: {  	[dreg:$0x1] =	wrdreg $0xFFFFFFFF  }
0xbc: {  	[dreg:$0x0] =	wrdreg $0x60  }
0xbd: {  	[dreg:$0x2] =	wrdreg s24  }
0xbe: {  	[dreg:$0x3] =	wrdreg $0x66800  }
0xbf: {  	[dreg:$0x4] =	wrdreg $0xA  }
0xc0: {  	_ =	task.clear_ibuf [dreg:s22], $0x5FFFF;
	_ =	strace $0x9000004C  }
0xc1: {  	s29 =	simm.s32 $0xA;
	_ =	strace $0x8000004E  }
0xc2: {  	_ =	swait.ge [sflag:s29], $0x1  }
0xc3: {  	[sflag:s29] =	ssyncadd.s32 $0xFFFFFFFF  }
0xc4: {  	_ =	strace $0x9000004E  }
0xc5: {  	_ =	sfence  }
0xc6: {  	s30 =	sld [smem:$0x0];
	_ =	sdelay $0x2  }
0xc7: {  	s31 =	sshll.u32 s1, $0xD;
	s1 =	sshrl.u32 s1, $0x2  }
0xc8: {  	s4 =	sand.u32 $0x4000, s31;
	s1 =	sadd.s32 s1, s30  }
0xc9: {  	s0 =	sor.u32 s4, s0;
	s1 =	sshll.u32 s1, $0x11  }
0xca: {  	s0 =	sor.u32 s1, s0  }
0xcb: {  	s0 =	sadd.s32 $0x8F2B, s0  }
0xcc: {  	[sflag:s0] =	ssyncadd.remote.s32 $0x1  }
0xcd: {  	_ =	sfence.sel $0xFFFF  }
0xce: {  	[dreg:$0x0] =	wrdreg $0xFFFFFFFF;
	(pc) =	sbr.abs _section_cstart, $3  }
0xcf: {  	[dreg:$0x1] =	wrdreg $0xFFFFFFFF  }
0xd0: {  	_ =	task.clear_ibuf [dreg:s22], $0x2FFFF;
	_ =	strace $0x9FFFFFFF  }
0xd1: {  	(tm) =	ssettm $0x7FFFFFFF  }
tec
execute0_lowered:
.L_overlay_start_1:
0x0: {  	(tag) =	ssettag $0x1  }
0x1: {  	s25 =	stileid.u32  }
0x2: {  	s0 =	rddreg [dreg:$0x0];
	s4 =	smul.u32 $0x4E200, s25  }
0x3: {  	s2 =	rddreg [dreg:$0x1];
	s7 =	smul.u32 $0x4E000, s25  }
0x4: {  	s3 =	simm.s32 $0x0;
	s1 =	srdreg.scid;
	s20 =	smul.u32 $0x2700, s25  }
0x5: {  	[smem:$0x7FF] =	sst s3;
	s1 =	sand.u32 $0x1, s1;
	s28 =	smul.u32 $0x2710, s25  }
0x6: {  	s6 =	sadd.s32 $0x186E200, s0;
	s22 =	sadd.s32 $0x9FD00, s0;
	s30 =	smul.u32 $0x9C4, s25  }
0x7: {  	s12 =	sadd.s32 $0x18A900, s0;
	s29 =	sadd.s32 $0xEE100, s0;
	s14 =	smul.u32 $0x27100, s25  }
0x8: {  	p1 =	seq.s32 s25, $0xF;
	_ =	strace $0x8000004D;
	[dreg:$0x4] =	wrdreg s22  }
0x9: {  	s5 =	smul.u32 $0x271000, s1;
	s9 =	ssub.s32 $0x2, s1;
	[dreg:$0x7] =	wrdreg s12  }
0xa: {  	s23 =	smul.u32 $0x27100, s1;
	[dreg:$0x8] =	wrdreg s29;
	p0 =	sne.s32 s1, $0x0  }
0xb: {  	s22 =	sadd.s32 $0xC6F00, s0;
	s8 =	sadd.s32 s4, s0;
	s10 =	sshrl.u32 s9, $0x1  }
0xc: {  	s7 =	sshrl.u32 s7, $0x2;
	s11 =	sadd.s32 s20, s0;
	[dreg:$0xe] =	wrdreg s22  }
0xd: {  	p3 =	seq.s32 @p0 s25, $0xF;
	p5 =	seq.s32 @!p0 s25, $0xF;
	s22 =	simm.s32 $0x3E80  }
0xe: {  	s5 =	sadd.s32 s5, s0;
	s9 =	ssub.s32 s9, s10;
	s4 =	sadd.s32 s7, s2  }
0xf: {  	s21 =	sadd.s32 $0x7B400, s11;
	s24 =	sadd.s32 $0x166000, s11;
	s26 =	sadd.s32 $0xC9800, s11  }
0x10: {  	s13 =	sadd.s32 $0xA2600, s11;
	s7 =	sadd.s32 s28, s23;
	s31 =	sadd.s32 $0x13EE00, s11  }
0x11: {  	s19 =	sadd.s32 $0x54200, s11;
	s20 =	sadd.s32 $0x117C00, s11;
	[dreg:$0x3] =	wrdreg s21  }
0x12: {  	s23 =	sadd.s32 $0x163700, s0;
	s29 =	sadd.s32 $0x223C000, s8;
	[dreg:$0x5] =	wrdreg s24  }
0x13: {  	p2 =	por !p3, !p0;
	p3 =	por p3, !p0;
	[dreg:$0x6] =	wrdreg s26  }
0x14: {  	p4 =	por !p5, p0;
	p5 =	por p5, p0;
	[dreg:$0x9] =	wrdreg s13  }
0x15: {  	[dreg:$0xa] =	wrdreg s31;
	s13 =	sadd.s32 s30, s6;
	s12 =	sadd.s32 $0xA0, s7  }
0x16: {  	s5 =	sadd.s32 s14, s5;
	s15 =	sshrl.u32 s7, $0x3;
	s16 =	sadd.s32 $0x78, s7  }
0x17: {  	s17 =	sadd.s32 $0x50, s7;
	s7 =	sadd.s32 $0x28, s7;
	[dreg:$0xb] =	wrdreg s19  }
0x18: {  	[dreg:$0xc] =	wrdreg s20;
	s21 =	sadd.s32 $0xF0A00, s11;
	s24 =	sadd.s32 $0x78B00, s0  }
0x19: {  	[dreg:$0xf] =	wrdreg s23;
	s26 =	sadd.s32 $0x13C500, s0;
	s0 =	sadd.s32 $0x115300, s0  }
0x1a: {  	s28 =	smax.u32 s9, $0x1;
	[dreg:$0x14] =	wrdreg s29;
	s30 =	sadd.s32 $0x1D5A000, s8  }
0x1b: {  	s8 =	simm.s32 $0x180;
	s9 =	simm.s32 $0x200;
	[dreg:$0xd] =	wrdreg s21  }
0x1c: {  	s11 =	simm.s32 $0x28;
	s19 =	simm.s32 $0x2A80;
	[dreg:$0x10] =	wrdreg s24  }
0x1d: {  	s23 =	simm.s32 $0x5280;
	s20 =	simm.s32 $0x0;
	[dreg:$0x11] =	wrdreg s26  }
0x1e: {  	s10 =	sshrl.u32 s12, $0x3;
	s14 =	sadd.s32 s15, s6;
	[dreg:$0x12] =	wrdreg s0  }
0x1f: {  	s18 =	sshrl.u32 s17, $0x3;
	s7 =	sshrl.u32 s7, $0x3;
	[dreg:$0x13] =	wrdreg s28  }
0x20: {  	[dreg:$0x15] =	wrdreg s30;
	s31 =	sadd.s32 $0x271E000, s5;
	s0 =	sadd.s32 $0x124800, s2  }
0x21: {  	s5 =	simm.s32 $0x2;
	s12 =	simm.s32 $0x1680;
	s24 =	simm.s32 $0x1  }
0x22: {  	s15 =	sadd.s32 s10, s6;
	s10 =	sshrl.u32 s16, $0x3;
	s17 =	sadd.s32 s18, s6  }
0x23: {  	s18 =	sadd.s32 s7, s6;
	[dreg:$0x16] =	wrdreg s31;
	s7 =	simm.s32 $0x100  }
0x24: {  	s16 =	sadd.s32 s10, s6;
	s6 =	simm.s32 $0x80;
	s10 =	simm.s32 $0x280  }
.LBB2_1:
.Ltmp0:
0x25: {  	(pc) =	sbr.rel @p0 .LBB2_5-.Ltmp0, $3  }
0x26: {  	_ =	sdelay $0x1  }
0x27: {  	s1 =	sshll.u32 @!p1 s25, $0x6  }
0x28: {  	s26 =	sshrl.u32 @p1 s0, $0x3;
	s21 =	sshrl.u32 @!p1 s4, $0x3;
	s25 =	sor.u32 @!p1 $0x1C02, s1  }
0x29: {  	s1 =	simm.s32 @p1 $0x1FC2;
	s28 =	rddreg [dreg:$0xe]  }
0x2a: {  	[spmem:s26], [sflag:s1] =	dma.local @p1 [hbm:s28], $0x2800  }
0x2b: {  	s1 =	simm.s32 @p1 $0x2  }
0x2c: {  	_ =	swait.ge @p1 [sflag:s1], $0x2800  }
0x2d: {  	[sflag:s1] =	ssyncset.done @p1 $0x0  }
0x2e: {  	[sflag:s1] =	ssyncadd.s32 @p1 $0xFFFFD800;
	s1 =	rddreg [dreg:$0x9]  }
0x2f: {  	[spmem:s21], [sflag:s25] =	dma.local @!p1 [hbm:s1], $0x2700  }
0x30: {  	s1 =	simm.s32 @!p1 $0x2  }
0x31: {  	_ =	swait.ge @!p1 [sflag:s1], $0x2700  }
0x32: {  	[sflag:s1] =	ssyncset.done @!p1 $0x0  }
0x33: {  	[sflag:s1] =	ssyncadd.s32 @!p1 $0xFFFFD900  }
0x34: {  	s31 =	sadd.s32 $0x0, s13;
	[bflag:$0x0] =	sbarrier.arrive $0xFFFF  }
0x35: {  	[tilespmem:s3], [sflag:$0x2] =	stream.linear.gather [hbm4b:s31+s3], $0x28, $0x38;
	[tilespmem:$0x19F00] =	vst v63  }
0x36: {  	_ =	swait.ge [sflag:s5], $0x28  }
0x37: {  	[sflag:s5] =	ssyncset.done $0x0  }
0x38: {  	s28 =	sadd.s32 $0x5, s31;
	[sflag:s5] =	ssyncadd.s32 $0xFFFFFFD8  }
0x39: {  	[tilespmem:s6], [sflag:$0x2] =	stream.linear.gather [hbm4b:s28+s3], $0x28, $0x38;
	[tilespmem:$0x19F00] =	vst v63  }
0x3a: {  	_ =	swait.ge [sflag:s5], $0x28  }
0x3b: {  	[sflag:s5] =	ssyncset.done $0x0  }
0x3c: {  	s28 =	sadd.s32 $0xA, s31;
	[sflag:s5] =	ssyncadd.s32 $0xFFFFFFD8  }
0x3d: {  	[tilespmem:s7], [sflag:$0x2] =	stream.linear.gather [hbm4b:s28+s3], $0x28, $0x38;
	[tilespmem:$0x19F00] =	vst v63  }
0x3e: {  	_ =	swait.ge [sflag:s5], $0x28  }
0x3f: {  	[sflag:s5] =	ssyncset.done $0x0  }
0x40: {  	s28 =	sadd.s32 $0xF, s31;
	[sflag:s5] =	ssyncadd.s32 $0xFFFFFFD8  }
0x41: {  	[tilespmem:s8], [sflag:$0x2] =	stream.linear.gather [hbm4b:s28+s3], $0x28, $0x38;
	[tilespmem:$0x19F00] =	vst v63  }
0x42: {  	_ =	swait.ge [sflag:s5], $0x28  }
0x43: {  	[sflag:s5] =	ssyncset.done $0x0  }
0x44: {  	s1 =	sadd.s32 $0x14, s31;
	[sflag:s5] =	ssyncadd.s32 $0xFFFFFFD8  }
0x45: {  	[tilespmem:s9], [sflag:$0x2] =	stream.linear.gather [hbm4b:s1+s3], $0x28, $0x38;
	[tilespmem:$0x19F00] =	vst v63  }
0x46: {  	_ =	swait.ge [sflag:s5], $0x28  }
0x47: {  	[sflag:s5] =	ssyncset.done $0x0  }
0x48: {  	s31 =	rddreg [dreg:$0x15];
	[sflag:s5] =	ssyncadd.s32 $0xFFFFFFD8  }
0x49: {  	[tilespmem:s10], [sflag:$0x2] =	stream.linear.gather [hbm4b:s31+s3], $0x6400, $0x38;
	[tilespmem:$0x19F00] =	vst v63  }
0x4a: {  	_ =	swait.ge [sflag:s5], $0x6400  }
0x4b: {  	[sflag:s5] =	ssyncset.done $0x0  }
0x4c: {  	[sflag:s5] =	ssyncadd.s32 $0xFFFF9C00  }
0x4d: {  	[spmem:s2] =	stream.indirect.scatter.add.f32 [tilespmem:s10], [sflag:$0x1], $0x80, s3, s11, $0xb8;
	[tilespmem:$0x19F00] =	vst v63  }
0x4e: {  	_ = 	snop  }
0x4f: {  	[spmem:s2] =	stream.indirect.scatter.add.f32 [tilespmem:s12], [sflag:$0x1], $0x80, s6, s11, $0xb8;
	[tilespmem:$0x19F00] =	vst v63  }
0x50: {  	_ = 	snop  }
0x51: {  	[spmem:s2] =	stream.indirect.scatter.add.f32 [tilespmem:s19], [sflag:$0x1], $0x80, s7, s11, $0xb8;
	[tilespmem:$0x19F00] =	vst v63  }
0x52: {  	_ = 	snop  }
0x53: {  	[spmem:s2] =	stream.indirect.scatter.add.f32 [tilespmem:s22], [sflag:$0x1], $0x80, s8, s11, $0xb8;
	[tilespmem:$0x19F00] =	vst v63  }
0x54: {  	_ = 	snop  }
0x55: {  	[spmem:s2] =	stream.indirect.scatter.add.f32 [tilespmem:s23], [sflag:$0x1], $0x80, s9, s11, $0xb8;
	[tilespmem:$0x19F00] =	vst v63  }
0x56: {  	_ =	swait.ge [sflag:s24], $0x1400  }
0x57: {  	[sflag:s24] =	ssyncset.done $0x0  }
0x58: {  	[sflag:s24] =	ssyncadd.s32 $0xFFFFEC00  }
0x59: {  	_ =	swait.ge [sflag:s24], $0x1400  }
0x5a: {  	[sflag:s24] =	ssyncset.done $0x0  }
0x5b: {  	[sflag:s24] =	ssyncadd.s32 $0xFFFFEC00  }
0x5c: {  	_ =	swait.ge [sflag:s24], $0x1400  }
0x5d: {  	[sflag:s24] =	ssyncset.done $0x0  }
0x5e: {  	[sflag:s24] =	ssyncadd.s32 $0xFFFFEC00  }
0x5f: {  	_ =	swait.ge [sflag:s24], $0x1400  }
0x60: {  	[sflag:s24] =	ssyncset.done $0x0  }
0x61: {  	[sflag:s24] =	ssyncadd.s32 $0xFFFFEC00  }
0x62: {  	s29 =	simm.s32 $0x19;
	_ =	swait.ge [sflag:s24], $0x1400  }
0x63: {  	s30 =	simm.s32 $0x32;
	s28 =	sadd.s32 $0xC80, s31;
	[sflag:s24] =	ssyncset.done $0x0  }
.LBB2_3:
0x64: {  	s31 =	sadd.s32 s29, s13  }
0x65: {  	[sflag:s24] =	ssyncadd.s32 $0xFFFFEC00;
	s29 =	smov.u32 s30;
	s1 =	sadd.s32 $0x19, s30  }
0x66: {  	[tilespmem:s3], [sflag:$0x2] =	stream.linear.gather [hbm4b:s31+s3], $0x28, $0x38;
	[tilespmem:$0x19F00] =	vst v63  }
0x67: {  	p6 =	sne.s32 s30, $0x9AB;
	_ =	swait.ge [sflag:s5], $0x28  }
0x68: {  	[sflag:s5] =	ssyncset.done $0x0  }
0x69: {  	s30 =	sadd.s32 $0x5, s31;
	[sflag:s5] =	ssyncadd.s32 $0xFFFFFFD8  }
0x6a: {  	[tilespmem:s6], [sflag:$0x2] =	stream.linear.gather [hbm4b:s30+s3], $0x28, $0x38;
	[tilespmem:$0x19F00] =	vst v63  }
0x6b: {  	_ =	swait.ge [sflag:s5], $0x28  }
0x6c: {  	[sflag:s5] =	ssyncset.done $0x0  }
0x6d: {  	s30 =	sadd.s32 $0xA, s31;
	[sflag:s5] =	ssyncadd.s32 $0xFFFFFFD8  }
0x6e: {  	[tilespmem:s7], [sflag:$0x2] =	stream.linear.gather [hbm4b:s30+s3], $0x28, $0x38;
	[tilespmem:$0x19F00] =	vst v63  }
0x6f: {  	_ =	swait.ge [sflag:s5], $0x28  }
0x70: {  	[sflag:s5] =	ssyncset.done $0x0  }
0x71: {  	s30 =	sadd.s32 $0xF, s31;
	[sflag:s5] =	ssyncadd.s32 $0xFFFFFFD8  }
0x72: {  	[tilespmem:s8], [sflag:$0x2] =	stream.linear.gather [hbm4b:s30+s3], $0x28, $0x38;
	[tilespmem:$0x19F00] =	vst v63  }
0x73: {  	_ =	swait.ge [sflag:s5], $0x28  }
0x74: {  	[sflag:s5] =	ssyncset.done $0x0  }
0x75: {  	s30 =	sadd.s32 $0x14, s31;
	[sflag:s5] =	ssyncadd.s32 $0xFFFFFFD8  }
0x76: {  	[tilespmem:s9], [sflag:$0x2] =	stream.linear.gather [hbm4b:s30+s3], $0x28, $0x38;
	[tilespmem:$0x19F00] =	vst v63  }
0x77: {  	_ =	swait.ge [sflag:s5], $0x28  }
0x78: {  	[sflag:s5] =	ssyncset.done $0x0  }
0x79: {  	[sflag:s5] =	ssyncadd.s32 $0xFFFFFFD8  }
0x7a: {  	[tilespmem:s10], [sflag:$0x2] =	stream.linear.gather [hbm4b:s28+s3], $0x6400, $0x38;
	[tilespmem:$0x19F00] =	vst v63  }
0x7b: {  	_ =	swait.ge [sflag:s5], $0x6400  }
0x7c: {  	[sflag:s5] =	ssyncset.done $0x0  }
0x7d: {  	[sflag:s5] =	ssyncadd.s32 $0xFFFF9C00  }
0x7e: {  	[spmem:s2] =	stream.indirect.scatter.add.f32 [tilespmem:s10], [sflag:$0x1], $0x80, s3, s11, $0xb8;
	[tilespmem:$0x19F00] =	vst v63  }
0x7f: {  	_ = 	snop  }
0x80: {  	[spmem:s2] =	stream.indirect.scatter.add.f32 [tilespmem:s12], [sflag:$0x1], $0x80, s6, s11, $0xb8;
	[tilespmem:$0x19F00] =	vst v63  }
0x81: {  	_ = 	snop  }
0x82: {  	[spmem:s2] =	stream.indirect.scatter.add.f32 [tilespmem:s19], [sflag:$0x1], $0x80, s7, s11, $0xb8;
	[tilespmem:$0x19F00] =	vst v63  }
0x83: {  	_ = 	snop  }
0x84: {  	[spmem:s2] =	stream.indirect.scatter.add.f32 [tilespmem:s22], [sflag:$0x1], $0x80, s8, s11, $0xb8;
	[tilespmem:$0x19F00] =	vst v63  }
0x85: {  	_ = 	snop  }
0x86: {  	[spmem:s2] =	stream.indirect.scatter.add.f32 [tilespmem:s23], [sflag:$0x1], $0x80, s9, s11, $0xb8;
	[tilespmem:$0x19F00] =	vst v63  }
0x87: {  	_ =	swait.ge [sflag:s24], $0x1400  }
0x88: {  	[sflag:s24] =	ssyncset.done $0x0  }
0x89: {  	[sflag:s24] =	ssyncadd.s32 $0xFFFFEC00  }
0x8a: {  	_ =	swait.ge [sflag:s24], $0x1400  }
0x8b: {  	[sflag:s24] =	ssyncset.done $0x0  }
0x8c: {  	[sflag:s24] =	ssyncadd.s32 $0xFFFFEC00  }
0x8d: {  	_ =	swait.ge [sflag:s24], $0x1400  }
0x8e: {  	[sflag:s24] =	ssyncset.done $0x0  }
0x8f: {  	[sflag:s24] =	ssyncadd.s32 $0xFFFFEC00  }
.Ltmp1:
0x90: {  	_ =	swait.ge [sflag:s24], $0x1400;
	(pc) =	sbr.rel @p6 .LBB2_3-.Ltmp1, $4  }
0x91: {  	[sflag:s24] =	ssyncset.done $0x0  }
0x92: {  	[sflag:s24] =	ssyncadd.s32 $0xFFFFEC00  }
0x93: {  	_ =	swait.ge [sflag:s24], $0x1400  }
0x94: {  	s30 =	smov.u32 s1;
	s28 =	sadd.s32 $0xC80, s28;
	[sflag:s24] =	ssyncset.done $0x0  }
0x95: {  	s1 =	sadd.s32 s29, s13;
	[sflag:s24] =	ssyncadd.s32 $0xFFFFEC00  }
0x96: {  	[tilespmem:s3], [sflag:$0x2] =	stream.linear.gather [hbm4b:s1+s3], $0x28, $0x38;
	[tilespmem:$0x19F00] =	vst v63  }
0x97: {  	_ =	swait.ge [sflag:s5], $0x28  }
0x98: {  	[sflag:s5] =	ssyncset.done $0x0  }
0x99: {  	s29 =	sadd.s32 $0x5, s1;
	[sflag:s5] =	ssyncadd.s32 $0xFFFFFFD8  }
0x9a: {  	[tilespmem:s6], [sflag:$0x2] =	stream.linear.gather [hbm4b:s29+s3], $0x28, $0x38;
	[tilespmem:$0x19F00] =	vst v63  }
0x9b: {  	_ =	swait.ge [sflag:s5], $0x28  }
0x9c: {  	[sflag:s5] =	ssyncset.done $0x0  }
0x9d: {  	s30 =	sadd.s32 $0xA, s1;
	[sflag:s5] =	ssyncadd.s32 $0xFFFFFFD8  }
0x9e: {  	[tilespmem:s7], [sflag:$0x2] =	stream.linear.gather [hbm4b:s30+s3], $0x28, $0x38;
	[tilespmem:$0x19F00] =	vst v63  }
0x9f: {  	_ =	swait.ge [sflag:s5], $0x28  }
0xa0: {  	[sflag:s5] =	ssyncset.done $0x0  }
0xa1: {  	s31 =	sadd.s32 $0xF, s1;
	[sflag:s5] =	ssyncadd.s32 $0xFFFFFFD8  }
0xa2: {  	[tilespmem:s8], [sflag:$0x2] =	stream.linear.gather [hbm4b:s31+s3], $0x28, $0x38;
	[tilespmem:$0x19F00] =	vst v63  }
0xa3: {  	_ =	swait.ge [sflag:s5], $0x28  }
0xa4: {  	[sflag:s5] =	ssyncset.done $0x0  }
0xa5: {  	s1 =	sadd.s32 $0x14, s1;
	[sflag:s5] =	ssyncadd.s32 $0xFFFFFFD8  }
0xa6: {  	[tilespmem:s9], [sflag:$0x2] =	stream.linear.gather [hbm4b:s1+s3], $0x28, $0x38;
	[tilespmem:$0x19F00] =	vst v63  }
0xa7: {  	_ =	swait.ge [sflag:s5], $0x28  }
0xa8: {  	[sflag:s5] =	ssyncset.done $0x0  }
0xa9: {  	[sflag:s5] =	ssyncadd.s32 $0xFFFFFFD8  }
0xaa: {  	[tilespmem:s10], [sflag:$0x2] =	stream.linear.gather [hbm4b:s28+s3], $0x6400, $0x38;
	[tilespmem:$0x19F00] =	vst v63  }
0xab: {  	_ =	swait.ge [sflag:s5], $0x6400  }
0xac: {  	[sflag:s5] =	ssyncset.done $0x0  }
0xad: {  	[sflag:s5] =	ssyncadd.s32 $0xFFFF9C00  }
0xae: {  	[spmem:s2] =	stream.indirect.scatter.add.f32 [tilespmem:s10], [sflag:$0x1], $0x80, s3, s11, $0xb8;
	[tilespmem:$0x19F00] =	vst v63  }
0xaf: {  	_ = 	snop  }
0xb0: {  	[spmem:s2] =	stream.indirect.scatter.add.f32 [tilespmem:s12], [sflag:$0x1], $0x80, s6, s11, $0xb8;
	[tilespmem:$0x19F00] =	vst v63  }
0xb1: {  	_ = 	snop  }
0xb2: {  	[spmem:s2] =	stream.indirect.scatter.add.f32 [tilespmem:s19], [sflag:$0x1], $0x80, s7, s11, $0xb8;
	[tilespmem:$0x19F00] =	vst v63  }
0xb3: {  	_ = 	snop  }
0xb4: {  	[spmem:s2] =	stream.indirect.scatter.add.f32 [tilespmem:s22], [sflag:$0x1], $0x80, s8, s11, $0xb8;
	[tilespmem:$0x19F00] =	vst v63  }
0xb5: {  	_ = 	snop  }
0xb6: {  	[spmem:s2] =	stream.indirect.scatter.add.f32 [tilespmem:s23], [sflag:$0x1], $0x80, s9, s11, $0xb8;
	[tilespmem:$0x19F00] =	vst v63  }
0xb7: {  	_ =	swait.ge [sflag:s24], $0x1400  }
0xb8: {  	[sflag:s24] =	ssyncset.done $0x0  }
0xb9: {  	[sflag:s24] =	ssyncadd.s32 $0xFFFFEC00  }
0xba: {  	_ =	swait.ge [sflag:s24], $0x1400  }
0xbb: {  	[sflag:s24] =	ssyncset.done $0x0  }
0xbc: {  	[sflag:s24] =	ssyncadd.s32 $0xFFFFEC00  }
0xbd: {  	_ =	swait.ge [sflag:s24], $0x1400  }
0xbe: {  	[sflag:s24] =	ssyncset.done $0x0  }
0xbf: {  	[sflag:s24] =	ssyncadd.s32 $0xFFFFEC00  }
0xc0: {  	_ =	swait.ge [sflag:s24], $0x1400  }
0xc1: {  	[sflag:s24] =	ssyncset.done $0x0  }
0xc2: {  	[sflag:s24] =	ssyncadd.s32 $0xFFFFEC00  }
0xc3: {  	_ =	swait.ge [sflag:s24], $0x1400  }
0xc4: {  	[sflag:s24] =	ssyncset.done $0x0  }
0xc5: {  	[sflag:s24] =	ssyncadd.s32 $0xFFFFEC00  }
0xc6: {  	[bflag:$0x0] =	sbarrier.arrive $0xFFFF  }
0xc7: {  	s1 =	simm.s32 @p1 $0x1FC2;
	s28 =	rddreg [dreg:$0xf]  }
0xc8: {  	[hbm:s28], [sflag:s1] =	dma.local @p1 [spmem:s26], $0x2800  }
0xc9: {  	s28 =	simm.s32 @p1 $0x2  }
0xca: {  	_ =	swait.ge @p1 [sflag:s28], $0x2800  }
0xcb: {  	[sflag:s28] =	ssyncset.done @p1 $0x0  }
0xcc: {  	[sflag:s28] =	ssyncadd.s32 @p1 $0xFFFFD800  }
0xcd: {  	[bflag:$0x0] =	sbarrier.arrive @p1 $0xFFFF  }
0xce: {  	s29 =	rddreg [dreg:$0x10]  }
0xcf: {  	[spmem:s26], [sflag:s1] =	dma.local @p1 [hbm:s29], $0x2800  }
0xd0: {  	_ =	swait.ge @p1 [sflag:s28], $0x2800  }
0xd1: {  	[sflag:s28] =	ssyncset.done @p1 $0x0  }
0xd2: {  	s1 =	rddreg [dreg:$0xa];
	[sflag:s28] =	ssyncadd.s32 @p1 $0xFFFFD800  }
0xd3: {  	[hbm:s1], [sflag:s25] =	dma.local @!p1 [spmem:s21], $0x2700  }
0xd4: {  	s1 =	simm.s32 @!p1 $0x2  }
0xd5: {  	_ =	swait.ge @!p1 [sflag:s1], $0x2700  }
0xd6: {  	[sflag:s1] =	ssyncset.done @!p1 $0x0  }
0xd7: {  	[sflag:s1] =	ssyncadd.s32 @!p1 $0xFFFFD900  }
0xd8: {  	[bflag:$0x0] =	sbarrier.arrive @!p1 $0xFFFF  }
.Ltmp2:
0xd9: {  	s26 =	rddreg [dreg:$0xb];
	(pc) =	sbr.rel .LBB2_8-.Ltmp2, $4  }
0xda: {  	[spmem:s21], [sflag:s25] =	dma.local @!p1 [hbm:s26], $0x2700  }
0xdb: {  	_ =	swait.ge @!p1 [sflag:s1], $0x2700  }
0xdc: {  	[sflag:s1] =	ssyncset.done @!p1 $0x0  }
0xdd: {  	[sflag:s1] =	ssyncadd.s32 @!p1 $0xFFFFD900  }
.LBB2_5:
0xde: {  	s1 =	simm.s32 @p1 $0x1FC2;
	s28 =	rddreg [dreg:$0x4]  }
0xdf: {  	[spmem:s26], [sflag:s1] =	dma.local @p1 [hbm:s28], $0x2800  }
0xe0: {  	s1 =	simm.s32 @p1 $0x2  }
0xe1: {  	_ =	swait.ge @p1 [sflag:s1], $0x2800  }
0xe2: {  	[sflag:s1] =	ssyncset.done @p1 $0x0  }
0xe3: {  	[sflag:s1] =	ssyncadd.s32 @p1 $0xFFFFD800;
	s1 =	rddreg [dreg:$0x3]  }
0xe4: {  	[spmem:s21], [sflag:s25] =	dma.local @!p1 [hbm:s1], $0x2700  }
0xe5: {  	s1 =	simm.s32 @!p1 $0x2  }
0xe6: {  	_ =	swait.ge @!p1 [sflag:s1], $0x2700  }
0xe7: {  	[sflag:s1] =	ssyncset.done @!p1 $0x0  }
0xe8: {  	[sflag:s1] =	ssyncadd.s32 @!p1 $0xFFFFD900  }
0xe9: {  	s31 =	sadd.s32 $0x0, s13;
	[bflag:$0x0] =	sbarrier.arrive $0xFFFF  }
0xea: {  	[tilespmem:s3], [sflag:$0x2] =	stream.linear.gather [hbm4b:s31+s3], $0x28, $0x38;
	[tilespmem:$0x19F00] =	vst v63  }
0xeb: {  	_ =	swait.ge [sflag:s5], $0x28  }
0xec: {  	[sflag:s5] =	ssyncset.done $0x0  }
0xed: {  	s28 =	sadd.s32 $0x5, s31;
	[sflag:s5] =	ssyncadd.s32 $0xFFFFFFD8  }
0xee: {  	[tilespmem:s6], [sflag:$0x2] =	stream.linear.gather [hbm4b:s28+s3], $0x28, $0x38;
	[tilespmem:$0x19F00] =	vst v63  }
0xef: {  	_ =	swait.ge [sflag:s5], $0x28  }
0xf0: {  	[sflag:s5] =	ssyncset.done $0x0  }
0xf1: {  	s28 =	sadd.s32 $0xA, s31;
	[sflag:s5] =	ssyncadd.s32 $0xFFFFFFD8  }
0xf2: {  	[tilespmem:s7], [sflag:$0x2] =	stream.linear.gather [hbm4b:s28+s3], $0x28, $0x38;
	[tilespmem:$0x19F00] =	vst v63  }
0xf3: {  	_ =	swait.ge [sflag:s5], $0x28  }
0xf4: {  	[sflag:s5] =	ssyncset.done $0x0  }
0xf5: {  	s28 =	sadd.s32 $0xF, s31;
	[sflag:s5] =	ssyncadd.s32 $0xFFFFFFD8  }
0xf6: {  	[tilespmem:s8], [sflag:$0x2] =	stream.linear.gather [hbm4b:s28+s3], $0x28, $0x38;
	[tilespmem:$0x19F00] =	vst v63  }
0xf7: {  	_ =	swait.ge [sflag:s5], $0x28  }
0xf8: {  	[sflag:s5] =	ssyncset.done $0x0  }
0xf9: {  	s1 =	sadd.s32 $0x14, s31;
	[sflag:s5] =	ssyncadd.s32 $0xFFFFFFD8  }
0xfa: {  	[tilespmem:s9], [sflag:$0x2] =	stream.linear.gather [hbm4b:s1+s3], $0x28, $0x38;
	[tilespmem:$0x19F00] =	vst v63  }
0xfb: {  	_ =	swait.ge [sflag:s5], $0x28  }
0xfc: {  	[sflag:s5] =	ssyncset.done $0x0  }
0xfd: {  	s28 =	rddreg [dreg:$0x14];
	[sflag:s5] =	ssyncadd.s32 $0xFFFFFFD8  }
0xfe: {  	[tilespmem:s10], [sflag:$0x2] =	stream.linear.gather [hbm4b:s28+s3], $0x6400, $0x38;
	[tilespmem:$0x19F00] =	vst v63  }
0xff: {  	_ =	swait.ge [sflag:s5], $0x6400  }
0x100: {  	[sflag:s5] =	ssyncset.done $0x0  }
0x101: {  	[sflag:s5] =	ssyncadd.s32 $0xFFFF9C00  }
0x102: {  	[spmem:s2] =	stream.indirect.scatter.add.f32 [tilespmem:s10], [sflag:$0x1], $0x80, s3, s11, $0xb8;
	[tilespmem:$0x19F00] =	vst v63  }
0x103: {  	_ = 	snop  }
0x104: {  	[spmem:s2] =	stream.indirect.scatter.add.f32 [tilespmem:s12], [sflag:$0x1], $0x80, s6, s11, $0xb8;
	[tilespmem:$0x19F00] =	vst v63  }
0x105: {  	_ = 	snop  }
0x106: {  	[spmem:s2] =	stream.indirect.scatter.add.f32 [tilespmem:s19], [sflag:$0x1], $0x80, s7, s11, $0xb8;
	[tilespmem:$0x19F00] =	vst v63  }
0x107: {  	_ = 	snop  }
0x108: {  	[spmem:s2] =	stream.indirect.scatter.add.f32 [tilespmem:s22], [sflag:$0x1], $0x80, s8, s11, $0xb8;
	[tilespmem:$0x19F00] =	vst v63  }
0x109: {  	_ = 	snop  }
0x10a: {  	[spmem:s2] =	stream.indirect.scatter.add.f32 [tilespmem:s23], [sflag:$0x1], $0x80, s9, s11, $0xb8;
	[tilespmem:$0x19F00] =	vst v63  }
0x10b: {  	_ =	swait.ge [sflag:s24], $0x1400  }
0x10c: {  	[sflag:s24] =	ssyncset.done $0x0  }
0x10d: {  	[sflag:s24] =	ssyncadd.s32 $0xFFFFEC00  }
0x10e: {  	_ =	swait.ge [sflag:s24], $0x1400  }
0x10f: {  	[sflag:s24] =	ssyncset.done $0x0  }
0x110: {  	[sflag:s24] =	ssyncadd.s32 $0xFFFFEC00  }
0x111: {  	_ =	swait.ge [sflag:s24], $0x1400  }
0x112: {  	[sflag:s24] =	ssyncset.done $0x0  }
0x113: {  	[sflag:s24] =	ssyncadd.s32 $0xFFFFEC00  }
0x114: {  	_ =	swait.ge [sflag:s24], $0x1400  }
0x115: {  	[sflag:s24] =	ssyncset.done $0x0  }
0x116: {  	[sflag:s24] =	ssyncadd.s32 $0xFFFFEC00  }
0x117: {  	s29 =	simm.s32 $0x19;
	_ =	swait.ge [sflag:s24], $0x1400  }
0x118: {  	s1 =	simm.s32 $0x32;
	s28 =	sadd.s32 $0xC80, s28;
	[sflag:s24] =	ssyncset.done $0x0  }
.LBB2_6:
0x119: {  	s31 =	sadd.s32 s29, s13  }
0x11a: {  	[sflag:s24] =	ssyncadd.s32 $0xFFFFEC00;
	s29 =	smov.u32 s1;
	s30 =	sadd.s32 $0x19, s1  }
0x11b: {  	[tilespmem:s3], [sflag:$0x2] =	stream.linear.gather [hbm4b:s31+s3], $0x28, $0x38;
	[tilespmem:$0x19F00] =	vst v63  }
0x11c: {  	p6 =	sne.s32 s1, $0x9AB;
	_ =	swait.ge [sflag:s5], $0x28  }
0x11d: {  	[sflag:s5] =	ssyncset.done $0x0  }
0x11e: {  	s1 =	sadd.s32 $0x5, s31;
	[sflag:s5] =	ssyncadd.s32 $0xFFFFFFD8  }
0x11f: {  	[tilespmem:s6], [sflag:$0x2] =	stream.linear.gather [hbm4b:s1+s3], $0x28, $0x38;
	[tilespmem:$0x19F00] =	vst v63  }
0x120: {  	_ =	swait.ge [sflag:s5], $0x28  }
0x121: {  	[sflag:s5] =	ssyncset.done $0x0  }
0x122: {  	s1 =	sadd.s32 $0xA, s31;
	[sflag:s5] =	ssyncadd.s32 $0xFFFFFFD8  }
0x123: {  	[tilespmem:s7], [sflag:$0x2] =	stream.linear.gather [hbm4b:s1+s3], $0x28, $0x38;
	[tilespmem:$0x19F00] =	vst v63  }
0x124: {  	_ =	swait.ge [sflag:s5], $0x28  }
0x125: {  	[sflag:s5] =	ssyncset.done $0x0  }
0x126: {  	s1 =	sadd.s32 $0xF, s31;
	[sflag:s5] =	ssyncadd.s32 $0xFFFFFFD8  }
0x127: {  	[tilespmem:s8], [sflag:$0x2] =	stream.linear.gather [hbm4b:s1+s3], $0x28, $0x38;
	[tilespmem:$0x19F00] =	vst v63  }
0x128: {  	_ =	swait.ge [sflag:s5], $0x28  }
0x129: {  	[sflag:s5] =	ssyncset.done $0x0  }
0x12a: {  	s1 =	sadd.s32 $0x14, s31;
	[sflag:s5] =	ssyncadd.s32 $0xFFFFFFD8  }
0x12b: {  	[tilespmem:s9], [sflag:$0x2] =	stream.linear.gather [hbm4b:s1+s3], $0x28, $0x38;
	[tilespmem:$0x19F00] =	vst v63  }
0x12c: {  	_ =	swait.ge [sflag:s5], $0x28  }
0x12d: {  	[sflag:s5] =	ssyncset.done $0x0  }
0x12e: {  	[sflag:s5] =	ssyncadd.s32 $0xFFFFFFD8  }
0x12f: {  	[tilespmem:s10], [sflag:$0x2] =	stream.linear.gather [hbm4b:s28+s3], $0x6400, $0x38;
	[tilespmem:$0x19F00] =	vst v63  }
0x130: {  	_ =	swait.ge [sflag:s5], $0x6400  }
0x131: {  	[sflag:s5] =	ssyncset.done $0x0  }
0x132: {  	[sflag:s5] =	ssyncadd.s32 $0xFFFF9C00  }
0x133: {  	[spmem:s2] =	stream.indirect.scatter.add.f32 [tilespmem:s10], [sflag:$0x1], $0x80, s3, s11, $0xb8;
	[tilespmem:$0x19F00] =	vst v63  }
0x134: {  	_ = 	snop  }
0x135: {  	[spmem:s2] =	stream.indirect.scatter.add.f32 [tilespmem:s12], [sflag:$0x1], $0x80, s6, s11, $0xb8;
	[tilespmem:$0x19F00] =	vst v63  }
0x136: {  	_ = 	snop  }
0x137: {  	[spmem:s2] =	stream.indirect.scatter.add.f32 [tilespmem:s19], [sflag:$0x1], $0x80, s7, s11, $0xb8;
	[tilespmem:$0x19F00] =	vst v63  }
0x138: {  	_ = 	snop  }
0x139: {  	[spmem:s2] =	stream.indirect.scatter.add.f32 [tilespmem:s22], [sflag:$0x1], $0x80, s8, s11, $0xb8;
	[tilespmem:$0x19F00] =	vst v63  }
0x13a: {  	_ = 	snop  }
0x13b: {  	[spmem:s2] =	stream.indirect.scatter.add.f32 [tilespmem:s23], [sflag:$0x1], $0x80, s9, s11, $0xb8;
	[tilespmem:$0x19F00] =	vst v63  }
0x13c: {  	_ =	swait.ge [sflag:s24], $0x1400  }
0x13d: {  	[sflag:s24] =	ssyncset.done $0x0  }
0x13e: {  	[sflag:s24] =	ssyncadd.s32 $0xFFFFEC00  }
0x13f: {  	_ =	swait.ge [sflag:s24], $0x1400  }
0x140: {  	[sflag:s24] =	ssyncset.done $0x0  }
0x141: {  	[sflag:s24] =	ssyncadd.s32 $0xFFFFEC00  }
0x142: {  	_ =	swait.ge [sflag:s24], $0x1400  }
0x143: {  	[sflag:s24] =	ssyncset.done $0x0  }
0x144: {  	[sflag:s24] =	ssyncadd.s32 $0xFFFFEC00  }
.Ltmp3:
0x145: {  	_ =	swait.ge [sflag:s24], $0x1400;
	(pc) =	sbr.rel @p6 .LBB2_6-.Ltmp3, $4  }
0x146: {  	[sflag:s24] =	ssyncset.done $0x0  }
0x147: {  	[sflag:s24] =	ssyncadd.s32 $0xFFFFEC00  }
0x148: {  	_ =	swait.ge [sflag:s24], $0x1400  }
0x149: {  	s1 =	smov.u32 s30;
	s28 =	sadd.s32 $0xC80, s28;
	[sflag:s24] =	ssyncset.done $0x0  }
0x14a: {  	s1 =	sadd.s32 s29, s13;
	[sflag:s24] =	ssyncadd.s32 $0xFFFFEC00  }
0x14b: {  	[tilespmem:s3], [sflag:$0x2] =	stream.linear.gather [hbm4b:s1+s3], $0x28, $0x38;
	[tilespmem:$0x19F00] =	vst v63  }
0x14c: {  	_ =	swait.ge [sflag:s5], $0x28  }
0x14d: {  	[sflag:s5] =	ssyncset.done $0x0  }
0x14e: {  	s29 =	sadd.s32 $0x5, s1;
	[sflag:s5] =	ssyncadd.s32 $0xFFFFFFD8  }
0x14f: {  	[tilespmem:s6], [sflag:$0x2] =	stream.linear.gather [hbm4b:s29+s3], $0x28, $0x38;
	[tilespmem:$0x19F00] =	vst v63  }
0x150: {  	_ =	swait.ge [sflag:s5], $0x28  }
0x151: {  	[sflag:s5] =	ssyncset.done $0x0  }
0x152: {  	s30 =	sadd.s32 $0xA, s1;
	[sflag:s5] =	ssyncadd.s32 $0xFFFFFFD8  }
0x153: {  	[tilespmem:s7], [sflag:$0x2] =	stream.linear.gather [hbm4b:s30+s3], $0x28, $0x38;
	[tilespmem:$0x19F00] =	vst v63  }
0x154: {  	_ =	swait.ge [sflag:s5], $0x28  }
0x155: {  	[sflag:s5] =	ssyncset.done $0x0  }
0x156: {  	s31 =	sadd.s32 $0xF, s1;
	[sflag:s5] =	ssyncadd.s32 $0xFFFFFFD8  }
0x157: {  	[tilespmem:s8], [sflag:$0x2] =	stream.linear.gather [hbm4b:s31+s3], $0x28, $0x38;
	[tilespmem:$0x19F00] =	vst v63  }
0x158: {  	_ =	swait.ge [sflag:s5], $0x28  }
0x159: {  	[sflag:s5] =	ssyncset.done $0x0  }
0x15a: {  	s1 =	sadd.s32 $0x14, s1;
	[sflag:s5] =	ssyncadd.s32 $0xFFFFFFD8  }
0x15b: {  	[tilespmem:s9], [sflag:$0x2] =	stream.linear.gather [hbm4b:s1+s3], $0x28, $0x38;
	[tilespmem:$0x19F00] =	vst v63  }
0x15c: {  	_ =	swait.ge [sflag:s5], $0x28  }
0x15d: {  	[sflag:s5] =	ssyncset.done $0x0  }
0x15e: {  	[sflag:s5] =	ssyncadd.s32 $0xFFFFFFD8  }
0x15f: {  	[tilespmem:s10], [sflag:$0x2] =	stream.linear.gather [hbm4b:s28+s3], $0x6400, $0x38;
	[tilespmem:$0x19F00] =	vst v63  }
0x160: {  	_ =	swait.ge [sflag:s5], $0x6400  }
0x161: {  	[sflag:s5] =	ssyncset.done $0x0  }
0x162: {  	[sflag:s5] =	ssyncadd.s32 $0xFFFF9C00  }
0x163: {  	[spmem:s2] =	stream.indirect.scatter.add.f32 [tilespmem:s10], [sflag:$0x1], $0x80, s3, s11, $0xb8;
	[tilespmem:$0x19F00] =	vst v63  }
0x164: {  	_ = 	snop  }
0x165: {  	[spmem:s2] =	stream.indirect.scatter.add.f32 [tilespmem:s12], [sflag:$0x1], $0x80, s6, s11, $0xb8;
	[tilespmem:$0x19F00] =	vst v63  }
0x166: {  	_ = 	snop  }
0x167: {  	[spmem:s2] =	stream.indirect.scatter.add.f32 [tilespmem:s19], [sflag:$0x1], $0x80, s7, s11, $0xb8;
	[tilespmem:$0x19F00] =	vst v63  }
0x168: {  	_ = 	snop  }
0x169: {  	[spmem:s2] =	stream.indirect.scatter.add.f32 [tilespmem:s22], [sflag:$0x1], $0x80, s8, s11, $0xb8;
	[tilespmem:$0x19F00] =	vst v63  }
0x16a: {  	_ = 	snop  }
0x16b: {  	[spmem:s2] =	stream.indirect.scatter.add.f32 [tilespmem:s23], [sflag:$0x1], $0x80, s9, s11, $0xb8;
	[tilespmem:$0x19F00] =	vst v63  }
0x16c: {  	_ =	swait.ge [sflag:s24], $0x1400  }
0x16d: {  	[sflag:s24] =	ssyncset.done $0x0  }
0x16e: {  	[sflag:s24] =	ssyncadd.s32 $0xFFFFEC00  }
0x16f: {  	_ =	swait.ge [sflag:s24], $0x1400  }
0x170: {  	[sflag:s24] =	ssyncset.done $0x0  }
0x171: {  	[sflag:s24] =	ssyncadd.s32 $0xFFFFEC00  }
0x172: {  	_ =	swait.ge [sflag:s24], $0x1400  }
0x173: {  	[sflag:s24] =	ssyncset.done $0x0  }
0x174: {  	[sflag:s24] =	ssyncadd.s32 $0xFFFFEC00  }
0x175: {  	_ =	swait.ge [sflag:s24], $0x1400  }
0x176: {  	[sflag:s24] =	ssyncset.done $0x0  }
0x177: {  	[sflag:s24] =	ssyncadd.s32 $0xFFFFEC00  }
0x178: {  	_ =	swait.ge [sflag:s24], $0x1400  }
0x179: {  	[sflag:s24] =	ssyncset.done $0x0  }
0x17a: {  	[sflag:s24] =	ssyncadd.s32 $0xFFFFEC00  }
0x17b: {  	[bflag:$0x0] =	sbarrier.arrive $0xFFFF  }
0x17c: {  	s1 =	simm.s32 @p1 $0x1FC2;
	s28 =	rddreg [dreg:$0x7]  }
0x17d: {  	[hbm:s28], [sflag:s1] =	dma.local @p1 [spmem:s26], $0x2800  }
0x17e: {  	s28 =	simm.s32 @p1 $0x2  }
0x17f: {  	_ =	swait.ge @p1 [sflag:s28], $0x2800  }
0x180: {  	[sflag:s28] =	ssyncset.done @p1 $0x0  }
0x181: {  	[sflag:s28] =	ssyncadd.s32 @p1 $0xFFFFD800  }
0x182: {  	[bflag:$0x0] =	sbarrier.arrive @p1 $0xFFFF  }
0x183: {  	s29 =	rddreg [dreg:$0x8]  }
0x184: {  	[spmem:s26], [sflag:s1] =	dma.local @p1 [hbm:s29], $0x2800  }
0x185: {  	_ =	swait.ge @p1 [sflag:s28], $0x2800  }
0x186: {  	[sflag:s28] =	ssyncset.done @p1 $0x0  }
0x187: {  	s1 =	rddreg [dreg:$0x5];
	[sflag:s28] =	ssyncadd.s32 @p1 $0xFFFFD800  }
0x188: {  	[hbm:s1], [sflag:s25] =	dma.local @!p1 [spmem:s21], $0x2700  }
0x189: {  	s1 =	simm.s32 @!p1 $0x2  }
0x18a: {  	_ =	swait.ge @!p1 [sflag:s1], $0x2700  }
0x18b: {  	[sflag:s1] =	ssyncset.done @!p1 $0x0  }
0x18c: {  	[sflag:s1] =	ssyncadd.s32 @!p1 $0xFFFFD900  }
0x18d: {  	[bflag:$0x0] =	sbarrier.arrive @!p1 $0xFFFF  }
0x18e: {  	s26 =	rddreg [dreg:$0x6]  }
0x18f: {  	[spmem:s21], [sflag:s25] =	dma.local @!p1 [hbm:s26], $0x2700  }
0x190: {  	_ =	swait.ge @!p1 [sflag:s1], $0x2700  }
0x191: {  	[sflag:s1] =	ssyncset.done @!p1 $0x0  }
0x192: {  	[sflag:s1] =	ssyncadd.s32 @!p1 $0xFFFFD900  }
.LBB2_8:
0x193: {  	[bflag:$0x0] =	sbarrier.arrive $0xFFFF;
	s1 =	sadd.s32 $0x0, s14  }
0x194: {  	[tilespmem:s3], [sflag:$0x2] =	stream.linear.gather [hbm4b:s1+s3], $0x28, $0x38;
	[tilespmem:$0x19F00] =	vst v63  }
0x195: {  	_ =	swait.ge [sflag:s5], $0x28  }
0x196: {  	[sflag:s5] =	ssyncset.done $0x0  }
0x197: {  	s28 =	sadd.s32 $0x0, s18;
	[sflag:s5] =	ssyncadd.s32 $0xFFFFFFD8  }
0x198: {  	[tilespmem:s6], [sflag:$0x2] =	stream.linear.gather [hbm4b:s28+s3], $0x28, $0x38;
	[tilespmem:$0x19F00] =	vst v63  }
0x199: {  	_ =	swait.ge [sflag:s5], $0x28  }
0x19a: {  	[sflag:s5] =	ssyncset.done $0x0  }
0x19b: {  	s29 =	sadd.s32 $0x0, s17;
	[sflag:s5] =	ssyncadd.s32 $0xFFFFFFD8  }
0x19c: {  	[tilespmem:s7], [sflag:$0x2] =	stream.linear.gather [hbm4b:s29+s3], $0x28, $0x38;
	[tilespmem:$0x19F00] =	vst v63  }
0x19d: {  	_ =	swait.ge [sflag:s5], $0x28  }
0x19e: {  	[sflag:s5] =	ssyncset.done $0x0  }
0x19f: {  	s30 =	sadd.s32 $0x0, s16;
	[sflag:s5] =	ssyncadd.s32 $0xFFFFFFD8  }
0x1a0: {  	[tilespmem:s8], [sflag:$0x2] =	stream.linear.gather [hbm4b:s30+s3], $0x28, $0x38;
	[tilespmem:$0x19F00] =	vst v63  }
0x1a1: {  	_ =	swait.ge [sflag:s5], $0x28  }
0x1a2: {  	[sflag:s5] =	ssyncset.done $0x0  }
0x1a3: {  	s31 =	sadd.s32 $0x0, s15;
	[sflag:s5] =	ssyncadd.s32 $0xFFFFFFD8  }
0x1a4: {  	[tilespmem:s9], [sflag:$0x2] =	stream.linear.gather [hbm4b:s31+s3], $0x28, $0x38;
	[tilespmem:$0x19F00] =	vst v63  }
0x1a5: {  	_ =	swait.ge [sflag:s5], $0x28  }
0x1a6: {  	[sflag:s5] =	ssyncset.done $0x0  }
0x1a7: {  	s21 =	rddreg [dreg:$0x16];
	[sflag:s5] =	ssyncadd.s32 $0xFFFFFFD8  }
0x1a8: {  	[tilespmem:s10], [sflag:$0x2] =	stream.linear.gather [hbm4b:s21+s3], $0x6400, $0x38;
	[tilespmem:$0x19F00] =	vst v63  }
0x1a9: {  	_ =	swait.ge [sflag:s5], $0x6400  }
0x1aa: {  	[sflag:s5] =	ssyncset.done $0x0  }
0x1ab: {  	[sflag:s5] =	ssyncadd.s32 $0xFFFF9C00  }
0x1ac: {  	[spmem:s2] =	stream.indirect.scatter.add.f32 [tilespmem:s10], [sflag:$0x1], $0x80, s3, s11, $0xb8;
	[tilespmem:$0x19F00] =	vst v63  }
0x1ad: {  	_ = 	snop  }
0x1ae: {  	[spmem:s2] =	stream.indirect.scatter.add.f32 [tilespmem:s12], [sflag:$0x1], $0x80, s6, s11, $0xb8;
	[tilespmem:$0x19F00] =	vst v63  }
0x1af: {  	_ = 	snop  }
0x1b0: {  	[spmem:s2] =	stream.indirect.scatter.add.f32 [tilespmem:s19], [sflag:$0x1], $0x80, s7, s11, $0xb8;
	[tilespmem:$0x19F00] =	vst v63  }
0x1b1: {  	_ = 	snop  }
0x1b2: {  	[spmem:s2] =	stream.indirect.scatter.add.f32 [tilespmem:s22], [sflag:$0x1], $0x80, s8, s11, $0xb8;
	[tilespmem:$0x19F00] =	vst v63  }
0x1b3: {  	_ = 	snop  }
0x1b4: {  	[spmem:s2] =	stream.indirect.scatter.add.f32 [tilespmem:s23], [sflag:$0x1], $0x80, s9, s11, $0xb8;
	[tilespmem:$0x19F00] =	vst v63  }
0x1b5: {  	_ =	swait.ge [sflag:s24], $0x1400  }
0x1b6: {  	[sflag:s24] =	ssyncset.done $0x0  }
0x1b7: {  	[sflag:s24] =	ssyncadd.s32 $0xFFFFEC00  }
0x1b8: {  	_ =	swait.ge [sflag:s24], $0x1400  }
0x1b9: {  	[sflag:s24] =	ssyncset.done $0x0  }
0x1ba: {  	[sflag:s24] =	ssyncadd.s32 $0xFFFFEC00  }
0x1bb: {  	_ =	swait.ge [sflag:s24], $0x1400  }
0x1bc: {  	[sflag:s24] =	ssyncset.done $0x0  }
0x1bd: {  	[sflag:s24] =	ssyncadd.s32 $0xFFFFEC00  }
0x1be: {  	_ =	swait.ge [sflag:s24], $0x1400  }
0x1bf: {  	[sflag:s24] =	ssyncset.done $0x0  }
0x1c0: {  	[sflag:s24] =	ssyncadd.s32 $0xFFFFEC00  }
0x1c1: {  	s25 =	simm.s32 $0x19;
	_ =	swait.ge [sflag:s24], $0x1400  }
0x1c2: {  	s1 =	simm.s32 $0x32;
	s21 =	sadd.s32 $0xC80, s21;
	[sflag:s24] =	ssyncset.done $0x0  }
.LBB2_9:
0x1c3: {  	s28 =	sadd.s32 s25, s14  }
0x1c4: {  	[sflag:s24] =	ssyncadd.s32 $0xFFFFEC00;
	s29 =	smov.u32 s1;
	s26 =	sadd.s32 $0x19, s1  }
0x1c5: {  	[tilespmem:s3], [sflag:$0x2] =	stream.linear.gather [hbm4b:s28+s3], $0x28, $0x38;
	[tilespmem:$0x19F00] =	vst v63  }
0x1c6: {  	p6 =	sne.s32 s1, $0x4C9;
	_ =	swait.ge [sflag:s5], $0x28  }
0x1c7: {  	[sflag:s5] =	ssyncset.done $0x0  }
0x1c8: {  	s1 =	sadd.s32 s25, s18;
	[sflag:s5] =	ssyncadd.s32 $0xFFFFFFD8  }
0x1c9: {  	[tilespmem:s6], [sflag:$0x2] =	stream.linear.gather [hbm4b:s1+s3], $0x28, $0x38;
	[tilespmem:$0x19F00] =	vst v63  }
0x1ca: {  	_ =	swait.ge [sflag:s5], $0x28  }
0x1cb: {  	[sflag:s5] =	ssyncset.done $0x0  }
0x1cc: {  	s1 =	sadd.s32 s25, s17;
	[sflag:s5] =	ssyncadd.s32 $0xFFFFFFD8  }
0x1cd: {  	[tilespmem:s7], [sflag:$0x2] =	stream.linear.gather [hbm4b:s1+s3], $0x28, $0x38;
	[tilespmem:$0x19F00] =	vst v63  }
0x1ce: {  	_ =	swait.ge [sflag:s5], $0x28  }
0x1cf: {  	[sflag:s5] =	ssyncset.done $0x0  }
0x1d0: {  	s1 =	sadd.s32 s25, s16;
	[sflag:s5] =	ssyncadd.s32 $0xFFFFFFD8  }
0x1d1: {  	[tilespmem:s8], [sflag:$0x2] =	stream.linear.gather [hbm4b:s1+s3], $0x28, $0x38;
	[tilespmem:$0x19F00] =	vst v63  }
0x1d2: {  	_ =	swait.ge [sflag:s5], $0x28  }
0x1d3: {  	[sflag:s5] =	ssyncset.done $0x0  }
0x1d4: {  	s1 =	sadd.s32 s25, s15;
	s25 =	smov.u32 s29;
	[sflag:s5] =	ssyncadd.s32 $0xFFFFFFD8  }
0x1d5: {  	[tilespmem:s9], [sflag:$0x2] =	stream.linear.gather [hbm4b:s1+s3], $0x28, $0x38;
	[tilespmem:$0x19F00] =	vst v63  }
0x1d6: {  	_ =	swait.ge [sflag:s5], $0x28  }
0x1d7: {  	[sflag:s5] =	ssyncset.done $0x0  }
0x1d8: {  	[sflag:s5] =	ssyncadd.s32 $0xFFFFFFD8  }
0x1d9: {  	[tilespmem:s10], [sflag:$0x2] =	stream.linear.gather [hbm4b:s21+s3], $0x6400, $0x38;
	[tilespmem:$0x19F00] =	vst v63  }
0x1da: {  	_ =	swait.ge [sflag:s5], $0x6400  }
0x1db: {  	[sflag:s5] =	ssyncset.done $0x0  }
0x1dc: {  	[sflag:s5] =	ssyncadd.s32 $0xFFFF9C00  }
0x1dd: {  	[spmem:s2] =	stream.indirect.scatter.add.f32 [tilespmem:s10], [sflag:$0x1], $0x80, s3, s11, $0xb8;
	[tilespmem:$0x19F00] =	vst v63  }
0x1de: {  	_ = 	snop  }
0x1df: {  	[spmem:s2] =	stream.indirect.scatter.add.f32 [tilespmem:s12], [sflag:$0x1], $0x80, s6, s11, $0xb8;
	[tilespmem:$0x19F00] =	vst v63  }
0x1e0: {  	_ = 	snop  }
0x1e1: {  	[spmem:s2] =	stream.indirect.scatter.add.f32 [tilespmem:s19], [sflag:$0x1], $0x80, s7, s11, $0xb8;
	[tilespmem:$0x19F00] =	vst v63  }
0x1e2: {  	_ = 	snop  }
0x1e3: {  	[spmem:s2] =	stream.indirect.scatter.add.f32 [tilespmem:s22], [sflag:$0x1], $0x80, s8, s11, $0xb8;
	[tilespmem:$0x19F00] =	vst v63  }
0x1e4: {  	_ = 	snop  }
0x1e5: {  	[spmem:s2] =	stream.indirect.scatter.add.f32 [tilespmem:s23], [sflag:$0x1], $0x80, s9, s11, $0xb8;
	[tilespmem:$0x19F00] =	vst v63  }
0x1e6: {  	_ =	swait.ge [sflag:s24], $0x1400  }
0x1e7: {  	[sflag:s24] =	ssyncset.done $0x0  }
0x1e8: {  	[sflag:s24] =	ssyncadd.s32 $0xFFFFEC00  }
0x1e9: {  	_ =	swait.ge [sflag:s24], $0x1400  }
0x1ea: {  	[sflag:s24] =	ssyncset.done $0x0  }
0x1eb: {  	[sflag:s24] =	ssyncadd.s32 $0xFFFFEC00  }
0x1ec: {  	_ =	swait.ge [sflag:s24], $0x1400  }
0x1ed: {  	[sflag:s24] =	ssyncset.done $0x0  }
0x1ee: {  	[sflag:s24] =	ssyncadd.s32 $0xFFFFEC00  }
.Ltmp4:
0x1ef: {  	_ =	swait.ge [sflag:s24], $0x1400;
	(pc) =	sbr.rel @p6 .LBB2_9-.Ltmp4, $4  }
0x1f0: {  	[sflag:s24] =	ssyncset.done $0x0  }
0x1f1: {  	[sflag:s24] =	ssyncadd.s32 $0xFFFFEC00  }
0x1f2: {  	_ =	swait.ge [sflag:s24], $0x1400  }
0x1f3: {  	s1 =	smov.u32 s26;
	s21 =	sadd.s32 $0xC80, s21;
	[sflag:s24] =	ssyncset.done $0x0  }
0x1f4: {  	s1 =	sadd.s32 s25, s14;
	[sflag:s24] =	ssyncadd.s32 $0xFFFFEC00  }
0x1f5: {  	[tilespmem:s3], [sflag:$0x2] =	stream.linear.gather [hbm4b:s1+s3], $0x28, $0x38;
	[tilespmem:$0x19F00] =	vst v63  }
0x1f6: {  	_ =	swait.ge [sflag:s5], $0x28  }
0x1f7: {  	[sflag:s5] =	ssyncset.done $0x0  }
0x1f8: {  	s26 =	sadd.s32 s25, s18;
	[sflag:s5] =	ssyncadd.s32 $0xFFFFFFD8  }
0x1f9: {  	[tilespmem:s6], [sflag:$0x2] =	stream.linear.gather [hbm4b:s26+s3], $0x28, $0x38;
	[tilespmem:$0x19F00] =	vst v63  }
0x1fa: {  	_ =	swait.ge [sflag:s5], $0x28  }
0x1fb: {  	[sflag:s5] =	ssyncset.done $0x0  }
0x1fc: {  	s28 =	sadd.s32 s25, s17;
	[sflag:s5] =	ssyncadd.s32 $0xFFFFFFD8  }
0x1fd: {  	[tilespmem:s7], [sflag:$0x2] =	stream.linear.gather [hbm4b:s28+s3], $0x28, $0x38;
	[tilespmem:$0x19F00] =	vst v63  }
0x1fe: {  	_ =	swait.ge [sflag:s5], $0x28  }
0x1ff: {  	[sflag:s5] =	ssyncset.done $0x0  }
0x200: {  	s29 =	sadd.s32 s25, s16;
	[sflag:s5] =	ssyncadd.s32 $0xFFFFFFD8  }
0x201: {  	[tilespmem:s8], [sflag:$0x2] =	stream.linear.gather [hbm4b:s29+s3], $0x28, $0x38;
	[tilespmem:$0x19F00] =	vst v63  }
0x202: {  	_ =	swait.ge [sflag:s5], $0x28  }
0x203: {  	[sflag:s5] =	ssyncset.done $0x0  }
0x204: {  	s30 =	sadd.s32 s25, s15;
	[sflag:s5] =	ssyncadd.s32 $0xFFFFFFD8  }
0x205: {  	[tilespmem:s9], [sflag:$0x2] =	stream.linear.gather [hbm4b:s30+s3], $0x28, $0x38;
	[tilespmem:$0x19F00] =	vst v63  }
0x206: {  	_ =	swait.ge [sflag:s5], $0x28  }
0x207: {  	[sflag:s5] =	ssyncset.done $0x0  }
0x208: {  	[sflag:s5] =	ssyncadd.s32 $0xFFFFFFD8  }
0x209: {  	[tilespmem:s10], [sflag:$0x2] =	stream.linear.gather [hbm4b:s21+s3], $0x6400, $0x38;
	[tilespmem:$0x19F00] =	vst v63  }
0x20a: {  	_ =	swait.ge [sflag:s5], $0x6400  }
0x20b: {  	[sflag:s5] =	ssyncset.done $0x0  }
0x20c: {  	[sflag:s5] =	ssyncadd.s32 $0xFFFF9C00  }
0x20d: {  	[spmem:s2] =	stream.indirect.scatter.add.f32 [tilespmem:s10], [sflag:$0x1], $0x80, s3, s11, $0xb8;
	[tilespmem:$0x19F00] =	vst v63  }
0x20e: {  	_ = 	snop  }
0x20f: {  	[spmem:s2] =	stream.indirect.scatter.add.f32 [tilespmem:s12], [sflag:$0x1], $0x80, s6, s11, $0xb8;
	[tilespmem:$0x19F00] =	vst v63  }
0x210: {  	_ = 	snop  }
0x211: {  	[spmem:s2] =	stream.indirect.scatter.add.f32 [tilespmem:s19], [sflag:$0x1], $0x80, s7, s11, $0xb8;
	[tilespmem:$0x19F00] =	vst v63  }
0x212: {  	_ = 	snop  }
0x213: {  	[spmem:s2] =	stream.indirect.scatter.add.f32 [tilespmem:s22], [sflag:$0x1], $0x80, s8, s11, $0xb8;
	[tilespmem:$0x19F00] =	vst v63  }
0x214: {  	_ = 	snop  }
0x215: {  	[spmem:s2] =	stream.indirect.scatter.add.f32 [tilespmem:s23], [sflag:$0x1], $0x80, s9, s11, $0xb8;
	[tilespmem:$0x19F00] =	vst v63  }
0x216: {  	_ =	swait.ge [sflag:s24], $0x1400  }
0x217: {  	[sflag:s24] =	ssyncset.done $0x0  }
0x218: {  	[sflag:s24] =	ssyncadd.s32 $0xFFFFEC00  }
0x219: {  	_ =	swait.ge [sflag:s24], $0x1400  }
0x21a: {  	[sflag:s24] =	ssyncset.done $0x0  }
0x21b: {  	[sflag:s24] =	ssyncadd.s32 $0xFFFFEC00  }
0x21c: {  	_ =	swait.ge [sflag:s24], $0x1400  }
0x21d: {  	[sflag:s24] =	ssyncset.done $0x0  }
0x21e: {  	[sflag:s24] =	ssyncadd.s32 $0xFFFFEC00  }
0x21f: {  	_ =	swait.ge [sflag:s24], $0x1400  }
0x220: {  	[sflag:s24] =	ssyncset.done $0x0  }
0x221: {  	[sflag:s24] =	ssyncadd.s32 $0xFFFFEC00  }
0x222: {  	_ =	swait.ge [sflag:s24], $0x1400  }
0x223: {  	[sflag:s24] =	ssyncset.done $0x0  }
0x224: {  	[sflag:s24] =	ssyncadd.s32 $0xFFFFEC00  }
0x225: {  	[bflag:$0x0] =	sbarrier.arrive $0xFFFF  }
0x226: {  	s1 =	sshrl.u32 @!p2 s0, $0x3;
	s21 =	simm.s32 @!p2 $0x1FC2;
	s25 =	rddreg [dreg:$0x11]  }
0x227: {  	[hbm:s25], [sflag:s21] =	dma.local @!p2 [spmem:s1], $0x2800  }
0x228: {  	s1 =	simm.s32 @!p2 $0x2  }
0x229: {  	s25 =	stileid.u32;
	_ =	swait.ge @!p2 [sflag:s1], $0x2800  }
0x22a: {  	s21 =	sshll.u32 @!p3 s25, $0x6;
	[sflag:s1] =	ssyncset.done @!p2 $0x0;
	s26 =	rddreg [dreg:$0xc]  }
0x22b: {  	[sflag:s1] =	ssyncadd.s32 @!p2 $0xFFFFD800;
	s1 =	sor.u32 @!p3 $0x1C02, s21;
	s21 =	sshrl.u32 @!p3 s4, $0x3  }
0x22c: {  	[hbm:s26], [sflag:s1] =	dma.local @!p3 [spmem:s21], $0x2700  }
0x22d: {  	s1 =	simm.s32 @!p3 $0x2  }
0x22e: {  	_ =	swait.ge @!p3 [sflag:s1], $0x2700  }
0x22f: {  	s21 =	simm.s32 @!p4 $0x1FC2;
	[sflag:s1] =	ssyncset.done @!p3 $0x0  }
0x230: {  	s26 =	rddreg [dreg:$0x12];
	[sflag:s1] =	ssyncadd.s32 @!p3 $0xFFFFD900;
	s1 =	sshrl.u32 @!p4 s0, $0x3  }
0x231: {  	[hbm:s26], [sflag:s21] =	dma.local @!p4 [spmem:s1], $0x2800  }
0x232: {  	s1 =	simm.s32 @!p4 $0x2  }
0x233: {  	_ =	swait.ge @!p4 [sflag:s1], $0x2800  }
0x234: {  	s21 =	sshll.u32 @!p5 s25, $0x6;
	[sflag:s1] =	ssyncset.done @!p4 $0x0;
	s26 =	rddreg [dreg:$0xd]  }
0x235: {  	[sflag:s1] =	ssyncadd.s32 @!p4 $0xFFFFD800;
	s1 =	sor.u32 @!p5 $0x1C02, s21;
	s21 =	sshrl.u32 @!p5 s4, $0x3  }
0x236: {  	[hbm:s26], [sflag:s1] =	dma.local @!p5 [spmem:s21], $0x2700  }
0x237: {  	s1 =	simm.s32 @!p5 $0x2  }
0x238: {  	_ =	swait.ge @!p5 [sflag:s1], $0x2700  }
0x239: {  	s20 =	sadd.s32 $0x1, s20;
	s31 =	rddreg [dreg:$0x13]  }
0x23a: {  	p6 =	sne.s32 s20, s31  }
.Ltmp5:
0x23b: {  	_ = 	snop;
	(pc) =	sbr.rel @p6 .LBB2_1-.Ltmp5, $3  }
0x23c: {  	_ =	sdelay $0x1  }
0x23d: {  	[sflag:s1] =	ssyncset.done @!p5 $0x0  }
0x23e: {  	[sflag:s1] =	ssyncadd.s32 @!p5 $0xFFFFD900  }
0x23f: {  	_ =	sfence.sel $0x180000  }
0x240: {  	[bflag:$0x0] =	sbarrier.arrive $0xFFFF  }
0x241: {  	_ =	strace $0x9000004D  }
0x242: {  	[bflag:$0x2] =	sbarrier.arrive $0xFFFF  }
0x243: {  	p0 =	sne.s32 s25, $0x0;
	s0 =	rddreg [dreg:$0x2]  }
0x244: {  	s0 =	sadd.s32 @!p0 $0x100000, s0  }
0x245: {  	[sflag:s0] =	ssyncadd.tile.s32 @!p0 $0x1;
	_ =	shalt  }
.Lfunc_end2:
_tile_overlayer_lowered:
.L_overlay_start_2:
0x246: {  	(tag) =	ssettag $0x2  }
0x247: {  	s0 =	rddreg [dreg:$0x0];
	s2 =	stileid.u32  }
0x248: {  	s1 =	rddreg [dreg:$0x1];
	p0 =	sne.s32 s2, $0x0  }
0x249: {  	s3 =	rddreg [dreg:$0x2];
	[bflag:$0x3] =	sbarrier.arrive $0xFFFF;
	s2 =	simm.s32 @!p0 $0x1C02  }
0x24a: {  	[timem:s3], [sflag:s2] =	dma.local @!p0 [hbm:s0], s1  }
0x24b: {  	s0 =	simm.s32 @!p0 $0x2  }
0x24c: {  	_ =	swait.ge @!p0 [sflag:s0], s1  }
0x24d: {  	s1 =	ssub.s32 @!p0 $0x0, s1;
	[sflag:s0] =	ssyncset.done @!p0 $0x0  }
0x24e: {  	[sflag:s0] =	ssyncadd.s32 @!p0 s1  }
0x24f: {  	[bflag:$0x3] =	sbarrier.arrive $0xFFFF  }
0x250: {  	_ =	shalt  }

// kernel: kernel.8.cloned.1.call-start
scs
__scs_entry_jumppad:
0x0: {  	(pc) =	sbr.rel $0x88, $3  }
0x1: {  	(tag) =	ssettag $0x0;
	lr =	simm.s32 $0x1  }
0x2: {  	[smem:$0x3F8E] =	sst lr;
	_ =	strace $0xD0000000  }
0x3: {  	_ = 	snop  }
0x4: {  	_ = 	snop  }
0x5: {  	_ = 	snop  }
0x6: {  	_ = 	snop  }
0x7: {  	_ = 	snop  }
__scs_overlays_trampoline_lowered:
0x8: {  	[smem:$0x3F9D] =	sst s0  }
0x9: {  	[smem:$0x3F9E] =	sst s1  }
0xa: {  	[smem:$0x3F9F] =	sst s2  }
0xb: {  	[smem:$0x3FA0] =	sst s3  }
0xc: {  	[smem:$0x3FA1] =	sst s4  }
0xd: {  	[smem:$0x3FA2] =	sst s5  }
0xe: {  	[smem:$0x3FA3] =	sst s6  }
0xf: {  	[smem:$0x3FA4] =	sst s7  }
0x10: {  	[smem:$0x3FA5] =	sst s8  }
0x11: {  	[smem:$0x3FA6] =	sst s9;
	s0 =	simm.s32 @!p0 $0x0  }
0x12: {  	s1 =	sld [smem:$0x3F8C];
	s0 =	simm.s32 @p0 $0x1  }
0x13: {  	[smem:$0x3FA7] =	sst s0;
	s0 =	simm.s32 @!p1 $0x0  }
0x14: {  	s2 =	sld [smem:$0x3F8B];
	s0 =	simm.s32 @p1 $0x1  }
0x15: {  	[smem:$0x3FA8] =	sst s0;
	s0 =	simm.s32 @!p2 $0x0  }
0x16: {  	s3 =	sld [smem:$0x3FDB];
	s0 =	simm.s32 @p2 $0x1  }
0x17: {  	s4 =	simm.s32 $0x1BF5;
	[smem:$0x3FAA] =	sst s0  }
0x18: {  	s0 =	sld [smem:$0x3F8D];
	_ =	swait.ge [sflag:s4], $0x0  }
0x19: {  	s7 =	sld [smem:$0x3F8E]  }
0x1a: {  	s8 =	sadd.s32 $0xFFFFE003, lr  }
0x1b: {  	s9 =	sadd.s32 $0xFFFFFEF7, lr;
	s5 =	simm.s32 $0xFFFFFFFF;
	p2 =	slt.u32 s8, $0xFFFFF086  }
0x1c: {  	p1 =	slt.u32 s9, $0xF7A;
	s5 =	simm.s32 @!p2 $0x0  }
0x1d: {  	s5 =	simm.s32 @p1 $0x1;
	p0 =	seq.s32 s7, s2  }
0x1e: {  	s7 =	smul.u32 @!p0 $0xF7A, s2;
	p2 =	seq.s32 @!p0 s5, $0x0  }
0x1f: {  	s9 =	smul.u32 $0xF7A, s1;
	s8 =	simm.s32 @!p0 $0x1BF5;
	p2 =	por !p2, p0  }
0x20: {  	[sflag:s8] =	ssyncset.s32 @!p0 $0xFFFFF086;
	s6 =	sadd.s32 @!p0 s3, s7;
	s7 =	simm.s32 @!p0 $0x108  }
0x21: {  	s3 =	sadd.s32 s3, s9;
	s6 =	sadd.s32 @!p0 $0x88, s6;
	s7 =	simm.s32 @p2 $0x1082  }
0x22: {  	[simem:s7], [sflag:s8] =	dma.local @!p0 [hbm:s6], $0xF7A  }
0x23: {  	s9 =	sor.u32 $0xD0000000, s2;
	s6 =	simm.s32 $0x108;
	_ =	swait.ge @!p0 [sflag:s8], $0x0  }
0x24: {  	s3 =	sadd.s32 $0x88, s3;
	s6 =	simm.s32 @!p1 $0x1082;
	[sflag:s4] =	ssyncset.s32 $0xFFFFF086  }
0x25: {  	[simem:s6], [sflag:s4] =	dma.local [hbm:s3], $0xF7A  }
0x26: {  	[smem:$0x3F8E] =	sst s1;
	(tag) =	ssettag s2;
	_ =	strace s9  }
0x27: {  	s1 =	sld [smem:$0x3F9E]  }
0x28: {  	s2 =	sld [smem:$0x3F9F]  }
0x29: {  	s4 =	sld [smem:$0x3FA1]  }
0x2a: {  	p0 =	seq.s32 s5, $0x0;
	s5 =	sld [smem:$0x3FA2]  }
0x2b: {  	s6 =	sld [smem:$0x3FA3]  }
0x2c: {  	s7 =	sld [smem:$0x3FA4]  }
0x2d: {  	s3 =	simm.s32 $0x108;
	s8 =	sld [smem:$0x3FA5]  }
0x2e: {  	s3 =	simm.s32 @!p0 $0x1082;
	s9 =	sld [smem:$0x3FA6]  }
0x2f: {  	lr =	sadd.s32 s0, s3;
	s0 =	sld [smem:$0x3F9D]  }
0x30: {  	s3 =	sld [smem:$0x3FA0]  }
0x31: {  	[smem:$0x3FA9] =	sst s10  }
0x32: {  	s10 =	sld [smem:$0x3FA7];
	_ =	sdelay $0x3  }
0x33: {  	p0 =	seq.s32 s10, $0x1;
	s10 =	sld [smem:$0x3FA9];
	_ =	sdelay $0x3  }
0x34: {  	[smem:$0x3FA9] =	sst s10  }
0x35: {  	s10 =	sld [smem:$0x3FA8];
	_ =	sdelay $0x3  }
0x36: {  	p1 =	seq.s32 s10, $0x1;
	s10 =	sld [smem:$0x3FA9];
	_ =	sdelay $0x3  }
0x37: {  	[smem:$0x3FA9] =	sst s10  }
0x38: {  	s10 =	sld [smem:$0x3FAA]  }
0x39: {  	_ = 	snop;
	(pc) =	sbr.ind lr, $3  }
0x3a: {  	_ = 	snop  }
0x3b: {  	_ = 	snop  }
0x3c: {  	p2 =	seq.s32 s10, $0x1;
	s10 =	sld [smem:$0x3FA9]  }
0x3d: {  	_ =	shalt  }
0x3e: {  	_ =	shalt  }
0x3f: {  	_ =	shalt  }
0x40: {  	_ =	shalt  }
0x41: {  	_ =	shalt  }
0x42: {  	_ =	shalt  }
0x43: {  	_ =	shalt  }
0x44: {  	_ =	shalt  }
0x45: {  	_ =	shalt  }
0x46: {  	_ =	shalt  }
0x47: {  	_ =	shalt  }
0x48: {  	_ =	shalt  }
0x49: {  	_ =	shalt  }
0x4a: {  	_ =	shalt  }
0x4b: {  	_ =	shalt  }
0x4c: {  	_ =	shalt  }
0x4d: {  	_ =	shalt  }
0x4e: {  	_ =	shalt  }
0x4f: {  	_ =	shalt  }
0x50: {  	_ =	shalt  }
0x51: {  	_ =	shalt  }
0x52: {  	_ =	shalt  }
0x53: {  	_ =	shalt  }
0x54: {  	_ =	shalt  }
0x55: {  	_ =	shalt  }
0x56: {  	_ =	shalt  }
0x57: {  	_ =	shalt  }
0x58: {  	_ =	shalt  }
0x59: {  	_ =	shalt  }
0x5a: {  	_ =	shalt  }
0x5b: {  	_ =	shalt  }
0x5c: {  	_ =	shalt  }
0x5d: {  	_ =	shalt  }
0x5e: {  	_ =	shalt  }
0x5f: {  	_ =	shalt  }
0x60: {  	_ =	shalt  }
0x61: {  	_ =	shalt  }
0x62: {  	_ =	shalt  }
0x63: {  	_ =	shalt  }
0x64: {  	_ =	shalt  }
0x65: {  	_ =	shalt  }
0x66: {  	_ =	shalt  }
0x67: {  	_ =	shalt  }
0x68: {  	_ =	shalt  }
0x69: {  	_ =	shalt  }
0x6a: {  	_ =	shalt  }
0x6b: {  	_ =	shalt  }
0x6c: {  	_ =	shalt  }
0x6d: {  	_ =	shalt  }
0x6e: {  	_ =	shalt  }
0x6f: {  	_ =	shalt  }
0x70: {  	_ =	shalt  }
0x71: {  	_ =	shalt  }
0x72: {  	_ =	shalt  }
0x73: {  	_ =	shalt  }
0x74: {  	_ =	shalt  }
0x75: {  	_ =	shalt  }
0x76: {  	_ =	shalt  }
0x77: {  	_ =	shalt  }
0x78: {  	_ =	shalt  }
0x79: {  	_ =	shalt  }
0x7a: {  	_ =	shalt  }
0x7b: {  	_ =	shalt  }
0x7c: {  	_ =	shalt  }
0x7d: {  	_ =	shalt  }
0x7e: {  	_ =	shalt  }
0x7f: {  	_ =	shalt  }
0x80: {  	_ =	shalt  }
0x81: {  	_ =	shalt  }
0x82: {  	_ =	shalt  }
0x83: {  	_ =	shalt  }
0x84: {  	_ =	shalt  }
0x85: {  	_ =	shalt  }
0x86: {  	_ =	shalt  }
0x87: {  	_ =	shalt  }
.Lfunc_end0:
.L_simem_size_0:
called_computation_lowered:
.L_overlay_start_0:
0x88: {  	s2 =	sld [smem:$0x3FD9]  }
0x89: {  	s3 =	sld [smem:$0x3FFE];
	_ =	sdelay $0x1  }
0x8a: {  	s1 =	srdreg.scid  }
0x8b: {  	s0 =	sand.u32 $0x1, s1  }
0x8c: {  	s14 =	sshll.u32 s0, $0xA;
	s2 =	sadd.s32 s3, s2  }
0x8d: {  	s2 =	sadd.s32 s2, s14  }
0x8e: {  	[smem:$0x3FB5] =	sst s2  }
0x8f: {  	_ = 	snop  }
0x90: {  	s2 =	sld [smem:$0x3FD0];
	_ =	sdelay $0x2  }
0x91: {  	s4 =	simm.s32 $0xB;
	s5 =	simm.s32 $0x10;
	s15 =	sld [smem:$0x3FC9]  }
0x92: {  	[smem:s5], [sflag:s4] =	dma.local [hbm:s2], $0x1  }
0x93: {  	_ =	swait.eq [sflag:s4], $0x1  }
0x94: {  	[sflag:s4] =	ssyncset.done $0x0  }
0x95: {  	[sflag:s4] =	ssyncadd.s32 $0xFFFFFFFF  }
0x96: {  	s16 =	sld [smem:$0x10];
	(tm) =	ssettm $0x1  }
0x97: {  	s17 =	sld [smem:$0x3FFB];
	_ =	sdelay $0x3  }
0x98: {  	_ =	strace s17  }
0x99: {  	s4 =	sld [smem:$0x3FFC];
	_ =	sdelay $0x3  }
0x9a: {  	_ =	strace s4  }
0x9b: {  	s4 =	sld [smem:$0x3FFD];
	_ =	sdelay $0x3  }
0x9c: {  	_ =	strace s4  }
0x9d: {  	_ =	strace $0x8FFFFFFF  }
0x9e: {  	s18 =	sld [smem:$0x3FDB];
	_ =	sdelay $0x1  }
0x9f: {  	s19 =	simm.s32 $_scs_section_size  }
0xa0: {  	s6 =	simm.s32 $_size__tile_overlayer_lowered;
	s7 =	simm.s32 $_tile_overlayer_lowered  }
0xa1: {  	s22 =	simm.s32 $0x1BFF;
	s21 =	sshll.u32 s7, $0x1;
	s4 =	sadd.s32 s19, s18  }
0xa2: {  	s8 =	simm.s32 $0x0;
	s20 =	sshll.u32 s6, $0x1;
	s6 =	sadd.s32 s21, s4  }
0xa3: {  	[timem:s8], [sflag:s22] =	dma.local [hbm:s6], s20  }
0xa4: {  	_ =	swait.ge [sflag:s22], s20  }
0xa5: {  	s5 =	ssub.s32 $0x0, s20;
	[sflag:s22] =	ssyncset.done $0x0  }
0xa6: {  	[sflag:s22] =	ssyncadd.s32 s5;
	_ =	sdelay $0x1  }
0xa7: {  	s23 =	simm.s32 $0x1B8B  }
0xa8: {  	_ =	swait.ge [sflag:s23], $0x1  }
0xa9: {  	[sflag:s23] =	ssyncset.done $0x0  }
0xaa: {  	s25 =	simm.s32 $0x1B8E;
	s24 =	sld [smem:$0x3FFE];
	[sflag:s23] =	ssyncadd.s32 $0xFFFFFFFF  }
0xab: {  	s26 =	simm.s32 $execute0_lowered;
	[smem:$0x3FD2] =	sst s25  }
0xac: {  	s6 =	sshll.u32 s26, $0x1;
	_ =	strace $0x80000046;
	[dreg:$0x1] =	wrdreg $0xFFFFFFFF  }
0xad: {  	s28 =	simm.s32 $_size_execute0_lowered;
	s4 =	sadd.s32 s4, s6;
	[dreg:$0x0] =	wrdreg $0x0  }
0xae: {  	s6 =	sshll.u32 s28, $0x1;
	[dreg:$0x2] =	wrdreg s4  }
0xaf: {  	[dreg:$0x3] =	wrdreg s6  }
0xb0: {  	[dreg:$0x4] =	wrdreg $0xC0  }
0xb1: {  	_ =	task [dreg:s8], $0x5FFFF  }
0xb2: {  	[dreg:$0x1] =	wrdreg $0xFFFFFFFF  }
0xb3: {  	[dreg:$0x0] =	wrdreg $0x60  }
0xb4: {  	[dreg:$0x2] =	wrdreg s15  }
0xb5: {  	[dreg:$0x3] =	wrdreg s16  }
0xb6: {  	[dreg:$0x4] =	wrdreg s24  }
0xb7: {  	[dreg:$0x5] =	wrdreg $0x9  }
0xb8: {  	_ =	task.clear_ibuf [dreg:s8], $0x6FFFF;
	_ =	strace $0x90000046  }
0xb9: {  	s29 =	simm.s32 $0x9;
	_ =	strace $0x80000048  }
0xba: {  	_ =	swait.ge [sflag:s29], $0x1  }
0xbb: {  	[sflag:s29] =	ssyncadd.s32 $0xFFFFFFFF  }
0xbc: {  	_ =	strace $0x90000048  }
0xbd: {  	_ =	sfence  }
0xbe: {  	s30 =	sld [smem:$0x0];
	_ =	sdelay $0x2  }
0xbf: {  	s31 =	sshll.u32 s1, $0xD;
	s1 =	sshrl.u32 s1, $0x2  }
0xc0: {  	s3 =	sand.u32 $0x4000, s31;
	s1 =	sadd.s32 s1, s30  }
0xc1: {  	s0 =	sor.u32 s3, s0;
	s1 =	sshll.u32 s1, $0x11  }
0xc2: {  	s0 =	sor.u32 s1, s0  }
0xc3: {  	s0 =	sadd.s32 $0x8F2B, s0  }
0xc4: {  	[sflag:s0] =	ssyncadd.remote.s32 $0x1  }
0xc5: {  	_ =	sfence.sel $0xFFFF  }
0xc6: {  	[dreg:$0x0] =	wrdreg $0xFFFFFFFF;
	(pc) =	sbr.abs _section_cstart, $3  }
0xc7: {  	[dreg:$0x1] =	wrdreg $0xFFFFFFFF  }
0xc8: {  	_ =	task.clear_ibuf [dreg:s8], $0x2FFFF;
	_ =	strace $0x9FFFFFFF  }
0xc9: {  	(tm) =	ssettm $0x7FFFFFFF  }
tec
execute0_lowered:
.L_overlay_start_1:
0x0: {  	(tag) =	ssettag $0x1  }
0x1: {  	s2 =	rddreg [dreg:$0x0]  }
0x2: {  	s6 =	rddreg [dreg:$0x1]  }
0x3: {  	s4 =	rddreg [dreg:$0x2]  }
0x4: {  	s0 =	rddreg [dreg:$0x3]  }
0x5: {  	s1 =	stileid.u32;
	s7 =	srdreg.scid  }
0x6: {  	s3 =	simm.s32 $0x0;
	s11 =	simm.s32 $0xA0;
	s12 =	simm.s32 $0x5200  }
0x7: {  	s13 =	simm.s32 $0xF0;
	s14 =	simm.s32 $0x7A00;
	s15 =	simm.s32 $0x140  }
0x8: {  	s16 =	simm.s32 $0xA200;
	s17 =	simm.s32 $0x1;
	s5 =	smul.u32 $0x9C400, s1  }
0x9: {  	s18 =	simm.s32 $0x0;
	s7 =	sand.u32 $0x1, s7;
	s8 =	smul.u32 $0x9C40, s1  }
0xa: {  	[smem:$0x7FF] =	sst s3;
	s9 =	smul.u32 $0x4E20, s7;
	s10 =	ssub.s32 $0x2, s7  }
0xb: {  	_ =	strace $0x80000047;
	s7 =	smul.u32 $0x4E200, s7;
	s31 =	sshrl.u32 s10, $0x1  }
0xc: {  	s4 =	sadd.s32 s5, s4;
	s8 =	sadd.s32 s9, s8;
	s5 =	ssub.s32 s10, s31  }
0xd: {  	s7 =	sadd.s32 s7, s4;
	s9 =	simm.s32 $0x200;
	s10 =	simm.s32 $0x2A00  }
0xe: {  	s8 =	sshrl.u32 s8, $0x3;
	s4 =	smax.u32 s5, $0x1;
	s5 =	sadd.s32 $0x4200, s7  }
0xf: {  	s7 =	simm.s32 $0x2;
	s6 =	sadd.s32 s8, s6;
	s8 =	simm.s32 $0x50  }
.LBB2_1:
0x10: {  	s19 =	sadd.s32 $0x0, s6  }
0x11: {  	[tilespmem:s3], [sflag:$0x2] =	stream.linear.gather [hbm4b:s19+s3], $0x190, $0x38;
	[tilespmem:$0xCA00] =	vst v63  }
0x12: {  	_ =	swait.ge [sflag:s7], $0x190  }
0x13: {  	[sflag:s7] =	ssyncset.done $0x0  }
0x14: {  	[sflag:s7] =	ssyncadd.s32 $0xFFFFFE70  }
0x15: {  	[tilespmem:s9], [sflag:$0x1] =	stream.indirect.gather [hbm4b:s2+s8], $0x80, s3, s8, $0xb8;
	[tilespmem:$0xCA00] =	vst v63  }
0x16: {  	_ = 	snop  }
0x17: {  	[tilespmem:s10], [sflag:$0x1] =	stream.indirect.gather [hbm4b:s2+s8], $0x80, s8, s8, $0xb8;
	[tilespmem:$0xCA00] =	vst v63  }
0x18: {  	_ = 	snop  }
0x19: {  	[tilespmem:s12], [sflag:$0x1] =	stream.indirect.gather [hbm4b:s2+s8], $0x80, s11, s8, $0xb8;
	[tilespmem:$0xCA00] =	vst v63  }
0x1a: {  	_ = 	snop  }
0x1b: {  	[tilespmem:s14], [sflag:$0x1] =	stream.indirect.gather [hbm4b:s2+s8], $0x80, s13, s8, $0xb8;
	[tilespmem:$0xCA00] =	vst v63  }
0x1c: {  	_ = 	snop  }
0x1d: {  	[tilespmem:s16], [sflag:$0x1] =	stream.indirect.gather [hbm4b:s2+s8], $0x80, s15, s8, $0xb8;
	[tilespmem:$0xCA00] =	vst v63  }
0x1e: {  	_ =	swait.ge [sflag:s17], $0x2800  }
0x1f: {  	[sflag:s17] =	ssyncset.done $0x0  }
0x20: {  	[sflag:s17] =	ssyncadd.s32 $0xFFFFD800  }
0x21: {  	_ =	swait.ge [sflag:s17], $0x2800  }
0x22: {  	[sflag:s17] =	ssyncset.done $0x0  }
0x23: {  	[sflag:s17] =	ssyncadd.s32 $0xFFFFD800  }
0x24: {  	_ =	swait.ge [sflag:s17], $0x2800  }
0x25: {  	[sflag:s17] =	ssyncset.done $0x0  }
0x26: {  	[sflag:s17] =	ssyncadd.s32 $0xFFFFD800  }
0x27: {  	_ =	swait.ge [sflag:s17], $0x2800  }
0x28: {  	[sflag:s17] =	ssyncset.done $0x0  }
0x29: {  	[sflag:s17] =	ssyncadd.s32 $0xFFFFD800  }
0x2a: {  	_ =	swait.ge [sflag:s17], $0x2800  }
0x2b: {  	[sflag:s17] =	ssyncset.done $0x0  }
0x2c: {  	[sflag:s17] =	ssyncadd.s32 $0xFFFFD800  }
0x2d: {  	[hbm4b:s5+s3] =	stream.linear.scatter [tilespmem:s9], [sflag:$0x2], $0xC800, $0x38;
	[tilespmem:$0xCA00] =	vst v63  }
0x2e: {  	s20 =	simm.s32 $0x32;
	_ =	swait.ge [sflag:s7], $0xC800  }
0x2f: {  	s21 =	simm.s32 $0x64;
	s19 =	sadd.s32 $0x1900, s5;
	[sflag:s7] =	ssyncset.done $0x0  }
.LBB2_2:
0x30: {  	s22 =	sadd.s32 s20, s6  }
0x31: {  	[sflag:s7] =	ssyncadd.s32 $0xFFFF3800;
	s20 =	smov.u32 s21;
	s23 =	sadd.s32 $0x32, s21  }
0x32: {  	[tilespmem:s3], [sflag:$0x2] =	stream.linear.gather [hbm4b:s22+s3], $0x190, $0x38;
	[tilespmem:$0xCA00] =	vst v63  }
0x33: {  	p0 =	sne.s32 s21, $0x992;
	_ =	swait.ge [sflag:s7], $0x190  }
0x34: {  	[sflag:s7] =	ssyncset.done $0x0  }
0x35: {  	[sflag:s7] =	ssyncadd.s32 $0xFFFFFE70  }
0x36: {  	[tilespmem:s9], [sflag:$0x1] =	stream.indirect.gather [hbm4b:s2+s8], $0x80, s3, s8, $0xb8;
	[tilespmem:$0xCA00] =	vst v63  }
0x37: {  	_ = 	snop  }
0x38: {  	[tilespmem:s10], [sflag:$0x1] =	stream.indirect.gather [hbm4b:s2+s8], $0x80, s8, s8, $0xb8;
	[tilespmem:$0xCA00] =	vst v63  }
0x39: {  	_ = 	snop  }
0x3a: {  	[tilespmem:s12], [sflag:$0x1] =	stream.indirect.gather [hbm4b:s2+s8], $0x80, s11, s8, $0xb8;
	[tilespmem:$0xCA00] =	vst v63  }
0x3b: {  	_ = 	snop  }
0x3c: {  	[tilespmem:s14], [sflag:$0x1] =	stream.indirect.gather [hbm4b:s2+s8], $0x80, s13, s8, $0xb8;
	[tilespmem:$0xCA00] =	vst v63  }
0x3d: {  	_ = 	snop  }
0x3e: {  	[tilespmem:s16], [sflag:$0x1] =	stream.indirect.gather [hbm4b:s2+s8], $0x80, s15, s8, $0xb8;
	[tilespmem:$0xCA00] =	vst v63  }
0x3f: {  	_ =	swait.ge [sflag:s17], $0x2800  }
0x40: {  	[sflag:s17] =	ssyncset.done $0x0  }
0x41: {  	[sflag:s17] =	ssyncadd.s32 $0xFFFFD800  }
0x42: {  	_ =	swait.ge [sflag:s17], $0x2800  }
0x43: {  	[sflag:s17] =	ssyncset.done $0x0  }
0x44: {  	[sflag:s17] =	ssyncadd.s32 $0xFFFFD800  }
0x45: {  	_ =	swait.ge [sflag:s17], $0x2800  }
0x46: {  	[sflag:s17] =	ssyncset.done $0x0  }
0x47: {  	[sflag:s17] =	ssyncadd.s32 $0xFFFFD800  }
0x48: {  	_ =	swait.ge [sflag:s17], $0x2800  }
0x49: {  	[sflag:s17] =	ssyncset.done $0x0  }
0x4a: {  	[sflag:s17] =	ssyncadd.s32 $0xFFFFD800  }
0x4b: {  	_ =	swait.ge [sflag:s17], $0x2800  }
.Ltmp0:
0x4c: {  	[sflag:s17] =	ssyncset.done $0x0;
	(pc) =	sbr.rel @p0 .LBB2_2-.Ltmp0, $4  }
0x4d: {  	[sflag:s17] =	ssyncadd.s32 $0xFFFFD800  }
0x4e: {  	[hbm4b:s19+s3] =	stream.linear.scatter [tilespmem:s9], [sflag:$0x2], $0xC800, $0x38;
	[tilespmem:$0xCA00] =	vst v63  }
0x4f: {  	_ =	swait.ge [sflag:s7], $0xC800  }
0x50: {  	s21 =	smov.u32 s23;
	s19 =	sadd.s32 $0x1900, s19;
	[sflag:s7] =	ssyncset.done $0x0  }
0x51: {  	s20 =	sadd.s32 s20, s6;
	[sflag:s7] =	ssyncadd.s32 $0xFFFF3800  }
0x52: {  	[tilespmem:s3], [sflag:$0x2] =	stream.linear.gather [hbm4b:s20+s3], $0x190, $0x38;
	[tilespmem:$0xCA00] =	vst v63  }
0x53: {  	_ =	swait.ge [sflag:s7], $0x190  }
0x54: {  	[sflag:s7] =	ssyncset.done $0x0  }
0x55: {  	[sflag:s7] =	ssyncadd.s32 $0xFFFFFE70  }
0x56: {  	[tilespmem:s9], [sflag:$0x1] =	stream.indirect.gather [hbm4b:s2+s8], $0x80, s3, s8, $0xb8;
	[tilespmem:$0xCA00] =	vst v63  }
0x57: {  	_ = 	snop  }
0x58: {  	[tilespmem:s10], [sflag:$0x1] =	stream.indirect.gather [hbm4b:s2+s8], $0x80, s8, s8, $0xb8;
	[tilespmem:$0xCA00] =	vst v63  }
0x59: {  	_ = 	snop  }
0x5a: {  	[tilespmem:s12], [sflag:$0x1] =	stream.indirect.gather [hbm4b:s2+s8], $0x80, s11, s8, $0xb8;
	[tilespmem:$0xCA00] =	vst v63  }
0x5b: {  	_ = 	snop  }
0x5c: {  	[tilespmem:s14], [sflag:$0x1] =	stream.indirect.gather [hbm4b:s2+s8], $0x80, s13, s8, $0xb8;
	[tilespmem:$0xCA00] =	vst v63  }
0x5d: {  	_ = 	snop  }
0x5e: {  	[tilespmem:s16], [sflag:$0x1] =	stream.indirect.gather [hbm4b:s2+s8], $0x80, s15, s8, $0xb8;
	[tilespmem:$0xCA00] =	vst v63  }
0x5f: {  	_ =	swait.ge [sflag:s17], $0x2800  }
0x60: {  	[sflag:s17] =	ssyncset.done $0x0  }
0x61: {  	[sflag:s17] =	ssyncadd.s32 $0xFFFFD800  }
0x62: {  	_ =	swait.ge [sflag:s17], $0x2800  }
0x63: {  	[sflag:s17] =	ssyncset.done $0x0  }
0x64: {  	[sflag:s17] =	ssyncadd.s32 $0xFFFFD800  }
0x65: {  	_ =	swait.ge [sflag:s17], $0x2800  }
0x66: {  	[sflag:s17] =	ssyncset.done $0x0  }
0x67: {  	[sflag:s17] =	ssyncadd.s32 $0xFFFFD800  }
0x68: {  	_ =	swait.ge [sflag:s17], $0x2800  }
0x69: {  	[sflag:s17] =	ssyncset.done $0x0  }
0x6a: {  	[sflag:s17] =	ssyncadd.s32 $0xFFFFD800  }
0x6b: {  	s18 =	sadd.s32 $0x1, s18;
	_ =	swait.ge [sflag:s17], $0x2800  }
0x6c: {  	p0 =	sne.s32 s18, s4;
	[sflag:s17] =	ssyncset.done $0x0  }
.Ltmp1:
0x6d: {  	[sflag:s17] =	ssyncadd.s32 $0xFFFFD800;
	(pc) =	sbr.rel @p0 .LBB2_1-.Ltmp1, $4  }
0x6e: {  	[hbm4b:s19+s3] =	stream.linear.scatter [tilespmem:s9], [sflag:$0x2], $0xC800, $0x38;
	[tilespmem:$0xCA00] =	vst v63  }
0x6f: {  	_ =	swait.ge [sflag:s7], $0xC800  }
0x70: {  	[sflag:s7] =	ssyncset.done $0x0  }
0x71: {  	[sflag:s7] =	ssyncadd.s32 $0xFFFF3800  }
0x72: {  	_ =	sfence.sel $0x180000  }
0x73: {  	[bflag:$0x0] =	sbarrier.arrive $0xFFFF  }
0x74: {  	p0 =	sne.s32 s1, $0x0;
	_ =	strace $0x90000047  }
0x75: {  	s0 =	sadd.s32 @!p0 $0x100000, s0;
	[bflag:$0x2] =	sbarrier.arrive $0xFFFF  }
0x76: {  	[sflag:s0] =	ssyncadd.tile.s32 @!p0 $0x1;
	_ =	shalt  }
.Lfunc_end2:
_tile_overlayer_lowered:
.L_overlay_start_2:
0x77: {  	(tag) =	ssettag $0x2  }
0x78: {  	s0 =	rddreg [dreg:$0x0];
	s2 =	stileid.u32  }
0x79: {  	s1 =	rddreg [dreg:$0x1];
	p0 =	sne.s32 s2, $0x0  }
0x7a: {  	s3 =	rddreg [dreg:$0x2];
	[bflag:$0x3] =	sbarrier.arrive $0xFFFF;
	s2 =	simm.s32 @!p0 $0x1C02  }
0x7b: {  	[timem:s3], [sflag:s2] =	dma.local @!p0 [hbm:s0], s1  }
0x7c: {  	s0 =	simm.s32 @!p0 $0x2  }
0x7d: {  	_ =	swait.ge @!p0 [sflag:s0], s1  }
0x7e: {  	s1 =	ssub.s32 @!p0 $0x0, s1;
	[sflag:s0] =	ssyncset.done @!p0 $0x0  }
0x7f: {  	[sflag:s0] =	ssyncadd.s32 @!p0 s1  }
0x80: {  	[bflag:$0x3] =	sbarrier.arrive $0xFFFF  }
0x81: {  	_ =	shalt  }

</sc_bundles>
